<compile_context>
chip_gen: v7x
topology: tpu7x:2x2x1
jax: 0.10.2.dev20260603
libtpu: 0.0.44.dev20260713+nightly
codegen_flags: <defaults>
</compile_context>

<pallas_src>
import functools

import jax
import jax.numpy as jnp
from jax import lax
from jax.experimental import pallas as pl
from jax.experimental.pallas import tpu as pltpu
from jax.experimental.pallas import tpu_sc as plsc

NUM_EMBEDDINGS = 100000
EMBEDDING_DIM = 64
WORDS = EMBEDDING_DIM // 4

_info = plsc.get_sparse_core_info()
NC, NS, L = _info.num_cores, _info.num_subcores, _info.num_lanes
NW = NC * NS

CHUNK = 128
GROUPS = CHUNK // L


def _vbcast(vec, lane):
    idx = jnp.full((L,), lane, jnp.int32)
    return lax.gather(
        vec, idx[:, None],
        lax.GatherDimensionNumbers(offset_dims=(), collapsed_slice_dims=(0,),
                                   start_index_map=(0,)),
        (1,), mode=lax.GatherScatterMode.PROMISE_IN_BOUNDS)


def _vshuffle(vec, idx):
    return lax.gather(
        vec, idx[:, None],
        lax.GatherDimensionNumbers(offset_dims=(), collapsed_slice_dims=(0,),
                                   start_index_map=(0,)),
        (1,), mode=lax.GatherScatterMode.PROMISE_IN_BOUNDS)


def _dequant_body(idx_hbm, qtab_hbm, s_hbm, z_hbm, out_hbm,
                  idx_a, idx_b, q_a, q_b, s_a, s_b, z_a, z_b, out_a, out_b,
                  gsem_a, gsem_b, osem_a, osem_b, total_rows):
    wid = lax.axis_index("s") * NC + lax.axis_index("c")
    per_w = total_rows // NW
    nchunk = per_w // CHUNK
    iota16 = lax.iota(jnp.int32, L)
    shamt = (iota16 & 3) * 8
    sel = [(iota16 >> 2) + 4 * t for t in range(4)]

    bufs = ((idx_a, q_a, s_a, z_a, out_a, gsem_a, osem_a),
            (idx_b, q_b, s_b, z_b, out_b, gsem_b, osem_b))

    def start(c, buf):
        idx_v, q_v, s_v, z_v, _, gsem, _ = buf
        base = wid * per_w + c * CHUNK
        pltpu.sync_copy(idx_hbm.at[pl.ds(base, CHUNK)], idx_v)
        pltpu.async_copy(qtab_hbm.at[idx_v], q_v, gsem)
        pltpu.async_copy(s_hbm.at[idx_v], s_v, gsem)
        pltpu.async_copy(z_hbm.at[idx_v], z_v, gsem)

    def compute(buf):
        _, q_v, s_v, z_v, out_v, _, _ = buf

        def group(g, carry):
            s16 = s_v[pl.ds(g * L, L)]
            z16 = z_v[pl.ds(g * L, L)]
            for r in range(L):
                i = g * L + r
                w = q_v[i, :]
                sb = _vbcast(s16, r)
                zb = _vbcast(z16, r)
                for t in range(4):
                    b = lax.shift_right_logical(_vshuffle(w, sel[t]),
                                                shamt) & 255
                    out_v[i, pl.ds(L * t, L)] = (b.astype(jnp.float32)
                                                 - zb) * sb
            return carry

        lax.fori_loop(0, GROUPS, group, 0)

    def finish(c, buf, has_prev_store):
        idx_v, q_v, s_v, z_v, out_v, gsem, osem = buf
        base = wid * per_w + c * CHUNK
        pltpu.make_async_copy(qtab_hbm.at[idx_v], q_v, gsem).wait()
        pltpu.make_async_copy(s_hbm.at[idx_v], s_v, gsem).wait()
        pltpu.make_async_copy(z_hbm.at[idx_v], z_v, gsem).wait()

        @pl.when(has_prev_store)
        def _():
            pltpu.make_async_copy(out_v, out_hbm.at[pl.ds(base, CHUNK)],
                                  osem).wait()

        compute(buf)
        pltpu.async_copy(out_v, out_hbm.at[pl.ds(base, CHUNK)], osem)

    start(0, bufs[0])

    def step(t, carry):
        start(2 * t + 1, bufs[1])
        finish(2 * t, bufs[0], t > 0)

        @pl.when(t < (nchunk // 2) - 1)
        def _():
            start(2 * t + 2, bufs[0])

        finish(2 * t + 1, bufs[1], t > 0)
        return carry

    lax.fori_loop(0, nchunk // 2, step, 0)

    last_a = wid * per_w + (nchunk - 2) * CHUNK
    last_b = wid * per_w + (nchunk - 1) * CHUNK
    pltpu.make_async_copy(bufs[0][4], out_hbm.at[pl.ds(last_a, CHUNK)],
                          bufs[0][6]).wait()
    pltpu.make_async_copy(bufs[1][4], out_hbm.at[pl.ds(last_b, CHUNK)],
                          bufs[1][6]).wait()


@functools.partial(jax.jit, static_argnames=("total_rows",))
def _run(idx_flat, qtab, scales, zeros, total_rows):
    mesh = plsc.VectorSubcoreMesh(core_axis_name="c", subcore_axis_name="s")
    body = functools.partial(_dequant_body, total_rows=total_rows)
    return pl.kernel(
        body,
        out_type=jax.ShapeDtypeStruct((total_rows, EMBEDDING_DIM),
                                      jnp.float32),
        mesh=mesh,
        compiler_params=pltpu.CompilerParams(use_tc_tiling_on_sc=False),
        scratch_types=[
            pltpu.VMEM((CHUNK,), jnp.int32),
            pltpu.VMEM((CHUNK,), jnp.int32),
            pltpu.VMEM((CHUNK, WORDS), jnp.int32),
            pltpu.VMEM((CHUNK, WORDS), jnp.int32),
            pltpu.VMEM((CHUNK,), jnp.float32),
            pltpu.VMEM((CHUNK,), jnp.float32),
            pltpu.VMEM((CHUNK,), jnp.float32),
            pltpu.VMEM((CHUNK,), jnp.float32),
            pltpu.VMEM((CHUNK, EMBEDDING_DIM), jnp.float32),
            pltpu.VMEM((CHUNK, EMBEDDING_DIM), jnp.float32),
            pltpu.SemaphoreType.DMA,
            pltpu.SemaphoreType.DMA,
            pltpu.SemaphoreType.DMA,
            pltpu.SemaphoreType.DMA,
        ],
    )(idx_flat, qtab, scales, zeros)


def kernel(input, qweight, scales, zeros):
    batch, hist = input.shape
    total_rows = batch * hist
    idx_flat = input.reshape(total_rows).astype(jnp.int32)
    qtab = lax.bitcast_convert_type(
        qweight.reshape(NUM_EMBEDDINGS, WORDS, 4), jnp.int32)
    out = _run(idx_flat, qtab, scales, zeros, total_rows)
    return out.reshape(batch, hist, EMBEDDING_DIM)

# --- scband reference (transcript-rebuilt; emitter-appended) ---
"""Pipeline reference for scband-quantized-embedding-34016140984681 (READ-ONLY COPY).

The authoritative reference and input builder live on the scoring server;
editing this copy changes nothing except your own understanding.
"""

import jax, jax.numpy as jnp
import numpy as np

NUM_EMBEDDINGS = 100000
EMBEDDING_DIM = 64
BATCH = 4096
HIST = 50

def setup_inputs(seed: int = 0) -> dict:
    key = jax.random.key(seed)
    k1, k2, k3, k4 = jax.random.split(key, 4)
    indices = jax.random.randint(k1, (BATCH, HIST), 0, NUM_EMBEDDINGS, dtype=jnp.int64) if jax.config.jax_enable_x64 else jax.random.randint(k1, (BATCH, HIST), 0, NUM_EMBEDDINGS, dtype=jnp.int32)
    qweight = jax.random.randint(k2, (NUM_EMBEDDINGS, EMBEDDING_DIM), 0, 256, dtype=jnp.int32).astype(jnp.uint8)
    scales = jax.random.uniform(k3, (NUM_EMBEDDINGS,), dtype=jnp.float32, minval=0.001, maxval=0.1)
    zeros = jax.random.uniform(k4, (NUM_EMBEDDINGS,), dtype=jnp.float32, minval=0.0, maxval=255.0)
    return {"input": indices, "qweight": qweight, "scales": scales, "zeros": zeros}

def reference(input, qweight, scales, zeros):
    # Dequantize the full table: (q - zero) * scale, row-wise
    weight = (qweight.astype(jnp.float32) - zeros[:, None]) * scales[:, None]
    # F.embedding with padding_idx=None -> plain row gather
    return jnp.take(weight, input, axis=0)

if __name__ == "__main__":
    import jax
    _d = setup_inputs()
    print(jax.jit(kernel)(*tuple(_d.values())))

</pallas_src>

<mosaic_0001>
#map = affine_map<(d0, d1) -> (0)>
#map1 = affine_map<(d0, d1) -> (0, 0)>
module attributes {stable_mosaic.version = 14 : i64} {
  func.func @_dequant_body(%arg0: i32, %arg1: i32, %arg2: memref<204800xi32, #tpu.memory_space<hbm>>, %arg3: memref<100000x16xi32, #tpu.memory_space<hbm>>, %arg4: memref<100000xf32, #tpu.memory_space<hbm>>, %arg5: memref<100000xf32, #tpu.memory_space<hbm>>, %arg6: memref<204800x64xf32, #tpu.memory_space<hbm>>, %arg7: memref<128xi32, #tpu.memory_space<vmem>>, %arg8: memref<128xi32, #tpu.memory_space<vmem>>, %arg9: memref<128x16xi32, #tpu.memory_space<vmem>>, %arg10: memref<128x16xi32, #tpu.memory_space<vmem>>, %arg11: memref<128xf32, #tpu.memory_space<vmem>>, %arg12: memref<128xf32, #tpu.memory_space<vmem>>, %arg13: memref<128xf32, #tpu.memory_space<vmem>>, %arg14: memref<128xf32, #tpu.memory_space<vmem>>, %arg15: memref<128x64xf32, #tpu.memory_space<vmem>>, %arg16: memref<128x64xf32, #tpu.memory_space<vmem>>, %arg17: memref<!tpu.dma_semaphore, #tpu.memory_space<semaphore_mem>>, %arg18: memref<!tpu.dma_semaphore, #tpu.memory_space<semaphore_mem>>, %arg19: memref<!tpu.dma_semaphore, #tpu.memory_space<semaphore_mem>>, %arg20: memref<!tpu.dma_semaphore, #tpu.memory_space<semaphore_mem>>) attributes {dimension_semantics = [#tpu.dimension_semantics<core_parallel>, #tpu.dimension_semantics<subcore_parallel>], iteration_bounds = array<i64: 2, 16>, scalar_prefetch = 0 : i64, scratch_operands = 14 : i64, tpu.core_type = #tpu.core_type<sc_vector_subcore>, window_params = [{transform_indices = #map}, {transform_indices = #map1}, {transform_indices = #map}, {transform_indices = #map}, {transform_indices = #map1}]} {
    %mul3A = arith.constant 2 : i32
    %mul3A_0 = arith.muli %arg1, %mul3A : i32
    %add3A = arith.addi %mul3A_0, %arg0 : i32
    %iota3A = tpu.iota {dimensions = array<i32: 0>} : vector<16xi32>
    %and3A = arith.constant 3 : i32
    %and3A_1 = vector.broadcast %and3A : i32 to vector<16xi32>
    %and3A_2 = arith.andi %iota3A, %and3A_1 : vector<16xi32>
    %mul3A_3 = arith.constant 8 : i32
    %mul3A_4 = vector.broadcast %mul3A_3 : i32 to vector<16xi32>
    %mul3A_5 = arith.muli %and3A_2, %mul3A_4 : vector<16xi32>
    %shift_right_arithmetic3A = arith.constant 2 : i32
    %shift_right_arithmetic3A_6 = vector.broadcast %shift_right_arithmetic3A : i32 to vector<16xi32>
    %shift_right_arithmetic3A_7 = arith.shrsi %iota3A, %shift_right_arithmetic3A_6 : vector<16xi32>
    %add3A_8 = arith.constant 0 : i32
    %add3A_9 = vector.broadcast %add3A_8 : i32 to vector<16xi32>
    %add3A_10 = arith.addi %shift_right_arithmetic3A_7, %add3A_9 : vector<16xi32>
    %shift_right_arithmetic3A_11 = arith.constant 2 : i32
    %shift_right_arithmetic3A_12 = vector.broadcast %shift_right_arithmetic3A_11 : i32 to vector<16xi32>
    %shift_right_arithmetic3A_13 = arith.shrsi %iota3A, %shift_right_arithmetic3A_12 : vector<16xi32>
    %add3A_14 = arith.constant 4 : i32
    %add3A_15 = vector.broadcast %add3A_14 : i32 to vector<16xi32>
    %add3A_16 = arith.addi %shift_right_arithmetic3A_13, %add3A_15 : vector<16xi32>
    %shift_right_arithmetic3A_17 = arith.constant 2 : i32
    %shift_right_arithmetic3A_18 = vector.broadcast %shift_right_arithmetic3A_17 : i32 to vector<16xi32>
    %shift_right_arithmetic3A_19 = arith.shrsi %iota3A, %shift_right_arithmetic3A_18 : vector<16xi32>
    %add3A_20 = arith.constant 8 : i32
    %add3A_21 = vector.broadcast %add3A_20 : i32 to vector<16xi32>
    %add3A_22 = arith.addi %shift_right_arithmetic3A_19, %add3A_21 : vector<16xi32>
    %shift_right_arithmetic3A_23 = arith.constant 2 : i32
    %shift_right_arithmetic3A_24 = vector.broadcast %shift_right_arithmetic3A_23 : i32 to vector<16xi32>
    %shift_right_arithmetic3A_25 = arith.shrsi %iota3A, %shift_right_arithmetic3A_24 : vector<16xi32>
    %add3A_26 = arith.constant 12 : i32
    %add3A_27 = vector.broadcast %add3A_26 : i32 to vector<16xi32>
    %add3A_28 = arith.addi %shift_right_arithmetic3A_25, %add3A_27 : vector<16xi32>
    %mul3A_29 = arith.constant 6400 : i32
    %mul3A_30 = arith.muli %add3A, %mul3A_29 : i32
    %add3A_31 = arith.constant 0 : i32
    %add3A_32 = arith.addi %mul3A_30, %add3A_31 : i32
    "tpu.region"() ({
      %run_scoped3A = tpu.sem_alloc : memref<!tpu.dma_semaphore, #tpu.memory_space<semaphore_mem>>
      %dma_start3A_59 = tpu.memref_slice %arg2[%add3A_32] : memref<204800xi32, #tpu.memory_space<hbm>> -> memref<128xi32, #tpu.memory_space<hbm>>
      %dma_start3A_60 = tpu.memref_slice %arg2[%add3A_32] : memref<204800xi32, #tpu.memory_space<hbm>> -> memref<128xi32, #tpu.memory_space<hbm>>
      tpu.enqueue_dma source(%dma_start3A_60 : memref<128xi32, #tpu.memory_space<hbm>>) target(%arg7 : memref<128xi32, #tpu.memory_space<vmem>>) target_semaphore(%run_scoped3A : memref<!tpu.dma_semaphore, #tpu.memory_space<semaphore_mem>>)
      %dma_wait3A_61 = tpu.memref_slice %arg2[%add3A_32] : memref<204800xi32, #tpu.memory_space<hbm>> -> memref<128xi32, #tpu.memory_space<hbm>>
      %dma_wait3A_62 = tpu.memref_slice %arg2[%add3A_32] : memref<204800xi32, #tpu.memory_space<hbm>> -> memref<128xi32, #tpu.memory_space<hbm>>
      tpu.wait_dma2 semaphore(%run_scoped3A : memref<!tpu.dma_semaphore, #tpu.memory_space<semaphore_mem>>) src(%dma_wait3A_62 : memref<128xi32, #tpu.memory_space<hbm>>) dst(%arg7 : memref<128xi32, #tpu.memory_space<vmem>>)
      tpu.yield
    }) : () -> ()
    %dma_start3A = arith.constant 0 : i32
    %dma_start3A_33 = arith.constant 0 : i32
    %dma_start3A_34 = tpu.memref_slice %arg3[%dma_start3A, %dma_start3A_33] : memref<100000x16xi32, #tpu.memory_space<hbm>> -> memref<100000x16xi32, #tpu.memory_space<hbm>>
    tpu.enqueue_indirect_dma source(%dma_start3A_34 : memref<100000x16xi32, #tpu.memory_space<hbm>>) target(%arg9 : memref<128x16xi32, #tpu.memory_space<vmem>>) offsets(%arg7 : memref<128xi32, #tpu.memory_space<vmem>>) semaphore(%arg17 : memref<!tpu.dma_semaphore, #tpu.memory_space<semaphore_mem>>)
    %dma_start3A_35 = arith.constant 0 : i32
    %dma_start3A_36 = tpu.memref_slice %arg4[%dma_start3A_35] : memref<100000xf32, #tpu.memory_space<hbm>> -> memref<100000xf32, #tpu.memory_space<hbm>>
    tpu.enqueue_indirect_dma source(%dma_start3A_36 : memref<100000xf32, #tpu.memory_space<hbm>>) target(%arg11 : memref<128xf32, #tpu.memory_space<vmem>>) offsets(%arg7 : memref<128xi32, #tpu.memory_space<vmem>>) semaphore(%arg17 : memref<!tpu.dma_semaphore, #tpu.memory_space<semaphore_mem>>)
    %dma_start3A_37 = arith.constant 0 : i32
    %dma_start3A_38 = tpu.memref_slice %arg5[%dma_start3A_37] : memref<100000xf32, #tpu.memory_space<hbm>> -> memref<100000xf32, #tpu.memory_space<hbm>>
    tpu.enqueue_indirect_dma source(%dma_start3A_38 : memref<100000xf32, #tpu.memory_space<hbm>>) target(%arg13 : memref<128xf32, #tpu.memory_space<vmem>>) offsets(%arg7 : memref<128xi32, #tpu.memory_space<vmem>>) semaphore(%arg17 : memref<!tpu.dma_semaphore, #tpu.memory_space<semaphore_mem>>)
    %scan3A = arith.constant 0 : i32
    %scan3A_39 = arith.constant 0 : i32
    %scan3A_40 = arith.constant 25 : i32
    %scan3A_41 = arith.addi %scan3A_39, %scan3A_40 : i32
    %scan3A_42 = arith.constant 1 : i32
    scf.for %scan3A_59 = %scan3A_39 to %scan3A_41 step %scan3A_42  : i32 {
      %mul3A_60 = arith.constant 2 : i32
      %mul3A_61 = arith.muli %mul3A_60, %scan3A_59 : i32
      %add3A_62 = arith.constant 1 : i32
      %add3A_63 = arith.addi %mul3A_61, %add3A_62 : i32
      %mul3A_64 = arith.constant 6400 : i32
      %mul3A_65 = arith.muli %add3A, %mul3A_64 : i32
      %mul3A_66 = arith.constant 128 : i32
      %mul3A_67 = arith.muli %add3A_63, %mul3A_66 : i32
      %add3A_68 = arith.addi %mul3A_65, %mul3A_67 : i32
      "tpu.region"() ({
        %run_scoped3A = tpu.sem_alloc : memref<!tpu.dma_semaphore, #tpu.memory_space<semaphore_mem>>
        %dma_start3A_137 = tpu.memref_slice %arg2[%add3A_68] : memref<204800xi32, #tpu.memory_space<hbm>> -> memref<128xi32, #tpu.memory_space<hbm>>
        %dma_start3A_138 = tpu.memref_slice %arg2[%add3A_68] : memref<204800xi32, #tpu.memory_space<hbm>> -> memref<128xi32, #tpu.memory_space<hbm>>
        tpu.enqueue_dma source(%dma_start3A_138 : memref<128xi32, #tpu.memory_space<hbm>>) target(%arg8 : memref<128xi32, #tpu.memory_space<vmem>>) target_semaphore(%run_scoped3A : memref<!tpu.dma_semaphore, #tpu.memory_space<semaphore_mem>>)
        %dma_wait3A_139 = tpu.memref_slice %arg2[%add3A_68] : memref<204800xi32, #tpu.memory_space<hbm>> -> memref<128xi32, #tpu.memory_space<hbm>>
        %dma_wait3A_140 = tpu.memref_slice %arg2[%add3A_68] : memref<204800xi32, #tpu.memory_space<hbm>> -> memref<128xi32, #tpu.memory_space<hbm>>
        tpu.wait_dma2 semaphore(%run_scoped3A : memref<!tpu.dma_semaphore, #tpu.memory_space<semaphore_mem>>) src(%dma_wait3A_140 : memref<128xi32, #tpu.memory_space<hbm>>) dst(%arg8 : memref<128xi32, #tpu.memory_space<vmem>>)
        tpu.yield
      }) : () -> ()
      %dma_start3A_69 = arith.constant 0 : i32
      %dma_start3A_70 = arith.constant 0 : i32
      %dma_start3A_71 = tpu.memref_slice %arg3[%dma_start3A_69, %dma_start3A_70] : memref<100000x16xi32, #tpu.memory_space<hbm>> -> memref<100000x16xi32, #tpu.memory_space<hbm>>
      tpu.enqueue_indirect_dma source(%dma_start3A_71 : memref<100000x16xi32, #tpu.memory_space<hbm>>) target(%arg10 : memref<128x16xi32, #tpu.memory_space<vmem>>) offsets(%arg8 : memref<128xi32, #tpu.memory_space<vmem>>) semaphore(%arg18 : memref<!tpu.dma_semaphore, #tpu.memory_space<semaphore_mem>>)
      %dma_start3A_72 = arith.constant 0 : i32
      %dma_start3A_73 = tpu.memref_slice %arg4[%dma_start3A_72] : memref<100000xf32, #tpu.memory_space<hbm>> -> memref<100000xf32, #tpu.memory_space<hbm>>
      tpu.enqueue_indirect_dma source(%dma_start3A_73 : memref<100000xf32, #tpu.memory_space<hbm>>) target(%arg12 : memref<128xf32, #tpu.memory_space<vmem>>) offsets(%arg8 : memref<128xi32, #tpu.memory_space<vmem>>) semaphore(%arg18 : memref<!tpu.dma_semaphore, #tpu.memory_space<semaphore_mem>>)
      %dma_start3A_74 = arith.constant 0 : i32
      %dma_start3A_75 = tpu.memref_slice %arg5[%dma_start3A_74] : memref<100000xf32, #tpu.memory_space<hbm>> -> memref<100000xf32, #tpu.memory_space<hbm>>
      tpu.enqueue_indirect_dma source(%dma_start3A_75 : memref<100000xf32, #tpu.memory_space<hbm>>) target(%arg14 : memref<128xf32, #tpu.memory_space<vmem>>) offsets(%arg8 : memref<128xi32, #tpu.memory_space<vmem>>) semaphore(%arg18 : memref<!tpu.dma_semaphore, #tpu.memory_space<semaphore_mem>>)
      %mul3A_76 = arith.constant 2 : i32
      %mul3A_77 = arith.muli %mul3A_76, %scan3A_59 : i32
      %gt3A = arith.constant 0 : i32
      %gt3A_78 = arith.cmpi sgt, %scan3A_59, %gt3A : i32
      %mul3A_79 = arith.constant 6400 : i32
      %mul3A_80 = arith.muli %add3A, %mul3A_79 : i32
      %mul3A_81 = arith.constant 128 : i32
      %mul3A_82 = arith.muli %mul3A_77, %mul3A_81 : i32
      %add3A_83 = arith.addi %mul3A_80, %mul3A_82 : i32
      %dma_wait3A_84 = arith.constant 0 : i32
      %dma_wait3A_85 = arith.constant 0 : i32
      %dma_wait3A_86 = tpu.memref_slice %arg3[%dma_wait3A_84, %dma_wait3A_85] : memref<100000x16xi32, #tpu.memory_space<hbm>> -> memref<100000x16xi32, #tpu.memory_space<hbm>>
      tpu.wait_indirect_dma semaphore(%arg17 : memref<!tpu.dma_semaphore, #tpu.memory_space<semaphore_mem>>) src(%dma_wait3A_86 : memref<100000x16xi32, #tpu.memory_space<hbm>>) dst(%arg9 : memref<128x16xi32, #tpu.memory_space<vmem>>)
      %dma_wait3A_87 = arith.constant 0 : i32
      %dma_wait3A_88 = tpu.memref_slice %arg4[%dma_wait3A_87] : memref<100000xf32, #tpu.memory_space<hbm>> -> memref<100000xf32, #tpu.memory_space<hbm>>
      tpu.wait_indirect_dma semaphore(%arg17 : memref<!tpu.dma_semaphore, #tpu.memory_space<semaphore_mem>>) src(%dma_wait3A_88 : memref<100000xf32, #tpu.memory_space<hbm>>) dst(%arg11 : memref<128xf32, #tpu.memory_space<vmem>>)
      %dma_wait3A_89 = arith.constant 0 : i32
      %dma_wait3A_90 = tpu.memref_slice %arg5[%dma_wait3A_89] : memref<100000xf32, #tpu.memory_space<hbm>> -> memref<100000xf32, #tpu.memory_space<hbm>>
      tpu.wait_indirect_dma semaphore(%arg17 : memref<!tpu.dma_semaphore, #tpu.memory_space<semaphore_mem>>) src(%dma_wait3A_90 : memref<100000xf32, #tpu.memory_space<hbm>>) dst(%arg13 : memref<128xf32, #tpu.memory_space<vmem>>)
      %convert_element_type3A = arith.extui %gt3A_78 : i1 to i32
      %cond3A = arith.constant 0 : i32
      %cond3A_91 = arith.cmpi ne, %convert_element_type3A, %cond3A : i32
      scf.if %cond3A_91 {
        %dma_wait3A_137 = arith.constant 0 : i32
        %dma_wait3A_138 = tpu.memref_slice %arg6[%add3A_83, %dma_wait3A_137] : memref<204800x64xf32, #tpu.memory_space<hbm>> -> memref<128x64xf32, #tpu.memory_space<hbm>>
        %dma_wait3A_139 = arith.constant 0 : i32
        %dma_wait3A_140 = tpu.memref_slice %arg6[%add3A_83, %dma_wait3A_139] : memref<204800x64xf32, #tpu.memory_space<hbm>> -> memref<128x64xf32, #tpu.memory_space<hbm>>
        tpu.wait_dma2 semaphore(%arg19 : memref<!tpu.dma_semaphore, #tpu.memory_space<semaphore_mem>>) src(%arg15 : memref<128x64xf32, #tpu.memory_space<vmem>>) dst(%dma_wait3A_140 : memref<128x64xf32, #tpu.memory_space<hbm>>)
      } else {
      }
      %scan3A_92 = arith.constant 0 : i32
      %scan3A_93 = arith.constant 0 : i32
      %scan3A_94 = arith.constant 8 : i32
      %scan3A_95 = arith.addi %scan3A_93, %scan3A_94 : i32
      %scan3A_96 = arith.constant 1 : i32
      scf.for %scan3A_137 = %scan3A_93 to %scan3A_95 step %scan3A_96  : i32 {
        %mul3A_138 = arith.constant 16 : i32
        %mul3A_139 = arith.muli %scan3A_137, %mul3A_138 : i32
        %get3A = arith.index_cast %mul3A_139 : i32 to index
        %get3A_140 = tpu.vector_load %arg11[%get3A] {strides = array<i32>} : memref<128xf32, #tpu.memory_space<vmem>>, vector<16xf32>,
        %get3A_141 = vector.shape_cast %get3A_140 : vector<16xf32> to vector<16xf32>
        %mul3A_142 = arith.constant 16 : i32
        %mul3A_143 = arith.muli %scan3A_137, %mul3A_142 : i32
        %get3A_144 = arith.index_cast %mul3A_143 : i32 to index
        %get3A_145 = tpu.vector_load %arg13[%get3A_144] {strides = array<i32>} : memref<128xf32, #tpu.memory_space<vmem>>, vector<16xf32>,
        %get3A_146 = vector.shape_cast %get3A_145 : vector<16xf32> to vector<16xf32>
        %mul3A_147 = arith.constant 16 : i32
        %mul3A_148 = arith.muli %scan3A_137, %mul3A_147 : i32
        %add3A_149 = arith.constant 0 : i32
        %add3A_150 = arith.addi %mul3A_148, %add3A_149 : i32
        %get3A_151 = arith.index_cast %add3A_150 : i32 to index
        %get3A_152 = arith.constant 0 : index
        %get3A_153 = tpu.vector_load %arg9[%get3A_151, %get3A_152] {strides = array<i32>} : memref<128x16xi32, #tpu.memory_space<vmem>>, vector<1x16xi32>,
        %get3A_154 = vector.shape_cast %get3A_153 : vector<1x16xi32> to vector<16xi32>
        %broadcast_in_dim3A = arith.constant 0 : i32
        %broadcast_in_dim3A_155 = vector.broadcast %broadcast_in_dim3A : i32 to vector<16xi32>
        %broadcast_in_dim3A_156 = vector.shape_cast %broadcast_in_dim3A_155 : vector<16xi32> to vector<16x1xi32>
        %gather3A = vector.shape_cast %broadcast_in_dim3A_156 : vector<16x1xi32> to vector<16xi32>
        %gather3A_157 = tpu.dynamic_gather %get3A_141[%gather3A] in [0] : vector<16xf32>, vector<16xi32> -> vector<16xf32>
        %broadcast_in_dim3A_158 = arith.constant 0 : i32
        %broadcast_in_dim3A_159 = vector.broadcast %broadcast_in_dim3A_158 : i32 to vector<16xi32>
        %broadcast_in_dim3A_160 = vector.shape_cast %broadcast_in_dim3A_159 : vector<16xi32> to vector<16x1xi32>
        %gather3A_161 = vector.shape_cast %broadcast_in_dim3A_160 : vector<16x1xi32> to vector<16xi32>
        %gather3A_162 = tpu.dynamic_gather %get3A_146[%gather3A_161] in [0] : vector<16xf32>, vector<16xi32> -> vector<16xf32>
        %broadcast_in_dim3A_163 = vector.shape_cast %add3A_10 : vector<16xi32> to vector<16x1xi32>
        %gather3A_164 = vector.shape_cast %broadcast_in_dim3A_163 : vector<16x1xi32> to vector<16xi32>
        %gather3A_165 = tpu.dynamic_gather %get3A_154[%gather3A_164] in [0] : vector<16xi32>, vector<16xi32> -> vector<16xi32>
        %shift_right_logical3A = arith.shrui %gather3A_165, %mul3A_5 : vector<16xi32>
        %and3A_166 = arith.constant 255 : i32
        %and3A_167 = vector.broadcast %and3A_166 : i32 to vector<16xi32>
        %and3A_168 = arith.andi %shift_right_logical3A, %and3A_167 : vector<16xi32>
        %convert_element_type3A_169 = arith.sitofp %and3A_168 : vector<16xi32> to vector<16xf32>
        %sub3A = arith.subf %convert_element_type3A_169, %gather3A_162 : vector<16xf32>
        %mul3A_170 = arith.mulf %sub3A, %gather3A_157 : vector<16xf32>
        %swap3A = arith.index_cast %add3A_150 : i32 to index
        %swap3A_171 = arith.constant 0 : index
        %swap3A_172 = tpu.vector_load %arg15[%swap3A, %swap3A_171] {strides = array<i32>} : memref<128x64xf32, #tpu.memory_space<vmem>>, vector<1x16xf32>,
        %swap3A_173 = vector.shape_cast %swap3A_172 : vector<1x16xf32> to vector<16xf32>
        %swap3A_174 = vector.shape_cast %mul3A_170 : vector<16xf32> to vector<1x16xf32>
        tpu.vector_store %arg15[%swap3A, %swap3A_171], %swap3A_174 {strides = array<i32>} : memref<128x64xf32, #tpu.memory_space<vmem>>, vector<1x16xf32>,
        %broadcast_in_dim3A_175 = vector.shape_cast %add3A_16 : vector<16xi32> to vector<16x1xi32>
        %gather3A_176 = vector.shape_cast %broadcast_in_dim3A_175 : vector<16x1xi32> to vector<16xi32>
        %gather3A_177 = tpu.dynamic_gather %get3A_154[%gather3A_176] in [0] : vector<16xi32>, vector<16xi32> -> vector<16xi32>
        %shift_right_logical3A_178 = arith.shrui %gather3A_177, %mul3A_5 : vector<16xi32>
        %and3A_179 = arith.constant 255 : i32
        %and3A_180 = vector.broadcast %and3A_179 : i32 to vector<16xi32>
        %and3A_181 = arith.andi %shift_right_logical3A_178, %and3A_180 : vector<16xi32>
        %convert_element_type3A_182 = arith.sitofp %and3A_181 : vector<16xi32> to vector<16xf32>
        %sub3A_183 = arith.subf %convert_element_type3A_182, %gather3A_162 : vector<16xf32>
        %mul3A_184 = arith.mulf %sub3A_183, %gather3A_157 : vector<16xf32>
        %swap3A_185 = arith.index_cast %add3A_150 : i32 to index
        %swap3A_186 = arith.constant 16 : index
        %swap3A_187 = tpu.vector_load %arg15[%swap3A_185, %swap3A_186] {strides = array<i32>} : memref<128x64xf32, #tpu.memory_space<vmem>>, vector<1x16xf32>,
        %swap3A_188 = vector.shape_cast %swap3A_187 : vector<1x16xf32> to vector<16xf32>
        %swap3A_189 = vector.shape_cast %mul3A_184 : vector<16xf32> to vector<1x16xf32>
        tpu.vector_store %arg15[%swap3A_185, %swap3A_186], %swap3A_189 {strides = array<i32>} : memref<128x64xf32, #tpu.memory_space<vmem>>, vector<1x16xf32>,
        %broadcast_in_dim3A_190 = vector.shape_cast %add3A_22 : vector<16xi32> to vector<16x1xi32>
        %gather3A_191 = vector.shape_cast %broadcast_in_dim3A_190 : vector<16x1xi32> to vector<16xi32>
        %gather3A_192 = tpu.dynamic_gather %get3A_154[%gather3A_191] in [0] : vector<16xi32>, vector<16xi32> -> vector<16xi32>
        %shift_right_logical3A_193 = arith.shrui %gather3A_192, %mul3A_5 : vector<16xi32>
        %and3A_194 = arith.constant 255 : i32
        %and3A_195 = vector.broadcast %and3A_194 : i32 to vector<16xi32>
        %and3A_196 = arith.andi %shift_right_logical3A_193, %and3A_195 : vector<16xi32>
        %convert_element_type3A_197 = arith.sitofp %and3A_196 : vector<16xi32> to vector<16xf32>
        %sub3A_198 = arith.subf %convert_element_type3A_197, %gather3A_162 : vector<16xf32>
        %mul3A_199 = arith.mulf %sub3A_198, %gather3A_157 : vector<16xf32>
        %swap3A_200 = arith.index_cast %add3A_150 : i32 to index
        %swap3A_201 = arith.constant 32 : index
        %swap3A_202 = tpu.vector_load %arg15[%swap3A_200, %swap3A_201] {strides = array<i32>} : memref<128x64xf32, #tpu.memory_space<vmem>>, vector<1x16xf32>,
        %swap3A_203 = vector.shape_cast %swap3A_202 : vector<1x16xf32> to vector<16xf32>
        %swap3A_204 = vector.shape_cast %mul3A_199 : vector<16xf32> to vector<1x16xf32>
        tpu.vector_store %arg15[%swap3A_200, %swap3A_201], %swap3A_204 {strides = array<i32>} : memref<128x64xf32, #tpu.memory_space<vmem>>, vector<1x16xf32>,
        %broadcast_in_dim3A_205 = vector.shape_cast %add3A_28 : vector<16xi32> to vector<16x1xi32>
        %gather3A_206 = vector.shape_cast %broadcast_in_dim3A_205 : vector<16x1xi32> to vector<16xi32>
        %gather3A_207 = tpu.dynamic_gather %get3A_154[%gather3A_206] in [0] : vector<16xi32>, vector<16xi32> -> vector<16xi32>
        %shift_right_logical3A_208 = arith.shrui %gather3A_207, %mul3A_5 : vector<16xi32>
        %and3A_209 = arith.constant 255 : i32
        %and3A_210 = vector.broadcast %and3A_209 : i32 to vector<16xi32>
        %and3A_211 = arith.andi %shift_right_logical3A_208, %and3A_210 : vector<16xi32>
        %convert_element_type3A_212 = arith.sitofp %and3A_211 : vector<16xi32> to vector<16xf32>
        %sub3A_213 = arith.subf %convert_element_type3A_212, %gather3A_162 : vector<16xf32>
        %mul3A_214 = arith.mulf %sub3A_213, %gather3A_157 : vector<16xf32>
        %swap3A_215 = arith.index_cast %add3A_150 : i32 to index
        %swap3A_216 = arith.constant 48 : index
        %swap3A_217 = tpu.vector_load %arg15[%swap3A_215, %swap3A_216] {strides = array<i32>} : memref<128x64xf32, #tpu.memory_space<vmem>>, vector<1x16xf32>,
        %swap3A_218 = vector.shape_cast %swap3A_217 : vector<1x16xf32> to vector<16xf32>
        %swap3A_219 = vector.shape_cast %mul3A_214 : vector<16xf32> to vector<1x16xf32>
        tpu.vector_store %arg15[%swap3A_215, %swap3A_216], %swap3A_219 {strides = array<i32>} : memref<128x64xf32, #tpu.memory_space<vmem>>, vector<1x16xf32>,
        %mul3A_220 = arith.constant 16 : i32
        %mul3A_221 = arith.muli %scan3A_137, %mul3A_220 : i32
        %add3A_222 = arith.constant 1 : i32
        %add3A_223 = arith.addi %mul3A_221, %add3A_222 : i32
        %get3A_224 = arith.index_cast %add3A_223 : i32 to index
        %get3A_225 = arith.constant 0 : index
        %get3A_226 = tpu.vector_load %arg9[%get3A_224, %get3A_225] {strides = array<i32>} : memref<128x16xi32, #tpu.memory_space<vmem>>, vector<1x16xi32>,
        %get3A_227 = vector.shape_cast %get3A_226 : vector<1x16xi32> to vector<16xi32>
        %broadcast_in_dim3A_228 = arith.constant 1 : i32
        %broadcast_in_dim3A_229 = vector.broadcast %broadcast_in_dim3A_228 : i32 to vector<16xi32>
        %broadcast_in_dim3A_230 = vector.shape_cast %broadcast_in_dim3A_229 : vector<16xi32> to vector<16x1xi32>
        %gather3A_231 = vector.shape_cast %broadcast_in_dim3A_230 : vector<16x1xi32> to vector<16xi32>
        %gather3A_232 = tpu.dynamic_gather %get3A_141[%gather3A_231] in [0] : vector<16xf32>, vector<16xi32> -> vector<16xf32>
        %broadcast_in_dim3A_233 = arith.constant 1 : i32
        %broadcast_in_dim3A_234 = vector.broadcast %broadcast_in_dim3A_233 : i32 to vector<16xi32>
        %broadcast_in_dim3A_235 = vector.shape_cast %broadcast_in_dim3A_234 : vector<16xi32> to vector<16x1xi32>
        %gather3A_236 = vector.shape_cast %broadcast_in_dim3A_235 : vector<16x1xi32> to vector<16xi32>
        %gather3A_237 = tpu.dynamic_gather %get3A_146[%gather3A_236] in [0] : vector<16xf32>, vector<16xi32> -> vector<16xf32>
        %broadcast_in_dim3A_238 = vector.shape_cast %add3A_10 : vector<16xi32> to vector<16x1xi32>
        %gather3A_239 = vector.shape_cast %broadcast_in_dim3A_238 : vector<16x1xi32> to vector<16xi32>
        %gather3A_240 = tpu.dynamic_gather %get3A_227[%gather3A_239] in [0] : vector<16xi32>, vector<16xi32> -> vector<16xi32>
        %shift_right_logical3A_241 = arith.shrui %gather3A_240, %mul3A_5 : vector<16xi32>
        %and3A_242 = arith.constant 255 : i32
        %and3A_243 = vector.broadcast %and3A_242 : i32 to vector<16xi32>
        %and3A_244 = arith.andi %shift_right_logical3A_241, %and3A_243 : vector<16xi32>
        %convert_element_type3A_245 = arith.sitofp %and3A_244 : vector<16xi32> to vector<16xf32>
        %sub3A_246 = arith.subf %convert_element_type3A_245, %gather3A_237 : vector<16xf32>
        %mul3A_247 = arith.mulf %sub3A_246, %gather3A_232 : vector<16xf32>
        %swap3A_248 = arith.index_cast %add3A_223 : i32 to index
        %swap3A_249 = arith.constant 0 : index
        %swap3A_250 = tpu.vector_load %arg15[%swap3A_248, %swap3A_249] {strides = array<i32>} : memref<128x64xf32, #tpu.memory_space<vmem>>, vector<1x16xf32>,
        %swap3A_251 = vector.shape_cast %swap3A_250 : vector<1x16xf32> to vector<16xf32>
        %swap3A_252 = vector.shape_cast %mul3A_247 : vector<16xf32> to vector<1x16xf32>
        tpu.vector_store %arg15[%swap3A_248, %swap3A_249], %swap3A_252 {strides = array<i32>} : memref<128x64xf32, #tpu.memory_space<vmem>>, vector<1x16xf32>,
        %broadcast_in_dim3A_253 = vector.shape_cast %add3A_16 : vector<16xi32> to vector<16x1xi32>
        %gather3A_254 = vector.shape_cast %broadcast_in_dim3A_253 : vector<16x1xi32> to vector<16xi32>
        %gather3A_255 = tpu.dynamic_gather %get3A_227[%gather3A_254] in [0] : vector<16xi32>, vector<16xi32> -> vector<16xi32>
        %shift_right_logical3A_256 = arith.shrui %gather3A_255, %mul3A_5 : vector<16xi32>
        %and3A_257 = arith.constant 255 : i32
        %and3A_258 = vector.broadcast %and3A_257 : i32 to vector<16xi32>
        %and3A_259 = arith.andi %shift_right_logical3A_256, %and3A_258 : vector<16xi32>
        %convert_element_type3A_260 = arith.sitofp %and3A_259 : vector<16xi32> to vector<16xf32>
        %sub3A_261 = arith.subf %convert_element_type3A_260, %gather3A_237 : vector<16xf32>
        %mul3A_262 = arith.mulf %sub3A_261, %gather3A_232 : vector<16xf32>
        %swap3A_263 = arith.index_cast %add3A_223 : i32 to index
        %swap3A_264 = arith.constant 16 : index
        %swap3A_265 = tpu.vector_load %arg15[%swap3A_263, %swap3A_264] {strides = array<i32>} : memref<128x64xf32, #tpu.memory_space<vmem>>, vector<1x16xf32>,
        %swap3A_266 = vector.shape_cast %swap3A_265 : vector<1x16xf32> to vector<16xf32>
        %swap3A_267 = vector.shape_cast %mul3A_262 : vector<16xf32> to vector<1x16xf32>
        tpu.vector_store %arg15[%swap3A_263, %swap3A_264], %swap3A_267 {strides = array<i32>} : memref<128x64xf32, #tpu.memory_space<vmem>>, vector<1x16xf32>,
        %broadcast_in_dim3A_268 = vector.shape_cast %add3A_22 : vector<16xi32> to vector<16x1xi32>
        %gather3A_269 = vector.shape_cast %broadcast_in_dim3A_268 : vector<16x1xi32> to vector<16xi32>
        %gather3A_270 = tpu.dynamic_gather %get3A_227[%gather3A_269] in [0] : vector<16xi32>, vector<16xi32> -> vector<16xi32>
        %shift_right_logical3A_271 = arith.shrui %gather3A_270, %mul3A_5 : vector<16xi32>
        %and3A_272 = arith.constant 255 : i32
        %and3A_273 = vector.broadcast %and3A_272 : i32 to vector<16xi32>
        %and3A_274 = arith.andi %shift_right_logical3A_271, %and3A_273 : vector<16xi32>
        %convert_element_type3A_275 = arith.sitofp %and3A_274 : vector<16xi32> to vector<16xf32>
        %sub3A_276 = arith.subf %convert_element_type3A_275, %gather3A_237 : vector<16xf32>
        %mul3A_277 = arith.mulf %sub3A_276, %gather3A_232 : vector<16xf32>
        %swap3A_278 = arith.index_cast %add3A_223 : i32 to index
        %swap3A_279 = arith.constant 32 : index
        %swap3A_280 = tpu.vector_load %arg15[%swap3A_278, %swap3A_279] {strides = array<i32>} : memref<128x64xf32, #tpu.memory_space<vmem>>, vector<1x16xf32>,
        %swap3A_281 = vector.shape_cast %swap3A_280 : vector<1x16xf32> to vector<16xf32>
        %swap3A_282 = vector.shape_cast %mul3A_277 : vector<16xf32> to vector<1x16xf32>
        tpu.vector_store %arg15[%swap3A_278, %swap3A_279], %swap3A_282 {strides = array<i32>} : memref<128x64xf32, #tpu.memory_space<vmem>>, vector<1x16xf32>,
        %broadcast_in_dim3A_283 = vector.shape_cast %add3A_28 : vector<16xi32> to vector<16x1xi32>
        %gather3A_284 = vector.shape_cast %broadcast_in_dim3A_283 : vector<16x1xi32> to vector<16xi32>
        %gather3A_285 = tpu.dynamic_gather %get3A_227[%gather3A_284] in [0] : vector<16xi32>, vector<16xi32> -> vector<16xi32>
        %shift_right_logical3A_286 = arith.shrui %gather3A_285, %mul3A_5 : vector<16xi32>
        %and3A_287 = arith.constant 255 : i32
        %and3A_288 = vector.broadcast %and3A_287 : i32 to vector<16xi32>
        %and3A_289 = arith.andi %shift_right_logical3A_286, %and3A_288 : vector<16xi32>
        %convert_element_type3A_290 = arith.sitofp %and3A_289 : vector<16xi32> to vector<16xf32>
        %sub3A_291 = arith.subf %convert_element_type3A_290, %gather3A_237 : vector<16xf32>
        %mul3A_292 = arith.mulf %sub3A_291, %gather3A_232 : vector<16xf32>
        %swap3A_293 = arith.index_cast %add3A_223 : i32 to index
        %swap3A_294 = arith.constant 48 : index
        %swap3A_295 = tpu.vector_load %arg15[%swap3A_293, %swap3A_294] {strides = array<i32>} : memref<128x64xf32, #tpu.memory_space<vmem>>, vector<1x16xf32>,
        %swap3A_296 = vector.shape_cast %swap3A_295 : vector<1x16xf32> to vector<16xf32>
        %swap3A_297 = vector.shape_cast %mul3A_292 : vector<16xf32> to vector<1x16xf32>
        tpu.vector_store %arg15[%swap3A_293, %swap3A_294], %swap3A_297 {strides = array<i32>} : memref<128x64xf32, #tpu.memory_space<vmem>>, vector<1x16xf32>,
        %mul3A_298 = arith.constant 16 : i32
        %mul3A_299 = arith.muli %scan3A_137, %mul3A_298 : i32
        %add3A_300 = arith.constant 2 : i32
        %add3A_301 = arith.addi %mul3A_299, %add3A_300 : i32
        %get3A_302 = arith.index_cast %add3A_301 : i32 to index
        %get3A_303 = arith.constant 0 : index
        %get3A_304 = tpu.vector_load %arg9[%get3A_302, %get3A_303] {strides = array<i32>} : memref<128x16xi32, #tpu.memory_space<vmem>>, vector<1x16xi32>,
        %get3A_305 = vector.shape_cast %get3A_304 : vector<1x16xi32> to vector<16xi32>
        %broadcast_in_dim3A_306 = arith.constant 2 : i32
        %broadcast_in_dim3A_307 = vector.broadcast %broadcast_in_dim3A_306 : i32 to vector<16xi32>
        %broadcast_in_dim3A_308 = vector.shape_cast %broadcast_in_dim3A_307 : vector<16xi32> to vector<16x1xi32>
        %gather3A_309 = vector.shape_cast %broadcast_in_dim3A_308 : vector<16x1xi32> to vector<16xi32>
        %gather3A_310 = tpu.dynamic_gather %get3A_141[%gather3A_309] in [0] : vector<16xf32>, vector<16xi32> -> vector<16xf32>
        %broadcast_in_dim3A_311 = arith.constant 2 : i32
        %broadcast_in_dim3A_312 = vector.broadcast %broadcast_in_dim3A_311 : i32 to vector<16xi32>
        %broadcast_in_dim3A_313 = vector.shape_cast %broadcast_in_dim3A_312 : vector<16xi32> to vector<16x1xi32>
        %gather3A_314 = vector.shape_cast %broadcast_in_dim3A_313 : vector<16x1xi32> to vector<16xi32>
        %gather3A_315 = tpu.dynamic_gather %get3A_146[%gather3A_314] in [0] : vector<16xf32>, vector<16xi32> -> vector<16xf32>
        %broadcast_in_dim3A_316 = vector.shape_cast %add3A_10 : vector<16xi32> to vector<16x1xi32>
        %gather3A_317 = vector.shape_cast %broadcast_in_dim3A_316 : vector<16x1xi32> to vector<16xi32>
        %gather3A_318 = tpu.dynamic_gather %get3A_305[%gather3A_317] in [0] : vector<16xi32>, vector<16xi32> -> vector<16xi32>
        %shift_right_logical3A_319 = arith.shrui %gather3A_318, %mul3A_5 : vector<16xi32>
        %and3A_320 = arith.constant 255 : i32
        %and3A_321 = vector.broadcast %and3A_320 : i32 to vector<16xi32>
        %and3A_322 = arith.andi %shift_right_logical3A_319, %and3A_321 : vector<16xi32>
        %convert_element_type3A_323 = arith.sitofp %and3A_322 : vector<16xi32> to vector<16xf32>
        %sub3A_324 = arith.subf %convert_element_type3A_323, %gather3A_315 : vector<16xf32>
        %mul3A_325 = arith.mulf %sub3A_324, %gather3A_310 : vector<16xf32>
        %swap3A_326 = arith.index_cast %add3A_301 : i32 to index
        %swap3A_327 = arith.constant 0 : index
        %swap3A_328 = tpu.vector_load %arg15[%swap3A_326, %swap3A_327] {strides = array<i32>} : memref<128x64xf32, #tpu.memory_space<vmem>>, vector<1x16xf32>,
        %swap3A_329 = vector.shape_cast %swap3A_328 : vector<1x16xf32> to vector<16xf32>
        %swap3A_330 = vector.shape_cast %mul3A_325 : vector<16xf32> to vector<1x16xf32>
        tpu.vector_store %arg15[%swap3A_326, %swap3A_327], %swap3A_330 {strides = array<i32>} : memref<128x64xf32, #tpu.memory_space<vmem>>, vector<1x16xf32>,
        %broadcast_in_dim3A_331 = vector.shape_cast %add3A_16 : vector<16xi32> to vector<16x1xi32>
        %gather3A_332 = vector.shape_cast %broadcast_in_dim3A_331 : vector<16x1xi32> to vector<16xi32>
        %gather3A_333 = tpu.dynamic_gather %get3A_305[%gather3A_332] in [0] : vector<16xi32>, vector<16xi32> -> vector<16xi32>
        %shift_right_logical3A_334 = arith.shrui %gather3A_333, %mul3A_5 : vector<16xi32>
        %and3A_335 = arith.constant 255 : i32
        %and3A_336 = vector.broadcast %and3A_335 : i32 to vector<16xi32>
        %and3A_337 = arith.andi %shift_right_logical3A_334, %and3A_336 : vector<16xi32>
        %convert_element_type3A_338 = arith.sitofp %and3A_337 : vector<16xi32> to vector<16xf32>
        %sub3A_339 = arith.subf %convert_element_type3A_338, %gather3A_315 : vector<16xf32>
        %mul3A_340 = arith.mulf %sub3A_339, %gather3A_310 : vector<16xf32>
        %swap3A_341 = arith.index_cast %add3A_301 : i32 to index
        %swap3A_342 = arith.constant 16 : index
        %swap3A_343 = tpu.vector_load %arg15[%swap3A_341, %swap3A_342] {strides = array<i32>} : memref<128x64xf32, #tpu.memory_space<vmem>>, vector<1x16xf32>,
        %swap3A_344 = vector.shape_cast %swap3A_343 : vector<1x16xf32> to vector<16xf32>
        %swap3A_345 = vector.shape_cast %mul3A_340 : vector<16xf32> to vector<1x16xf32>
        tpu.vector_store %arg15[%swap3A_341, %swap3A_342], %swap3A_345 {strides = array<i32>} : memref<128x64xf32, #tpu.memory_space<vmem>>, vector<1x16xf32>,
        %broadcast_in_dim3A_346 = vector.shape_cast %add3A_22 : vector<16xi32> to vector<16x1xi32>
        %gather3A_347 = vector.shape_cast %broadcast_in_dim3A_346 : vector<16x1xi32> to vector<16xi32>
        %gather3A_348 = tpu.dynamic_gather %get3A_305[%gather3A_347] in [0] : vector<16xi32>, vector<16xi32> -> vector<16xi32>
        %shift_right_logical3A_349 = arith.shrui %gather3A_348, %mul3A_5 : vector<16xi32>
        %and3A_350 = arith.constant 255 : i32
        %and3A_351 = vector.broadcast %and3A_350 : i32 to vector<16xi32>
        %and3A_352 = arith.andi %shift_right_logical3A_349, %and3A_351 : vector<16xi32>
        %convert_element_type3A_353 = arith.sitofp %and3A_352 : vector<16xi32> to vector<16xf32>
        %sub3A_354 = arith.subf %convert_element_type3A_353, %gather3A_315 : vector<16xf32>
        %mul3A_355 = arith.mulf %sub3A_354, %gather3A_310 : vector<16xf32>
        %swap3A_356 = arith.index_cast %add3A_301 : i32 to index
        %swap3A_357 = arith.constant 32 : index
        %swap3A_358 = tpu.vector_load %arg15[%swap3A_356, %swap3A_357] {strides = array<i32>} : memref<128x64xf32, #tpu.memory_space<vmem>>, vector<1x16xf32>,
        %swap3A_359 = vector.shape_cast %swap3A_358 : vector<1x16xf32> to vector<16xf32>
        %swap3A_360 = vector.shape_cast %mul3A_355 : vector<16xf32> to vector<1x16xf32>
        tpu.vector_store %arg15[%swap3A_356, %swap3A_357], %swap3A_360 {strides = array<i32>} : memref<128x64xf32, #tpu.memory_space<vmem>>, vector<1x16xf32>,
        %broadcast_in_dim3A_361 = vector.shape_cast %add3A_28 : vector<16xi32> to vector<16x1xi32>
        %gather3A_362 = vector.shape_cast %broadcast_in_dim3A_361 : vector<16x1xi32> to vector<16xi32>
        %gather3A_363 = tpu.dynamic_gather %get3A_305[%gather3A_362] in [0] : vector<16xi32>, vector<16xi32> -> vector<16xi32>
        %shift_right_logical3A_364 = arith.shrui %gather3A_363, %mul3A_5 : vector<16xi32>
        %and3A_365 = arith.constant 255 : i32
        %and3A_366 = vector.broadcast %and3A_365 : i32 to vector<16xi32>
        %and3A_367 = arith.andi %shift_right_logical3A_364, %and3A_366 : vector<16xi32>
        %convert_element_type3A_368 = arith.sitofp %and3A_367 : vector<16xi32> to vector<16xf32>
        %sub3A_369 = arith.subf %convert_element_type3A_368, %gather3A_315 : vector<16xf32>
        %mul3A_370 = arith.mulf %sub3A_369, %gather3A_310 : vector<16xf32>
        %swap3A_371 = arith.index_cast %add3A_301 : i32 to index
        %swap3A_372 = arith.constant 48 : index
        %swap3A_373 = tpu.vector_load %arg15[%swap3A_371, %swap3A_372] {strides = array<i32>} : memref<128x64xf32, #tpu.memory_space<vmem>>, vector<1x16xf32>,
        %swap3A_374 = vector.shape_cast %swap3A_373 : vector<1x16xf32> to vector<16xf32>
        %swap3A_375 = vector.shape_cast %mul3A_370 : vector<16xf32> to vector<1x16xf32>
        tpu.vector_store %arg15[%swap3A_371, %swap3A_372], %swap3A_375 {strides = array<i32>} : memref<128x64xf32, #tpu.memory_space<vmem>>, vector<1x16xf32>,
        %mul3A_376 = arith.constant 16 : i32
        %mul3A_377 = arith.muli %scan3A_137, %mul3A_376 : i32
        %add3A_378 = arith.constant 3 : i32
        %add3A_379 = arith.addi %mul3A_377, %add3A_378 : i32
        %get3A_380 = arith.index_cast %add3A_379 : i32 to index
        %get3A_381 = arith.constant 0 : index
        %get3A_382 = tpu.vector_load %arg9[%get3A_380, %get3A_381] {strides = array<i32>} : memref<128x16xi32, #tpu.memory_space<vmem>>, vector<1x16xi32>,
        %get3A_383 = vector.shape_cast %get3A_382 : vector<1x16xi32> to vector<16xi32>
        %broadcast_in_dim3A_384 = arith.constant 3 : i32
        %broadcast_in_dim3A_385 = vector.broadcast %broadcast_in_dim3A_384 : i32 to vector<16xi32>
        %broadcast_in_dim3A_386 = vector.shape_cast %broadcast_in_dim3A_385 : vector<16xi32> to vector<16x1xi32>
        %gather3A_387 = vector.shape_cast %broadcast_in_dim3A_386 : vector<16x1xi32> to vector<16xi32>
        %gather3A_388 = tpu.dynamic_gather %get3A_141[%gather3A_387] in [0] : vector<16xf32>, vector<16xi32> -> vector<16xf32>
        %broadcast_in_dim3A_389 = arith.constant 3 : i32
        %broadcast_in_dim3A_390 = vector.broadcast %broadcast_in_dim3A_389 : i32 to vector<16xi32>
        %broadcast_in_dim3A_391 = vector.shape_cast %broadcast_in_dim3A_390 : vector<16xi32> to vector<16x1xi32>
        %gather3A_392 = vector.shape_cast %broadcast_in_dim3A_391 : vector<16x1xi32> to vector<16xi32>
        %gather3A_393 = tpu.dynamic_gather %get3A_146[%gather3A_392] in [0] : vector<16xf32>, vector<16xi32> -> vector<16xf32>
        %broadcast_in_dim3A_394 = vector.shape_cast %add3A_10 : vector<16xi32> to vector<16x1xi32>
        %gather3A_395 = vector.shape_cast %broadcast_in_dim3A_394 : vector<16x1xi32> to vector<16xi32>
        %gather3A_396 = tpu.dynamic_gather %get3A_383[%gather3A_395] in [0] : vector<16xi32>, vector<16xi32> -> vector<16xi32>
        %shift_right_logical3A_397 = arith.shrui %gather3A_396, %mul3A_5 : vector<16xi32>
        %and3A_398 = arith.constant 255 : i32
        %and3A_399 = vector.broadcast %and3A_398 : i32 to vector<16xi32>
        %and3A_400 = arith.andi %shift_right_logical3A_397, %and3A_399 : vector<16xi32>
        %convert_element_type3A_401 = arith.sitofp %and3A_400 : vector<16xi32> to vector<16xf32>
        %sub3A_402 = arith.subf %convert_element_type3A_401, %gather3A_393 : vector<16xf32>
        %mul3A_403 = arith.mulf %sub3A_402, %gather3A_388 : vector<16xf32>
        %swap3A_404 = arith.index_cast %add3A_379 : i32 to index
        %swap3A_405 = arith.constant 0 : index
        %swap3A_406 = tpu.vector_load %arg15[%swap3A_404, %swap3A_405] {strides = array<i32>} : memref<128x64xf32, #tpu.memory_space<vmem>>, vector<1x16xf32>,
        %swap3A_407 = vector.shape_cast %swap3A_406 : vector<1x16xf32> to vector<16xf32>
        %swap3A_408 = vector.shape_cast %mul3A_403 : vector<16xf32> to vector<1x16xf32>
        tpu.vector_store %arg15[%swap3A_404, %swap3A_405], %swap3A_408 {strides = array<i32>} : memref<128x64xf32, #tpu.memory_space<vmem>>, vector<1x16xf32>,
        %broadcast_in_dim3A_409 = vector.shape_cast %add3A_16 : vector<16xi32> to vector<16x1xi32>
        %gather3A_410 = vector.shape_cast %broadcast_in_dim3A_409 : vector<16x1xi32> to vector<16xi32>
        %gather3A_411 = tpu.dynamic_gather %get3A_383[%gather3A_410] in [0] : vector<16xi32>, vector<16xi32> -> vector<16xi32>
        %shift_right_logical3A_412 = arith.shrui %gather3A_411, %mul3A_5 : vector<16xi32>
        %and3A_413 = arith.constant 255 : i32
        %and3A_414 = vector.broadcast %and3A_413 : i32 to vector<16xi32>
        %and3A_415 = arith.andi %shift_right_logical3A_412, %and3A_414 : vector<16xi32>
        %convert_element_type3A_416 = arith.sitofp %and3A_415 : vector<16xi32> to vector<16xf32>
        %sub3A_417 = arith.subf %convert_element_type3A_416, %gather3A_393 : vector<16xf32>
        %mul3A_418 = arith.mulf %sub3A_417, %gather3A_388 : vector<16xf32>
        %swap3A_419 = arith.index_cast %add3A_379 : i32 to index
        %swap3A_420 = arith.constant 16 : index
        %swap3A_421 = tpu.vector_load %arg15[%swap3A_419, %swap3A_420] {strides = array<i32>} : memref<128x64xf32, #tpu.memory_space<vmem>>, vector<1x16xf32>,
        %swap3A_422 = vector.shape_cast %swap3A_421 : vector<1x16xf32> to vector<16xf32>
        %swap3A_423 = vector.shape_cast %mul3A_418 : vector<16xf32> to vector<1x16xf32>
        tpu.vector_store %arg15[%swap3A_419, %swap3A_420], %swap3A_423 {strides = array<i32>} : memref<128x64xf32, #tpu.memory_space<vmem>>, vector<1x16xf32>,
        %broadcast_in_dim3A_424 = vector.shape_cast %add3A_22 : vector<16xi32> to vector<16x1xi32>
        %gather3A_425 = vector.shape_cast %broadcast_in_dim3A_424 : vector<16x1xi32> to vector<16xi32>
        %gather3A_426 = tpu.dynamic_gather %get3A_383[%gather3A_425] in [0] : vector<16xi32>, vector<16xi32> -> vector<16xi32>
        %shift_right_logical3A_427 = arith.shrui %gather3A_426, %mul3A_5 : vector<16xi32>
        %and3A_428 = arith.constant 255 : i32
        %and3A_429 = vector.broadcast %and3A_428 : i32 to vector<16xi32>
        %and3A_430 = arith.andi %shift_right_logical3A_427, %and3A_429 : vector<16xi32>
        %convert_element_type3A_431 = arith.sitofp %and3A_430 : vector<16xi32> to vector<16xf32>
        %sub3A_432 = arith.subf %convert_element_type3A_431, %gather3A_393 : vector<16xf32>
        %mul3A_433 = arith.mulf %sub3A_432, %gather3A_388 : vector<16xf32>
        %swap3A_434 = arith.index_cast %add3A_379 : i32 to index
        %swap3A_435 = arith.constant 32 : index
        %swap3A_436 = tpu.vector_load %arg15[%swap3A_434, %swap3A_435] {strides = array<i32>} : memref<128x64xf32, #tpu.memory_space<vmem>>, vector<1x16xf32>,
        %swap3A_437 = vector.shape_cast %swap3A_436 : vector<1x16xf32> to vector<16xf32>
        %swap3A_438 = vector.shape_cast %mul3A_433 : vector<16xf32> to vector<1x16xf32>
        tpu.vector_store %arg15[%swap3A_434, %swap3A_435], %swap3A_438 {strides = array<i32>} : memref<128x64xf32, #tpu.memory_space<vmem>>, vector<1x16xf32>,
        %broadcast_in_dim3A_439 = vector.shape_cast %add3A_28 : vector<16xi32> to vector<16x1xi32>
        %gather3A_440 = vector.shape_cast %broadcast_in_dim3A_439 : vector<16x1xi32> to vector<16xi32>
        %gather3A_441 = tpu.dynamic_gather %get3A_383[%gather3A_440] in [0] : vector<16xi32>, vector<16xi32> -> vector<16xi32>
        %shift_right_logical3A_442 = arith.shrui %gather3A_441, %mul3A_5 : vector<16xi32>
        %and3A_443 = arith.constant 255 : i32
        %and3A_444 = vector.broadcast %and3A_443 : i32 to vector<16xi32>
        %and3A_445 = arith.andi %shift_right_logical3A_442, %and3A_444 : vector<16xi32>
        %convert_element_type3A_446 = arith.sitofp %and3A_445 : vector<16xi32> to vector<16xf32>
        %sub3A_447 = arith.subf %convert_element_type3A_446, %gather3A_393 : vector<16xf32>
        %mul3A_448 = arith.mulf %sub3A_447, %gather3A_388 : vector<16xf32>
        %swap3A_449 = arith.index_cast %add3A_379 : i32 to index
        %swap3A_450 = arith.constant 48 : index
        %swap3A_451 = tpu.vector_load %arg15[%swap3A_449, %swap3A_450] {strides = array<i32>} : memref<128x64xf32, #tpu.memory_space<vmem>>, vector<1x16xf32>,
        %swap3A_452 = vector.shape_cast %swap3A_451 : vector<1x16xf32> to vector<16xf32>
        %swap3A_453 = vector.shape_cast %mul3A_448 : vector<16xf32> to vector<1x16xf32>
        tpu.vector_store %arg15[%swap3A_449, %swap3A_450], %swap3A_453 {strides = array<i32>} : memref<128x64xf32, #tpu.memory_space<vmem>>, vector<1x16xf32>,
        %mul3A_454 = arith.constant 16 : i32
        %mul3A_455 = arith.muli %scan3A_137, %mul3A_454 : i32
        %add3A_456 = arith.constant 4 : i32
        %add3A_457 = arith.addi %mul3A_455, %add3A_456 : i32
        %get3A_458 = arith.index_cast %add3A_457 : i32 to index
        %get3A_459 = arith.constant 0 : index
        %get3A_460 = tpu.vector_load %arg9[%get3A_458, %get3A_459] {strides = array<i32>} : memref<128x16xi32, #tpu.memory_space<vmem>>, vector<1x16xi32>,
        %get3A_461 = vector.shape_cast %get3A_460 : vector<1x16xi32> to vector<16xi32>
        %broadcast_in_dim3A_462 = arith.constant 4 : i32
        %broadcast_in_dim3A_463 = vector.broadcast %broadcast_in_dim3A_462 : i32 to vector<16xi32>
        %broadcast_in_dim3A_464 = vector.shape_cast %broadcast_in_dim3A_463 : vector<16xi32> to vector<16x1xi32>
        %gather3A_465 = vector.shape_cast %broadcast_in_dim3A_464 : vector<16x1xi32> to vector<16xi32>
        %gather3A_466 = tpu.dynamic_gather %get3A_141[%gather3A_465] in [0] : vector<16xf32>, vector<16xi32> -> vector<16xf32>
        %broadcast_in_dim3A_467 = arith.constant 4 : i32
        %broadcast_in_dim3A_468 = vector.broadcast %broadcast_in_dim3A_467 : i32 to vector<16xi32>
        %broadcast_in_dim3A_469 = vector.shape_cast %broadcast_in_dim3A_468 : vector<16xi32> to vector<16x1xi32>
        %gather3A_470 = vector.shape_cast %broadcast_in_dim3A_469 : vector<16x1xi32> to vector<16xi32>
        %gather3A_471 = tpu.dynamic_gather %get3A_146[%gather3A_470] in [0] : vector<16xf32>, vector<16xi32> -> vector<16xf32>
        %broadcast_in_dim3A_472 = vector.shape_cast %add3A_10 : vector<16xi32> to vector<16x1xi32>
        %gather3A_473 = vector.shape_cast %broadcast_in_dim3A_472 : vector<16x1xi32> to vector<16xi32>
        %gather3A_474 = tpu.dynamic_gather %get3A_461[%gather3A_473] in [0] : vector<16xi32>, vector<16xi32> -> vector<16xi32>
        %shift_right_logical3A_475 = arith.shrui %gather3A_474, %mul3A_5 : vector<16xi32>
        %and3A_476 = arith.constant 255 : i32
        %and3A_477 = vector.broadcast %and3A_476 : i32 to vector<16xi32>
        %and3A_478 = arith.andi %shift_right_logical3A_475, %and3A_477 : vector<16xi32>
        %convert_element_type3A_479 = arith.sitofp %and3A_478 : vector<16xi32> to vector<16xf32>
        %sub3A_480 = arith.subf %convert_element_type3A_479, %gather3A_471 : vector<16xf32>
        %mul3A_481 = arith.mulf %sub3A_480, %gather3A_466 : vector<16xf32>
        %swap3A_482 = arith.index_cast %add3A_457 : i32 to index
        %swap3A_483 = arith.constant 0 : index
        %swap3A_484 = tpu.vector_load %arg15[%swap3A_482, %swap3A_483] {strides = array<i32>} : memref<128x64xf32, #tpu.memory_space<vmem>>, vector<1x16xf32>,
        %swap3A_485 = vector.shape_cast %swap3A_484 : vector<1x16xf32> to vector<16xf32>
        %swap3A_486 = vector.shape_cast %mul3A_481 : vector<16xf32> to vector<1x16xf32>
        tpu.vector_store %arg15[%swap3A_482, %swap3A_483], %swap3A_486 {strides = array<i32>} : memref<128x64xf32, #tpu.memory_space<vmem>>, vector<1x16xf32>,
        %broadcast_in_dim3A_487 = vector.shape_cast %add3A_16 : vector<16xi32> to vector<16x1xi32>
        %gather3A_488 = vector.shape_cast %broadcast_in_dim3A_487 : vector<16x1xi32> to vector<16xi32>
        %gather3A_489 = tpu.dynamic_gather %get3A_461[%gather3A_488] in [0] : vector<16xi32>, vector<16xi32> -> vector<16xi32>
        %shift_right_logical3A_490 = arith.shrui %gather3A_489, %mul3A_5 : vector<16xi32>
        %and3A_491 = arith.constant 255 : i32
        %and3A_492 = vector.broadcast %and3A_491 : i32 to vector<16xi32>
        %and3A_493 = arith.andi %shift_right_logical3A_490, %and3A_492 : vector<16xi32>
        %convert_element_type3A_494 = arith.sitofp %and3A_493 : vector<16xi32> to vector<16xf32>
        %sub3A_495 = arith.subf %convert_element_type3A_494, %gather3A_471 : vector<16xf32>
        %mul3A_496 = arith.mulf %sub3A_495, %gather3A_466 : vector<16xf32>
        %swap3A_497 = arith.index_cast %add3A_457 : i32 to index
        %swap3A_498 = arith.constant 16 : index
        %swap3A_499 = tpu.vector_load %arg15[%swap3A_497, %swap3A_498] {strides = array<i32>} : memref<128x64xf32, #tpu.memory_space<vmem>>, vector<1x16xf32>,
        %swap3A_500 = vector.shape_cast %swap3A_499 : vector<1x16xf32> to vector<16xf32>
        %swap3A_501 = vector.shape_cast %mul3A_496 : vector<16xf32> to vector<1x16xf32>
        tpu.vector_store %arg15[%swap3A_497, %swap3A_498], %swap3A_501 {strides = array<i32>} : memref<128x64xf32, #tpu.memory_space<vmem>>, vector<1x16xf32>,
        %broadcast_in_dim3A_502 = vector.shape_cast %add3A_22 : vector<16xi32> to vector<16x1xi32>
        %gather3A_503 = vector.shape_cast %broadcast_in_dim3A_502 : vector<16x1xi32> to vector<16xi32>
        %gather3A_504 = tpu.dynamic_gather %get3A_461[%gather3A_503] in [0] : vector<16xi32>, vector<16xi32> -> vector<16xi32>
        %shift_right_logical3A_505 = arith.shrui %gather3A_504, %mul3A_5 : vector<16xi32>
        %and3A_506 = arith.constant 255 : i32
        %and3A_507 = vector.broadcast %and3A_506 : i32 to vector<16xi32>
        %and3A_508 = arith.andi %shift_right_logical3A_505, %and3A_507 : vector<16xi32>
        %convert_element_type3A_509 = arith.sitofp %and3A_508 : vector<16xi32> to vector<16xf32>
        %sub3A_510 = arith.subf %convert_element_type3A_509, %gather3A_471 : vector<16xf32>
        %mul3A_511 = arith.mulf %sub3A_510, %gather3A_466 : vector<16xf32>
        %swap3A_512 = arith.index_cast %add3A_457 : i32 to index
        %swap3A_513 = arith.constant 32 : index
        %swap3A_514 = tpu.vector_load %arg15[%swap3A_512, %swap3A_513] {strides = array<i32>} : memref<128x64xf32, #tpu.memory_space<vmem>>, vector<1x16xf32>,
        %swap3A_515 = vector.shape_cast %swap3A_514 : vector<1x16xf32> to vector<16xf32>
        %swap3A_516 = vector.shape_cast %mul3A_511 : vector<16xf32> to vector<1x16xf32>
        tpu.vector_store %arg15[%swap3A_512, %swap3A_513], %swap3A_516 {strides = array<i32>} : memref<128x64xf32, #tpu.memory_space<vmem>>, vector<1x16xf32>,
        %broadcast_in_dim3A_517 = vector.shape_cast %add3A_28 : vector<16xi32> to vector<16x1xi32>
        %gather3A_518 = vector.shape_cast %broadcast_in_dim3A_517 : vector<16x1xi32> to vector<16xi32>
        %gather3A_519 = tpu.dynamic_gather %get3A_461[%gather3A_518] in [0] : vector<16xi32>, vector<16xi32> -> vector<16xi32>
        %shift_right_logical3A_520 = arith.shrui %gather3A_519, %mul3A_5 : vector<16xi32>
        %and3A_521 = arith.constant 255 : i32
        %and3A_522 = vector.broadcast %and3A_521 : i32 to vector<16xi32>
        %and3A_523 = arith.andi %shift_right_logical3A_520, %and3A_522 : vector<16xi32>
        %convert_element_type3A_524 = arith.sitofp %and3A_523 : vector<16xi32> to vector<16xf32>
        %sub3A_525 = arith.subf %convert_element_type3A_524, %gather3A_471 : vector<16xf32>
        %mul3A_526 = arith.mulf %sub3A_525, %gather3A_466 : vector<16xf32>
        %swap3A_527 = arith.index_cast %add3A_457 : i32 to index
        %swap3A_528 = arith.constant 48 : index
        %swap3A_529 = tpu.vector_load %arg15[%swap3A_527, %swap3A_528] {strides = array<i32>} : memref<128x64xf32, #tpu.memory_space<vmem>>, vector<1x16xf32>,
        %swap3A_530 = vector.shape_cast %swap3A_529 : vector<1x16xf32> to vector<16xf32>
        %swap3A_531 = vector.shape_cast %mul3A_526 : vector<16xf32> to vector<1x16xf32>
        tpu.vector_store %arg15[%swap3A_527, %swap3A_528], %swap3A_531 {strides = array<i32>} : memref<128x64xf32, #tpu.memory_space<vmem>>, vector<1x16xf32>,
        %mul3A_532 = arith.constant 16 : i32
        %mul3A_533 = arith.muli %scan3A_137, %mul3A_532 : i32
        %add3A_534 = arith.constant 5 : i32
        %add3A_535 = arith.addi %mul3A_533, %add3A_534 : i32
        %get3A_536 = arith.index_cast %add3A_535 : i32 to index
        %get3A_537 = arith.constant 0 : index
        %get3A_538 = tpu.vector_load %arg9[%get3A_536, %get3A_537] {strides = array<i32>} : memref<128x16xi32, #tpu.memory_space<vmem>>, vector<1x16xi32>,
        %get3A_539 = vector.shape_cast %get3A_538 : vector<1x16xi32> to vector<16xi32>
        %broadcast_in_dim3A_540 = arith.constant 5 : i32
        %broadcast_in_dim3A_541 = vector.broadcast %broadcast_in_dim3A_540 : i32 to vector<16xi32>
        %broadcast_in_dim3A_542 = vector.shape_cast %broadcast_in_dim3A_541 : vector<16xi32> to vector<16x1xi32>
        %gather3A_543 = vector.shape_cast %broadcast_in_dim3A_542 : vector<16x1xi32> to vector<16xi32>
        %gather3A_544 = tpu.dynamic_gather %get3A_141[%gather3A_543] in [0] : vector<16xf32>, vector<16xi32> -> vector<16xf32>
        %broadcast_in_dim3A_545 = arith.constant 5 : i32
        %broadcast_in_dim3A_546 = vector.broadcast %broadcast_in_dim3A_545 : i32 to vector<16xi32>
        %broadcast_in_dim3A_547 = vector.shape_cast %broadcast_in_dim3A_546 : vector<16xi32> to vector<16x1xi32>
        %gather3A_548 = vector.shape_cast %broadcast_in_dim3A_547 : vector<16x1xi32> to vector<16xi32>
        %gather3A_549 = tpu.dynamic_gather %get3A_146[%gather3A_548] in [0] : vector<16xf32>, vector<16xi32> -> vector<16xf32>
        %broadcast_in_dim3A_550 = vector.shape_cast %add3A_10 : vector<16xi32> to vector<16x1xi32>
        %gather3A_551 = vector.shape_cast %broadcast_in_dim3A_550 : vector<16x1xi32> to vector<16xi32>
        %gather3A_552 = tpu.dynamic_gather %get3A_539[%gather3A_551] in [0] : vector<16xi32>, vector<16xi32> -> vector<16xi32>
        %shift_right_logical3A_553 = arith.shrui %gather3A_552, %mul3A_5 : vector<16xi32>
        %and3A_554 = arith.constant 255 : i32
        %and3A_555 = vector.broadcast %and3A_554 : i32 to vector<16xi32>
        %and3A_556 = arith.andi %shift_right_logical3A_553, %and3A_555 : vector<16xi32>
        %convert_element_type3A_557 = arith.sitofp %and3A_556 : vector<16xi32> to vector<16xf32>
        %sub3A_558 = arith.subf %convert_element_type3A_557, %gather3A_549 : vector<16xf32>
        %mul3A_559 = arith.mulf %sub3A_558, %gather3A_544 : vector<16xf32>
        %swap3A_560 = arith.index_cast %add3A_535 : i32 to index
        %swap3A_561 = arith.constant 0 : index
        %swap3A_562 = tpu.vector_load %arg15[%swap3A_560, %swap3A_561] {strides = array<i32>} : memref<128x64xf32, #tpu.memory_space<vmem>>, vector<1x16xf32>,
        %swap3A_563 = vector.shape_cast %swap3A_562 : vector<1x16xf32> to vector<16xf32>
        %swap3A_564 = vector.shape_cast %mul3A_559 : vector<16xf32> to vector<1x16xf32>
        tpu.vector_store %arg15[%swap3A_560, %swap3A_561], %swap3A_564 {strides = array<i32>} : memref<128x64xf32, #tpu.memory_space<vmem>>, vector<1x16xf32>,
        %broadcast_in_dim3A_565 = vector.shape_cast %add3A_16 : vector<16xi32> to vector<16x1xi32>
        %gather3A_566 = vector.shape_cast %broadcast_in_dim3A_565 : vector<16x1xi32> to vector<16xi32>
        %gather3A_567 = tpu.dynamic_gather %get3A_539[%gather3A_566] in [0] : vector<16xi32>, vector<16xi32> -> vector<16xi32>
        %shift_right_logical3A_568 = arith.shrui %gather3A_567, %mul3A_5 : vector<16xi32>
        %and3A_569 = arith.constant 255 : i32
        %and3A_570 = vector.broadcast %and3A_569 : i32 to vector<16xi32>
        %and3A_571 = arith.andi %shift_right_logical3A_568, %and3A_570 : vector<16xi32>
        %convert_element_type3A_572 = arith.sitofp %and3A_571 : vector<16xi32> to vector<16xf32>
        %sub3A_573 = arith.subf %convert_element_type3A_572, %gather3A_549 : vector<16xf32>
        %mul3A_574 = arith.mulf %sub3A_573, %gather3A_544 : vector<16xf32>
        %swap3A_575 = arith.index_cast %add3A_535 : i32 to index
        %swap3A_576 = arith.constant 16 : index
        %swap3A_577 = tpu.vector_load %arg15[%swap3A_575, %swap3A_576] {strides = array<i32>} : memref<128x64xf32, #tpu.memory_space<vmem>>, vector<1x16xf32>,
        %swap3A_578 = vector.shape_cast %swap3A_577 : vector<1x16xf32> to vector<16xf32>
        %swap3A_579 = vector.shape_cast %mul3A_574 : vector<16xf32> to vector<1x16xf32>
        tpu.vector_store %arg15[%swap3A_575, %swap3A_576], %swap3A_579 {strides = array<i32>} : memref<128x64xf32, #tpu.memory_space<vmem>>, vector<1x16xf32>,
        %broadcast_in_dim3A_580 = vector.shape_cast %add3A_22 : vector<16xi32> to vector<16x1xi32>
        %gather3A_581 = vector.shape_cast %broadcast_in_dim3A_580 : vector<16x1xi32> to vector<16xi32>
        %gather3A_582 = tpu.dynamic_gather %get3A_539[%gather3A_581] in [0] : vector<16xi32>, vector<16xi32> -> vector<16xi32>
        %shift_right_logical3A_583 = arith.shrui %gather3A_582, %mul3A_5 : vector<16xi32>
        %and3A_584 = arith.constant 255 : i32
        %and3A_585 = vector.broadcast %and3A_584 : i32 to vector<16xi32>
        %and3A_586 = arith.andi %shift_right_logical3A_583, %and3A_585 : vector<16xi32>
        %convert_element_type3A_587 = arith.sitofp %and3A_586 : vector<16xi32> to vector<16xf32>
        %sub3A_588 = arith.subf %convert_element_type3A_587, %gather3A_549 : vector<16xf32>
        %mul3A_589 = arith.mulf %sub3A_588, %gather3A_544 : vector<16xf32>
        %swap3A_590 = arith.index_cast %add3A_535 : i32 to index
        %swap3A_591 = arith.constant 32 : index
        %swap3A_592 = tpu.vector_load %arg15[%swap3A_590, %swap3A_591] {strides = array<i32>} : memref<128x64xf32, #tpu.memory_space<vmem>>, vector<1x16xf32>,
        %swap3A_593 = vector.shape_cast %swap3A_592 : vector<1x16xf32> to vector<16xf32>
        %swap3A_594 = vector.shape_cast %mul3A_589 : vector<16xf32> to vector<1x16xf32>
        tpu.vector_store %arg15[%swap3A_590, %swap3A_591], %swap3A_594 {strides = array<i32>} : memref<128x64xf32, #tpu.memory_space<vmem>>, vector<1x16xf32>,
        %broadcast_in_dim3A_595 = vector.shape_cast %add3A_28 : vector<16xi32> to vector<16x1xi32>
        %gather3A_596 = vector.shape_cast %broadcast_in_dim3A_595 : vector<16x1xi32> to vector<16xi32>
        %gather3A_597 = tpu.dynamic_gather %get3A_539[%gather3A_596] in [0] : vector<16xi32>, vector<16xi32> -> vector<16xi32>
        %shift_right_logical3A_598 = arith.shrui %gather3A_597, %mul3A_5 : vector<16xi32>
        %and3A_599 = arith.constant 255 : i32
        %and3A_600 = vector.broadcast %and3A_599 : i32 to vector<16xi32>
        %and3A_601 = arith.andi %shift_right_logical3A_598, %and3A_600 : vector<16xi32>
        %convert_element_type3A_602 = arith.sitofp %and3A_601 : vector<16xi32> to vector<16xf32>
        %sub3A_603 = arith.subf %convert_element_type3A_602, %gather3A_549 : vector<16xf32>
        %mul3A_604 = arith.mulf %sub3A_603, %gather3A_544 : vector<16xf32>
        %swap3A_605 = arith.index_cast %add3A_535 : i32 to index
        %swap3A_606 = arith.constant 48 : index
        %swap3A_607 = tpu.vector_load %arg15[%swap3A_605, %swap3A_606] {strides = array<i32>} : memref<128x64xf32, #tpu.memory_space<vmem>>, vector<1x16xf32>,
        %swap3A_608 = vector.shape_cast %swap3A_607 : vector<1x16xf32> to vector<16xf32>
        %swap3A_609 = vector.shape_cast %mul3A_604 : vector<16xf32> to vector<1x16xf32>
        tpu.vector_store %arg15[%swap3A_605, %swap3A_606], %swap3A_609 {strides = array<i32>} : memref<128x64xf32, #tpu.memory_space<vmem>>, vector<1x16xf32>,
        %mul3A_610 = arith.constant 16 : i32
        %mul3A_611 = arith.muli %scan3A_137, %mul3A_610 : i32
        %add3A_612 = arith.constant 6 : i32
        %add3A_613 = arith.addi %mul3A_611, %add3A_612 : i32
        %get3A_614 = arith.index_cast %add3A_613 : i32 to index
        %get3A_615 = arith.constant 0 : index
        %get3A_616 = tpu.vector_load %arg9[%get3A_614, %get3A_615] {strides = array<i32>} : memref<128x16xi32, #tpu.memory_space<vmem>>, vector<1x16xi32>,
        %get3A_617 = vector.shape_cast %get3A_616 : vector<1x16xi32> to vector<16xi32>
        %broadcast_in_dim3A_618 = arith.constant 6 : i32
        %broadcast_in_dim3A_619 = vector.broadcast %broadcast_in_dim3A_618 : i32 to vector<16xi32>
        %broadcast_in_dim3A_620 = vector.shape_cast %broadcast_in_dim3A_619 : vector<16xi32> to vector<16x1xi32>
        %gather3A_621 = vector.shape_cast %broadcast_in_dim3A_620 : vector<16x1xi32> to vector<16xi32>
        %gather3A_622 = tpu.dynamic_gather %get3A_141[%gather3A_621] in [0] : vector<16xf32>, vector<16xi32> -> vector<16xf32>
        %broadcast_in_dim3A_623 = arith.constant 6 : i32
        %broadcast_in_dim3A_624 = vector.broadcast %broadcast_in_dim3A_623 : i32 to vector<16xi32>
        %broadcast_in_dim3A_625 = vector.shape_cast %broadcast_in_dim3A_624 : vector<16xi32> to vector<16x1xi32>
        %gather3A_626 = vector.shape_cast %broadcast_in_dim3A_625 : vector<16x1xi32> to vector<16xi32>
        %gather3A_627 = tpu.dynamic_gather %get3A_146[%gather3A_626] in [0] : vector<16xf32>, vector<16xi32> -> vector<16xf32>
        %broadcast_in_dim3A_628 = vector.shape_cast %add3A_10 : vector<16xi32> to vector<16x1xi32>
        %gather3A_629 = vector.shape_cast %broadcast_in_dim3A_628 : vector<16x1xi32> to vector<16xi32>
        %gather3A_630 = tpu.dynamic_gather %get3A_617[%gather3A_629] in [0] : vector<16xi32>, vector<16xi32> -> vector<16xi32>
        %shift_right_logical3A_631 = arith.shrui %gather3A_630, %mul3A_5 : vector<16xi32>
        %and3A_632 = arith.constant 255 : i32
        %and3A_633 = vector.broadcast %and3A_632 : i32 to vector<16xi32>
        %and3A_634 = arith.andi %shift_right_logical3A_631, %and3A_633 : vector<16xi32>
        %convert_element_type3A_635 = arith.sitofp %and3A_634 : vector<16xi32> to vector<16xf32>
        %sub3A_636 = arith.subf %convert_element_type3A_635, %gather3A_627 : vector<16xf32>
        %mul3A_637 = arith.mulf %sub3A_636, %gather3A_622 : vector<16xf32>
        %swap3A_638 = arith.index_cast %add3A_613 : i32 to index
        %swap3A_639 = arith.constant 0 : index
        %swap3A_640 = tpu.vector_load %arg15[%swap3A_638, %swap3A_639] {strides = array<i32>} : memref<128x64xf32, #tpu.memory_space<vmem>>, vector<1x16xf32>,
        %swap3A_641 = vector.shape_cast %swap3A_640 : vector<1x16xf32> to vector<16xf32>
        %swap3A_642 = vector.shape_cast %mul3A_637 : vector<16xf32> to vector<1x16xf32>
        tpu.vector_store %arg15[%swap3A_638, %swap3A_639], %swap3A_642 {strides = array<i32>} : memref<128x64xf32, #tpu.memory_space<vmem>>, vector<1x16xf32>,
        %broadcast_in_dim3A_643 = vector.shape_cast %add3A_16 : vector<16xi32> to vector<16x1xi32>
        %gather3A_644 = vector.shape_cast %broadcast_in_dim3A_643 : vector<16x1xi32> to vector<16xi32>
        %gather3A_645 = tpu.dynamic_gather %get3A_617[%gather3A_644] in [0] : vector<16xi32>, vector<16xi32> -> vector<16xi32>
        %shift_right_logical3A_646 = arith.shrui %gather3A_645, %mul3A_5 : vector<16xi32>
        %and3A_647 = arith.constant 255 : i32
        %and3A_648 = vector.broadcast %and3A_647 : i32 to vector<16xi32>
        %and3A_649 = arith.andi %shift_right_logical3A_646, %and3A_648 : vector<16xi32>
        %convert_element_type3A_650 = arith.sitofp %and3A_649 : vector<16xi32> to vector<16xf32>
        %sub3A_651 = arith.subf %convert_element_type3A_650, %gather3A_627 : vector<16xf32>
        %mul3A_652 = arith.mulf %sub3A_651, %gather3A_622 : vector<16xf32>
        %swap3A_653 = arith.index_cast %add3A_613 : i32 to index
        %swap3A_654 = arith.constant 16 : index
        %swap3A_655 = tpu.vector_load %arg15[%swap3A_653, %swap3A_654] {strides = array<i32>} : memref<128x64xf32, #tpu.memory_space<vmem>>, vector<1x16xf32>,
        %swap3A_656 = vector.shape_cast %swap3A_655 : vector<1x16xf32> to vector<16xf32>
        %swap3A_657 = vector.shape_cast %mul3A_652 : vector<16xf32> to vector<1x16xf32>
        tpu.vector_store %arg15[%swap3A_653, %swap3A_654], %swap3A_657 {strides = array<i32>} : memref<128x64xf32, #tpu.memory_space<vmem>>, vector<1x16xf32>,
        %broadcast_in_dim3A_658 = vector.shape_cast %add3A_22 : vector<16xi32> to vector<16x1xi32>
        %gather3A_659 = vector.shape_cast %broadcast_in_dim3A_658 : vector<16x1xi32> to vector<16xi32>
        %gather3A_660 = tpu.dynamic_gather %get3A_617[%gather3A_659] in [0] : vector<16xi32>, vector<16xi32> -> vector<16xi32>
        %shift_right_logical3A_661 = arith.shrui %gather3A_660, %mul3A_5 : vector<16xi32>
        %and3A_662 = arith.constant 255 : i32
        %and3A_663 = vector.broadcast %and3A_662 : i32 to vector<16xi32>
        %and3A_664 = arith.andi %shift_right_logical3A_661, %and3A_663 : vector<16xi32>
        %convert_element_type3A_665 = arith.sitofp %and3A_664 : vector<16xi32> to vector<16xf32>
        %sub3A_666 = arith.subf %convert_element_type3A_665, %gather3A_627 : vector<16xf32>
        %mul3A_667 = arith.mulf %sub3A_666, %gather3A_622 : vector<16xf32>
        %swap3A_668 = arith.index_cast %add3A_613 : i32 to index
        %swap3A_669 = arith.constant 32 : index
        %swap3A_670 = tpu.vector_load %arg15[%swap3A_668, %swap3A_669] {strides = array<i32>} : memref<128x64xf32, #tpu.memory_space<vmem>>, vector<1x16xf32>,
        %swap3A_671 = vector.shape_cast %swap3A_670 : vector<1x16xf32> to vector<16xf32>
        %swap3A_672 = vector.shape_cast %mul3A_667 : vector<16xf32> to vector<1x16xf32>
        tpu.vector_store %arg15[%swap3A_668, %swap3A_669], %swap3A_672 {strides = array<i32>} : memref<128x64xf32, #tpu.memory_space<vmem>>, vector<1x16xf32>,
        %broadcast_in_dim3A_673 = vector.shape_cast %add3A_28 : vector<16xi32> to vector<16x1xi32>
        %gather3A_674 = vector.shape_cast %broadcast_in_dim3A_673 : vector<16x1xi32> to vector<16xi32>
        %gather3A_675 = tpu.dynamic_gather %get3A_617[%gather3A_674] in [0] : vector<16xi32>, vector<16xi32> -> vector<16xi32>
        %shift_right_logical3A_676 = arith.shrui %gather3A_675, %mul3A_5 : vector<16xi32>
        %and3A_677 = arith.constant 255 : i32
        %and3A_678 = vector.broadcast %and3A_677 : i32 to vector<16xi32>
        %and3A_679 = arith.andi %shift_right_logical3A_676, %and3A_678 : vector<16xi32>
        %convert_element_type3A_680 = arith.sitofp %and3A_679 : vector<16xi32> to vector<16xf32>
        %sub3A_681 = arith.subf %convert_element_type3A_680, %gather3A_627 : vector<16xf32>
        %mul3A_682 = arith.mulf %sub3A_681, %gather3A_622 : vector<16xf32>
        %swap3A_683 = arith.index_cast %add3A_613 : i32 to index
        %swap3A_684 = arith.constant 48 : index
        %swap3A_685 = tpu.vector_load %arg15[%swap3A_683, %swap3A_684] {strides = array<i32>} : memref<128x64xf32, #tpu.memory_space<vmem>>, vector<1x16xf32>,
        %swap3A_686 = vector.shape_cast %swap3A_685 : vector<1x16xf32> to vector<16xf32>
        %swap3A_687 = vector.shape_cast %mul3A_682 : vector<16xf32> to vector<1x16xf32>
        tpu.vector_store %arg15[%swap3A_683, %swap3A_684], %swap3A_687 {strides = array<i32>} : memref<128x64xf32, #tpu.memory_space<vmem>>, vector<1x16xf32>,
        %mul3A_688 = arith.constant 16 : i32
        %mul3A_689 = arith.muli %scan3A_137, %mul3A_688 : i32
        %add3A_690 = arith.constant 7 : i32
        %add3A_691 = arith.addi %mul3A_689, %add3A_690 : i32
        %get3A_692 = arith.index_cast %add3A_691 : i32 to index
        %get3A_693 = arith.constant 0 : index
        %get3A_694 = tpu.vector_load %arg9[%get3A_692, %get3A_693] {strides = array<i32>} : memref<128x16xi32, #tpu.memory_space<vmem>>, vector<1x16xi32>,
        %get3A_695 = vector.shape_cast %get3A_694 : vector<1x16xi32> to vector<16xi32>
        %broadcast_in_dim3A_696 = arith.constant 7 : i32
        %broadcast_in_dim3A_697 = vector.broadcast %broadcast_in_dim3A_696 : i32 to vector<16xi32>
        %broadcast_in_dim3A_698 = vector.shape_cast %broadcast_in_dim3A_697 : vector<16xi32> to vector<16x1xi32>
        %gather3A_699 = vector.shape_cast %broadcast_in_dim3A_698 : vector<16x1xi32> to vector<16xi32>
        %gather3A_700 = tpu.dynamic_gather %get3A_141[%gather3A_699] in [0] : vector<16xf32>, vector<16xi32> -> vector<16xf32>
        %broadcast_in_dim3A_701 = arith.constant 7 : i32
        %broadcast_in_dim3A_702 = vector.broadcast %broadcast_in_dim3A_701 : i32 to vector<16xi32>
        %broadcast_in_dim3A_703 = vector.shape_cast %broadcast_in_dim3A_702 : vector<16xi32> to vector<16x1xi32>
        %gather3A_704 = vector.shape_cast %broadcast_in_dim3A_703 : vector<16x1xi32> to vector<16xi32>
        %gather3A_705 = tpu.dynamic_gather %get3A_146[%gather3A_704] in [0] : vector<16xf32>, vector<16xi32> -> vector<16xf32>
        %broadcast_in_dim3A_706 = vector.shape_cast %add3A_10 : vector<16xi32> to vector<16x1xi32>
        %gather3A_707 = vector.shape_cast %broadcast_in_dim3A_706 : vector<16x1xi32> to vector<16xi32>
        %gather3A_708 = tpu.dynamic_gather %get3A_695[%gather3A_707] in [0] : vector<16xi32>, vector<16xi32> -> vector<16xi32>
        %shift_right_logical3A_709 = arith.shrui %gather3A_708, %mul3A_5 : vector<16xi32>
        %and3A_710 = arith.constant 255 : i32
        %and3A_711 = vector.broadcast %and3A_710 : i32 to vector<16xi32>
        %and3A_712 = arith.andi %shift_right_logical3A_709, %and3A_711 : vector<16xi32>
        %convert_element_type3A_713 = arith.sitofp %and3A_712 : vector<16xi32> to vector<16xf32>
        %sub3A_714 = arith.subf %convert_element_type3A_713, %gather3A_705 : vector<16xf32>
        %mul3A_715 = arith.mulf %sub3A_714, %gather3A_700 : vector<16xf32>
        %swap3A_716 = arith.index_cast %add3A_691 : i32 to index
        %swap3A_717 = arith.constant 0 : index
        %swap3A_718 = tpu.vector_load %arg15[%swap3A_716, %swap3A_717] {strides = array<i32>} : memref<128x64xf32, #tpu.memory_space<vmem>>, vector<1x16xf32>,
        %swap3A_719 = vector.shape_cast %swap3A_718 : vector<1x16xf32> to vector<16xf32>
        %swap3A_720 = vector.shape_cast %mul3A_715 : vector<16xf32> to vector<1x16xf32>
        tpu.vector_store %arg15[%swap3A_716, %swap3A_717], %swap3A_720 {strides = array<i32>} : memref<128x64xf32, #tpu.memory_space<vmem>>, vector<1x16xf32>,
        %broadcast_in_dim3A_721 = vector.shape_cast %add3A_16 : vector<16xi32> to vector<16x1xi32>
        %gather3A_722 = vector.shape_cast %broadcast_in_dim3A_721 : vector<16x1xi32> to vector<16xi32>
        %gather3A_723 = tpu.dynamic_gather %get3A_695[%gather3A_722] in [0] : vector<16xi32>, vector<16xi32> -> vector<16xi32>
        %shift_right_logical3A_724 = arith.shrui %gather3A_723, %mul3A_5 : vector<16xi32>
        %and3A_725 = arith.constant 255 : i32
        %and3A_726 = vector.broadcast %and3A_725 : i32 to vector<16xi32>
        %and3A_727 = arith.andi %shift_right_logical3A_724, %and3A_726 : vector<16xi32>
        %convert_element_type3A_728 = arith.sitofp %and3A_727 : vector<16xi32> to vector<16xf32>
        %sub3A_729 = arith.subf %convert_element_type3A_728, %gather3A_705 : vector<16xf32>
        %mul3A_730 = arith.mulf %sub3A_729, %gather3A_700 : vector<16xf32>
        %swap3A_731 = arith.index_cast %add3A_691 : i32 to index
        %swap3A_732 = arith.constant 16 : index
        %swap3A_733 = tpu.vector_load %arg15[%swap3A_731, %swap3A_732] {strides = array<i32>} : memref<128x64xf32, #tpu.memory_space<vmem>>, vector<1x16xf32>,
        %swap3A_734 = vector.shape_cast %swap3A_733 : vector<1x16xf32> to vector<16xf32>
        %swap3A_735 = vector.shape_cast %mul3A_730 : vector<16xf32> to vector<1x16xf32>
        tpu.vector_store %arg15[%swap3A_731, %swap3A_732], %swap3A_735 {strides = array<i32>} : memref<128x64xf32, #tpu.memory_space<vmem>>, vector<1x16xf32>,
        %broadcast_in_dim3A_736 = vector.shape_cast %add3A_22 : vector<16xi32> to vector<16x1xi32>
        %gather3A_737 = vector.shape_cast %broadcast_in_dim3A_736 : vector<16x1xi32> to vector<16xi32>
        %gather3A_738 = tpu.dynamic_gather %get3A_695[%gather3A_737] in [0] : vector<16xi32>, vector<16xi32> -> vector<16xi32>
        %shift_right_logical3A_739 = arith.shrui %gather3A_738, %mul3A_5 : vector<16xi32>
        %and3A_740 = arith.constant 255 : i32
        %and3A_741 = vector.broadcast %and3A_740 : i32 to vector<16xi32>
        %and3A_742 = arith.andi %shift_right_logical3A_739, %and3A_741 : vector<16xi32>
        %convert_element_type3A_743 = arith.sitofp %and3A_742 : vector<16xi32> to vector<16xf32>
        %sub3A_744 = arith.subf %convert_element_type3A_743, %gather3A_705 : vector<16xf32>
        %mul3A_745 = arith.mulf %sub3A_744, %gather3A_700 : vector<16xf32>
        %swap3A_746 = arith.index_cast %add3A_691 : i32 to index
        %swap3A_747 = arith.constant 32 : index
        %swap3A_748 = tpu.vector_load %arg15[%swap3A_746, %swap3A_747] {strides = array<i32>} : memref<128x64xf32, #tpu.memory_space<vmem>>, vector<1x16xf32>,
        %swap3A_749 = vector.shape_cast %swap3A_748 : vector<1x16xf32> to vector<16xf32>
        %swap3A_750 = vector.shape_cast %mul3A_745 : vector<16xf32> to vector<1x16xf32>
        tpu.vector_store %arg15[%swap3A_746, %swap3A_747], %swap3A_750 {strides = array<i32>} : memref<128x64xf32, #tpu.memory_space<vmem>>, vector<1x16xf32>,
        %broadcast_in_dim3A_751 = vector.shape_cast %add3A_28 : vector<16xi32> to vector<16x1xi32>
        %gather3A_752 = vector.shape_cast %broadcast_in_dim3A_751 : vector<16x1xi32> to vector<16xi32>
        %gather3A_753 = tpu.dynamic_gather %get3A_695[%gather3A_752] in [0] : vector<16xi32>, vector<16xi32> -> vector<16xi32>
        %shift_right_logical3A_754 = arith.shrui %gather3A_753, %mul3A_5 : vector<16xi32>
        %and3A_755 = arith.constant 255 : i32
        %and3A_756 = vector.broadcast %and3A_755 : i32 to vector<16xi32>
        %and3A_757 = arith.andi %shift_right_logical3A_754, %and3A_756 : vector<16xi32>
        %convert_element_type3A_758 = arith.sitofp %and3A_757 : vector<16xi32> to vector<16xf32>
        %sub3A_759 = arith.subf %convert_element_type3A_758, %gather3A_705 : vector<16xf32>
        %mul3A_760 = arith.mulf %sub3A_759, %gather3A_700 : vector<16xf32>
        %swap3A_761 = arith.index_cast %add3A_691 : i32 to index
        %swap3A_762 = arith.constant 48 : index
        %swap3A_763 = tpu.vector_load %arg15[%swap3A_761, %swap3A_762] {strides = array<i32>} : memref<128x64xf32, #tpu.memory_space<vmem>>, vector<1x16xf32>,
        %swap3A_764 = vector.shape_cast %swap3A_763 : vector<1x16xf32> to vector<16xf32>
        %swap3A_765 = vector.shape_cast %mul3A_760 : vector<16xf32> to vector<1x16xf32>
        tpu.vector_store %arg15[%swap3A_761, %swap3A_762], %swap3A_765 {strides = array<i32>} : memref<128x64xf32, #tpu.memory_space<vmem>>, vector<1x16xf32>,
        %mul3A_766 = arith.constant 16 : i32
        %mul3A_767 = arith.muli %scan3A_137, %mul3A_766 : i32
        %add3A_768 = arith.constant 8 : i32
        %add3A_769 = arith.addi %mul3A_767, %add3A_768 : i32
        %get3A_770 = arith.index_cast %add3A_769 : i32 to index
        %get3A_771 = arith.constant 0 : index
        %get3A_772 = tpu.vector_load %arg9[%get3A_770, %get3A_771] {strides = array<i32>} : memref<128x16xi32, #tpu.memory_space<vmem>>, vector<1x16xi32>,
        %get3A_773 = vector.shape_cast %get3A_772 : vector<1x16xi32> to vector<16xi32>
        %broadcast_in_dim3A_774 = arith.constant 8 : i32
        %broadcast_in_dim3A_775 = vector.broadcast %broadcast_in_dim3A_774 : i32 to vector<16xi32>
        %broadcast_in_dim3A_776 = vector.shape_cast %broadcast_in_dim3A_775 : vector<16xi32> to vector<16x1xi32>
        %gather3A_777 = vector.shape_cast %broadcast_in_dim3A_776 : vector<16x1xi32> to vector<16xi32>
        %gather3A_778 = tpu.dynamic_gather %get3A_141[%gather3A_777] in [0] : vector<16xf32>, vector<16xi32> -> vector<16xf32>
        %broadcast_in_dim3A_779 = arith.constant 8 : i32
        %broadcast_in_dim3A_780 = vector.broadcast %broadcast_in_dim3A_779 : i32 to vector<16xi32>
        %broadcast_in_dim3A_781 = vector.shape_cast %broadcast_in_dim3A_780 : vector<16xi32> to vector<16x1xi32>
        %gather3A_782 = vector.shape_cast %broadcast_in_dim3A_781 : vector<16x1xi32> to vector<16xi32>
        %gather3A_783 = tpu.dynamic_gather %get3A_146[%gather3A_782] in [0] : vector<16xf32>, vector<16xi32> -> vector<16xf32>
        %broadcast_in_dim3A_784 = vector.shape_cast %add3A_10 : vector<16xi32> to vector<16x1xi32>
        %gather3A_785 = vector.shape_cast %broadcast_in_dim3A_784 : vector<16x1xi32> to vector<16xi32>
        %gather3A_786 = tpu.dynamic_gather %get3A_773[%gather3A_785] in [0] : vector<16xi32>, vector<16xi32> -> vector<16xi32>
        %shift_right_logical3A_787 = arith.shrui %gather3A_786, %mul3A_5 : vector<16xi32>
        %and3A_788 = arith.constant 255 : i32
        %and3A_789 = vector.broadcast %and3A_788 : i32 to vector<16xi32>
        %and3A_790 = arith.andi %shift_right_logical3A_787, %and3A_789 : vector<16xi32>
        %convert_element_type3A_791 = arith.sitofp %and3A_790 : vector<16xi32> to vector<16xf32>
        %sub3A_792 = arith.subf %convert_element_type3A_791, %gather3A_783 : vector<16xf32>
        %mul3A_793 = arith.mulf %sub3A_792, %gather3A_778 : vector<16xf32>
        %swap3A_794 = arith.index_cast %add3A_769 : i32 to index
        %swap3A_795 = arith.constant 0 : index
        %swap3A_796 = tpu.vector_load %arg15[%swap3A_794, %swap3A_795] {strides = array<i32>} : memref<128x64xf32, #tpu.memory_space<vmem>>, vector<1x16xf32>,
        %swap3A_797 = vector.shape_cast %swap3A_796 : vector<1x16xf32> to vector<16xf32>
        %swap3A_798 = vector.shape_cast %mul3A_793 : vector<16xf32> to vector<1x16xf32>
        tpu.vector_store %arg15[%swap3A_794, %swap3A_795], %swap3A_798 {strides = array<i32>} : memref<128x64xf32, #tpu.memory_space<vmem>>, vector<1x16xf32>,
        %broadcast_in_dim3A_799 = vector.shape_cast %add3A_16 : vector<16xi32> to vector<16x1xi32>
        %gather3A_800 = vector.shape_cast %broadcast_in_dim3A_799 : vector<16x1xi32> to vector<16xi32>
        %gather3A_801 = tpu.dynamic_gather %get3A_773[%gather3A_800] in [0] : vector<16xi32>, vector<16xi32> -> vector<16xi32>
        %shift_right_logical3A_802 = arith.shrui %gather3A_801, %mul3A_5 : vector<16xi32>
        %and3A_803 = arith.constant 255 : i32
        %and3A_804 = vector.broadcast %and3A_803 : i32 to vector<16xi32>
        %and3A_805 = arith.andi %shift_right_logical3A_802, %and3A_804 : vector<16xi32>
        %convert_element_type3A_806 = arith.sitofp %and3A_805 : vector<16xi32> to vector<16xf32>
        %sub3A_807 = arith.subf %convert_element_type3A_806, %gather3A_783 : vector<16xf32>
        %mul3A_808 = arith.mulf %sub3A_807, %gather3A_778 : vector<16xf32>
        %swap3A_809 = arith.index_cast %add3A_769 : i32 to index
        %swap3A_810 = arith.constant 16 : index
        %swap3A_811 = tpu.vector_load %arg15[%swap3A_809, %swap3A_810] {strides = array<i32>} : memref<128x64xf32, #tpu.memory_space<vmem>>, vector<1x16xf32>,
        %swap3A_812 = vector.shape_cast %swap3A_811 : vector<1x16xf32> to vector<16xf32>
        %swap3A_813 = vector.shape_cast %mul3A_808 : vector<16xf32> to vector<1x16xf32>
        tpu.vector_store %arg15[%swap3A_809, %swap3A_810], %swap3A_813 {strides = array<i32>} : memref<128x64xf32, #tpu.memory_space<vmem>>, vector<1x16xf32>,
        %broadcast_in_dim3A_814 = vector.shape_cast %add3A_22 : vector<16xi32> to vector<16x1xi32>
        %gather3A_815 = vector.shape_cast %broadcast_in_dim3A_814 : vector<16x1xi32> to vector<16xi32>
        %gather3A_816 = tpu.dynamic_gather %get3A_773[%gather3A_815] in [0] : vector<16xi32>, vector<16xi32> -> vector<16xi32>
        %shift_right_logical3A_817 = arith.shrui %gather3A_816, %mul3A_5 : vector<16xi32>
        %and3A_818 = arith.constant 255 : i32
        %and3A_819 = vector.broadcast %and3A_818 : i32 to vector<16xi32>
        %and3A_820 = arith.andi %shift_right_logical3A_817, %and3A_819 : vector<16xi32>
        %convert_element_type3A_821 = arith.sitofp %and3A_820 : vector<16xi32> to vector<16xf32>
        %sub3A_822 = arith.subf %convert_element_type3A_821, %gather3A_783 : vector<16xf32>
        %mul3A_823 = arith.mulf %sub3A_822, %gather3A_778 : vector<16xf32>
        %swap3A_824 = arith.index_cast %add3A_769 : i32 to index
        %swap3A_825 = arith.constant 32 : index
        %swap3A_826 = tpu.vector_load %arg15[%swap3A_824, %swap3A_825] {strides = array<i32>} : memref<128x64xf32, #tpu.memory_space<vmem>>, vector<1x16xf32>,
        %swap3A_827 = vector.shape_cast %swap3A_826 : vector<1x16xf32> to vector<16xf32>
        %swap3A_828 = vector.shape_cast %mul3A_823 : vector<16xf32> to vector<1x16xf32>
        tpu.vector_store %arg15[%swap3A_824, %swap3A_825], %swap3A_828 {strides = array<i32>} : memref<128x64xf32, #tpu.memory_space<vmem>>, vector<1x16xf32>,
        %broadcast_in_dim3A_829 = vector.shape_cast %add3A_28 : vector<16xi32> to vector<16x1xi32>
        %gather3A_830 = vector.shape_cast %broadcast_in_dim3A_829 : vector<16x1xi32> to vector<16xi32>
        %gather3A_831 = tpu.dynamic_gather %get3A_773[%gather3A_830] in [0] : vector<16xi32>, vector<16xi32> -> vector<16xi32>
        %shift_right_logical3A_832 = arith.shrui %gather3A_831, %mul3A_5 : vector<16xi32>
        %and3A_833 = arith.constant 255 : i32
        %and3A_834 = vector.broadcast %and3A_833 : i32 to vector<16xi32>
        %and3A_835 = arith.andi %shift_right_logical3A_832, %and3A_834 : vector<16xi32>
        %convert_element_type3A_836 = arith.sitofp %and3A_835 : vector<16xi32> to vector<16xf32>
        %sub3A_837 = arith.subf %convert_element_type3A_836, %gather3A_783 : vector<16xf32>
        %mul3A_838 = arith.mulf %sub3A_837, %gather3A_778 : vector<16xf32>
        %swap3A_839 = arith.index_cast %add3A_769 : i32 to index
        %swap3A_840 = arith.constant 48 : index
        %swap3A_841 = tpu.vector_load %arg15[%swap3A_839, %swap3A_840] {strides = array<i32>} : memref<128x64xf32, #tpu.memory_space<vmem>>, vector<1x16xf32>,
        %swap3A_842 = vector.shape_cast %swap3A_841 : vector<1x16xf32> to vector<16xf32>
        %swap3A_843 = vector.shape_cast %mul3A_838 : vector<16xf32> to vector<1x16xf32>
        tpu.vector_store %arg15[%swap3A_839, %swap3A_840], %swap3A_843 {strides = array<i32>} : memref<128x64xf32, #tpu.memory_space<vmem>>, vector<1x16xf32>,
        %mul3A_844 = arith.constant 16 : i32
        %mul3A_845 = arith.muli %scan3A_137, %mul3A_844 : i32
        %add3A_846 = arith.constant 9 : i32
        %add3A_847 = arith.addi %mul3A_845, %add3A_846 : i32
        %get3A_848 = arith.index_cast %add3A_847 : i32 to index
        %get3A_849 = arith.constant 0 : index
        %get3A_850 = tpu.vector_load %arg9[%get3A_848, %get3A_849] {strides = array<i32>} : memref<128x16xi32, #tpu.memory_space<vmem>>, vector<1x16xi32>,
        %get3A_851 = vector.shape_cast %get3A_850 : vector<1x16xi32> to vector<16xi32>
        %broadcast_in_dim3A_852 = arith.constant 9 : i32
        %broadcast_in_dim3A_853 = vector.broadcast %broadcast_in_dim3A_852 : i32 to vector<16xi32>
        %broadcast_in_dim3A_854 = vector.shape_cast %broadcast_in_dim3A_853 : vector<16xi32> to vector<16x1xi32>
        %gather3A_855 = vector.shape_cast %broadcast_in_dim3A_854 : vector<16x1xi32> to vector<16xi32>
        %gather3A_856 = tpu.dynamic_gather %get3A_141[%gather3A_855] in [0] : vector<16xf32>, vector<16xi32> -> vector<16xf32>
        %broadcast_in_dim3A_857 = arith.constant 9 : i32
        %broadcast_in_dim3A_858 = vector.broadcast %broadcast_in_dim3A_857 : i32 to vector<16xi32>
        %broadcast_in_dim3A_859 = vector.shape_cast %broadcast_in_dim3A_858 : vector<16xi32> to vector<16x1xi32>
        %gather3A_860 = vector.shape_cast %broadcast_in_dim3A_859 : vector<16x1xi32> to vector<16xi32>
        %gather3A_861 = tpu.dynamic_gather %get3A_146[%gather3A_860] in [0] : vector<16xf32>, vector<16xi32> -> vector<16xf32>
        %broadcast_in_dim3A_862 = vector.shape_cast %add3A_10 : vector<16xi32> to vector<16x1xi32>
        %gather3A_863 = vector.shape_cast %broadcast_in_dim3A_862 : vector<16x1xi32> to vector<16xi32>
        %gather3A_864 = tpu.dynamic_gather %get3A_851[%gather3A_863] in [0] : vector<16xi32>, vector<16xi32> -> vector<16xi32>
        %shift_right_logical3A_865 = arith.shrui %gather3A_864, %mul3A_5 : vector<16xi32>
        %and3A_866 = arith.constant 255 : i32
        %and3A_867 = vector.broadcast %and3A_866 : i32 to vector<16xi32>
        %and3A_868 = arith.andi %shift_right_logical3A_865, %and3A_867 : vector<16xi32>
        %convert_element_type3A_869 = arith.sitofp %and3A_868 : vector<16xi32> to vector<16xf32>
        %sub3A_870 = arith.subf %convert_element_type3A_869, %gather3A_861 : vector<16xf32>
        %mul3A_871 = arith.mulf %sub3A_870, %gather3A_856 : vector<16xf32>
        %swap3A_872 = arith.index_cast %add3A_847 : i32 to index
        %swap3A_873 = arith.constant 0 : index
        %swap3A_874 = tpu.vector_load %arg15[%swap3A_872, %swap3A_873] {strides = array<i32>} : memref<128x64xf32, #tpu.memory_space<vmem>>, vector<1x16xf32>,
        %swap3A_875 = vector.shape_cast %swap3A_874 : vector<1x16xf32> to vector<16xf32>
        %swap3A_876 = vector.shape_cast %mul3A_871 : vector<16xf32> to vector<1x16xf32>
        tpu.vector_store %arg15[%swap3A_872, %swap3A_873], %swap3A_876 {strides = array<i32>} : memref<128x64xf32, #tpu.memory_space<vmem>>, vector<1x16xf32>,
        %broadcast_in_dim3A_877 = vector.shape_cast %add3A_16 : vector<16xi32> to vector<16x1xi32>
        %gather3A_878 = vector.shape_cast %broadcast_in_dim3A_877 : vector<16x1xi32> to vector<16xi32>
        %gather3A_879 = tpu.dynamic_gather %get3A_851[%gather3A_878] in [0] : vector<16xi32>, vector<16xi32> -> vector<16xi32>
        %shift_right_logical3A_880 = arith.shrui %gather3A_879, %mul3A_5 : vector<16xi32>
        %and3A_881 = arith.constant 255 : i32
        %and3A_882 = vector.broadcast %and3A_881 : i32 to vector<16xi32>
        %and3A_883 = arith.andi %shift_right_logical3A_880, %and3A_882 : vector<16xi32>
        %convert_element_type3A_884 = arith.sitofp %and3A_883 : vector<16xi32> to vector<16xf32>
        %sub3A_885 = arith.subf %convert_element_type3A_884, %gather3A_861 : vector<16xf32>
        %mul3A_886 = arith.mulf %sub3A_885, %gather3A_856 : vector<16xf32>
        %swap3A_887 = arith.index_cast %add3A_847 : i32 to index
        %swap3A_888 = arith.constant 16 : index
        %swap3A_889 = tpu.vector_load %arg15[%swap3A_887, %swap3A_888] {strides = array<i32>} : memref<128x64xf32, #tpu.memory_space<vmem>>, vector<1x16xf32>,
        %swap3A_890 = vector.shape_cast %swap3A_889 : vector<1x16xf32> to vector<16xf32>
        %swap3A_891 = vector.shape_cast %mul3A_886 : vector<16xf32> to vector<1x16xf32>
        tpu.vector_store %arg15[%swap3A_887, %swap3A_888], %swap3A_891 {strides = array<i32>} : memref<128x64xf32, #tpu.memory_space<vmem>>, vector<1x16xf32>,
        %broadcast_in_dim3A_892 = vector.shape_cast %add3A_22 : vector<16xi32> to vector<16x1xi32>
        %gather3A_893 = vector.shape_cast %broadcast_in_dim3A_892 : vector<16x1xi32> to vector<16xi32>
        %gather3A_894 = tpu.dynamic_gather %get3A_851[%gather3A_893] in [0] : vector<16xi32>, vector<16xi32> -> vector<16xi32>
        %shift_right_logical3A_895 = arith.shrui %gather3A_894, %mul3A_5 : vector<16xi32>
        %and3A_896 = arith.constant 255 : i32
        %and3A_897 = vector.broadcast %and3A_896 : i32 to vector<16xi32>
        %and3A_898 = arith.andi %shift_right_logical3A_895, %and3A_897 : vector<16xi32>
        %convert_element_type3A_899 = arith.sitofp %and3A_898 : vector<16xi32> to vector<16xf32>
        %sub3A_900 = arith.subf %convert_element_type3A_899, %gather3A_861 : vector<16xf32>
        %mul3A_901 = arith.mulf %sub3A_900, %gather3A_856 : vector<16xf32>
        %swap3A_902 = arith.index_cast %add3A_847 : i32 to index
        %swap3A_903 = arith.constant 32 : index
        %swap3A_904 = tpu.vector_load %arg15[%swap3A_902, %swap3A_903] {strides = array<i32>} : memref<128x64xf32, #tpu.memory_space<vmem>>, vector<1x16xf32>,
        %swap3A_905 = vector.shape_cast %swap3A_904 : vector<1x16xf32> to vector<16xf32>
        %swap3A_906 = vector.shape_cast %mul3A_901 : vector<16xf32> to vector<1x16xf32>
        tpu.vector_store %arg15[%swap3A_902, %swap3A_903], %swap3A_906 {strides = array<i32>} : memref<128x64xf32, #tpu.memory_space<vmem>>, vector<1x16xf32>,
        %broadcast_in_dim3A_907 = vector.shape_cast %add3A_28 : vector<16xi32> to vector<16x1xi32>
        %gather3A_908 = vector.shape_cast %broadcast_in_dim3A_907 : vector<16x1xi32> to vector<16xi32>
        %gather3A_909 = tpu.dynamic_gather %get3A_851[%gather3A_908] in [0] : vector<16xi32>, vector<16xi32> -> vector<16xi32>
        %shift_right_logical3A_910 = arith.shrui %gather3A_909, %mul3A_5 : vector<16xi32>
        %and3A_911 = arith.constant 255 : i32
        %and3A_912 = vector.broadcast %and3A_911 : i32 to vector<16xi32>
        %and3A_913 = arith.andi %shift_right_logical3A_910, %and3A_912 : vector<16xi32>
        %convert_element_type3A_914 = arith.sitofp %and3A_913 : vector<16xi32> to vector<16xf32>
        %sub3A_915 = arith.subf %convert_element_type3A_914, %gather3A_861 : vector<16xf32>
        %mul3A_916 = arith.mulf %sub3A_915, %gather3A_856 : vector<16xf32>
        %swap3A_917 = arith.index_cast %add3A_847 : i32 to index
        %swap3A_918 = arith.constant 48 : index
        %swap3A_919 = tpu.vector_load %arg15[%swap3A_917, %swap3A_918] {strides = array<i32>} : memref<128x64xf32, #tpu.memory_space<vmem>>, vector<1x16xf32>,
        %swap3A_920 = vector.shape_cast %swap3A_919 : vector<1x16xf32> to vector<16xf32>
        %swap3A_921 = vector.shape_cast %mul3A_916 : vector<16xf32> to vector<1x16xf32>
        tpu.vector_store %arg15[%swap3A_917, %swap3A_918], %swap3A_921 {strides = array<i32>} : memref<128x64xf32, #tpu.memory_space<vmem>>, vector<1x16xf32>,
        %mul3A_922 = arith.constant 16 : i32
        %mul3A_923 = arith.muli %scan3A_137, %mul3A_922 : i32
        %add3A_924 = arith.constant 10 : i32
        %add3A_925 = arith.addi %mul3A_923, %add3A_924 : i32
        %get3A_926 = arith.index_cast %add3A_925 : i32 to index
        %get3A_927 = arith.constant 0 : index
        %get3A_928 = tpu.vector_load %arg9[%get3A_926, %get3A_927] {strides = array<i32>} : memref<128x16xi32, #tpu.memory_space<vmem>>, vector<1x16xi32>,
        %get3A_929 = vector.shape_cast %get3A_928 : vector<1x16xi32> to vector<16xi32>
        %broadcast_in_dim3A_930 = arith.constant 10 : i32
        %broadcast_in_dim3A_931 = vector.broadcast %broadcast_in_dim3A_930 : i32 to vector<16xi32>
        %broadcast_in_dim3A_932 = vector.shape_cast %broadcast_in_dim3A_931 : vector<16xi32> to vector<16x1xi32>
        %gather3A_933 = vector.shape_cast %broadcast_in_dim3A_932 : vector<16x1xi32> to vector<16xi32>
        %gather3A_934 = tpu.dynamic_gather %get3A_141[%gather3A_933] in [0] : vector<16xf32>, vector<16xi32> -> vector<16xf32>
        %broadcast_in_dim3A_935 = arith.constant 10 : i32
        %broadcast_in_dim3A_936 = vector.broadcast %broadcast_in_dim3A_935 : i32 to vector<16xi32>
        %broadcast_in_dim3A_937 = vector.shape_cast %broadcast_in_dim3A_936 : vector<16xi32> to vector<16x1xi32>
        %gather3A_938 = vector.shape_cast %broadcast_in_dim3A_937 : vector<16x1xi32> to vector<16xi32>
        %gather3A_939 = tpu.dynamic_gather %get3A_146[%gather3A_938] in [0] : vector<16xf32>, vector<16xi32> -> vector<16xf32>
        %broadcast_in_dim3A_940 = vector.shape_cast %add3A_10 : vector<16xi32> to vector<16x1xi32>
        %gather3A_941 = vector.shape_cast %broadcast_in_dim3A_940 : vector<16x1xi32> to vector<16xi32>
        %gather3A_942 = tpu.dynamic_gather %get3A_929[%gather3A_941] in [0] : vector<16xi32>, vector<16xi32> -> vector<16xi32>
        %shift_right_logical3A_943 = arith.shrui %gather3A_942, %mul3A_5 : vector<16xi32>
        %and3A_944 = arith.constant 255 : i32
        %and3A_945 = vector.broadcast %and3A_944 : i32 to vector<16xi32>
        %and3A_946 = arith.andi %shift_right_logical3A_943, %and3A_945 : vector<16xi32>
        %convert_element_type3A_947 = arith.sitofp %and3A_946 : vector<16xi32> to vector<16xf32>
        %sub3A_948 = arith.subf %convert_element_type3A_947, %gather3A_939 : vector<16xf32>
        %mul3A_949 = arith.mulf %sub3A_948, %gather3A_934 : vector<16xf32>
        %swap3A_950 = arith.index_cast %add3A_925 : i32 to index
        %swap3A_951 = arith.constant 0 : index
        %swap3A_952 = tpu.vector_load %arg15[%swap3A_950, %swap3A_951] {strides = array<i32>} : memref<128x64xf32, #tpu.memory_space<vmem>>, vector<1x16xf32>,
        %swap3A_953 = vector.shape_cast %swap3A_952 : vector<1x16xf32> to vector<16xf32>
        %swap3A_954 = vector.shape_cast %mul3A_949 : vector<16xf32> to vector<1x16xf32>
        tpu.vector_store %arg15[%swap3A_950, %swap3A_951], %swap3A_954 {strides = array<i32>} : memref<128x64xf32, #tpu.memory_space<vmem>>, vector<1x16xf32>,
        %broadcast_in_dim3A_955 = vector.shape_cast %add3A_16 : vector<16xi32> to vector<16x1xi32>
        %gather3A_956 = vector.shape_cast %broadcast_in_dim3A_955 : vector<16x1xi32> to vector<16xi32>
        %gather3A_957 = tpu.dynamic_gather %get3A_929[%gather3A_956] in [0] : vector<16xi32>, vector<16xi32> -> vector<16xi32>
        %shift_right_logical3A_958 = arith.shrui %gather3A_957, %mul3A_5 : vector<16xi32>
        %and3A_959 = arith.constant 255 : i32
        %and3A_960 = vector.broadcast %and3A_959 : i32 to vector<16xi32>
        %and3A_961 = arith.andi %shift_right_logical3A_958, %and3A_960 : vector<16xi32>
        %convert_element_type3A_962 = arith.sitofp %and3A_961 : vector<16xi32> to vector<16xf32>
        %sub3A_963 = arith.subf %convert_element_type3A_962, %gather3A_939 : vector<16xf32>
        %mul3A_964 = arith.mulf %sub3A_963, %gather3A_934 : vector<16xf32>
        %swap3A_965 = arith.index_cast %add3A_925 : i32 to index
        %swap3A_966 = arith.constant 16 : index
        %swap3A_967 = tpu.vector_load %arg15[%swap3A_965, %swap3A_966] {strides = array<i32>} : memref<128x64xf32, #tpu.memory_space<vmem>>, vector<1x16xf32>,
        %swap3A_968 = vector.shape_cast %swap3A_967 : vector<1x16xf32> to vector<16xf32>
        %swap3A_969 = vector.shape_cast %mul3A_964 : vector<16xf32> to vector<1x16xf32>
        tpu.vector_store %arg15[%swap3A_965, %swap3A_966], %swap3A_969 {strides = array<i32>} : memref<128x64xf32, #tpu.memory_space<vmem>>, vector<1x16xf32>,
        %broadcast_in_dim3A_970 = vector.shape_cast %add3A_22 : vector<16xi32> to vector<16x1xi32>
        %gather3A_971 = vector.shape_cast %broadcast_in_dim3A_970 : vector<16x1xi32> to vector<16xi32>
        %gather3A_972 = tpu.dynamic_gather %get3A_929[%gather3A_971] in [0] : vector<16xi32>, vector<16xi32> -> vector<16xi32>
        %shift_right_logical3A_973 = arith.shrui %gather3A_972, %mul3A_5 : vector<16xi32>
        %and3A_974 = arith.constant 255 : i32
        %and3A_975 = vector.broadcast %and3A_974 : i32 to vector<16xi32>
        %and3A_976 = arith.andi %shift_right_logical3A_973, %and3A_975 : vector<16xi32>
        %convert_element_type3A_977 = arith.sitofp %and3A_976 : vector<16xi32> to vector<16xf32>
        %sub3A_978 = arith.subf %convert_element_type3A_977, %gather3A_939 : vector<16xf32>
        %mul3A_979 = arith.mulf %sub3A_978, %gather3A_934 : vector<16xf32>
        %swap3A_980 = arith.index_cast %add3A_925 : i32 to index
        %swap3A_981 = arith.constant 32 : index
        %swap3A_982 = tpu.vector_load %arg15[%swap3A_980, %swap3A_981] {strides = array<i32>} : memref<128x64xf32, #tpu.memory_space<vmem>>, vector<1x16xf32>,
        %swap3A_983 = vector.shape_cast %swap3A_982 : vector<1x16xf32> to vector<16xf32>
        %swap3A_984 = vector.shape_cast %mul3A_979 : vector<16xf32> to vector<1x16xf32>
        tpu.vector_store %arg15[%swap3A_980, %swap3A_981], %swap3A_984 {strides = array<i32>} : memref<128x64xf32, #tpu.memory_space<vmem>>, vector<1x16xf32>,
        %broadcast_in_dim3A_985 = vector.shape_cast %add3A_28 : vector<16xi32> to vector<16x1xi32>
        %gather3A_986 = vector.shape_cast %broadcast_in_dim3A_985 : vector<16x1xi32> to vector<16xi32>
        %gather3A_987 = tpu.dynamic_gather %get3A_929[%gather3A_986] in [0] : vector<16xi32>, vector<16xi32> -> vector<16xi32>
        %shift_right_logical3A_988 = arith.shrui %gather3A_987, %mul3A_5 : vector<16xi32>
        %and3A_989 = arith.constant 255 : i32
        %and3A_990 = vector.broadcast %and3A_989 : i32 to vector<16xi32>
        %and3A_991 = arith.andi %shift_right_logical3A_988, %and3A_990 : vector<16xi32>
        %convert_element_type3A_992 = arith.sitofp %and3A_991 : vector<16xi32> to vector<16xf32>
        %sub3A_993 = arith.subf %convert_element_type3A_992, %gather3A_939 : vector<16xf32>
        %mul3A_994 = arith.mulf %sub3A_993, %gather3A_934 : vector<16xf32>
        %swap3A_995 = arith.index_cast %add3A_925 : i32 to index
        %swap3A_996 = arith.constant 48 : index
        %swap3A_997 = tpu.vector_load %arg15[%swap3A_995, %swap3A_996] {strides = array<i32>} : memref<128x64xf32, #tpu.memory_space<vmem>>, vector<1x16xf32>,
        %swap3A_998 = vector.shape_cast %swap3A_997 : vector<1x16xf32> to vector<16xf32>
        %swap3A_999 = vector.shape_cast %mul3A_994 : vector<16xf32> to vector<1x16xf32>
        tpu.vector_store %arg15[%swap3A_995, %swap3A_996], %swap3A_999 {strides = array<i32>} : memref<128x64xf32, #tpu.memory_space<vmem>>, vector<1x16xf32>,
        %mul3A_1000 = arith.constant 16 : i32
        %mul3A_1001 = arith.muli %scan3A_137, %mul3A_1000 : i32
        %add3A_1002 = arith.constant 11 : i32
        %add3A_1003 = arith.addi %mul3A_1001, %add3A_1002 : i32
        %get3A_1004 = arith.index_cast %add3A_1003 : i32 to index
        %get3A_1005 = arith.constant 0 : index
        %get3A_1006 = tpu.vector_load %arg9[%get3A_1004, %get3A_1005] {strides = array<i32>} : memref<128x16xi32, #tpu.memory_space<vmem>>, vector<1x16xi32>,
        %get3A_1007 = vector.shape_cast %get3A_1006 : vector<1x16xi32> to vector<16xi32>
        %broadcast_in_dim3A_1008 = arith.constant 11 : i32
        %broadcast_in_dim3A_1009 = vector.broadcast %broadcast_in_dim3A_1008 : i32 to vector<16xi32>
        %broadcast_in_dim3A_1010 = vector.shape_cast %broadcast_in_dim3A_1009 : vector<16xi32> to vector<16x1xi32>
        %gather3A_1011 = vector.shape_cast %broadcast_in_dim3A_1010 : vector<16x1xi32> to vector<16xi32>
        %gather3A_1012 = tpu.dynamic_gather %get3A_141[%gather3A_1011] in [0] : vector<16xf32>, vector<16xi32> -> vector<16xf32>
        %broadcast_in_dim3A_1013 = arith.constant 11 : i32
        %broadcast_in_dim3A_1014 = vector.broadcast %broadcast_in_dim3A_1013 : i32 to vector<16xi32>
        %broadcast_in_dim3A_1015 = vector.shape_cast %broadcast_in_dim3A_1014 : vector<16xi32> to vector<16x1xi32>
        %gather3A_1016 = vector.shape_cast %broadcast_in_dim3A_1015 : vector<16x1xi32> to vector<16xi32>
        %gather3A_1017 = tpu.dynamic_gather %get3A_146[%gather3A_1016] in [0] : vector<16xf32>, vector<16xi32> -> vector<16xf32>
        %broadcast_in_dim3A_1018 = vector.shape_cast %add3A_10 : vector<16xi32> to vector<16x1xi32>
        %gather3A_1019 = vector.shape_cast %broadcast_in_dim3A_1018 : vector<16x1xi32> to vector<16xi32>
        %gather3A_1020 = tpu.dynamic_gather %get3A_1007[%gather3A_1019] in [0] : vector<16xi32>, vector<16xi32> -> vector<16xi32>
        %shift_right_logical3A_1021 = arith.shrui %gather3A_1020, %mul3A_5 : vector<16xi32>
        %and3A_1022 = arith.constant 255 : i32
        %and3A_1023 = vector.broadcast %and3A_1022 : i32 to vector<16xi32>
        %and3A_1024 = arith.andi %shift_right_logical3A_1021, %and3A_1023 : vector<16xi32>
        %convert_element_type3A_1025 = arith.sitofp %and3A_1024 : vector<16xi32> to vector<16xf32>
        %sub3A_1026 = arith.subf %convert_element_type3A_1025, %gather3A_1017 : vector<16xf32>
        %mul3A_1027 = arith.mulf %sub3A_1026, %gather3A_1012 : vector<16xf32>
        %swap3A_1028 = arith.index_cast %add3A_1003 : i32 to index
        %swap3A_1029 = arith.constant 0 : index
        %swap3A_1030 = tpu.vector_load %arg15[%swap3A_1028, %swap3A_1029] {strides = array<i32>} : memref<128x64xf32, #tpu.memory_space<vmem>>, vector<1x16xf32>,
        %swap3A_1031 = vector.shape_cast %swap3A_1030 : vector<1x16xf32> to vector<16xf32>
        %swap3A_1032 = vector.shape_cast %mul3A_1027 : vector<16xf32> to vector<1x16xf32>
        tpu.vector_store %arg15[%swap3A_1028, %swap3A_1029], %swap3A_1032 {strides = array<i32>} : memref<128x64xf32, #tpu.memory_space<vmem>>, vector<1x16xf32>,
        %broadcast_in_dim3A_1033 = vector.shape_cast %add3A_16 : vector<16xi32> to vector<16x1xi32>
        %gather3A_1034 = vector.shape_cast %broadcast_in_dim3A_1033 : vector<16x1xi32> to vector<16xi32>
        %gather3A_1035 = tpu.dynamic_gather %get3A_1007[%gather3A_1034] in [0] : vector<16xi32>, vector<16xi32> -> vector<16xi32>
        %shift_right_logical3A_1036 = arith.shrui %gather3A_1035, %mul3A_5 : vector<16xi32>
        %and3A_1037 = arith.constant 255 : i32
        %and3A_1038 = vector.broadcast %and3A_1037 : i32 to vector<16xi32>
        %and3A_1039 = arith.andi %shift_right_logical3A_1036, %and3A_1038 : vector<16xi32>
        %convert_element_type3A_1040 = arith.sitofp %and3A_1039 : vector<16xi32> to vector<16xf32>
        %sub3A_1041 = arith.subf %convert_element_type3A_1040, %gather3A_1017 : vector<16xf32>
        %mul3A_1042 = arith.mulf %sub3A_1041, %gather3A_1012 : vector<16xf32>
        %swap3A_1043 = arith.index_cast %add3A_1003 : i32 to index
        %swap3A_1044 = arith.constant 16 : index
        %swap3A_1045 = tpu.vector_load %arg15[%swap3A_1043, %swap3A_1044] {strides = array<i32>} : memref<128x64xf32, #tpu.memory_space<vmem>>, vector<1x16xf32>,
        %swap3A_1046 = vector.shape_cast %swap3A_1045 : vector<1x16xf32> to vector<16xf32>
        %swap3A_1047 = vector.shape_cast %mul3A_1042 : vector<16xf32> to vector<1x16xf32>
        tpu.vector_store %arg15[%swap3A_1043, %swap3A_1044], %swap3A_1047 {strides = array<i32>} : memref<128x64xf32, #tpu.memory_space<vmem>>, vector<1x16xf32>,
        %broadcast_in_dim3A_1048 = vector.shape_cast %add3A_22 : vector<16xi32> to vector<16x1xi32>
        %gather3A_1049 = vector.shape_cast %broadcast_in_dim3A_1048 : vector<16x1xi32> to vector<16xi32>
        %gather3A_1050 = tpu.dynamic_gather %get3A_1007[%gather3A_1049] in [0] : vector<16xi32>, vector<16xi32> -> vector<16xi32>
        %shift_right_logical3A_1051 = arith.shrui %gather3A_1050, %mul3A_5 : vector<16xi32>
        %and3A_1052 = arith.constant 255 : i32
        %and3A_1053 = vector.broadcast %and3A_1052 : i32 to vector<16xi32>
        %and3A_1054 = arith.andi %shift_right_logical3A_1051, %and3A_1053 : vector<16xi32>
        %convert_element_type3A_1055 = arith.sitofp %and3A_1054 : vector<16xi32> to vector<16xf32>
        %sub3A_1056 = arith.subf %convert_element_type3A_1055, %gather3A_1017 : vector<16xf32>
        %mul3A_1057 = arith.mulf %sub3A_1056, %gather3A_1012 : vector<16xf32>
        %swap3A_1058 = arith.index_cast %add3A_1003 : i32 to index
        %swap3A_1059 = arith.constant 32 : index
        %swap3A_1060 = tpu.vector_load %arg15[%swap3A_1058, %swap3A_1059] {strides = array<i32>} : memref<128x64xf32, #tpu.memory_space<vmem>>, vector<1x16xf32>,
        %swap3A_1061 = vector.shape_cast %swap3A_1060 : vector<1x16xf32> to vector<16xf32>
        %swap3A_1062 = vector.shape_cast %mul3A_1057 : vector<16xf32> to vector<1x16xf32>
        tpu.vector_store %arg15[%swap3A_1058, %swap3A_1059], %swap3A_1062 {strides = array<i32>} : memref<128x64xf32, #tpu.memory_space<vmem>>, vector<1x16xf32>,
        %broadcast_in_dim3A_1063 = vector.shape_cast %add3A_28 : vector<16xi32> to vector<16x1xi32>
        %gather3A_1064 = vector.shape_cast %broadcast_in_dim3A_1063 : vector<16x1xi32> to vector<16xi32>
        %gather3A_1065 = tpu.dynamic_gather %get3A_1007[%gather3A_1064] in [0] : vector<16xi32>, vector<16xi32> -> vector<16xi32>
        %shift_right_logical3A_1066 = arith.shrui %gather3A_1065, %mul3A_5 : vector<16xi32>
        %and3A_1067 = arith.constant 255 : i32
        %and3A_1068 = vector.broadcast %and3A_1067 : i32 to vector<16xi32>
        %and3A_1069 = arith.andi %shift_right_logical3A_1066, %and3A_1068 : vector<16xi32>
        %convert_element_type3A_1070 = arith.sitofp %and3A_1069 : vector<16xi32> to vector<16xf32>
        %sub3A_1071 = arith.subf %convert_element_type3A_1070, %gather3A_1017 : vector<16xf32>
        %mul3A_1072 = arith.mulf %sub3A_1071, %gather3A_1012 : vector<16xf32>
        %swap3A_1073 = arith.index_cast %add3A_1003 : i32 to index
        %swap3A_1074 = arith.constant 48 : index
        %swap3A_1075 = tpu.vector_load %arg15[%swap3A_1073, %swap3A_1074] {strides = array<i32>} : memref<128x64xf32, #tpu.memory_space<vmem>>, vector<1x16xf32>,
        %swap3A_1076 = vector.shape_cast %swap3A_1075 : vector<1x16xf32> to vector<16xf32>
        %swap3A_1077 = vector.shape_cast %mul3A_1072 : vector<16xf32> to vector<1x16xf32>
        tpu.vector_store %arg15[%swap3A_1073, %swap3A_1074], %swap3A_1077 {strides = array<i32>} : memref<128x64xf32, #tpu.memory_space<vmem>>, vector<1x16xf32>,
        %mul3A_1078 = arith.constant 16 : i32
        %mul3A_1079 = arith.muli %scan3A_137, %mul3A_1078 : i32
        %add3A_1080 = arith.constant 12 : i32
        %add3A_1081 = arith.addi %mul3A_1079, %add3A_1080 : i32
        %get3A_1082 = arith.index_cast %add3A_1081 : i32 to index
        %get3A_1083 = arith.constant 0 : index
        %get3A_1084 = tpu.vector_load %arg9[%get3A_1082, %get3A_1083] {strides = array<i32>} : memref<128x16xi32, #tpu.memory_space<vmem>>, vector<1x16xi32>,
        %get3A_1085 = vector.shape_cast %get3A_1084 : vector<1x16xi32> to vector<16xi32>
        %broadcast_in_dim3A_1086 = arith.constant 12 : i32
        %broadcast_in_dim3A_1087 = vector.broadcast %broadcast_in_dim3A_1086 : i32 to vector<16xi32>
        %broadcast_in_dim3A_1088 = vector.shape_cast %broadcast_in_dim3A_1087 : vector<16xi32> to vector<16x1xi32>
        %gather3A_1089 = vector.shape_cast %broadcast_in_dim3A_1088 : vector<16x1xi32> to vector<16xi32>
        %gather3A_1090 = tpu.dynamic_gather %get3A_141[%gather3A_1089] in [0] : vector<16xf32>, vector<16xi32> -> vector<16xf32>
        %broadcast_in_dim3A_1091 = arith.constant 12 : i32
        %broadcast_in_dim3A_1092 = vector.broadcast %broadcast_in_dim3A_1091 : i32 to vector<16xi32>
        %broadcast_in_dim3A_1093 = vector.shape_cast %broadcast_in_dim3A_1092 : vector<16xi32> to vector<16x1xi32>
        %gather3A_1094 = vector.shape_cast %broadcast_in_dim3A_1093 : vector<16x1xi32> to vector<16xi32>
        %gather3A_1095 = tpu.dynamic_gather %get3A_146[%gather3A_1094] in [0] : vector<16xf32>, vector<16xi32> -> vector<16xf32>
        %broadcast_in_dim3A_1096 = vector.shape_cast %add3A_10 : vector<16xi32> to vector<16x1xi32>
        %gather3A_1097 = vector.shape_cast %broadcast_in_dim3A_1096 : vector<16x1xi32> to vector<16xi32>
        %gather3A_1098 = tpu.dynamic_gather %get3A_1085[%gather3A_1097] in [0] : vector<16xi32>, vector<16xi32> -> vector<16xi32>
        %shift_right_logical3A_1099 = arith.shrui %gather3A_1098, %mul3A_5 : vector<16xi32>
        %and3A_1100 = arith.constant 255 : i32
        %and3A_1101 = vector.broadcast %and3A_1100 : i32 to vector<16xi32>
        %and3A_1102 = arith.andi %shift_right_logical3A_1099, %and3A_1101 : vector<16xi32>
        %convert_element_type3A_1103 = arith.sitofp %and3A_1102 : vector<16xi32> to vector<16xf32>
        %sub3A_1104 = arith.subf %convert_element_type3A_1103, %gather3A_1095 : vector<16xf32>
        %mul3A_1105 = arith.mulf %sub3A_1104, %gather3A_1090 : vector<16xf32>
        %swap3A_1106 = arith.index_cast %add3A_1081 : i32 to index
        %swap3A_1107 = arith.constant 0 : index
        %swap3A_1108 = tpu.vector_load %arg15[%swap3A_1106, %swap3A_1107] {strides = array<i32>} : memref<128x64xf32, #tpu.memory_space<vmem>>, vector<1x16xf32>,
        %swap3A_1109 = vector.shape_cast %swap3A_1108 : vector<1x16xf32> to vector<16xf32>
        %swap3A_1110 = vector.shape_cast %mul3A_1105 : vector<16xf32> to vector<1x16xf32>
        tpu.vector_store %arg15[%swap3A_1106, %swap3A_1107], %swap3A_1110 {strides = array<i32>} : memref<128x64xf32, #tpu.memory_space<vmem>>, vector<1x16xf32>,
        %broadcast_in_dim3A_1111 = vector.shape_cast %add3A_16 : vector<16xi32> to vector<16x1xi32>
        %gather3A_1112 = vector.shape_cast %broadcast_in_dim3A_1111 : vector<16x1xi32> to vector<16xi32>
        %gather3A_1113 = tpu.dynamic_gather %get3A_1085[%gather3A_1112] in [0] : vector<16xi32>, vector<16xi32> -> vector<16xi32>
        %shift_right_logical3A_1114 = arith.shrui %gather3A_1113, %mul3A_5 : vector<16xi32>
        %and3A_1115 = arith.constant 255 : i32
        %and3A_1116 = vector.broadcast %and3A_1115 : i32 to vector<16xi32>
        %and3A_1117 = arith.andi %shift_right_logical3A_1114, %and3A_1116 : vector<16xi32>
        %convert_element_type3A_1118 = arith.sitofp %and3A_1117 : vector<16xi32> to vector<16xf32>
        %sub3A_1119 = arith.subf %convert_element_type3A_1118, %gather3A_1095 : vector<16xf32>
        %mul3A_1120 = arith.mulf %sub3A_1119, %gather3A_1090 : vector<16xf32>
        %swap3A_1121 = arith.index_cast %add3A_1081 : i32 to index
        %swap3A_1122 = arith.constant 16 : index
        %swap3A_1123 = tpu.vector_load %arg15[%swap3A_1121, %swap3A_1122] {strides = array<i32>} : memref<128x64xf32, #tpu.memory_space<vmem>>, vector<1x16xf32>,
        %swap3A_1124 = vector.shape_cast %swap3A_1123 : vector<1x16xf32> to vector<16xf32>
        %swap3A_1125 = vector.shape_cast %mul3A_1120 : vector<16xf32> to vector<1x16xf32>
        tpu.vector_store %arg15[%swap3A_1121, %swap3A_1122], %swap3A_1125 {strides = array<i32>} : memref<128x64xf32, #tpu.memory_space<vmem>>, vector<1x16xf32>,
        %broadcast_in_dim3A_1126 = vector.shape_cast %add3A_22 : vector<16xi32> to vector<16x1xi32>
        %gather3A_1127 = vector.shape_cast %broadcast_in_dim3A_1126 : vector<16x1xi32> to vector<16xi32>
        %gather3A_1128 = tpu.dynamic_gather %get3A_1085[%gather3A_1127] in [0] : vector<16xi32>, vector<16xi32> -> vector<16xi32>
        %shift_right_logical3A_1129 = arith.shrui %gather3A_1128, %mul3A_5 : vector<16xi32>
        %and3A_1130 = arith.constant 255 : i32
        %and3A_1131 = vector.broadcast %and3A_1130 : i32 to vector<16xi32>
        %and3A_1132 = arith.andi %shift_right_logical3A_1129, %and3A_1131 : vector<16xi32>
        %convert_element_type3A_1133 = arith.sitofp %and3A_1132 : vector<16xi32> to vector<16xf32>
        %sub3A_1134 = arith.subf %convert_element_type3A_1133, %gather3A_1095 : vector<16xf32>
        %mul3A_1135 = arith.mulf %sub3A_1134, %gather3A_1090 : vector<16xf32>
        %swap3A_1136 = arith.index_cast %add3A_1081 : i32 to index
        %swap3A_1137 = arith.constant 32 : index
        %swap3A_1138 = tpu.vector_load %arg15[%swap3A_1136, %swap3A_1137] {strides = array<i32>} : memref<128x64xf32, #tpu.memory_space<vmem>>, vector<1x16xf32>,
        %swap3A_1139 = vector.shape_cast %swap3A_1138 : vector<1x16xf32> to vector<16xf32>
        %swap3A_1140 = vector.shape_cast %mul3A_1135 : vector<16xf32> to vector<1x16xf32>
        tpu.vector_store %arg15[%swap3A_1136, %swap3A_1137], %swap3A_1140 {strides = array<i32>} : memref<128x64xf32, #tpu.memory_space<vmem>>, vector<1x16xf32>,
        %broadcast_in_dim3A_1141 = vector.shape_cast %add3A_28 : vector<16xi32> to vector<16x1xi32>
        %gather3A_1142 = vector.shape_cast %broadcast_in_dim3A_1141 : vector<16x1xi32> to vector<16xi32>
        %gather3A_1143 = tpu.dynamic_gather %get3A_1085[%gather3A_1142] in [0] : vector<16xi32>, vector<16xi32> -> vector<16xi32>
        %shift_right_logical3A_1144 = arith.shrui %gather3A_1143, %mul3A_5 : vector<16xi32>
        %and3A_1145 = arith.constant 255 : i32
        %and3A_1146 = vector.broadcast %and3A_1145 : i32 to vector<16xi32>
        %and3A_1147 = arith.andi %shift_right_logical3A_1144, %and3A_1146 : vector<16xi32>
        %convert_element_type3A_1148 = arith.sitofp %and3A_1147 : vector<16xi32> to vector<16xf32>
        %sub3A_1149 = arith.subf %convert_element_type3A_1148, %gather3A_1095 : vector<16xf32>
        %mul3A_1150 = arith.mulf %sub3A_1149, %gather3A_1090 : vector<16xf32>
        %swap3A_1151 = arith.index_cast %add3A_1081 : i32 to index
        %swap3A_1152 = arith.constant 48 : index
        %swap3A_1153 = tpu.vector_load %arg15[%swap3A_1151, %swap3A_1152] {strides = array<i32>} : memref<128x64xf32, #tpu.memory_space<vmem>>, vector<1x16xf32>,
        %swap3A_1154 = vector.shape_cast %swap3A_1153 : vector<1x16xf32> to vector<16xf32>
        %swap3A_1155 = vector.shape_cast %mul3A_1150 : vector<16xf32> to vector<1x16xf32>
        tpu.vector_store %arg15[%swap3A_1151, %swap3A_1152], %swap3A_1155 {strides = array<i32>} : memref<128x64xf32, #tpu.memory_space<vmem>>, vector<1x16xf32>,
        %mul3A_1156 = arith.constant 16 : i32
        %mul3A_1157 = arith.muli %scan3A_137, %mul3A_1156 : i32
        %add3A_1158 = arith.constant 13 : i32
        %add3A_1159 = arith.addi %mul3A_1157, %add3A_1158 : i32
        %get3A_1160 = arith.index_cast %add3A_1159 : i32 to index
        %get3A_1161 = arith.constant 0 : index
        %get3A_1162 = tpu.vector_load %arg9[%get3A_1160, %get3A_1161] {strides = array<i32>} : memref<128x16xi32, #tpu.memory_space<vmem>>, vector<1x16xi32>,
        %get3A_1163 = vector.shape_cast %get3A_1162 : vector<1x16xi32> to vector<16xi32>
        %broadcast_in_dim3A_1164 = arith.constant 13 : i32
        %broadcast_in_dim3A_1165 = vector.broadcast %broadcast_in_dim3A_1164 : i32 to vector<16xi32>
        %broadcast_in_dim3A_1166 = vector.shape_cast %broadcast_in_dim3A_1165 : vector<16xi32> to vector<16x1xi32>
        %gather3A_1167 = vector.shape_cast %broadcast_in_dim3A_1166 : vector<16x1xi32> to vector<16xi32>
        %gather3A_1168 = tpu.dynamic_gather %get3A_141[%gather3A_1167] in [0] : vector<16xf32>, vector<16xi32> -> vector<16xf32>
        %broadcast_in_dim3A_1169 = arith.constant 13 : i32
        %broadcast_in_dim3A_1170 = vector.broadcast %broadcast_in_dim3A_1169 : i32 to vector<16xi32>
        %broadcast_in_dim3A_1171 = vector.shape_cast %broadcast_in_dim3A_1170 : vector<16xi32> to vector<16x1xi32>
        %gather3A_1172 = vector.shape_cast %broadcast_in_dim3A_1171 : vector<16x1xi32> to vector<16xi32>
        %gather3A_1173 = tpu.dynamic_gather %get3A_146[%gather3A_1172] in [0] : vector<16xf32>, vector<16xi32> -> vector<16xf32>
        %broadcast_in_dim3A_1174 = vector.shape_cast %add3A_10 : vector<16xi32> to vector<16x1xi32>
        %gather3A_1175 = vector.shape_cast %broadcast_in_dim3A_1174 : vector<16x1xi32> to vector<16xi32>
        %gather3A_1176 = tpu.dynamic_gather %get3A_1163[%gather3A_1175] in [0] : vector<16xi32>, vector<16xi32> -> vector<16xi32>
        %shift_right_logical3A_1177 = arith.shrui %gather3A_1176, %mul3A_5 : vector<16xi32>
        %and3A_1178 = arith.constant 255 : i32
        %and3A_1179 = vector.broadcast %and3A_1178 : i32 to vector<16xi32>
        %and3A_1180 = arith.andi %shift_right_logical3A_1177, %and3A_1179 : vector<16xi32>
        %convert_element_type3A_1181 = arith.sitofp %and3A_1180 : vector<16xi32> to vector<16xf32>
        %sub3A_1182 = arith.subf %convert_element_type3A_1181, %gather3A_1173 : vector<16xf32>
        %mul3A_1183 = arith.mulf %sub3A_1182, %gather3A_1168 : vector<16xf32>
        %swap3A_1184 = arith.index_cast %add3A_1159 : i32 to index
        %swap3A_1185 = arith.constant 0 : index
        %swap3A_1186 = tpu.vector_load %arg15[%swap3A_1184, %swap3A_1185] {strides = array<i32>} : memref<128x64xf32, #tpu.memory_space<vmem>>, vector<1x16xf32>,
        %swap3A_1187 = vector.shape_cast %swap3A_1186 : vector<1x16xf32> to vector<16xf32>
        %swap3A_1188 = vector.shape_cast %mul3A_1183 : vector<16xf32> to vector<1x16xf32>
        tpu.vector_store %arg15[%swap3A_1184, %swap3A_1185], %swap3A_1188 {strides = array<i32>} : memref<128x64xf32, #tpu.memory_space<vmem>>, vector<1x16xf32>,
        %broadcast_in_dim3A_1189 = vector.shape_cast %add3A_16 : vector<16xi32> to vector<16x1xi32>
        %gather3A_1190 = vector.shape_cast %broadcast_in_dim3A_1189 : vector<16x1xi32> to vector<16xi32>
        %gather3A_1191 = tpu.dynamic_gather %get3A_1163[%gather3A_1190] in [0] : vector<16xi32>, vector<16xi32> -> vector<16xi32>
        %shift_right_logical3A_1192 = arith.shrui %gather3A_1191, %mul3A_5 : vector<16xi32>
        %and3A_1193 = arith.constant 255 : i32
        %and3A_1194 = vector.broadcast %and3A_1193 : i32 to vector<16xi32>
        %and3A_1195 = arith.andi %shift_right_logical3A_1192, %and3A_1194 : vector<16xi32>
        %convert_element_type3A_1196 = arith.sitofp %and3A_1195 : vector<16xi32> to vector<16xf32>
        %sub3A_1197 = arith.subf %convert_element_type3A_1196, %gather3A_1173 : vector<16xf32>
        %mul3A_1198 = arith.mulf %sub3A_1197, %gather3A_1168 : vector<16xf32>
        %swap3A_1199 = arith.index_cast %add3A_1159 : i32 to index
        %swap3A_1200 = arith.constant 16 : index
        %swap3A_1201 = tpu.vector_load %arg15[%swap3A_1199, %swap3A_1200] {strides = array<i32>} : memref<128x64xf32, #tpu.memory_space<vmem>>, vector<1x16xf32>,
        %swap3A_1202 = vector.shape_cast %swap3A_1201 : vector<1x16xf32> to vector<16xf32>
        %swap3A_1203 = vector.shape_cast %mul3A_1198 : vector<16xf32> to vector<1x16xf32>
        tpu.vector_store %arg15[%swap3A_1199, %swap3A_1200], %swap3A_1203 {strides = array<i32>} : memref<128x64xf32, #tpu.memory_space<vmem>>, vector<1x16xf32>,
        %broadcast_in_dim3A_1204 = vector.shape_cast %add3A_22 : vector<16xi32> to vector<16x1xi32>
        %gather3A_1205 = vector.shape_cast %broadcast_in_dim3A_1204 : vector<16x1xi32> to vector<16xi32>
        %gather3A_1206 = tpu.dynamic_gather %get3A_1163[%gather3A_1205] in [0] : vector<16xi32>, vector<16xi32> -> vector<16xi32>
        %shift_right_logical3A_1207 = arith.shrui %gather3A_1206, %mul3A_5 : vector<16xi32>
        %and3A_1208 = arith.constant 255 : i32
        %and3A_1209 = vector.broadcast %and3A_1208 : i32 to vector<16xi32>
        %and3A_1210 = arith.andi %shift_right_logical3A_1207, %and3A_1209 : vector<16xi32>
        %convert_element_type3A_1211 = arith.sitofp %and3A_1210 : vector<16xi32> to vector<16xf32>
        %sub3A_1212 = arith.subf %convert_element_type3A_1211, %gather3A_1173 : vector<16xf32>
        %mul3A_1213 = arith.mulf %sub3A_1212, %gather3A_1168 : vector<16xf32>
        %swap3A_1214 = arith.index_cast %add3A_1159 : i32 to index
        %swap3A_1215 = arith.constant 32 : index
        %swap3A_1216 = tpu.vector_load %arg15[%swap3A_1214, %swap3A_1215] {strides = array<i32>} : memref<128x64xf32, #tpu.memory_space<vmem>>, vector<1x16xf32>,
        %swap3A_1217 = vector.shape_cast %swap3A_1216 : vector<1x16xf32> to vector<16xf32>
        %swap3A_1218 = vector.shape_cast %mul3A_1213 : vector<16xf32> to vector<1x16xf32>
        tpu.vector_store %arg15[%swap3A_1214, %swap3A_1215], %swap3A_1218 {strides = array<i32>} : memref<128x64xf32, #tpu.memory_space<vmem>>, vector<1x16xf32>,
        %broadcast_in_dim3A_1219 = vector.shape_cast %add3A_28 : vector<16xi32> to vector<16x1xi32>
        %gather3A_1220 = vector.shape_cast %broadcast_in_dim3A_1219 : vector<16x1xi32> to vector<16xi32>
        %gather3A_1221 = tpu.dynamic_gather %get3A_1163[%gather3A_1220] in [0] : vector<16xi32>, vector<16xi32> -> vector<16xi32>
        %shift_right_logical3A_1222 = arith.shrui %gather3A_1221, %mul3A_5 : vector<16xi32>
        %and3A_1223 = arith.constant 255 : i32
        %and3A_1224 = vector.broadcast %and3A_1223 : i32 to vector<16xi32>
        %and3A_1225 = arith.andi %shift_right_logical3A_1222, %and3A_1224 : vector<16xi32>
        %convert_element_type3A_1226 = arith.sitofp %and3A_1225 : vector<16xi32> to vector<16xf32>
        %sub3A_1227 = arith.subf %convert_element_type3A_1226, %gather3A_1173 : vector<16xf32>
        %mul3A_1228 = arith.mulf %sub3A_1227, %gather3A_1168 : vector<16xf32>
        %swap3A_1229 = arith.index_cast %add3A_1159 : i32 to index
        %swap3A_1230 = arith.constant 48 : index
        %swap3A_1231 = tpu.vector_load %arg15[%swap3A_1229, %swap3A_1230] {strides = array<i32>} : memref<128x64xf32, #tpu.memory_space<vmem>>, vector<1x16xf32>,
        %swap3A_1232 = vector.shape_cast %swap3A_1231 : vector<1x16xf32> to vector<16xf32>
        %swap3A_1233 = vector.shape_cast %mul3A_1228 : vector<16xf32> to vector<1x16xf32>
        tpu.vector_store %arg15[%swap3A_1229, %swap3A_1230], %swap3A_1233 {strides = array<i32>} : memref<128x64xf32, #tpu.memory_space<vmem>>, vector<1x16xf32>,
        %mul3A_1234 = arith.constant 16 : i32
        %mul3A_1235 = arith.muli %scan3A_137, %mul3A_1234 : i32
        %add3A_1236 = arith.constant 14 : i32
        %add3A_1237 = arith.addi %mul3A_1235, %add3A_1236 : i32
        %get3A_1238 = arith.index_cast %add3A_1237 : i32 to index
        %get3A_1239 = arith.constant 0 : index
        %get3A_1240 = tpu.vector_load %arg9[%get3A_1238, %get3A_1239] {strides = array<i32>} : memref<128x16xi32, #tpu.memory_space<vmem>>, vector<1x16xi32>,
        %get3A_1241 = vector.shape_cast %get3A_1240 : vector<1x16xi32> to vector<16xi32>
        %broadcast_in_dim3A_1242 = arith.constant 14 : i32
        %broadcast_in_dim3A_1243 = vector.broadcast %broadcast_in_dim3A_1242 : i32 to vector<16xi32>
        %broadcast_in_dim3A_1244 = vector.shape_cast %broadcast_in_dim3A_1243 : vector<16xi32> to vector<16x1xi32>
        %gather3A_1245 = vector.shape_cast %broadcast_in_dim3A_1244 : vector<16x1xi32> to vector<16xi32>
        %gather3A_1246 = tpu.dynamic_gather %get3A_141[%gather3A_1245] in [0] : vector<16xf32>, vector<16xi32> -> vector<16xf32>
        %broadcast_in_dim3A_1247 = arith.constant 14 : i32
        %broadcast_in_dim3A_1248 = vector.broadcast %broadcast_in_dim3A_1247 : i32 to vector<16xi32>
        %broadcast_in_dim3A_1249 = vector.shape_cast %broadcast_in_dim3A_1248 : vector<16xi32> to vector<16x1xi32>
        %gather3A_1250 = vector.shape_cast %broadcast_in_dim3A_1249 : vector<16x1xi32> to vector<16xi32>
        %gather3A_1251 = tpu.dynamic_gather %get3A_146[%gather3A_1250] in [0] : vector<16xf32>, vector<16xi32> -> vector<16xf32>
        %broadcast_in_dim3A_1252 = vector.shape_cast %add3A_10 : vector<16xi32> to vector<16x1xi32>
        %gather3A_1253 = vector.shape_cast %broadcast_in_dim3A_1252 : vector<16x1xi32> to vector<16xi32>
        %gather3A_1254 = tpu.dynamic_gather %get3A_1241[%gather3A_1253] in [0] : vector<16xi32>, vector<16xi32> -> vector<16xi32>
        %shift_right_logical3A_1255 = arith.shrui %gather3A_1254, %mul3A_5 : vector<16xi32>
        %and3A_1256 = arith.constant 255 : i32
        %and3A_1257 = vector.broadcast %and3A_1256 : i32 to vector<16xi32>
        %and3A_1258 = arith.andi %shift_right_logical3A_1255, %and3A_1257 : vector<16xi32>
        %convert_element_type3A_1259 = arith.sitofp %and3A_1258 : vector<16xi32> to vector<16xf32>
        %sub3A_1260 = arith.subf %convert_element_type3A_1259, %gather3A_1251 : vector<16xf32>
        %mul3A_1261 = arith.mulf %sub3A_1260, %gather3A_1246 : vector<16xf32>
        %swap3A_1262 = arith.index_cast %add3A_1237 : i32 to index
        %swap3A_1263 = arith.constant 0 : index
        %swap3A_1264 = tpu.vector_load %arg15[%swap3A_1262, %swap3A_1263] {strides = array<i32>} : memref<128x64xf32, #tpu.memory_space<vmem>>, vector<1x16xf32>,
        %swap3A_1265 = vector.shape_cast %swap3A_1264 : vector<1x16xf32> to vector<16xf32>
        %swap3A_1266 = vector.shape_cast %mul3A_1261 : vector<16xf32> to vector<1x16xf32>
        tpu.vector_store %arg15[%swap3A_1262, %swap3A_1263], %swap3A_1266 {strides = array<i32>} : memref<128x64xf32, #tpu.memory_space<vmem>>, vector<1x16xf32>,
        %broadcast_in_dim3A_1267 = vector.shape_cast %add3A_16 : vector<16xi32> to vector<16x1xi32>
        %gather3A_1268 = vector.shape_cast %broadcast_in_dim3A_1267 : vector<16x1xi32> to vector<16xi32>
        %gather3A_1269 = tpu.dynamic_gather %get3A_1241[%gather3A_1268] in [0] : vector<16xi32>, vector<16xi32> -> vector<16xi32>
        %shift_right_logical3A_1270 = arith.shrui %gather3A_1269, %mul3A_5 : vector<16xi32>
        %and3A_1271 = arith.constant 255 : i32
        %and3A_1272 = vector.broadcast %and3A_1271 : i32 to vector<16xi32>
        %and3A_1273 = arith.andi %shift_right_logical3A_1270, %and3A_1272 : vector<16xi32>
        %convert_element_type3A_1274 = arith.sitofp %and3A_1273 : vector<16xi32> to vector<16xf32>
        %sub3A_1275 = arith.subf %convert_element_type3A_1274, %gather3A_1251 : vector<16xf32>
        %mul3A_1276 = arith.mulf %sub3A_1275, %gather3A_1246 : vector<16xf32>
        %swap3A_1277 = arith.index_cast %add3A_1237 : i32 to index
        %swap3A_1278 = arith.constant 16 : index
        %swap3A_1279 = tpu.vector_load %arg15[%swap3A_1277, %swap3A_1278] {strides = array<i32>} : memref<128x64xf32, #tpu.memory_space<vmem>>, vector<1x16xf32>,
        %swap3A_1280 = vector.shape_cast %swap3A_1279 : vector<1x16xf32> to vector<16xf32>
        %swap3A_1281 = vector.shape_cast %mul3A_1276 : vector<16xf32> to vector<1x16xf32>
        tpu.vector_store %arg15[%swap3A_1277, %swap3A_1278], %swap3A_1281 {strides = array<i32>} : memref<128x64xf32, #tpu.memory_space<vmem>>, vector<1x16xf32>,
        %broadcast_in_dim3A_1282 = vector.shape_cast %add3A_22 : vector<16xi32> to vector<16x1xi32>
        %gather3A_1283 = vector.shape_cast %broadcast_in_dim3A_1282 : vector<16x1xi32> to vector<16xi32>
        %gather3A_1284 = tpu.dynamic_gather %get3A_1241[%gather3A_1283] in [0] : vector<16xi32>, vector<16xi32> -> vector<16xi32>
        %shift_right_logical3A_1285 = arith.shrui %gather3A_1284, %mul3A_5 : vector<16xi32>
        %and3A_1286 = arith.constant 255 : i32
        %and3A_1287 = vector.broadcast %and3A_1286 : i32 to vector<16xi32>
        %and3A_1288 = arith.andi %shift_right_logical3A_1285, %and3A_1287 : vector<16xi32>
        %convert_element_type3A_1289 = arith.sitofp %and3A_1288 : vector<16xi32> to vector<16xf32>
        %sub3A_1290 = arith.subf %convert_element_type3A_1289, %gather3A_1251 : vector<16xf32>
        %mul3A_1291 = arith.mulf %sub3A_1290, %gather3A_1246 : vector<16xf32>
        %swap3A_1292 = arith.index_cast %add3A_1237 : i32 to index
        %swap3A_1293 = arith.constant 32 : index
        %swap3A_1294 = tpu.vector_load %arg15[%swap3A_1292, %swap3A_1293] {strides = array<i32>} : memref<128x64xf32, #tpu.memory_space<vmem>>, vector<1x16xf32>,
        %swap3A_1295 = vector.shape_cast %swap3A_1294 : vector<1x16xf32> to vector<16xf32>
        %swap3A_1296 = vector.shape_cast %mul3A_1291 : vector<16xf32> to vector<1x16xf32>
        tpu.vector_store %arg15[%swap3A_1292, %swap3A_1293], %swap3A_1296 {strides = array<i32>} : memref<128x64xf32, #tpu.memory_space<vmem>>, vector<1x16xf32>,
        %broadcast_in_dim3A_1297 = vector.shape_cast %add3A_28 : vector<16xi32> to vector<16x1xi32>
        %gather3A_1298 = vector.shape_cast %broadcast_in_dim3A_1297 : vector<16x1xi32> to vector<16xi32>
        %gather3A_1299 = tpu.dynamic_gather %get3A_1241[%gather3A_1298] in [0] : vector<16xi32>, vector<16xi32> -> vector<16xi32>
        %shift_right_logical3A_1300 = arith.shrui %gather3A_1299, %mul3A_5 : vector<16xi32>
        %and3A_1301 = arith.constant 255 : i32
        %and3A_1302 = vector.broadcast %and3A_1301 : i32 to vector<16xi32>
        %and3A_1303 = arith.andi %shift_right_logical3A_1300, %and3A_1302 : vector<16xi32>
        %convert_element_type3A_1304 = arith.sitofp %and3A_1303 : vector<16xi32> to vector<16xf32>
        %sub3A_1305 = arith.subf %convert_element_type3A_1304, %gather3A_1251 : vector<16xf32>
        %mul3A_1306 = arith.mulf %sub3A_1305, %gather3A_1246 : vector<16xf32>
        %swap3A_1307 = arith.index_cast %add3A_1237 : i32 to index
        %swap3A_1308 = arith.constant 48 : index
        %swap3A_1309 = tpu.vector_load %arg15[%swap3A_1307, %swap3A_1308] {strides = array<i32>} : memref<128x64xf32, #tpu.memory_space<vmem>>, vector<1x16xf32>,
        %swap3A_1310 = vector.shape_cast %swap3A_1309 : vector<1x16xf32> to vector<16xf32>
        %swap3A_1311 = vector.shape_cast %mul3A_1306 : vector<16xf32> to vector<1x16xf32>
        tpu.vector_store %arg15[%swap3A_1307, %swap3A_1308], %swap3A_1311 {strides = array<i32>} : memref<128x64xf32, #tpu.memory_space<vmem>>, vector<1x16xf32>,
        %mul3A_1312 = arith.constant 16 : i32
        %mul3A_1313 = arith.muli %scan3A_137, %mul3A_1312 : i32
        %add3A_1314 = arith.constant 15 : i32
        %add3A_1315 = arith.addi %mul3A_1313, %add3A_1314 : i32
        %get3A_1316 = arith.index_cast %add3A_1315 : i32 to index
        %get3A_1317 = arith.constant 0 : index
        %get3A_1318 = tpu.vector_load %arg9[%get3A_1316, %get3A_1317] {strides = array<i32>} : memref<128x16xi32, #tpu.memory_space<vmem>>, vector<1x16xi32>,
        %get3A_1319 = vector.shape_cast %get3A_1318 : vector<1x16xi32> to vector<16xi32>
        %broadcast_in_dim3A_1320 = arith.constant 15 : i32
        %broadcast_in_dim3A_1321 = vector.broadcast %broadcast_in_dim3A_1320 : i32 to vector<16xi32>
        %broadcast_in_dim3A_1322 = vector.shape_cast %broadcast_in_dim3A_1321 : vector<16xi32> to vector<16x1xi32>
        %gather3A_1323 = vector.shape_cast %broadcast_in_dim3A_1322 : vector<16x1xi32> to vector<16xi32>
        %gather3A_1324 = tpu.dynamic_gather %get3A_141[%gather3A_1323] in [0] : vector<16xf32>, vector<16xi32> -> vector<16xf32>
        %broadcast_in_dim3A_1325 = arith.constant 15 : i32
        %broadcast_in_dim3A_1326 = vector.broadcast %broadcast_in_dim3A_1325 : i32 to vector<16xi32>
        %broadcast_in_dim3A_1327 = vector.shape_cast %broadcast_in_dim3A_1326 : vector<16xi32> to vector<16x1xi32>
        %gather3A_1328 = vector.shape_cast %broadcast_in_dim3A_1327 : vector<16x1xi32> to vector<16xi32>
        %gather3A_1329 = tpu.dynamic_gather %get3A_146[%gather3A_1328] in [0] : vector<16xf32>, vector<16xi32> -> vector<16xf32>
        %broadcast_in_dim3A_1330 = vector.shape_cast %add3A_10 : vector<16xi32> to vector<16x1xi32>
        %gather3A_1331 = vector.shape_cast %broadcast_in_dim3A_1330 : vector<16x1xi32> to vector<16xi32>
        %gather3A_1332 = tpu.dynamic_gather %get3A_1319[%gather3A_1331] in [0] : vector<16xi32>, vector<16xi32> -> vector<16xi32>
        %shift_right_logical3A_1333 = arith.shrui %gather3A_1332, %mul3A_5 : vector<16xi32>
        %and3A_1334 = arith.constant 255 : i32
        %and3A_1335 = vector.broadcast %and3A_1334 : i32 to vector<16xi32>
        %and3A_1336 = arith.andi %shift_right_logical3A_1333, %and3A_1335 : vector<16xi32>
        %convert_element_type3A_1337 = arith.sitofp %and3A_1336 : vector<16xi32> to vector<16xf32>
        %sub3A_1338 = arith.subf %convert_element_type3A_1337, %gather3A_1329 : vector<16xf32>
        %mul3A_1339 = arith.mulf %sub3A_1338, %gather3A_1324 : vector<16xf32>
        %swap3A_1340 = arith.index_cast %add3A_1315 : i32 to index
        %swap3A_1341 = arith.constant 0 : index
        %swap3A_1342 = tpu.vector_load %arg15[%swap3A_1340, %swap3A_1341] {strides = array<i32>} : memref<128x64xf32, #tpu.memory_space<vmem>>, vector<1x16xf32>,
        %swap3A_1343 = vector.shape_cast %swap3A_1342 : vector<1x16xf32> to vector<16xf32>
        %swap3A_1344 = vector.shape_cast %mul3A_1339 : vector<16xf32> to vector<1x16xf32>
        tpu.vector_store %arg15[%swap3A_1340, %swap3A_1341], %swap3A_1344 {strides = array<i32>} : memref<128x64xf32, #tpu.memory_space<vmem>>, vector<1x16xf32>,
        %broadcast_in_dim3A_1345 = vector.shape_cast %add3A_16 : vector<16xi32> to vector<16x1xi32>
        %gather3A_1346 = vector.shape_cast %broadcast_in_dim3A_1345 : vector<16x1xi32> to vector<16xi32>
        %gather3A_1347 = tpu.dynamic_gather %get3A_1319[%gather3A_1346] in [0] : vector<16xi32>, vector<16xi32> -> vector<16xi32>
        %shift_right_logical3A_1348 = arith.shrui %gather3A_1347, %mul3A_5 : vector<16xi32>
        %and3A_1349 = arith.constant 255 : i32
        %and3A_1350 = vector.broadcast %and3A_1349 : i32 to vector<16xi32>
        %and3A_1351 = arith.andi %shift_right_logical3A_1348, %and3A_1350 : vector<16xi32>
        %convert_element_type3A_1352 = arith.sitofp %and3A_1351 : vector<16xi32> to vector<16xf32>
        %sub3A_1353 = arith.subf %convert_element_type3A_1352, %gather3A_1329 : vector<16xf32>
        %mul3A_1354 = arith.mulf %sub3A_1353, %gather3A_1324 : vector<16xf32>
        %swap3A_1355 = arith.index_cast %add3A_1315 : i32 to index
        %swap3A_1356 = arith.constant 16 : index
        %swap3A_1357 = tpu.vector_load %arg15[%swap3A_1355, %swap3A_1356] {strides = array<i32>} : memref<128x64xf32, #tpu.memory_space<vmem>>, vector<1x16xf32>,
        %swap3A_1358 = vector.shape_cast %swap3A_1357 : vector<1x16xf32> to vector<16xf32>
        %swap3A_1359 = vector.shape_cast %mul3A_1354 : vector<16xf32> to vector<1x16xf32>
        tpu.vector_store %arg15[%swap3A_1355, %swap3A_1356], %swap3A_1359 {strides = array<i32>} : memref<128x64xf32, #tpu.memory_space<vmem>>, vector<1x16xf32>,
        %broadcast_in_dim3A_1360 = vector.shape_cast %add3A_22 : vector<16xi32> to vector<16x1xi32>
        %gather3A_1361 = vector.shape_cast %broadcast_in_dim3A_1360 : vector<16x1xi32> to vector<16xi32>
        %gather3A_1362 = tpu.dynamic_gather %get3A_1319[%gather3A_1361] in [0] : vector<16xi32>, vector<16xi32> -> vector<16xi32>
        %shift_right_logical3A_1363 = arith.shrui %gather3A_1362, %mul3A_5 : vector<16xi32>
        %and3A_1364 = arith.constant 255 : i32
        %and3A_1365 = vector.broadcast %and3A_1364 : i32 to vector<16xi32>
        %and3A_1366 = arith.andi %shift_right_logical3A_1363, %and3A_1365 : vector<16xi32>
        %convert_element_type3A_1367 = arith.sitofp %and3A_1366 : vector<16xi32> to vector<16xf32>
        %sub3A_1368 = arith.subf %convert_element_type3A_1367, %gather3A_1329 : vector<16xf32>
        %mul3A_1369 = arith.mulf %sub3A_1368, %gather3A_1324 : vector<16xf32>
        %swap3A_1370 = arith.index_cast %add3A_1315 : i32 to index
        %swap3A_1371 = arith.constant 32 : index
        %swap3A_1372 = tpu.vector_load %arg15[%swap3A_1370, %swap3A_1371] {strides = array<i32>} : memref<128x64xf32, #tpu.memory_space<vmem>>, vector<1x16xf32>,
        %swap3A_1373 = vector.shape_cast %swap3A_1372 : vector<1x16xf32> to vector<16xf32>
        %swap3A_1374 = vector.shape_cast %mul3A_1369 : vector<16xf32> to vector<1x16xf32>
        tpu.vector_store %arg15[%swap3A_1370, %swap3A_1371], %swap3A_1374 {strides = array<i32>} : memref<128x64xf32, #tpu.memory_space<vmem>>, vector<1x16xf32>,
        %broadcast_in_dim3A_1375 = vector.shape_cast %add3A_28 : vector<16xi32> to vector<16x1xi32>
        %gather3A_1376 = vector.shape_cast %broadcast_in_dim3A_1375 : vector<16x1xi32> to vector<16xi32>
        %gather3A_1377 = tpu.dynamic_gather %get3A_1319[%gather3A_1376] in [0] : vector<16xi32>, vector<16xi32> -> vector<16xi32>
        %shift_right_logical3A_1378 = arith.shrui %gather3A_1377, %mul3A_5 : vector<16xi32>
        %and3A_1379 = arith.constant 255 : i32
        %and3A_1380 = vector.broadcast %and3A_1379 : i32 to vector<16xi32>
        %and3A_1381 = arith.andi %shift_right_logical3A_1378, %and3A_1380 : vector<16xi32>
        %convert_element_type3A_1382 = arith.sitofp %and3A_1381 : vector<16xi32> to vector<16xf32>
        %sub3A_1383 = arith.subf %convert_element_type3A_1382, %gather3A_1329 : vector<16xf32>
        %mul3A_1384 = arith.mulf %sub3A_1383, %gather3A_1324 : vector<16xf32>
        %swap3A_1385 = arith.index_cast %add3A_1315 : i32 to index
        %swap3A_1386 = arith.constant 48 : index
        %swap3A_1387 = tpu.vector_load %arg15[%swap3A_1385, %swap3A_1386] {strides = array<i32>} : memref<128x64xf32, #tpu.memory_space<vmem>>, vector<1x16xf32>,
        %swap3A_1388 = vector.shape_cast %swap3A_1387 : vector<1x16xf32> to vector<16xf32>
        %swap3A_1389 = vector.shape_cast %mul3A_1384 : vector<16xf32> to vector<1x16xf32>
        tpu.vector_store %arg15[%swap3A_1385, %swap3A_1386], %swap3A_1389 {strides = array<i32>} : memref<128x64xf32, #tpu.memory_space<vmem>>, vector<1x16xf32>,
      }
      %scan3A_97 = arith.constant 8 : i32
      %dma_start3A_98 = arith.constant 0 : i32
      %dma_start3A_99 = tpu.memref_slice %arg6[%add3A_83, %dma_start3A_98] : memref<204800x64xf32, #tpu.memory_space<hbm>> -> memref<128x64xf32, #tpu.memory_space<hbm>>
      %dma_start3A_100 = arith.constant 0 : i32
      %dma_start3A_101 = tpu.memref_slice %arg6[%add3A_83, %dma_start3A_100] : memref<204800x64xf32, #tpu.memory_space<hbm>> -> memref<128x64xf32, #tpu.memory_space<hbm>>
      tpu.enqueue_dma source(%arg15 : memref<128x64xf32, #tpu.memory_space<vmem>>) target(%dma_start3A_101 : memref<128x64xf32, #tpu.memory_space<hbm>>) target_semaphore(%arg19 : memref<!tpu.dma_semaphore, #tpu.memory_space<semaphore_mem>>)
      %lt3A = arith.constant 24 : i32
      %lt3A_102 = arith.cmpi slt, %scan3A_59, %lt3A : i32
      %convert_element_type3A_103 = arith.extui %lt3A_102 : i1 to i32
      %cond3A_104 = arith.constant 0 : i32
      %cond3A_105 = arith.cmpi ne, %convert_element_type3A_103, %cond3A_104 : i32
      scf.if %cond3A_105 {
        %mul3A_137 = arith.constant 2 : i32
        %mul3A_138 = arith.muli %mul3A_137, %scan3A_59 : i32
        %add3A_139 = arith.constant 2 : i32
        %add3A_140 = arith.addi %mul3A_138, %add3A_139 : i32
        %mul3A_141 = arith.constant 6400 : i32
        %mul3A_142 = arith.muli %add3A, %mul3A_141 : i32
        %mul3A_143 = arith.constant 128 : i32
        %mul3A_144 = arith.muli %add3A_140, %mul3A_143 : i32
        %add3A_145 = arith.addi %mul3A_142, %mul3A_144 : i32
        "tpu.region"() ({
          %run_scoped3A = tpu.sem_alloc : memref<!tpu.dma_semaphore, #tpu.memory_space<semaphore_mem>>
          %dma_start3A_153 = tpu.memref_slice %arg2[%add3A_145] : memref<204800xi32, #tpu.memory_space<hbm>> -> memref<128xi32, #tpu.memory_space<hbm>>
          %dma_start3A_154 = tpu.memref_slice %arg2[%add3A_145] : memref<204800xi32, #tpu.memory_space<hbm>> -> memref<128xi32, #tpu.memory_space<hbm>>
          tpu.enqueue_dma source(%dma_start3A_154 : memref<128xi32, #tpu.memory_space<hbm>>) target(%arg7 : memref<128xi32, #tpu.memory_space<vmem>>) target_semaphore(%run_scoped3A : memref<!tpu.dma_semaphore, #tpu.memory_space<semaphore_mem>>)
          %dma_wait3A_155 = tpu.memref_slice %arg2[%add3A_145] : memref<204800xi32, #tpu.memory_space<hbm>> -> memref<128xi32, #tpu.memory_space<hbm>>
          %dma_wait3A_156 = tpu.memref_slice %arg2[%add3A_145] : memref<204800xi32, #tpu.memory_space<hbm>> -> memref<128xi32, #tpu.memory_space<hbm>>
          tpu.wait_dma2 semaphore(%run_scoped3A : memref<!tpu.dma_semaphore, #tpu.memory_space<semaphore_mem>>) src(%dma_wait3A_156 : memref<128xi32, #tpu.memory_space<hbm>>) dst(%arg7 : memref<128xi32, #tpu.memory_space<vmem>>)
          tpu.yield
        }) : () -> ()
        %dma_start3A_146 = arith.constant 0 : i32
        %dma_start3A_147 = arith.constant 0 : i32
        %dma_start3A_148 = tpu.memref_slice %arg3[%dma_start3A_146, %dma_start3A_147] : memref<100000x16xi32, #tpu.memory_space<hbm>> -> memref<100000x16xi32, #tpu.memory_space<hbm>>
        tpu.enqueue_indirect_dma source(%dma_start3A_148 : memref<100000x16xi32, #tpu.memory_space<hbm>>) target(%arg9 : memref<128x16xi32, #tpu.memory_space<vmem>>) offsets(%arg7 : memref<128xi32, #tpu.memory_space<vmem>>) semaphore(%arg17 : memref<!tpu.dma_semaphore, #tpu.memory_space<semaphore_mem>>)
        %dma_start3A_149 = arith.constant 0 : i32
        %dma_start3A_150 = tpu.memref_slice %arg4[%dma_start3A_149] : memref<100000xf32, #tpu.memory_space<hbm>> -> memref<100000xf32, #tpu.memory_space<hbm>>
        tpu.enqueue_indirect_dma source(%dma_start3A_150 : memref<100000xf32, #tpu.memory_space<hbm>>) target(%arg11 : memref<128xf32, #tpu.memory_space<vmem>>) offsets(%arg7 : memref<128xi32, #tpu.memory_space<vmem>>) semaphore(%arg17 : memref<!tpu.dma_semaphore, #tpu.memory_space<semaphore_mem>>)
        %dma_start3A_151 = arith.constant 0 : i32
        %dma_start3A_152 = tpu.memref_slice %arg5[%dma_start3A_151] : memref<100000xf32, #tpu.memory_space<hbm>> -> memref<100000xf32, #tpu.memory_space<hbm>>
        tpu.enqueue_indirect_dma source(%dma_start3A_152 : memref<100000xf32, #tpu.memory_space<hbm>>) target(%arg13 : memref<128xf32, #tpu.memory_space<vmem>>) offsets(%arg7 : memref<128xi32, #tpu.memory_space<vmem>>) semaphore(%arg17 : memref<!tpu.dma_semaphore, #tpu.memory_space<semaphore_mem>>)
      } else {
      }
      %mul3A_106 = arith.constant 2 : i32
      %mul3A_107 = arith.muli %mul3A_106, %scan3A_59 : i32
      %add3A_108 = arith.constant 1 : i32
      %add3A_109 = arith.addi %mul3A_107, %add3A_108 : i32
      %gt3A_110 = arith.constant 0 : i32
      %gt3A_111 = arith.cmpi sgt, %scan3A_59, %gt3A_110 : i32
      %mul3A_112 = arith.constant 6400 : i32
      %mul3A_113 = arith.muli %add3A, %mul3A_112 : i32
      %mul3A_114 = arith.constant 128 : i32
      %mul3A_115 = arith.muli %add3A_109, %mul3A_114 : i32
      %add3A_116 = arith.addi %mul3A_113, %mul3A_115 : i32
      %dma_wait3A_117 = arith.constant 0 : i32
      %dma_wait3A_118 = arith.constant 0 : i32
      %dma_wait3A_119 = tpu.memref_slice %arg3[%dma_wait3A_117, %dma_wait3A_118] : memref<100000x16xi32, #tpu.memory_space<hbm>> -> memref<100000x16xi32, #tpu.memory_space<hbm>>
      tpu.wait_indirect_dma semaphore(%arg18 : memref<!tpu.dma_semaphore, #tpu.memory_space<semaphore_mem>>) src(%dma_wait3A_119 : memref<100000x16xi32, #tpu.memory_space<hbm>>) dst(%arg10 : memref<128x16xi32, #tpu.memory_space<vmem>>)
      %dma_wait3A_120 = arith.constant 0 : i32
      %dma_wait3A_121 = tpu.memref_slice %arg4[%dma_wait3A_120] : memref<100000xf32, #tpu.memory_space<hbm>> -> memref<100000xf32, #tpu.memory_space<hbm>>
      tpu.wait_indirect_dma semaphore(%arg18 : memref<!tpu.dma_semaphore, #tpu.memory_space<semaphore_mem>>) src(%dma_wait3A_121 : memref<100000xf32, #tpu.memory_space<hbm>>) dst(%arg12 : memref<128xf32, #tpu.memory_space<vmem>>)
      %dma_wait3A_122 = arith.constant 0 : i32
      %dma_wait3A_123 = tpu.memref_slice %arg5[%dma_wait3A_122] : memref<100000xf32, #tpu.memory_space<hbm>> -> memref<100000xf32, #tpu.memory_space<hbm>>
      tpu.wait_indirect_dma semaphore(%arg18 : memref<!tpu.dma_semaphore, #tpu.memory_space<semaphore_mem>>) src(%dma_wait3A_123 : memref<100000xf32, #tpu.memory_space<hbm>>) dst(%arg14 : memref<128xf32, #tpu.memory_space<vmem>>)
      %convert_element_type3A_124 = arith.extui %gt3A_111 : i1 to i32
      %cond3A_125 = arith.constant 0 : i32
      %cond3A_126 = arith.cmpi ne, %convert_element_type3A_124, %cond3A_125 : i32
      scf.if %cond3A_126 {
        %dma_wait3A_137 = arith.constant 0 : i32
        %dma_wait3A_138 = tpu.memref_slice %arg6[%add3A_116, %dma_wait3A_137] : memref<204800x64xf32, #tpu.memory_space<hbm>> -> memref<128x64xf32, #tpu.memory_space<hbm>>
        %dma_wait3A_139 = arith.constant 0 : i32
        %dma_wait3A_140 = tpu.memref_slice %arg6[%add3A_116, %dma_wait3A_139] : memref<204800x64xf32, #tpu.memory_space<hbm>> -> memref<128x64xf32, #tpu.memory_space<hbm>>
        tpu.wait_dma2 semaphore(%arg20 : memref<!tpu.dma_semaphore, #tpu.memory_space<semaphore_mem>>) src(%arg16 : memref<128x64xf32, #tpu.memory_space<vmem>>) dst(%dma_wait3A_140 : memref<128x64xf32, #tpu.memory_space<hbm>>)
      } else {
      }
      %scan3A_127 = arith.constant 0 : i32
      %scan3A_128 = arith.constant 0 : i32
      %scan3A_129 = arith.constant 8 : i32
      %scan3A_130 = arith.addi %scan3A_128, %scan3A_129 : i32
      %scan3A_131 = arith.constant 1 : i32
      scf.for %scan3A_137 = %scan3A_128 to %scan3A_130 step %scan3A_131  : i32 {
        %mul3A_138 = arith.constant 16 : i32
        %mul3A_139 = arith.muli %scan3A_137, %mul3A_138 : i32
        %get3A = arith.index_cast %mul3A_139 : i32 to index
        %get3A_140 = tpu.vector_load %arg12[%get3A] {strides = array<i32>} : memref<128xf32, #tpu.memory_space<vmem>>, vector<16xf32>,
        %get3A_141 = vector.shape_cast %get3A_140 : vector<16xf32> to vector<16xf32>
        %mul3A_142 = arith.constant 16 : i32
        %mul3A_143 = arith.muli %scan3A_137, %mul3A_142 : i32
        %get3A_144 = arith.index_cast %mul3A_143 : i32 to index
        %get3A_145 = tpu.vector_load %arg14[%get3A_144] {strides = array<i32>} : memref<128xf32, #tpu.memory_space<vmem>>, vector<16xf32>,
        %get3A_146 = vector.shape_cast %get3A_145 : vector<16xf32> to vector<16xf32>
        %mul3A_147 = arith.constant 16 : i32
        %mul3A_148 = arith.muli %scan3A_137, %mul3A_147 : i32
        %add3A_149 = arith.constant 0 : i32
        %add3A_150 = arith.addi %mul3A_148, %add3A_149 : i32
        %get3A_151 = arith.index_cast %add3A_150 : i32 to index
        %get3A_152 = arith.constant 0 : index
        %get3A_153 = tpu.vector_load %arg10[%get3A_151, %get3A_152] {strides = array<i32>} : memref<128x16xi32, #tpu.memory_space<vmem>>, vector<1x16xi32>,
        %get3A_154 = vector.shape_cast %get3A_153 : vector<1x16xi32> to vector<16xi32>
        %broadcast_in_dim3A = arith.constant 0 : i32
        %broadcast_in_dim3A_155 = vector.broadcast %broadcast_in_dim3A : i32 to vector<16xi32>
        %broadcast_in_dim3A_156 = vector.shape_cast %broadcast_in_dim3A_155 : vector<16xi32> to vector<16x1xi32>
        %gather3A = vector.shape_cast %broadcast_in_dim3A_156 : vector<16x1xi32> to vector<16xi32>
        %gather3A_157 = tpu.dynamic_gather %get3A_141[%gather3A] in [0] : vector<16xf32>, vector<16xi32> -> vector<16xf32>
        %broadcast_in_dim3A_158 = arith.constant 0 : i32
        %broadcast_in_dim3A_159 = vector.broadcast %broadcast_in_dim3A_158 : i32 to vector<16xi32>
        %broadcast_in_dim3A_160 = vector.shape_cast %broadcast_in_dim3A_159 : vector<16xi32> to vector<16x1xi32>
        %gather3A_161 = vector.shape_cast %broadcast_in_dim3A_160 : vector<16x1xi32> to vector<16xi32>
        %gather3A_162 = tpu.dynamic_gather %get3A_146[%gather3A_161] in [0] : vector<16xf32>, vector<16xi32> -> vector<16xf32>
        %broadcast_in_dim3A_163 = vector.shape_cast %add3A_10 : vector<16xi32> to vector<16x1xi32>
        %gather3A_164 = vector.shape_cast %broadcast_in_dim3A_163 : vector<16x1xi32> to vector<16xi32>
        %gather3A_165 = tpu.dynamic_gather %get3A_154[%gather3A_164] in [0] : vector<16xi32>, vector<16xi32> -> vector<16xi32>
        %shift_right_logical3A = arith.shrui %gather3A_165, %mul3A_5 : vector<16xi32>
        %and3A_166 = arith.constant 255 : i32
        %and3A_167 = vector.broadcast %and3A_166 : i32 to vector<16xi32>
        %and3A_168 = arith.andi %shift_right_logical3A, %and3A_167 : vector<16xi32>
        %convert_element_type3A_169 = arith.sitofp %and3A_168 : vector<16xi32> to vector<16xf32>
        %sub3A = arith.subf %convert_element_type3A_169, %gather3A_162 : vector<16xf32>
        %mul3A_170 = arith.mulf %sub3A, %gather3A_157 : vector<16xf32>
        %swap3A = arith.index_cast %add3A_150 : i32 to index
        %swap3A_171 = arith.constant 0 : index
        %swap3A_172 = tpu.vector_load %arg16[%swap3A, %swap3A_171] {strides = array<i32>} : memref<128x64xf32, #tpu.memory_space<vmem>>, vector<1x16xf32>,
        %swap3A_173 = vector.shape_cast %swap3A_172 : vector<1x16xf32> to vector<16xf32>
        %swap3A_174 = vector.shape_cast %mul3A_170 : vector<16xf32> to vector<1x16xf32>
        tpu.vector_store %arg16[%swap3A, %swap3A_171], %swap3A_174 {strides = array<i32>} : memref<128x64xf32, #tpu.memory_space<vmem>>, vector<1x16xf32>,
        %broadcast_in_dim3A_175 = vector.shape_cast %add3A_16 : vector<16xi32> to vector<16x1xi32>
        %gather3A_176 = vector.shape_cast %broadcast_in_dim3A_175 : vector<16x1xi32> to vector<16xi32>
        %gather3A_177 = tpu.dynamic_gather %get3A_154[%gather3A_176] in [0] : vector<16xi32>, vector<16xi32> -> vector<16xi32>
        %shift_right_logical3A_178 = arith.shrui %gather3A_177, %mul3A_5 : vector<16xi32>
        %and3A_179 = arith.constant 255 : i32
        %and3A_180 = vector.broadcast %and3A_179 : i32 to vector<16xi32>
        %and3A_181 = arith.andi %shift_right_logical3A_178, %and3A_180 : vector<16xi32>
        %convert_element_type3A_182 = arith.sitofp %and3A_181 : vector<16xi32> to vector<16xf32>
        %sub3A_183 = arith.subf %convert_element_type3A_182, %gather3A_162 : vector<16xf32>
        %mul3A_184 = arith.mulf %sub3A_183, %gather3A_157 : vector<16xf32>
        %swap3A_185 = arith.index_cast %add3A_150 : i32 to index
        %swap3A_186 = arith.constant 16 : index
        %swap3A_187 = tpu.vector_load %arg16[%swap3A_185, %swap3A_186] {strides = array<i32>} : memref<128x64xf32, #tpu.memory_space<vmem>>, vector<1x16xf32>,
        %swap3A_188 = vector.shape_cast %swap3A_187 : vector<1x16xf32> to vector<16xf32>
        %swap3A_189 = vector.shape_cast %mul3A_184 : vector<16xf32> to vector<1x16xf32>
        tpu.vector_store %arg16[%swap3A_185, %swap3A_186], %swap3A_189 {strides = array<i32>} : memref<128x64xf32, #tpu.memory_space<vmem>>, vector<1x16xf32>,
        %broadcast_in_dim3A_190 = vector.shape_cast %add3A_22 : vector<16xi32> to vector<16x1xi32>
        %gather3A_191 = vector.shape_cast %broadcast_in_dim3A_190 : vector<16x1xi32> to vector<16xi32>
        %gather3A_192 = tpu.dynamic_gather %get3A_154[%gather3A_191] in [0] : vector<16xi32>, vector<16xi32> -> vector<16xi32>
        %shift_right_logical3A_193 = arith.shrui %gather3A_192, %mul3A_5 : vector<16xi32>
        %and3A_194 = arith.constant 255 : i32
        %and3A_195 = vector.broadcast %and3A_194 : i32 to vector<16xi32>
        %and3A_196 = arith.andi %shift_right_logical3A_193, %and3A_195 : vector<16xi32>
        %convert_element_type3A_197 = arith.sitofp %and3A_196 : vector<16xi32> to vector<16xf32>
        %sub3A_198 = arith.subf %convert_element_type3A_197, %gather3A_162 : vector<16xf32>
        %mul3A_199 = arith.mulf %sub3A_198, %gather3A_157 : vector<16xf32>
        %swap3A_200 = arith.index_cast %add3A_150 : i32 to index
        %swap3A_201 = arith.constant 32 : index
        %swap3A_202 = tpu.vector_load %arg16[%swap3A_200, %swap3A_201] {strides = array<i32>} : memref<128x64xf32, #tpu.memory_space<vmem>>, vector<1x16xf32>,
        %swap3A_203 = vector.shape_cast %swap3A_202 : vector<1x16xf32> to vector<16xf32>
        %swap3A_204 = vector.shape_cast %mul3A_199 : vector<16xf32> to vector<1x16xf32>
        tpu.vector_store %arg16[%swap3A_200, %swap3A_201], %swap3A_204 {strides = array<i32>} : memref<128x64xf32, #tpu.memory_space<vmem>>, vector<1x16xf32>,
        %broadcast_in_dim3A_205 = vector.shape_cast %add3A_28 : vector<16xi32> to vector<16x1xi32>
        %gather3A_206 = vector.shape_cast %broadcast_in_dim3A_205 : vector<16x1xi32> to vector<16xi32>
        %gather3A_207 = tpu.dynamic_gather %get3A_154[%gather3A_206] in [0] : vector<16xi32>, vector<16xi32> -> vector<16xi32>
        %shift_right_logical3A_208 = arith.shrui %gather3A_207, %mul3A_5 : vector<16xi32>
        %and3A_209 = arith.constant 255 : i32
        %and3A_210 = vector.broadcast %and3A_209 : i32 to vector<16xi32>
        %and3A_211 = arith.andi %shift_right_logical3A_208, %and3A_210 : vector<16xi32>
        %convert_element_type3A_212 = arith.sitofp %and3A_211 : vector<16xi32> to vector<16xf32>
        %sub3A_213 = arith.subf %convert_element_type3A_212, %gather3A_162 : vector<16xf32>
        %mul3A_214 = arith.mulf %sub3A_213, %gather3A_157 : vector<16xf32>
        %swap3A_215 = arith.index_cast %add3A_150 : i32 to index
        %swap3A_216 = arith.constant 48 : index
        %swap3A_217 = tpu.vector_load %arg16[%swap3A_215, %swap3A_216] {strides = array<i32>} : memref<128x64xf32, #tpu.memory_space<vmem>>, vector<1x16xf32>,
        %swap3A_218 = vector.shape_cast %swap3A_217 : vector<1x16xf32> to vector<16xf32>
        %swap3A_219 = vector.shape_cast %mul3A_214 : vector<16xf32> to vector<1x16xf32>
        tpu.vector_store %arg16[%swap3A_215, %swap3A_216], %swap3A_219 {strides = array<i32>} : memref<128x64xf32, #tpu.memory_space<vmem>>, vector<1x16xf32>,
        %mul3A_220 = arith.constant 16 : i32
        %mul3A_221 = arith.muli %scan3A_137, %mul3A_220 : i32
        %add3A_222 = arith.constant 1 : i32
        %add3A_223 = arith.addi %mul3A_221, %add3A_222 : i32
        %get3A_224 = arith.index_cast %add3A_223 : i32 to index
        %get3A_225 = arith.constant 0 : index
        %get3A_226 = tpu.vector_load %arg10[%get3A_224, %get3A_225] {strides = array<i32>} : memref<128x16xi32, #tpu.memory_space<vmem>>, vector<1x16xi32>,
        %get3A_227 = vector.shape_cast %get3A_226 : vector<1x16xi32> to vector<16xi32>
        %broadcast_in_dim3A_228 = arith.constant 1 : i32
        %broadcast_in_dim3A_229 = vector.broadcast %broadcast_in_dim3A_228 : i32 to vector<16xi32>
        %broadcast_in_dim3A_230 = vector.shape_cast %broadcast_in_dim3A_229 : vector<16xi32> to vector<16x1xi32>
        %gather3A_231 = vector.shape_cast %broadcast_in_dim3A_230 : vector<16x1xi32> to vector<16xi32>
        %gather3A_232 = tpu.dynamic_gather %get3A_141[%gather3A_231] in [0] : vector<16xf32>, vector<16xi32> -> vector<16xf32>
        %broadcast_in_dim3A_233 = arith.constant 1 : i32
        %broadcast_in_dim3A_234 = vector.broadcast %broadcast_in_dim3A_233 : i32 to vector<16xi32>
        %broadcast_in_dim3A_235 = vector.shape_cast %broadcast_in_dim3A_234 : vector<16xi32> to vector<16x1xi32>
        %gather3A_236 = vector.shape_cast %broadcast_in_dim3A_235 : vector<16x1xi32> to vector<16xi32>
        %gather3A_237 = tpu.dynamic_gather %get3A_146[%gather3A_236] in [0] : vector<16xf32>, vector<16xi32> -> vector<16xf32>
        %broadcast_in_dim3A_238 = vector.shape_cast %add3A_10 : vector<16xi32> to vector<16x1xi32>
        %gather3A_239 = vector.shape_cast %broadcast_in_dim3A_238 : vector<16x1xi32> to vector<16xi32>
        %gather3A_240 = tpu.dynamic_gather %get3A_227[%gather3A_239] in [0] : vector<16xi32>, vector<16xi32> -> vector<16xi32>
        %shift_right_logical3A_241 = arith.shrui %gather3A_240, %mul3A_5 : vector<16xi32>
        %and3A_242 = arith.constant 255 : i32
        %and3A_243 = vector.broadcast %and3A_242 : i32 to vector<16xi32>
        %and3A_244 = arith.andi %shift_right_logical3A_241, %and3A_243 : vector<16xi32>
        %convert_element_type3A_245 = arith.sitofp %and3A_244 : vector<16xi32> to vector<16xf32>
        %sub3A_246 = arith.subf %convert_element_type3A_245, %gather3A_237 : vector<16xf32>
        %mul3A_247 = arith.mulf %sub3A_246, %gather3A_232 : vector<16xf32>
        %swap3A_248 = arith.index_cast %add3A_223 : i32 to index
        %swap3A_249 = arith.constant 0 : index
        %swap3A_250 = tpu.vector_load %arg16[%swap3A_248, %swap3A_249] {strides = array<i32>} : memref<128x64xf32, #tpu.memory_space<vmem>>, vector<1x16xf32>,
        %swap3A_251 = vector.shape_cast %swap3A_250 : vector<1x16xf32> to vector<16xf32>
        %swap3A_252 = vector.shape_cast %mul3A_247 : vector<16xf32> to vector<1x16xf32>
        tpu.vector_store %arg16[%swap3A_248, %swap3A_249], %swap3A_252 {strides = array<i32>} : memref<128x64xf32, #tpu.memory_space<vmem>>, vector<1x16xf32>,
        %broadcast_in_dim3A_253 = vector.shape_cast %add3A_16 : vector<16xi32> to vector<16x1xi32>
        %gather3A_254 = vector.shape_cast %broadcast_in_dim3A_253 : vector<16x1xi32> to vector<16xi32>
        %gather3A_255 = tpu.dynamic_gather %get3A_227[%gather3A_254] in [0] : vector<16xi32>, vector<16xi32> -> vector<16xi32>
        %shift_right_logical3A_256 = arith.shrui %gather3A_255, %mul3A_5 : vector<16xi32>
        %and3A_257 = arith.constant 255 : i32
        %and3A_258 = vector.broadcast %and3A_257 : i32 to vector<16xi32>
        %and3A_259 = arith.andi %shift_right_logical3A_256, %and3A_258 : vector<16xi32>
        %convert_element_type3A_260 = arith.sitofp %and3A_259 : vector<16xi32> to vector<16xf32>
        %sub3A_261 = arith.subf %convert_element_type3A_260, %gather3A_237 : vector<16xf32>
        %mul3A_262 = arith.mulf %sub3A_261, %gather3A_232 : vector<16xf32>
        %swap3A_263 = arith.index_cast %add3A_223 : i32 to index
        %swap3A_264 = arith.constant 16 : index
        %swap3A_265 = tpu.vector_load %arg16[%swap3A_263, %swap3A_264] {strides = array<i32>} : memref<128x64xf32, #tpu.memory_space<vmem>>, vector<1x16xf32>,
        %swap3A_266 = vector.shape_cast %swap3A_265 : vector<1x16xf32> to vector<16xf32>
        %swap3A_267 = vector.shape_cast %mul3A_262 : vector<16xf32> to vector<1x16xf32>
        tpu.vector_store %arg16[%swap3A_263, %swap3A_264], %swap3A_267 {strides = array<i32>} : memref<128x64xf32, #tpu.memory_space<vmem>>, vector<1x16xf32>,
        %broadcast_in_dim3A_268 = vector.shape_cast %add3A_22 : vector<16xi32> to vector<16x1xi32>
        %gather3A_269 = vector.shape_cast %broadcast_in_dim3A_268 : vector<16x1xi32> to vector<16xi32>
        %gather3A_270 = tpu.dynamic_gather %get3A_227[%gather3A_269] in [0] : vector<16xi32>, vector<16xi32> -> vector<16xi32>
        %shift_right_logical3A_271 = arith.shrui %gather3A_270, %mul3A_5 : vector<16xi32>
        %and3A_272 = arith.constant 255 : i32
        %and3A_273 = vector.broadcast %and3A_272 : i32 to vector<16xi32>
        %and3A_274 = arith.andi %shift_right_logical3A_271, %and3A_273 : vector<16xi32>
        %convert_element_type3A_275 = arith.sitofp %and3A_274 : vector<16xi32> to vector<16xf32>
        %sub3A_276 = arith.subf %convert_element_type3A_275, %gather3A_237 : vector<16xf32>
        %mul3A_277 = arith.mulf %sub3A_276, %gather3A_232 : vector<16xf32>
        %swap3A_278 = arith.index_cast %add3A_223 : i32 to index
        %swap3A_279 = arith.constant 32 : index
        %swap3A_280 = tpu.vector_load %arg16[%swap3A_278, %swap3A_279] {strides = array<i32>} : memref<128x64xf32, #tpu.memory_space<vmem>>, vector<1x16xf32>,
        %swap3A_281 = vector.shape_cast %swap3A_280 : vector<1x16xf32> to vector<16xf32>
        %swap3A_282 = vector.shape_cast %mul3A_277 : vector<16xf32> to vector<1x16xf32>
        tpu.vector_store %arg16[%swap3A_278, %swap3A_279], %swap3A_282 {strides = array<i32>} : memref<128x64xf32, #tpu.memory_space<vmem>>, vector<1x16xf32>,
        %broadcast_in_dim3A_283 = vector.shape_cast %add3A_28 : vector<16xi32> to vector<16x1xi32>
        %gather3A_284 = vector.shape_cast %broadcast_in_dim3A_283 : vector<16x1xi32> to vector<16xi32>
        %gather3A_285 = tpu.dynamic_gather %get3A_227[%gather3A_284] in [0] : vector<16xi32>, vector<16xi32> -> vector<16xi32>
        %shift_right_logical3A_286 = arith.shrui %gather3A_285, %mul3A_5 : vector<16xi32>
        %and3A_287 = arith.constant 255 : i32
        %and3A_288 = vector.broadcast %and3A_287 : i32 to vector<16xi32>
        %and3A_289 = arith.andi %shift_right_logical3A_286, %and3A_288 : vector<16xi32>
        %convert_element_type3A_290 = arith.sitofp %and3A_289 : vector<16xi32> to vector<16xf32>
        %sub3A_291 = arith.subf %convert_element_type3A_290, %gather3A_237 : vector<16xf32>
        %mul3A_292 = arith.mulf %sub3A_291, %gather3A_232 : vector<16xf32>
        %swap3A_293 = arith.index_cast %add3A_223 : i32 to index
        %swap3A_294 = arith.constant 48 : index
        %swap3A_295 = tpu.vector_load %arg16[%swap3A_293, %swap3A_294] {strides = array<i32>} : memref<128x64xf32, #tpu.memory_space<vmem>>, vector<1x16xf32>,
        %swap3A_296 = vector.shape_cast %swap3A_295 : vector<1x16xf32> to vector<16xf32>
        %swap3A_297 = vector.shape_cast %mul3A_292 : vector<16xf32> to vector<1x16xf32>
        tpu.vector_store %arg16[%swap3A_293, %swap3A_294], %swap3A_297 {strides = array<i32>} : memref<128x64xf32, #tpu.memory_space<vmem>>, vector<1x16xf32>,
        %mul3A_298 = arith.constant 16 : i32
        %mul3A_299 = arith.muli %scan3A_137, %mul3A_298 : i32
        %add3A_300 = arith.constant 2 : i32
        %add3A_301 = arith.addi %mul3A_299, %add3A_300 : i32
        %get3A_302 = arith.index_cast %add3A_301 : i32 to index
        %get3A_303 = arith.constant 0 : index
        %get3A_304 = tpu.vector_load %arg10[%get3A_302, %get3A_303] {strides = array<i32>} : memref<128x16xi32, #tpu.memory_space<vmem>>, vector<1x16xi32>,
        %get3A_305 = vector.shape_cast %get3A_304 : vector<1x16xi32> to vector<16xi32>
        %broadcast_in_dim3A_306 = arith.constant 2 : i32
        %broadcast_in_dim3A_307 = vector.broadcast %broadcast_in_dim3A_306 : i32 to vector<16xi32>
        %broadcast_in_dim3A_308 = vector.shape_cast %broadcast_in_dim3A_307 : vector<16xi32> to vector<16x1xi32>
        %gather3A_309 = vector.shape_cast %broadcast_in_dim3A_308 : vector<16x1xi32> to vector<16xi32>
        %gather3A_310 = tpu.dynamic_gather %get3A_141[%gather3A_309] in [0] : vector<16xf32>, vector<16xi32> -> vector<16xf32>
        %broadcast_in_dim3A_311 = arith.constant 2 : i32
        %broadcast_in_dim3A_312 = vector.broadcast %broadcast_in_dim3A_311 : i32 to vector<16xi32>
        %broadcast_in_dim3A_313 = vector.shape_cast %broadcast_in_dim3A_312 : vector<16xi32> to vector<16x1xi32>
        %gather3A_314 = vector.shape_cast %broadcast_in_dim3A_313 : vector<16x1xi32> to vector<16xi32>
        %gather3A_315 = tpu.dynamic_gather %get3A_146[%gather3A_314] in [0] : vector<16xf32>, vector<16xi32> -> vector<16xf32>
        %broadcast_in_dim3A_316 = vector.shape_cast %add3A_10 : vector<16xi32> to vector<16x1xi32>
        %gather3A_317 = vector.shape_cast %broadcast_in_dim3A_316 : vector<16x1xi32> to vector<16xi32>
        %gather3A_318 = tpu.dynamic_gather %get3A_305[%gather3A_317] in [0] : vector<16xi32>, vector<16xi32> -> vector<16xi32>
        %shift_right_logical3A_319 = arith.shrui %gather3A_318, %mul3A_5 : vector<16xi32>
        %and3A_320 = arith.constant 255 : i32
        %and3A_321 = vector.broadcast %and3A_320 : i32 to vector<16xi32>
        %and3A_322 = arith.andi %shift_right_logical3A_319, %and3A_321 : vector<16xi32>
        %convert_element_type3A_323 = arith.sitofp %and3A_322 : vector<16xi32> to vector<16xf32>
        %sub3A_324 = arith.subf %convert_element_type3A_323, %gather3A_315 : vector<16xf32>
        %mul3A_325 = arith.mulf %sub3A_324, %gather3A_310 : vector<16xf32>
        %swap3A_326 = arith.index_cast %add3A_301 : i32 to index
        %swap3A_327 = arith.constant 0 : index
        %swap3A_328 = tpu.vector_load %arg16[%swap3A_326, %swap3A_327] {strides = array<i32>} : memref<128x64xf32, #tpu.memory_space<vmem>>, vector<1x16xf32>,
        %swap3A_329 = vector.shape_cast %swap3A_328 : vector<1x16xf32> to vector<16xf32>
        %swap3A_330 = vector.shape_cast %mul3A_325 : vector<16xf32> to vector<1x16xf32>
        tpu.vector_store %arg16[%swap3A_326, %swap3A_327], %swap3A_330 {strides = array<i32>} : memref<128x64xf32, #tpu.memory_space<vmem>>, vector<1x16xf32>,
        %broadcast_in_dim3A_331 = vector.shape_cast %add3A_16 : vector<16xi32> to vector<16x1xi32>
        %gather3A_332 = vector.shape_cast %broadcast_in_dim3A_331 : vector<16x1xi32> to vector<16xi32>
        %gather3A_333 = tpu.dynamic_gather %get3A_305[%gather3A_332] in [0] : vector<16xi32>, vector<16xi32> -> vector<16xi32>
        %shift_right_logical3A_334 = arith.shrui %gather3A_333, %mul3A_5 : vector<16xi32>
        %and3A_335 = arith.constant 255 : i32
        %and3A_336 = vector.broadcast %and3A_335 : i32 to vector<16xi32>
        %and3A_337 = arith.andi %shift_right_logical3A_334, %and3A_336 : vector<16xi32>
        %convert_element_type3A_338 = arith.sitofp %and3A_337 : vector<16xi32> to vector<16xf32>
        %sub3A_339 = arith.subf %convert_element_type3A_338, %gather3A_315 : vector<16xf32>
        %mul3A_340 = arith.mulf %sub3A_339, %gather3A_310 : vector<16xf32>
        %swap3A_341 = arith.index_cast %add3A_301 : i32 to index
        %swap3A_342 = arith.constant 16 : index
        %swap3A_343 = tpu.vector_load %arg16[%swap3A_341, %swap3A_342] {strides = array<i32>} : memref<128x64xf32, #tpu.memory_space<vmem>>, vector<1x16xf32>,
        %swap3A_344 = vector.shape_cast %swap3A_343 : vector<1x16xf32> to vector<16xf32>
        %swap3A_345 = vector.shape_cast %mul3A_340 : vector<16xf32> to vector<1x16xf32>
        tpu.vector_store %arg16[%swap3A_341, %swap3A_342], %swap3A_345 {strides = array<i32>} : memref<128x64xf32, #tpu.memory_space<vmem>>, vector<1x16xf32>,
        %broadcast_in_dim3A_346 = vector.shape_cast %add3A_22 : vector<16xi32> to vector<16x1xi32>
        %gather3A_347 = vector.shape_cast %broadcast_in_dim3A_346 : vector<16x1xi32> to vector<16xi32>
        %gather3A_348 = tpu.dynamic_gather %get3A_305[%gather3A_347] in [0] : vector<16xi32>, vector<16xi32> -> vector<16xi32>
        %shift_right_logical3A_349 = arith.shrui %gather3A_348, %mul3A_5 : vector<16xi32>
        %and3A_350 = arith.constant 255 : i32
        %and3A_351 = vector.broadcast %and3A_350 : i32 to vector<16xi32>
        %and3A_352 = arith.andi %shift_right_logical3A_349, %and3A_351 : vector<16xi32>
        %convert_element_type3A_353 = arith.sitofp %and3A_352 : vector<16xi32> to vector<16xf32>
        %sub3A_354 = arith.subf %convert_element_type3A_353, %gather3A_315 : vector<16xf32>
        %mul3A_355 = arith.mulf %sub3A_354, %gather3A_310 : vector<16xf32>
        %swap3A_356 = arith.index_cast %add3A_301 : i32 to index
        %swap3A_357 = arith.constant 32 : index
        %swap3A_358 = tpu.vector_load %arg16[%swap3A_356, %swap3A_357] {strides = array<i32>} : memref<128x64xf32, #tpu.memory_space<vmem>>, vector<1x16xf32>,
        %swap3A_359 = vector.shape_cast %swap3A_358 : vector<1x16xf32> to vector<16xf32>
        %swap3A_360 = vector.shape_cast %mul3A_355 : vector<16xf32> to vector<1x16xf32>
        tpu.vector_store %arg16[%swap3A_356, %swap3A_357], %swap3A_360 {strides = array<i32>} : memref<128x64xf32, #tpu.memory_space<vmem>>, vector<1x16xf32>,
        %broadcast_in_dim3A_361 = vector.shape_cast %add3A_28 : vector<16xi32> to vector<16x1xi32>
        %gather3A_362 = vector.shape_cast %broadcast_in_dim3A_361 : vector<16x1xi32> to vector<16xi32>
        %gather3A_363 = tpu.dynamic_gather %get3A_305[%gather3A_362] in [0] : vector<16xi32>, vector<16xi32> -> vector<16xi32>
        %shift_right_logical3A_364 = arith.shrui %gather3A_363, %mul3A_5 : vector<16xi32>
        %and3A_365 = arith.constant 255 : i32
        %and3A_366 = vector.broadcast %and3A_365 : i32 to vector<16xi32>
        %and3A_367 = arith.andi %shift_right_logical3A_364, %and3A_366 : vector<16xi32>
        %convert_element_type3A_368 = arith.sitofp %and3A_367 : vector<16xi32> to vector<16xf32>
        %sub3A_369 = arith.subf %convert_element_type3A_368, %gather3A_315 : vector<16xf32>
        %mul3A_370 = arith.mulf %sub3A_369, %gather3A_310 : vector<16xf32>
        %swap3A_371 = arith.index_cast %add3A_301 : i32 to index
        %swap3A_372 = arith.constant 48 : index
        %swap3A_373 = tpu.vector_load %arg16[%swap3A_371, %swap3A_372] {strides = array<i32>} : memref<128x64xf32, #tpu.memory_space<vmem>>, vector<1x16xf32>,
        %swap3A_374 = vector.shape_cast %swap3A_373 : vector<1x16xf32> to vector<16xf32>
        %swap3A_375 = vector.shape_cast %mul3A_370 : vector<16xf32> to vector<1x16xf32>
        tpu.vector_store %arg16[%swap3A_371, %swap3A_372], %swap3A_375 {strides = array<i32>} : memref<128x64xf32, #tpu.memory_space<vmem>>, vector<1x16xf32>,
        %mul3A_376 = arith.constant 16 : i32
        %mul3A_377 = arith.muli %scan3A_137, %mul3A_376 : i32
        %add3A_378 = arith.constant 3 : i32
        %add3A_379 = arith.addi %mul3A_377, %add3A_378 : i32
        %get3A_380 = arith.index_cast %add3A_379 : i32 to index
        %get3A_381 = arith.constant 0 : index
        %get3A_382 = tpu.vector_load %arg10[%get3A_380, %get3A_381] {strides = array<i32>} : memref<128x16xi32, #tpu.memory_space<vmem>>, vector<1x16xi32>,
        %get3A_383 = vector.shape_cast %get3A_382 : vector<1x16xi32> to vector<16xi32>
        %broadcast_in_dim3A_384 = arith.constant 3 : i32
        %broadcast_in_dim3A_385 = vector.broadcast %broadcast_in_dim3A_384 : i32 to vector<16xi32>
        %broadcast_in_dim3A_386 = vector.shape_cast %broadcast_in_dim3A_385 : vector<16xi32> to vector<16x1xi32>
        %gather3A_387 = vector.shape_cast %broadcast_in_dim3A_386 : vector<16x1xi32> to vector<16xi32>
        %gather3A_388 = tpu.dynamic_gather %get3A_141[%gather3A_387] in [0] : vector<16xf32>, vector<16xi32> -> vector<16xf32>
        %broadcast_in_dim3A_389 = arith.constant 3 : i32
        %broadcast_in_dim3A_390 = vector.broadcast %broadcast_in_dim3A_389 : i32 to vector<16xi32>
        %broadcast_in_dim3A_391 = vector.shape_cast %broadcast_in_dim3A_390 : vector<16xi32> to vector<16x1xi32>
        %gather3A_392 = vector.shape_cast %broadcast_in_dim3A_391 : vector<16x1xi32> to vector<16xi32>
        %gather3A_393 = tpu.dynamic_gather %get3A_146[%gather3A_392] in [0] : vector<16xf32>, vector<16xi32> -> vector<16xf32>
        %broadcast_in_dim3A_394 = vector.shape_cast %add3A_10 : vector<16xi32> to vector<16x1xi32>
        %gather3A_395 = vector.shape_cast %broadcast_in_dim3A_394 : vector<16x1xi32> to vector<16xi32>
        %gather3A_396 = tpu.dynamic_gather %get3A_383[%gather3A_395] in [0] : vector<16xi32>, vector<16xi32> -> vector<16xi32>
        %shift_right_logical3A_397 = arith.shrui %gather3A_396, %mul3A_5 : vector<16xi32>
        %and3A_398 = arith.constant 255 : i32
        %and3A_399 = vector.broadcast %and3A_398 : i32 to vector<16xi32>
        %and3A_400 = arith.andi %shift_right_logical3A_397, %and3A_399 : vector<16xi32>
        %convert_element_type3A_401 = arith.sitofp %and3A_400 : vector<16xi32> to vector<16xf32>
        %sub3A_402 = arith.subf %convert_element_type3A_401, %gather3A_393 : vector<16xf32>
        %mul3A_403 = arith.mulf %sub3A_402, %gather3A_388 : vector<16xf32>
        %swap3A_404 = arith.index_cast %add3A_379 : i32 to index
        %swap3A_405 = arith.constant 0 : index
        %swap3A_406 = tpu.vector_load %arg16[%swap3A_404, %swap3A_405] {strides = array<i32>} : memref<128x64xf32, #tpu.memory_space<vmem>>, vector<1x16xf32>,
        %swap3A_407 = vector.shape_cast %swap3A_406 : vector<1x16xf32> to vector<16xf32>
        %swap3A_408 = vector.shape_cast %mul3A_403 : vector<16xf32> to vector<1x16xf32>
        tpu.vector_store %arg16[%swap3A_404, %swap3A_405], %swap3A_408 {strides = array<i32>} : memref<128x64xf32, #tpu.memory_space<vmem>>, vector<1x16xf32>,
        %broadcast_in_dim3A_409 = vector.shape_cast %add3A_16 : vector<16xi32> to vector<16x1xi32>
        %gather3A_410 = vector.shape_cast %broadcast_in_dim3A_409 : vector<16x1xi32> to vector<16xi32>
        %gather3A_411 = tpu.dynamic_gather %get3A_383[%gather3A_410] in [0] : vector<16xi32>, vector<16xi32> -> vector<16xi32>
        %shift_right_logical3A_412 = arith.shrui %gather3A_411, %mul3A_5 : vector<16xi32>
        %and3A_413 = arith.constant 255 : i32
        %and3A_414 = vector.broadcast %and3A_413 : i32 to vector<16xi32>
        %and3A_415 = arith.andi %shift_right_logical3A_412, %and3A_414 : vector<16xi32>
        %convert_element_type3A_416 = arith.sitofp %and3A_415 : vector<16xi32> to vector<16xf32>
        %sub3A_417 = arith.subf %convert_element_type3A_416, %gather3A_393 : vector<16xf32>
        %mul3A_418 = arith.mulf %sub3A_417, %gather3A_388 : vector<16xf32>
        %swap3A_419 = arith.index_cast %add3A_379 : i32 to index
        %swap3A_420 = arith.constant 16 : index
        %swap3A_421 = tpu.vector_load %arg16[%swap3A_419, %swap3A_420] {strides = array<i32>} : memref<128x64xf32, #tpu.memory_space<vmem>>, vector<1x16xf32>,
        %swap3A_422 = vector.shape_cast %swap3A_421 : vector<1x16xf32> to vector<16xf32>
        %swap3A_423 = vector.shape_cast %mul3A_418 : vector<16xf32> to vector<1x16xf32>
        tpu.vector_store %arg16[%swap3A_419, %swap3A_420], %swap3A_423 {strides = array<i32>} : memref<128x64xf32, #tpu.memory_space<vmem>>, vector<1x16xf32>,
        %broadcast_in_dim3A_424 = vector.shape_cast %add3A_22 : vector<16xi32> to vector<16x1xi32>
        %gather3A_425 = vector.shape_cast %broadcast_in_dim3A_424 : vector<16x1xi32> to vector<16xi32>
        %gather3A_426 = tpu.dynamic_gather %get3A_383[%gather3A_425] in [0] : vector<16xi32>, vector<16xi32> -> vector<16xi32>
        %shift_right_logical3A_427 = arith.shrui %gather3A_426, %mul3A_5 : vector<16xi32>
        %and3A_428 = arith.constant 255 : i32
        %and3A_429 = vector.broadcast %and3A_428 : i32 to vector<16xi32>
        %and3A_430 = arith.andi %shift_right_logical3A_427, %and3A_429 : vector<16xi32>
        %convert_element_type3A_431 = arith.sitofp %and3A_430 : vector<16xi32> to vector<16xf32>
        %sub3A_432 = arith.subf %convert_element_type3A_431, %gather3A_393 : vector<16xf32>
        %mul3A_433 = arith.mulf %sub3A_432, %gather3A_388 : vector<16xf32>
        %swap3A_434 = arith.index_cast %add3A_379 : i32 to index
        %swap3A_435 = arith.constant 32 : index
        %swap3A_436 = tpu.vector_load %arg16[%swap3A_434, %swap3A_435] {strides = array<i32>} : memref<128x64xf32, #tpu.memory_space<vmem>>, vector<1x16xf32>,
        %swap3A_437 = vector.shape_cast %swap3A_436 : vector<1x16xf32> to vector<16xf32>
        %swap3A_438 = vector.shape_cast %mul3A_433 : vector<16xf32> to vector<1x16xf32>
        tpu.vector_store %arg16[%swap3A_434, %swap3A_435], %swap3A_438 {strides = array<i32>} : memref<128x64xf32, #tpu.memory_space<vmem>>, vector<1x16xf32>,
        %broadcast_in_dim3A_439 = vector.shape_cast %add3A_28 : vector<16xi32> to vector<16x1xi32>
        %gather3A_440 = vector.shape_cast %broadcast_in_dim3A_439 : vector<16x1xi32> to vector<16xi32>
        %gather3A_441 = tpu.dynamic_gather %get3A_383[%gather3A_440] in [0] : vector<16xi32>, vector<16xi32> -> vector<16xi32>
        %shift_right_logical3A_442 = arith.shrui %gather3A_441, %mul3A_5 : vector<16xi32>
        %and3A_443 = arith.constant 255 : i32
        %and3A_444 = vector.broadcast %and3A_443 : i32 to vector<16xi32>
        %and3A_445 = arith.andi %shift_right_logical3A_442, %and3A_444 : vector<16xi32>
        %convert_element_type3A_446 = arith.sitofp %and3A_445 : vector<16xi32> to vector<16xf32>
        %sub3A_447 = arith.subf %convert_element_type3A_446, %gather3A_393 : vector<16xf32>
        %mul3A_448 = arith.mulf %sub3A_447, %gather3A_388 : vector<16xf32>
        %swap3A_449 = arith.index_cast %add3A_379 : i32 to index
        %swap3A_450 = arith.constant 48 : index
        %swap3A_451 = tpu.vector_load %arg16[%swap3A_449, %swap3A_450] {strides = array<i32>} : memref<128x64xf32, #tpu.memory_space<vmem>>, vector<1x16xf32>,
        %swap3A_452 = vector.shape_cast %swap3A_451 : vector<1x16xf32> to vector<16xf32>
        %swap3A_453 = vector.shape_cast %mul3A_448 : vector<16xf32> to vector<1x16xf32>
        tpu.vector_store %arg16[%swap3A_449, %swap3A_450], %swap3A_453 {strides = array<i32>} : memref<128x64xf32, #tpu.memory_space<vmem>>, vector<1x16xf32>,
        %mul3A_454 = arith.constant 16 : i32
        %mul3A_455 = arith.muli %scan3A_137, %mul3A_454 : i32
        %add3A_456 = arith.constant 4 : i32
        %add3A_457 = arith.addi %mul3A_455, %add3A_456 : i32
        %get3A_458 = arith.index_cast %add3A_457 : i32 to index
        %get3A_459 = arith.constant 0 : index
        %get3A_460 = tpu.vector_load %arg10[%get3A_458, %get3A_459] {strides = array<i32>} : memref<128x16xi32, #tpu.memory_space<vmem>>, vector<1x16xi32>,
        %get3A_461 = vector.shape_cast %get3A_460 : vector<1x16xi32> to vector<16xi32>
        %broadcast_in_dim3A_462 = arith.constant 4 : i32
        %broadcast_in_dim3A_463 = vector.broadcast %broadcast_in_dim3A_462 : i32 to vector<16xi32>
        %broadcast_in_dim3A_464 = vector.shape_cast %broadcast_in_dim3A_463 : vector<16xi32> to vector<16x1xi32>
        %gather3A_465 = vector.shape_cast %broadcast_in_dim3A_464 : vector<16x1xi32> to vector<16xi32>
        %gather3A_466 = tpu.dynamic_gather %get3A_141[%gather3A_465] in [0] : vector<16xf32>, vector<16xi32> -> vector<16xf32>
        %broadcast_in_dim3A_467 = arith.constant 4 : i32
        %broadcast_in_dim3A_468 = vector.broadcast %broadcast_in_dim3A_467 : i32 to vector<16xi32>
        %broadcast_in_dim3A_469 = vector.shape_cast %broadcast_in_dim3A_468 : vector<16xi32> to vector<16x1xi32>
        %gather3A_470 = vector.shape_cast %broadcast_in_dim3A_469 : vector<16x1xi32> to vector<16xi32>
        %gather3A_471 = tpu.dynamic_gather %get3A_146[%gather3A_470] in [0] : vector<16xf32>, vector<16xi32> -> vector<16xf32>
        %broadcast_in_dim3A_472 = vector.shape_cast %add3A_10 : vector<16xi32> to vector<16x1xi32>
        %gather3A_473 = vector.shape_cast %broadcast_in_dim3A_472 : vector<16x1xi32> to vector<16xi32>
        %gather3A_474 = tpu.dynamic_gather %get3A_461[%gather3A_473] in [0] : vector<16xi32>, vector<16xi32> -> vector<16xi32>
        %shift_right_logical3A_475 = arith.shrui %gather3A_474, %mul3A_5 : vector<16xi32>
        %and3A_476 = arith.constant 255 : i32
        %and3A_477 = vector.broadcast %and3A_476 : i32 to vector<16xi32>
        %and3A_478 = arith.andi %shift_right_logical3A_475, %and3A_477 : vector<16xi32>
        %convert_element_type3A_479 = arith.sitofp %and3A_478 : vector<16xi32> to vector<16xf32>
        %sub3A_480 = arith.subf %convert_element_type3A_479, %gather3A_471 : vector<16xf32>
        %mul3A_481 = arith.mulf %sub3A_480, %gather3A_466 : vector<16xf32>
        %swap3A_482 = arith.index_cast %add3A_457 : i32 to index
        %swap3A_483 = arith.constant 0 : index
        %swap3A_484 = tpu.vector_load %arg16[%swap3A_482, %swap3A_483] {strides = array<i32>} : memref<128x64xf32, #tpu.memory_space<vmem>>, vector<1x16xf32>,
        %swap3A_485 = vector.shape_cast %swap3A_484 : vector<1x16xf32> to vector<16xf32>
        %swap3A_486 = vector.shape_cast %mul3A_481 : vector<16xf32> to vector<1x16xf32>
        tpu.vector_store %arg16[%swap3A_482, %swap3A_483], %swap3A_486 {strides = array<i32>} : memref<128x64xf32, #tpu.memory_space<vmem>>, vector<1x16xf32>,
        %broadcast_in_dim3A_487 = vector.shape_cast %add3A_16 : vector<16xi32> to vector<16x1xi32>
        %gather3A_488 = vector.shape_cast %broadcast_in_dim3A_487 : vector<16x1xi32> to vector<16xi32>
        %gather3A_489 = tpu.dynamic_gather %get3A_461[%gather3A_488] in [0] : vector<16xi32>, vector<16xi32> -> vector<16xi32>
        %shift_right_logical3A_490 = arith.shrui %gather3A_489, %mul3A_5 : vector<16xi32>
        %and3A_491 = arith.constant 255 : i32
        %and3A_492 = vector.broadcast %and3A_491 : i32 to vector<16xi32>
        %and3A_493 = arith.andi %shift_right_logical3A_490, %and3A_492 : vector<16xi32>
        %convert_element_type3A_494 = arith.sitofp %and3A_493 : vector<16xi32> to vector<16xf32>
        %sub3A_495 = arith.subf %convert_element_type3A_494, %gather3A_471 : vector<16xf32>
        %mul3A_496 = arith.mulf %sub3A_495, %gather3A_466 : vector<16xf32>
        %swap3A_497 = arith.index_cast %add3A_457 : i32 to index
        %swap3A_498 = arith.constant 16 : index
        %swap3A_499 = tpu.vector_load %arg16[%swap3A_497, %swap3A_498] {strides = array<i32>} : memref<128x64xf32, #tpu.memory_space<vmem>>, vector<1x16xf32>,
        %swap3A_500 = vector.shape_cast %swap3A_499 : vector<1x16xf32> to vector<16xf32>
        %swap3A_501 = vector.shape_cast %mul3A_496 : vector<16xf32> to vector<1x16xf32>
        tpu.vector_store %arg16[%swap3A_497, %swap3A_498], %swap3A_501 {strides = array<i32>} : memref<128x64xf32, #tpu.memory_space<vmem>>, vector<1x16xf32>,
        %broadcast_in_dim3A_502 = vector.shape_cast %add3A_22 : vector<16xi32> to vector<16x1xi32>
        %gather3A_503 = vector.shape_cast %broadcast_in_dim3A_502 : vector<16x1xi32> to vector<16xi32>
        %gather3A_504 = tpu.dynamic_gather %get3A_461[%gather3A_503] in [0] : vector<16xi32>, vector<16xi32> -> vector<16xi32>
        %shift_right_logical3A_505 = arith.shrui %gather3A_504, %mul3A_5 : vector<16xi32>
        %and3A_506 = arith.constant 255 : i32
        %and3A_507 = vector.broadcast %and3A_506 : i32 to vector<16xi32>
        %and3A_508 = arith.andi %shift_right_logical3A_505, %and3A_507 : vector<16xi32>
        %convert_element_type3A_509 = arith.sitofp %and3A_508 : vector<16xi32> to vector<16xf32>
        %sub3A_510 = arith.subf %convert_element_type3A_509, %gather3A_471 : vector<16xf32>
        %mul3A_511 = arith.mulf %sub3A_510, %gather3A_466 : vector<16xf32>
        %swap3A_512 = arith.index_cast %add3A_457 : i32 to index
        %swap3A_513 = arith.constant 32 : index
        %swap3A_514 = tpu.vector_load %arg16[%swap3A_512, %swap3A_513] {strides = array<i32>} : memref<128x64xf32, #tpu.memory_space<vmem>>, vector<1x16xf32>,
        %swap3A_515 = vector.shape_cast %swap3A_514 : vector<1x16xf32> to vector<16xf32>
        %swap3A_516 = vector.shape_cast %mul3A_511 : vector<16xf32> to vector<1x16xf32>
        tpu.vector_store %arg16[%swap3A_512, %swap3A_513], %swap3A_516 {strides = array<i32>} : memref<128x64xf32, #tpu.memory_space<vmem>>, vector<1x16xf32>,
        %broadcast_in_dim3A_517 = vector.shape_cast %add3A_28 : vector<16xi32> to vector<16x1xi32>
        %gather3A_518 = vector.shape_cast %broadcast_in_dim3A_517 : vector<16x1xi32> to vector<16xi32>
        %gather3A_519 = tpu.dynamic_gather %get3A_461[%gather3A_518] in [0] : vector<16xi32>, vector<16xi32> -> vector<16xi32>
        %shift_right_logical3A_520 = arith.shrui %gather3A_519, %mul3A_5 : vector<16xi32>
        %and3A_521 = arith.constant 255 : i32
        %and3A_522 = vector.broadcast %and3A_521 : i32 to vector<16xi32>
        %and3A_523 = arith.andi %shift_right_logical3A_520, %and3A_522 : vector<16xi32>
        %convert_element_type3A_524 = arith.sitofp %and3A_523 : vector<16xi32> to vector<16xf32>
        %sub3A_525 = arith.subf %convert_element_type3A_524, %gather3A_471 : vector<16xf32>
        %mul3A_526 = arith.mulf %sub3A_525, %gather3A_466 : vector<16xf32>
        %swap3A_527 = arith.index_cast %add3A_457 : i32 to index
        %swap3A_528 = arith.constant 48 : index
        %swap3A_529 = tpu.vector_load %arg16[%swap3A_527, %swap3A_528] {strides = array<i32>} : memref<128x64xf32, #tpu.memory_space<vmem>>, vector<1x16xf32>,
        %swap3A_530 = vector.shape_cast %swap3A_529 : vector<1x16xf32> to vector<16xf32>
        %swap3A_531 = vector.shape_cast %mul3A_526 : vector<16xf32> to vector<1x16xf32>
        tpu.vector_store %arg16[%swap3A_527, %swap3A_528], %swap3A_531 {strides = array<i32>} : memref<128x64xf32, #tpu.memory_space<vmem>>, vector<1x16xf32>,
        %mul3A_532 = arith.constant 16 : i32
        %mul3A_533 = arith.muli %scan3A_137, %mul3A_532 : i32
        %add3A_534 = arith.constant 5 : i32
        %add3A_535 = arith.addi %mul3A_533, %add3A_534 : i32
        %get3A_536 = arith.index_cast %add3A_535 : i32 to index
        %get3A_537 = arith.constant 0 : index
        %get3A_538 = tpu.vector_load %arg10[%get3A_536, %get3A_537] {strides = array<i32>} : memref<128x16xi32, #tpu.memory_space<vmem>>, vector<1x16xi32>,
        %get3A_539 = vector.shape_cast %get3A_538 : vector<1x16xi32> to vector<16xi32>
        %broadcast_in_dim3A_540 = arith.constant 5 : i32
        %broadcast_in_dim3A_541 = vector.broadcast %broadcast_in_dim3A_540 : i32 to vector<16xi32>
        %broadcast_in_dim3A_542 = vector.shape_cast %broadcast_in_dim3A_541 : vector<16xi32> to vector<16x1xi32>
        %gather3A_543 = vector.shape_cast %broadcast_in_dim3A_542 : vector<16x1xi32> to vector<16xi32>
        %gather3A_544 = tpu.dynamic_gather %get3A_141[%gather3A_543] in [0] : vector<16xf32>, vector<16xi32> -> vector<16xf32>
        %broadcast_in_dim3A_545 = arith.constant 5 : i32
        %broadcast_in_dim3A_546 = vector.broadcast %broadcast_in_dim3A_545 : i32 to vector<16xi32>
        %broadcast_in_dim3A_547 = vector.shape_cast %broadcast_in_dim3A_546 : vector<16xi32> to vector<16x1xi32>
        %gather3A_548 = vector.shape_cast %broadcast_in_dim3A_547 : vector<16x1xi32> to vector<16xi32>
        %gather3A_549 = tpu.dynamic_gather %get3A_146[%gather3A_548] in [0] : vector<16xf32>, vector<16xi32> -> vector<16xf32>
        %broadcast_in_dim3A_550 = vector.shape_cast %add3A_10 : vector<16xi32> to vector<16x1xi32>
        %gather3A_551 = vector.shape_cast %broadcast_in_dim3A_550 : vector<16x1xi32> to vector<16xi32>
        %gather3A_552 = tpu.dynamic_gather %get3A_539[%gather3A_551] in [0] : vector<16xi32>, vector<16xi32> -> vector<16xi32>
        %shift_right_logical3A_553 = arith.shrui %gather3A_552, %mul3A_5 : vector<16xi32>
        %and3A_554 = arith.constant 255 : i32
        %and3A_555 = vector.broadcast %and3A_554 : i32 to vector<16xi32>
        %and3A_556 = arith.andi %shift_right_logical3A_553, %and3A_555 : vector<16xi32>
        %convert_element_type3A_557 = arith.sitofp %and3A_556 : vector<16xi32> to vector<16xf32>
        %sub3A_558 = arith.subf %convert_element_type3A_557, %gather3A_549 : vector<16xf32>
        %mul3A_559 = arith.mulf %sub3A_558, %gather3A_544 : vector<16xf32>
        %swap3A_560 = arith.index_cast %add3A_535 : i32 to index
        %swap3A_561 = arith.constant 0 : index
        %swap3A_562 = tpu.vector_load %arg16[%swap3A_560, %swap3A_561] {strides = array<i32>} : memref<128x64xf32, #tpu.memory_space<vmem>>, vector<1x16xf32>,
        %swap3A_563 = vector.shape_cast %swap3A_562 : vector<1x16xf32> to vector<16xf32>
        %swap3A_564 = vector.shape_cast %mul3A_559 : vector<16xf32> to vector<1x16xf32>
        tpu.vector_store %arg16[%swap3A_560, %swap3A_561], %swap3A_564 {strides = array<i32>} : memref<128x64xf32, #tpu.memory_space<vmem>>, vector<1x16xf32>,
        %broadcast_in_dim3A_565 = vector.shape_cast %add3A_16 : vector<16xi32> to vector<16x1xi32>
        %gather3A_566 = vector.shape_cast %broadcast_in_dim3A_565 : vector<16x1xi32> to vector<16xi32>
        %gather3A_567 = tpu.dynamic_gather %get3A_539[%gather3A_566] in [0] : vector<16xi32>, vector<16xi32> -> vector<16xi32>
        %shift_right_logical3A_568 = arith.shrui %gather3A_567, %mul3A_5 : vector<16xi32>
        %and3A_569 = arith.constant 255 : i32
        %and3A_570 = vector.broadcast %and3A_569 : i32 to vector<16xi32>
        %and3A_571 = arith.andi %shift_right_logical3A_568, %and3A_570 : vector<16xi32>
        %convert_element_type3A_572 = arith.sitofp %and3A_571 : vector<16xi32> to vector<16xf32>
        %sub3A_573 = arith.subf %convert_element_type3A_572, %gather3A_549 : vector<16xf32>
        %mul3A_574 = arith.mulf %sub3A_573, %gather3A_544 : vector<16xf32>
        %swap3A_575 = arith.index_cast %add3A_535 : i32 to index
        %swap3A_576 = arith.constant 16 : index
        %swap3A_577 = tpu.vector_load %arg16[%swap3A_575, %swap3A_576] {strides = array<i32>} : memref<128x64xf32, #tpu.memory_space<vmem>>, vector<1x16xf32>,
        %swap3A_578 = vector.shape_cast %swap3A_577 : vector<1x16xf32> to vector<16xf32>
        %swap3A_579 = vector.shape_cast %mul3A_574 : vector<16xf32> to vector<1x16xf32>
        tpu.vector_store %arg16[%swap3A_575, %swap3A_576], %swap3A_579 {strides = array<i32>} : memref<128x64xf32, #tpu.memory_space<vmem>>, vector<1x16xf32>,
        %broadcast_in_dim3A_580 = vector.shape_cast %add3A_22 : vector<16xi32> to vector<16x1xi32>
        %gather3A_581 = vector.shape_cast %broadcast_in_dim3A_580 : vector<16x1xi32> to vector<16xi32>
        %gather3A_582 = tpu.dynamic_gather %get3A_539[%gather3A_581] in [0] : vector<16xi32>, vector<16xi32> -> vector<16xi32>
        %shift_right_logical3A_583 = arith.shrui %gather3A_582, %mul3A_5 : vector<16xi32>
        %and3A_584 = arith.constant 255 : i32
        %and3A_585 = vector.broadcast %and3A_584 : i32 to vector<16xi32>
        %and3A_586 = arith.andi %shift_right_logical3A_583, %and3A_585 : vector<16xi32>
        %convert_element_type3A_587 = arith.sitofp %and3A_586 : vector<16xi32> to vector<16xf32>
        %sub3A_588 = arith.subf %convert_element_type3A_587, %gather3A_549 : vector<16xf32>
        %mul3A_589 = arith.mulf %sub3A_588, %gather3A_544 : vector<16xf32>
        %swap3A_590 = arith.index_cast %add3A_535 : i32 to index
        %swap3A_591 = arith.constant 32 : index
        %swap3A_592 = tpu.vector_load %arg16[%swap3A_590, %swap3A_591] {strides = array<i32>} : memref<128x64xf32, #tpu.memory_space<vmem>>, vector<1x16xf32>,
        %swap3A_593 = vector.shape_cast %swap3A_592 : vector<1x16xf32> to vector<16xf32>
        %swap3A_594 = vector.shape_cast %mul3A_589 : vector<16xf32> to vector<1x16xf32>
        tpu.vector_store %arg16[%swap3A_590, %swap3A_591], %swap3A_594 {strides = array<i32>} : memref<128x64xf32, #tpu.memory_space<vmem>>, vector<1x16xf32>,
        %broadcast_in_dim3A_595 = vector.shape_cast %add3A_28 : vector<16xi32> to vector<16x1xi32>
        %gather3A_596 = vector.shape_cast %broadcast_in_dim3A_595 : vector<16x1xi32> to vector<16xi32>
        %gather3A_597 = tpu.dynamic_gather %get3A_539[%gather3A_596] in [0] : vector<16xi32>, vector<16xi32> -> vector<16xi32>
        %shift_right_logical3A_598 = arith.shrui %gather3A_597, %mul3A_5 : vector<16xi32>
        %and3A_599 = arith.constant 255 : i32
        %and3A_600 = vector.broadcast %and3A_599 : i32 to vector<16xi32>
        %and3A_601 = arith.andi %shift_right_logical3A_598, %and3A_600 : vector<16xi32>
        %convert_element_type3A_602 = arith.sitofp %and3A_601 : vector<16xi32> to vector<16xf32>
        %sub3A_603 = arith.subf %convert_element_type3A_602, %gather3A_549 : vector<16xf32>
        %mul3A_604 = arith.mulf %sub3A_603, %gather3A_544 : vector<16xf32>
        %swap3A_605 = arith.index_cast %add3A_535 : i32 to index
        %swap3A_606 = arith.constant 48 : index
        %swap3A_607 = tpu.vector_load %arg16[%swap3A_605, %swap3A_606] {strides = array<i32>} : memref<128x64xf32, #tpu.memory_space<vmem>>, vector<1x16xf32>,
        %swap3A_608 = vector.shape_cast %swap3A_607 : vector<1x16xf32> to vector<16xf32>
        %swap3A_609 = vector.shape_cast %mul3A_604 : vector<16xf32> to vector<1x16xf32>
        tpu.vector_store %arg16[%swap3A_605, %swap3A_606], %swap3A_609 {strides = array<i32>} : memref<128x64xf32, #tpu.memory_space<vmem>>, vector<1x16xf32>,
        %mul3A_610 = arith.constant 16 : i32
        %mul3A_611 = arith.muli %scan3A_137, %mul3A_610 : i32
        %add3A_612 = arith.constant 6 : i32
        %add3A_613 = arith.addi %mul3A_611, %add3A_612 : i32
        %get3A_614 = arith.index_cast %add3A_613 : i32 to index
        %get3A_615 = arith.constant 0 : index
        %get3A_616 = tpu.vector_load %arg10[%get3A_614, %get3A_615] {strides = array<i32>} : memref<128x16xi32, #tpu.memory_space<vmem>>, vector<1x16xi32>,
        %get3A_617 = vector.shape_cast %get3A_616 : vector<1x16xi32> to vector<16xi32>
        %broadcast_in_dim3A_618 = arith.constant 6 : i32
        %broadcast_in_dim3A_619 = vector.broadcast %broadcast_in_dim3A_618 : i32 to vector<16xi32>
        %broadcast_in_dim3A_620 = vector.shape_cast %broadcast_in_dim3A_619 : vector<16xi32> to vector<16x1xi32>
        %gather3A_621 = vector.shape_cast %broadcast_in_dim3A_620 : vector<16x1xi32> to vector<16xi32>
        %gather3A_622 = tpu.dynamic_gather %get3A_141[%gather3A_621] in [0] : vector<16xf32>, vector<16xi32> -> vector<16xf32>
        %broadcast_in_dim3A_623 = arith.constant 6 : i32
        %broadcast_in_dim3A_624 = vector.broadcast %broadcast_in_dim3A_623 : i32 to vector<16xi32>
        %broadcast_in_dim3A_625 = vector.shape_cast %broadcast_in_dim3A_624 : vector<16xi32> to vector<16x1xi32>
        %gather3A_626 = vector.shape_cast %broadcast_in_dim3A_625 : vector<16x1xi32> to vector<16xi32>
        %gather3A_627 = tpu.dynamic_gather %get3A_146[%gather3A_626] in [0] : vector<16xf32>, vector<16xi32> -> vector<16xf32>
        %broadcast_in_dim3A_628 = vector.shape_cast %add3A_10 : vector<16xi32> to vector<16x1xi32>
        %gather3A_629 = vector.shape_cast %broadcast_in_dim3A_628 : vector<16x1xi32> to vector<16xi32>
        %gather3A_630 = tpu.dynamic_gather %get3A_617[%gather3A_629] in [0] : vector<16xi32>, vector<16xi32> -> vector<16xi32>
        %shift_right_logical3A_631 = arith.shrui %gather3A_630, %mul3A_5 : vector<16xi32>
        %and3A_632 = arith.constant 255 : i32
        %and3A_633 = vector.broadcast %and3A_632 : i32 to vector<16xi32>
        %and3A_634 = arith.andi %shift_right_logical3A_631, %and3A_633 : vector<16xi32>
        %convert_element_type3A_635 = arith.sitofp %and3A_634 : vector<16xi32> to vector<16xf32>
        %sub3A_636 = arith.subf %convert_element_type3A_635, %gather3A_627 : vector<16xf32>
        %mul3A_637 = arith.mulf %sub3A_636, %gather3A_622 : vector<16xf32>
        %swap3A_638 = arith.index_cast %add3A_613 : i32 to index
        %swap3A_639 = arith.constant 0 : index
        %swap3A_640 = tpu.vector_load %arg16[%swap3A_638, %swap3A_639] {strides = array<i32>} : memref<128x64xf32, #tpu.memory_space<vmem>>, vector<1x16xf32>,
        %swap3A_641 = vector.shape_cast %swap3A_640 : vector<1x16xf32> to vector<16xf32>
        %swap3A_642 = vector.shape_cast %mul3A_637 : vector<16xf32> to vector<1x16xf32>
        tpu.vector_store %arg16[%swap3A_638, %swap3A_639], %swap3A_642 {strides = array<i32>} : memref<128x64xf32, #tpu.memory_space<vmem>>, vector<1x16xf32>,
        %broadcast_in_dim3A_643 = vector.shape_cast %add3A_16 : vector<16xi32> to vector<16x1xi32>
        %gather3A_644 = vector.shape_cast %broadcast_in_dim3A_643 : vector<16x1xi32> to vector<16xi32>
        %gather3A_645 = tpu.dynamic_gather %get3A_617[%gather3A_644] in [0] : vector<16xi32>, vector<16xi32> -> vector<16xi32>
        %shift_right_logical3A_646 = arith.shrui %gather3A_645, %mul3A_5 : vector<16xi32>
        %and3A_647 = arith.constant 255 : i32
        %and3A_648 = vector.broadcast %and3A_647 : i32 to vector<16xi32>
        %and3A_649 = arith.andi %shift_right_logical3A_646, %and3A_648 : vector<16xi32>
        %convert_element_type3A_650 = arith.sitofp %and3A_649 : vector<16xi32> to vector<16xf32>
        %sub3A_651 = arith.subf %convert_element_type3A_650, %gather3A_627 : vector<16xf32>
        %mul3A_652 = arith.mulf %sub3A_651, %gather3A_622 : vector<16xf32>
        %swap3A_653 = arith.index_cast %add3A_613 : i32 to index
        %swap3A_654 = arith.constant 16 : index
        %swap3A_655 = tpu.vector_load %arg16[%swap3A_653, %swap3A_654] {strides = array<i32>} : memref<128x64xf32, #tpu.memory_space<vmem>>, vector<1x16xf32>,
        %swap3A_656 = vector.shape_cast %swap3A_655 : vector<1x16xf32> to vector<16xf32>
        %swap3A_657 = vector.shape_cast %mul3A_652 : vector<16xf32> to vector<1x16xf32>
        tpu.vector_store %arg16[%swap3A_653, %swap3A_654], %swap3A_657 {strides = array<i32>} : memref<128x64xf32, #tpu.memory_space<vmem>>, vector<1x16xf32>,
        %broadcast_in_dim3A_658 = vector.shape_cast %add3A_22 : vector<16xi32> to vector<16x1xi32>
        %gather3A_659 = vector.shape_cast %broadcast_in_dim3A_658 : vector<16x1xi32> to vector<16xi32>
        %gather3A_660 = tpu.dynamic_gather %get3A_617[%gather3A_659] in [0] : vector<16xi32>, vector<16xi32> -> vector<16xi32>
        %shift_right_logical3A_661 = arith.shrui %gather3A_660, %mul3A_5 : vector<16xi32>
        %and3A_662 = arith.constant 255 : i32
        %and3A_663 = vector.broadcast %and3A_662 : i32 to vector<16xi32>
        %and3A_664 = arith.andi %shift_right_logical3A_661, %and3A_663 : vector<16xi32>
        %convert_element_type3A_665 = arith.sitofp %and3A_664 : vector<16xi32> to vector<16xf32>
        %sub3A_666 = arith.subf %convert_element_type3A_665, %gather3A_627 : vector<16xf32>
        %mul3A_667 = arith.mulf %sub3A_666, %gather3A_622 : vector<16xf32>
        %swap3A_668 = arith.index_cast %add3A_613 : i32 to index
        %swap3A_669 = arith.constant 32 : index
        %swap3A_670 = tpu.vector_load %arg16[%swap3A_668, %swap3A_669] {strides = array<i32>} : memref<128x64xf32, #tpu.memory_space<vmem>>, vector<1x16xf32>,
        %swap3A_671 = vector.shape_cast %swap3A_670 : vector<1x16xf32> to vector<16xf32>
        %swap3A_672 = vector.shape_cast %mul3A_667 : vector<16xf32> to vector<1x16xf32>
        tpu.vector_store %arg16[%swap3A_668, %swap3A_669], %swap3A_672 {strides = array<i32>} : memref<128x64xf32, #tpu.memory_space<vmem>>, vector<1x16xf32>,
        %broadcast_in_dim3A_673 = vector.shape_cast %add3A_28 : vector<16xi32> to vector<16x1xi32>
        %gather3A_674 = vector.shape_cast %broadcast_in_dim3A_673 : vector<16x1xi32> to vector<16xi32>
        %gather3A_675 = tpu.dynamic_gather %get3A_617[%gather3A_674] in [0] : vector<16xi32>, vector<16xi32> -> vector<16xi32>
        %shift_right_logical3A_676 = arith.shrui %gather3A_675, %mul3A_5 : vector<16xi32>
        %and3A_677 = arith.constant 255 : i32
        %and3A_678 = vector.broadcast %and3A_677 : i32 to vector<16xi32>
        %and3A_679 = arith.andi %shift_right_logical3A_676, %and3A_678 : vector<16xi32>
        %convert_element_type3A_680 = arith.sitofp %and3A_679 : vector<16xi32> to vector<16xf32>
        %sub3A_681 = arith.subf %convert_element_type3A_680, %gather3A_627 : vector<16xf32>
        %mul3A_682 = arith.mulf %sub3A_681, %gather3A_622 : vector<16xf32>
        %swap3A_683 = arith.index_cast %add3A_613 : i32 to index
        %swap3A_684 = arith.constant 48 : index
        %swap3A_685 = tpu.vector_load %arg16[%swap3A_683, %swap3A_684] {strides = array<i32>} : memref<128x64xf32, #tpu.memory_space<vmem>>, vector<1x16xf32>,
        %swap3A_686 = vector.shape_cast %swap3A_685 : vector<1x16xf32> to vector<16xf32>
        %swap3A_687 = vector.shape_cast %mul3A_682 : vector<16xf32> to vector<1x16xf32>
        tpu.vector_store %arg16[%swap3A_683, %swap3A_684], %swap3A_687 {strides = array<i32>} : memref<128x64xf32, #tpu.memory_space<vmem>>, vector<1x16xf32>,
        %mul3A_688 = arith.constant 16 : i32
        %mul3A_689 = arith.muli %scan3A_137, %mul3A_688 : i32
        %add3A_690 = arith.constant 7 : i32
        %add3A_691 = arith.addi %mul3A_689, %add3A_690 : i32
        %get3A_692 = arith.index_cast %add3A_691 : i32 to index
        %get3A_693 = arith.constant 0 : index
        %get3A_694 = tpu.vector_load %arg10[%get3A_692, %get3A_693] {strides = array<i32>} : memref<128x16xi32, #tpu.memory_space<vmem>>, vector<1x16xi32>,
        %get3A_695 = vector.shape_cast %get3A_694 : vector<1x16xi32> to vector<16xi32>
        %broadcast_in_dim3A_696 = arith.constant 7 : i32
        %broadcast_in_dim3A_697 = vector.broadcast %broadcast_in_dim3A_696 : i32 to vector<16xi32>
        %broadcast_in_dim3A_698 = vector.shape_cast %broadcast_in_dim3A_697 : vector<16xi32> to vector<16x1xi32>
        %gather3A_699 = vector.shape_cast %broadcast_in_dim3A_698 : vector<16x1xi32> to vector<16xi32>
        %gather3A_700 = tpu.dynamic_gather %get3A_141[%gather3A_699] in [0] : vector<16xf32>, vector<16xi32> -> vector<16xf32>
        %broadcast_in_dim3A_701 = arith.constant 7 : i32
        %broadcast_in_dim3A_702 = vector.broadcast %broadcast_in_dim3A_701 : i32 to vector<16xi32>
        %broadcast_in_dim3A_703 = vector.shape_cast %broadcast_in_dim3A_702 : vector<16xi32> to vector<16x1xi32>
        %gather3A_704 = vector.shape_cast %broadcast_in_dim3A_703 : vector<16x1xi32> to vector<16xi32>
        %gather3A_705 = tpu.dynamic_gather %get3A_146[%gather3A_704] in [0] : vector<16xf32>, vector<16xi32> -> vector<16xf32>
        %broadcast_in_dim3A_706 = vector.shape_cast %add3A_10 : vector<16xi32> to vector<16x1xi32>
        %gather3A_707 = vector.shape_cast %broadcast_in_dim3A_706 : vector<16x1xi32> to vector<16xi32>
        %gather3A_708 = tpu.dynamic_gather %get3A_695[%gather3A_707] in [0] : vector<16xi32>, vector<16xi32> -> vector<16xi32>
        %shift_right_logical3A_709 = arith.shrui %gather3A_708, %mul3A_5 : vector<16xi32>
        %and3A_710 = arith.constant 255 : i32
        %and3A_711 = vector.broadcast %and3A_710 : i32 to vector<16xi32>
        %and3A_712 = arith.andi %shift_right_logical3A_709, %and3A_711 : vector<16xi32>
        %convert_element_type3A_713 = arith.sitofp %and3A_712 : vector<16xi32> to vector<16xf32>
        %sub3A_714 = arith.subf %convert_element_type3A_713, %gather3A_705 : vector<16xf32>
        %mul3A_715 = arith.mulf %sub3A_714, %gather3A_700 : vector<16xf32>
        %swap3A_716 = arith.index_cast %add3A_691 : i32 to index
        %swap3A_717 = arith.constant 0 : index
        %swap3A_718 = tpu.vector_load %arg16[%swap3A_716, %swap3A_717] {strides = array<i32>} : memref<128x64xf32, #tpu.memory_space<vmem>>, vector<1x16xf32>,
        %swap3A_719 = vector.shape_cast %swap3A_718 : vector<1x16xf32> to vector<16xf32>
        %swap3A_720 = vector.shape_cast %mul3A_715 : vector<16xf32> to vector<1x16xf32>
        tpu.vector_store %arg16[%swap3A_716, %swap3A_717], %swap3A_720 {strides = array<i32>} : memref<128x64xf32, #tpu.memory_space<vmem>>, vector<1x16xf32>,
        %broadcast_in_dim3A_721 = vector.shape_cast %add3A_16 : vector<16xi32> to vector<16x1xi32>
        %gather3A_722 = vector.shape_cast %broadcast_in_dim3A_721 : vector<16x1xi32> to vector<16xi32>
        %gather3A_723 = tpu.dynamic_gather %get3A_695[%gather3A_722] in [0] : vector<16xi32>, vector<16xi32> -> vector<16xi32>
        %shift_right_logical3A_724 = arith.shrui %gather3A_723, %mul3A_5 : vector<16xi32>
        %and3A_725 = arith.constant 255 : i32
        %and3A_726 = vector.broadcast %and3A_725 : i32 to vector<16xi32>
        %and3A_727 = arith.andi %shift_right_logical3A_724, %and3A_726 : vector<16xi32>
        %convert_element_type3A_728 = arith.sitofp %and3A_727 : vector<16xi32> to vector<16xf32>
        %sub3A_729 = arith.subf %convert_element_type3A_728, %gather3A_705 : vector<16xf32>
        %mul3A_730 = arith.mulf %sub3A_729, %gather3A_700 : vector<16xf32>
        %swap3A_731 = arith.index_cast %add3A_691 : i32 to index
        %swap3A_732 = arith.constant 16 : index
        %swap3A_733 = tpu.vector_load %arg16[%swap3A_731, %swap3A_732] {strides = array<i32>} : memref<128x64xf32, #tpu.memory_space<vmem>>, vector<1x16xf32>,
        %swap3A_734 = vector.shape_cast %swap3A_733 : vector<1x16xf32> to vector<16xf32>
        %swap3A_735 = vector.shape_cast %mul3A_730 : vector<16xf32> to vector<1x16xf32>
        tpu.vector_store %arg16[%swap3A_731, %swap3A_732], %swap3A_735 {strides = array<i32>} : memref<128x64xf32, #tpu.memory_space<vmem>>, vector<1x16xf32>,
        %broadcast_in_dim3A_736 = vector.shape_cast %add3A_22 : vector<16xi32> to vector<16x1xi32>
        %gather3A_737 = vector.shape_cast %broadcast_in_dim3A_736 : vector<16x1xi32> to vector<16xi32>
        %gather3A_738 = tpu.dynamic_gather %get3A_695[%gather3A_737] in [0] : vector<16xi32>, vector<16xi32> -> vector<16xi32>
        %shift_right_logical3A_739 = arith.shrui %gather3A_738, %mul3A_5 : vector<16xi32>
        %and3A_740 = arith.constant 255 : i32
        %and3A_741 = vector.broadcast %and3A_740 : i32 to vector<16xi32>
        %and3A_742 = arith.andi %shift_right_logical3A_739, %and3A_741 : vector<16xi32>
        %convert_element_type3A_743 = arith.sitofp %and3A_742 : vector<16xi32> to vector<16xf32>
        %sub3A_744 = arith.subf %convert_element_type3A_743, %gather3A_705 : vector<16xf32>
        %mul3A_745 = arith.mulf %sub3A_744, %gather3A_700 : vector<16xf32>
        %swap3A_746 = arith.index_cast %add3A_691 : i32 to index
        %swap3A_747 = arith.constant 32 : index
        %swap3A_748 = tpu.vector_load %arg16[%swap3A_746, %swap3A_747] {strides = array<i32>} : memref<128x64xf32, #tpu.memory_space<vmem>>, vector<1x16xf32>,
        %swap3A_749 = vector.shape_cast %swap3A_748 : vector<1x16xf32> to vector<16xf32>
        %swap3A_750 = vector.shape_cast %mul3A_745 : vector<16xf32> to vector<1x16xf32>
        tpu.vector_store %arg16[%swap3A_746, %swap3A_747], %swap3A_750 {strides = array<i32>} : memref<128x64xf32, #tpu.memory_space<vmem>>, vector<1x16xf32>,
        %broadcast_in_dim3A_751 = vector.shape_cast %add3A_28 : vector<16xi32> to vector<16x1xi32>
        %gather3A_752 = vector.shape_cast %broadcast_in_dim3A_751 : vector<16x1xi32> to vector<16xi32>
        %gather3A_753 = tpu.dynamic_gather %get3A_695[%gather3A_752] in [0] : vector<16xi32>, vector<16xi32> -> vector<16xi32>
        %shift_right_logical3A_754 = arith.shrui %gather3A_753, %mul3A_5 : vector<16xi32>
        %and3A_755 = arith.constant 255 : i32
        %and3A_756 = vector.broadcast %and3A_755 : i32 to vector<16xi32>
        %and3A_757 = arith.andi %shift_right_logical3A_754, %and3A_756 : vector<16xi32>
        %convert_element_type3A_758 = arith.sitofp %and3A_757 : vector<16xi32> to vector<16xf32>
        %sub3A_759 = arith.subf %convert_element_type3A_758, %gather3A_705 : vector<16xf32>
        %mul3A_760 = arith.mulf %sub3A_759, %gather3A_700 : vector<16xf32>
        %swap3A_761 = arith.index_cast %add3A_691 : i32 to index
        %swap3A_762 = arith.constant 48 : index
        %swap3A_763 = tpu.vector_load %arg16[%swap3A_761, %swap3A_762] {strides = array<i32>} : memref<128x64xf32, #tpu.memory_space<vmem>>, vector<1x16xf32>,
        %swap3A_764 = vector.shape_cast %swap3A_763 : vector<1x16xf32> to vector<16xf32>
        %swap3A_765 = vector.shape_cast %mul3A_760 : vector<16xf32> to vector<1x16xf32>
        tpu.vector_store %arg16[%swap3A_761, %swap3A_762], %swap3A_765 {strides = array<i32>} : memref<128x64xf32, #tpu.memory_space<vmem>>, vector<1x16xf32>,
        %mul3A_766 = arith.constant 16 : i32
        %mul3A_767 = arith.muli %scan3A_137, %mul3A_766 : i32
        %add3A_768 = arith.constant 8 : i32
        %add3A_769 = arith.addi %mul3A_767, %add3A_768 : i32
        %get3A_770 = arith.index_cast %add3A_769 : i32 to index
        %get3A_771 = arith.constant 0 : index
        %get3A_772 = tpu.vector_load %arg10[%get3A_770, %get3A_771] {strides = array<i32>} : memref<128x16xi32, #tpu.memory_space<vmem>>, vector<1x16xi32>,
        %get3A_773 = vector.shape_cast %get3A_772 : vector<1x16xi32> to vector<16xi32>
        %broadcast_in_dim3A_774 = arith.constant 8 : i32
        %broadcast_in_dim3A_775 = vector.broadcast %broadcast_in_dim3A_774 : i32 to vector<16xi32>
        %broadcast_in_dim3A_776 = vector.shape_cast %broadcast_in_dim3A_775 : vector<16xi32> to vector<16x1xi32>
        %gather3A_777 = vector.shape_cast %broadcast_in_dim3A_776 : vector<16x1xi32> to vector<16xi32>
        %gather3A_778 = tpu.dynamic_gather %get3A_141[%gather3A_777] in [0] : vector<16xf32>, vector<16xi32> -> vector<16xf32>
        %broadcast_in_dim3A_779 = arith.constant 8 : i32
        %broadcast_in_dim3A_780 = vector.broadcast %broadcast_in_dim3A_779 : i32 to vector<16xi32>
        %broadcast_in_dim3A_781 = vector.shape_cast %broadcast_in_dim3A_780 : vector<16xi32> to vector<16x1xi32>
        %gather3A_782 = vector.shape_cast %broadcast_in_dim3A_781 : vector<16x1xi32> to vector<16xi32>
        %gather3A_783 = tpu.dynamic_gather %get3A_146[%gather3A_782] in [0] : vector<16xf32>, vector<16xi32> -> vector<16xf32>
        %broadcast_in_dim3A_784 = vector.shape_cast %add3A_10 : vector<16xi32> to vector<16x1xi32>
        %gather3A_785 = vector.shape_cast %broadcast_in_dim3A_784 : vector<16x1xi32> to vector<16xi32>
        %gather3A_786 = tpu.dynamic_gather %get3A_773[%gather3A_785] in [0] : vector<16xi32>, vector<16xi32> -> vector<16xi32>
        %shift_right_logical3A_787 = arith.shrui %gather3A_786, %mul3A_5 : vector<16xi32>
        %and3A_788 = arith.constant 255 : i32
        %and3A_789 = vector.broadcast %and3A_788 : i32 to vector<16xi32>
        %and3A_790 = arith.andi %shift_right_logical3A_787, %and3A_789 : vector<16xi32>
        %convert_element_type3A_791 = arith.sitofp %and3A_790 : vector<16xi32> to vector<16xf32>
        %sub3A_792 = arith.subf %convert_element_type3A_791, %gather3A_783 : vector<16xf32>
        %mul3A_793 = arith.mulf %sub3A_792, %gather3A_778 : vector<16xf32>
        %swap3A_794 = arith.index_cast %add3A_769 : i32 to index
        %swap3A_795 = arith.constant 0 : index
        %swap3A_796 = tpu.vector_load %arg16[%swap3A_794, %swap3A_795] {strides = array<i32>} : memref<128x64xf32, #tpu.memory_space<vmem>>, vector<1x16xf32>,
        %swap3A_797 = vector.shape_cast %swap3A_796 : vector<1x16xf32> to vector<16xf32>
        %swap3A_798 = vector.shape_cast %mul3A_793 : vector<16xf32> to vector<1x16xf32>
        tpu.vector_store %arg16[%swap3A_794, %swap3A_795], %swap3A_798 {strides = array<i32>} : memref<128x64xf32, #tpu.memory_space<vmem>>, vector<1x16xf32>,
        %broadcast_in_dim3A_799 = vector.shape_cast %add3A_16 : vector<16xi32> to vector<16x1xi32>
        %gather3A_800 = vector.shape_cast %broadcast_in_dim3A_799 : vector<16x1xi32> to vector<16xi32>
        %gather3A_801 = tpu.dynamic_gather %get3A_773[%gather3A_800] in [0] : vector<16xi32>, vector<16xi32> -> vector<16xi32>
        %shift_right_logical3A_802 = arith.shrui %gather3A_801, %mul3A_5 : vector<16xi32>
        %and3A_803 = arith.constant 255 : i32
        %and3A_804 = vector.broadcast %and3A_803 : i32 to vector<16xi32>
        %and3A_805 = arith.andi %shift_right_logical3A_802, %and3A_804 : vector<16xi32>
        %convert_element_type3A_806 = arith.sitofp %and3A_805 : vector<16xi32> to vector<16xf32>
        %sub3A_807 = arith.subf %convert_element_type3A_806, %gather3A_783 : vector<16xf32>
        %mul3A_808 = arith.mulf %sub3A_807, %gather3A_778 : vector<16xf32>
        %swap3A_809 = arith.index_cast %add3A_769 : i32 to index
        %swap3A_810 = arith.constant 16 : index
        %swap3A_811 = tpu.vector_load %arg16[%swap3A_809, %swap3A_810] {strides = array<i32>} : memref<128x64xf32, #tpu.memory_space<vmem>>, vector<1x16xf32>,
        %swap3A_812 = vector.shape_cast %swap3A_811 : vector<1x16xf32> to vector<16xf32>
        %swap3A_813 = vector.shape_cast %mul3A_808 : vector<16xf32> to vector<1x16xf32>
        tpu.vector_store %arg16[%swap3A_809, %swap3A_810], %swap3A_813 {strides = array<i32>} : memref<128x64xf32, #tpu.memory_space<vmem>>, vector<1x16xf32>,
        %broadcast_in_dim3A_814 = vector.shape_cast %add3A_22 : vector<16xi32> to vector<16x1xi32>
        %gather3A_815 = vector.shape_cast %broadcast_in_dim3A_814 : vector<16x1xi32> to vector<16xi32>
        %gather3A_816 = tpu.dynamic_gather %get3A_773[%gather3A_815] in [0] : vector<16xi32>, vector<16xi32> -> vector<16xi32>
        %shift_right_logical3A_817 = arith.shrui %gather3A_816, %mul3A_5 : vector<16xi32>
        %and3A_818 = arith.constant 255 : i32
        %and3A_819 = vector.broadcast %and3A_818 : i32 to vector<16xi32>
        %and3A_820 = arith.andi %shift_right_logical3A_817, %and3A_819 : vector<16xi32>
        %convert_element_type3A_821 = arith.sitofp %and3A_820 : vector<16xi32> to vector<16xf32>
        %sub3A_822 = arith.subf %convert_element_type3A_821, %gather3A_783 : vector<16xf32>
        %mul3A_823 = arith.mulf %sub3A_822, %gather3A_778 : vector<16xf32>
        %swap3A_824 = arith.index_cast %add3A_769 : i32 to index
        %swap3A_825 = arith.constant 32 : index
        %swap3A_826 = tpu.vector_load %arg16[%swap3A_824, %swap3A_825] {strides = array<i32>} : memref<128x64xf32, #tpu.memory_space<vmem>>, vector<1x16xf32>,
        %swap3A_827 = vector.shape_cast %swap3A_826 : vector<1x16xf32> to vector<16xf32>
        %swap3A_828 = vector.shape_cast %mul3A_823 : vector<16xf32> to vector<1x16xf32>
        tpu.vector_store %arg16[%swap3A_824, %swap3A_825], %swap3A_828 {strides = array<i32>} : memref<128x64xf32, #tpu.memory_space<vmem>>, vector<1x16xf32>,
        %broadcast_in_dim3A_829 = vector.shape_cast %add3A_28 : vector<16xi32> to vector<16x1xi32>
        %gather3A_830 = vector.shape_cast %broadcast_in_dim3A_829 : vector<16x1xi32> to vector<16xi32>
        %gather3A_831 = tpu.dynamic_gather %get3A_773[%gather3A_830] in [0] : vector<16xi32>, vector<16xi32> -> vector<16xi32>
        %shift_right_logical3A_832 = arith.shrui %gather3A_831, %mul3A_5 : vector<16xi32>
        %and3A_833 = arith.constant 255 : i32
        %and3A_834 = vector.broadcast %and3A_833 : i32 to vector<16xi32>
        %and3A_835 = arith.andi %shift_right_logical3A_832, %and3A_834 : vector<16xi32>
        %convert_element_type3A_836 = arith.sitofp %and3A_835 : vector<16xi32> to vector<16xf32>
        %sub3A_837 = arith.subf %convert_element_type3A_836, %gather3A_783 : vector<16xf32>
        %mul3A_838 = arith.mulf %sub3A_837, %gather3A_778 : vector<16xf32>
        %swap3A_839 = arith.index_cast %add3A_769 : i32 to index
        %swap3A_840 = arith.constant 48 : index
        %swap3A_841 = tpu.vector_load %arg16[%swap3A_839, %swap3A_840] {strides = array<i32>} : memref<128x64xf32, #tpu.memory_space<vmem>>, vector<1x16xf32>,
        %swap3A_842 = vector.shape_cast %swap3A_841 : vector<1x16xf32> to vector<16xf32>
        %swap3A_843 = vector.shape_cast %mul3A_838 : vector<16xf32> to vector<1x16xf32>
        tpu.vector_store %arg16[%swap3A_839, %swap3A_840], %swap3A_843 {strides = array<i32>} : memref<128x64xf32, #tpu.memory_space<vmem>>, vector<1x16xf32>,
        %mul3A_844 = arith.constant 16 : i32
        %mul3A_845 = arith.muli %scan3A_137, %mul3A_844 : i32
        %add3A_846 = arith.constant 9 : i32
        %add3A_847 = arith.addi %mul3A_845, %add3A_846 : i32
        %get3A_848 = arith.index_cast %add3A_847 : i32 to index
        %get3A_849 = arith.constant 0 : index
        %get3A_850 = tpu.vector_load %arg10[%get3A_848, %get3A_849] {strides = array<i32>} : memref<128x16xi32, #tpu.memory_space<vmem>>, vector<1x16xi32>,
        %get3A_851 = vector.shape_cast %get3A_850 : vector<1x16xi32> to vector<16xi32>
        %broadcast_in_dim3A_852 = arith.constant 9 : i32
        %broadcast_in_dim3A_853 = vector.broadcast %broadcast_in_dim3A_852 : i32 to vector<16xi32>
        %broadcast_in_dim3A_854 = vector.shape_cast %broadcast_in_dim3A_853 : vector<16xi32> to vector<16x1xi32>
        %gather3A_855 = vector.shape_cast %broadcast_in_dim3A_854 : vector<16x1xi32> to vector<16xi32>
        %gather3A_856 = tpu.dynamic_gather %get3A_141[%gather3A_855] in [0] : vector<16xf32>, vector<16xi32> -> vector<16xf32>
        %broadcast_in_dim3A_857 = arith.constant 9 : i32
        %broadcast_in_dim3A_858 = vector.broadcast %broadcast_in_dim3A_857 : i32 to vector<16xi32>
        %broadcast_in_dim3A_859 = vector.shape_cast %broadcast_in_dim3A_858 : vector<16xi32> to vector<16x1xi32>
        %gather3A_860 = vector.shape_cast %broadcast_in_dim3A_859 : vector<16x1xi32> to vector<16xi32>
        %gather3A_861 = tpu.dynamic_gather %get3A_146[%gather3A_860] in [0] : vector<16xf32>, vector<16xi32> -> vector<16xf32>
        %broadcast_in_dim3A_862 = vector.shape_cast %add3A_10 : vector<16xi32> to vector<16x1xi32>
        %gather3A_863 = vector.shape_cast %broadcast_in_dim3A_862 : vector<16x1xi32> to vector<16xi32>
        %gather3A_864 = tpu.dynamic_gather %get3A_851[%gather3A_863] in [0] : vector<16xi32>, vector<16xi32> -> vector<16xi32>
        %shift_right_logical3A_865 = arith.shrui %gather3A_864, %mul3A_5 : vector<16xi32>
        %and3A_866 = arith.constant 255 : i32
        %and3A_867 = vector.broadcast %and3A_866 : i32 to vector<16xi32>
        %and3A_868 = arith.andi %shift_right_logical3A_865, %and3A_867 : vector<16xi32>
        %convert_element_type3A_869 = arith.sitofp %and3A_868 : vector<16xi32> to vector<16xf32>
        %sub3A_870 = arith.subf %convert_element_type3A_869, %gather3A_861 : vector<16xf32>
        %mul3A_871 = arith.mulf %sub3A_870, %gather3A_856 : vector<16xf32>
        %swap3A_872 = arith.index_cast %add3A_847 : i32 to index
        %swap3A_873 = arith.constant 0 : index
        %swap3A_874 = tpu.vector_load %arg16[%swap3A_872, %swap3A_873] {strides = array<i32>} : memref<128x64xf32, #tpu.memory_space<vmem>>, vector<1x16xf32>,
        %swap3A_875 = vector.shape_cast %swap3A_874 : vector<1x16xf32> to vector<16xf32>
        %swap3A_876 = vector.shape_cast %mul3A_871 : vector<16xf32> to vector<1x16xf32>
        tpu.vector_store %arg16[%swap3A_872, %swap3A_873], %swap3A_876 {strides = array<i32>} : memref<128x64xf32, #tpu.memory_space<vmem>>, vector<1x16xf32>,
        %broadcast_in_dim3A_877 = vector.shape_cast %add3A_16 : vector<16xi32> to vector<16x1xi32>
        %gather3A_878 = vector.shape_cast %broadcast_in_dim3A_877 : vector<16x1xi32> to vector<16xi32>
        %gather3A_879 = tpu.dynamic_gather %get3A_851[%gather3A_878] in [0] : vector<16xi32>, vector<16xi32> -> vector<16xi32>
        %shift_right_logical3A_880 = arith.shrui %gather3A_879, %mul3A_5 : vector<16xi32>
        %and3A_881 = arith.constant 255 : i32
        %and3A_882 = vector.broadcast %and3A_881 : i32 to vector<16xi32>
        %and3A_883 = arith.andi %shift_right_logical3A_880, %and3A_882 : vector<16xi32>
        %convert_element_type3A_884 = arith.sitofp %and3A_883 : vector<16xi32> to vector<16xf32>
        %sub3A_885 = arith.subf %convert_element_type3A_884, %gather3A_861 : vector<16xf32>
        %mul3A_886 = arith.mulf %sub3A_885, %gather3A_856 : vector<16xf32>
        %swap3A_887 = arith.index_cast %add3A_847 : i32 to index
        %swap3A_888 = arith.constant 16 : index
        %swap3A_889 = tpu.vector_load %arg16[%swap3A_887, %swap3A_888] {strides = array<i32>} : memref<128x64xf32, #tpu.memory_space<vmem>>, vector<1x16xf32>,
        %swap3A_890 = vector.shape_cast %swap3A_889 : vector<1x16xf32> to vector<16xf32>
        %swap3A_891 = vector.shape_cast %mul3A_886 : vector<16xf32> to vector<1x16xf32>
        tpu.vector_store %arg16[%swap3A_887, %swap3A_888], %swap3A_891 {strides = array<i32>} : memref<128x64xf32, #tpu.memory_space<vmem>>, vector<1x16xf32>,
        %broadcast_in_dim3A_892 = vector.shape_cast %add3A_22 : vector<16xi32> to vector<16x1xi32>
        %gather3A_893 = vector.shape_cast %broadcast_in_dim3A_892 : vector<16x1xi32> to vector<16xi32>
        %gather3A_894 = tpu.dynamic_gather %get3A_851[%gather3A_893] in [0] : vector<16xi32>, vector<16xi32> -> vector<16xi32>
        %shift_right_logical3A_895 = arith.shrui %gather3A_894, %mul3A_5 : vector<16xi32>
        %and3A_896 = arith.constant 255 : i32
        %and3A_897 = vector.broadcast %and3A_896 : i32 to vector<16xi32>
        %and3A_898 = arith.andi %shift_right_logical3A_895, %and3A_897 : vector<16xi32>
        %convert_element_type3A_899 = arith.sitofp %and3A_898 : vector<16xi32> to vector<16xf32>
        %sub3A_900 = arith.subf %convert_element_type3A_899, %gather3A_861 : vector<16xf32>
        %mul3A_901 = arith.mulf %sub3A_900, %gather3A_856 : vector<16xf32>
        %swap3A_902 = arith.index_cast %add3A_847 : i32 to index
        %swap3A_903 = arith.constant 32 : index
        %swap3A_904 = tpu.vector_load %arg16[%swap3A_902, %swap3A_903] {strides = array<i32>} : memref<128x64xf32, #tpu.memory_space<vmem>>, vector<1x16xf32>,
        %swap3A_905 = vector.shape_cast %swap3A_904 : vector<1x16xf32> to vector<16xf32>
        %swap3A_906 = vector.shape_cast %mul3A_901 : vector<16xf32> to vector<1x16xf32>
        tpu.vector_store %arg16[%swap3A_902, %swap3A_903], %swap3A_906 {strides = array<i32>} : memref<128x64xf32, #tpu.memory_space<vmem>>, vector<1x16xf32>,
        %broadcast_in_dim3A_907 = vector.shape_cast %add3A_28 : vector<16xi32> to vector<16x1xi32>
        %gather3A_908 = vector.shape_cast %broadcast_in_dim3A_907 : vector<16x1xi32> to vector<16xi32>
        %gather3A_909 = tpu.dynamic_gather %get3A_851[%gather3A_908] in [0] : vector<16xi32>, vector<16xi32> -> vector<16xi32>
        %shift_right_logical3A_910 = arith.shrui %gather3A_909, %mul3A_5 : vector<16xi32>
        %and3A_911 = arith.constant 255 : i32
        %and3A_912 = vector.broadcast %and3A_911 : i32 to vector<16xi32>
        %and3A_913 = arith.andi %shift_right_logical3A_910, %and3A_912 : vector<16xi32>
        %convert_element_type3A_914 = arith.sitofp %and3A_913 : vector<16xi32> to vector<16xf32>
        %sub3A_915 = arith.subf %convert_element_type3A_914, %gather3A_861 : vector<16xf32>
        %mul3A_916 = arith.mulf %sub3A_915, %gather3A_856 : vector<16xf32>
        %swap3A_917 = arith.index_cast %add3A_847 : i32 to index
        %swap3A_918 = arith.constant 48 : index
        %swap3A_919 = tpu.vector_load %arg16[%swap3A_917, %swap3A_918] {strides = array<i32>} : memref<128x64xf32, #tpu.memory_space<vmem>>, vector<1x16xf32>,
        %swap3A_920 = vector.shape_cast %swap3A_919 : vector<1x16xf32> to vector<16xf32>
        %swap3A_921 = vector.shape_cast %mul3A_916 : vector<16xf32> to vector<1x16xf32>
        tpu.vector_store %arg16[%swap3A_917, %swap3A_918], %swap3A_921 {strides = array<i32>} : memref<128x64xf32, #tpu.memory_space<vmem>>, vector<1x16xf32>,
        %mul3A_922 = arith.constant 16 : i32
        %mul3A_923 = arith.muli %scan3A_137, %mul3A_922 : i32
        %add3A_924 = arith.constant 10 : i32
        %add3A_925 = arith.addi %mul3A_923, %add3A_924 : i32
        %get3A_926 = arith.index_cast %add3A_925 : i32 to index
        %get3A_927 = arith.constant 0 : index
        %get3A_928 = tpu.vector_load %arg10[%get3A_926, %get3A_927] {strides = array<i32>} : memref<128x16xi32, #tpu.memory_space<vmem>>, vector<1x16xi32>,
        %get3A_929 = vector.shape_cast %get3A_928 : vector<1x16xi32> to vector<16xi32>
        %broadcast_in_dim3A_930 = arith.constant 10 : i32
        %broadcast_in_dim3A_931 = vector.broadcast %broadcast_in_dim3A_930 : i32 to vector<16xi32>
        %broadcast_in_dim3A_932 = vector.shape_cast %broadcast_in_dim3A_931 : vector<16xi32> to vector<16x1xi32>
        %gather3A_933 = vector.shape_cast %broadcast_in_dim3A_932 : vector<16x1xi32> to vector<16xi32>
        %gather3A_934 = tpu.dynamic_gather %get3A_141[%gather3A_933] in [0] : vector<16xf32>, vector<16xi32> -> vector<16xf32>
        %broadcast_in_dim3A_935 = arith.constant 10 : i32
        %broadcast_in_dim3A_936 = vector.broadcast %broadcast_in_dim3A_935 : i32 to vector<16xi32>
        %broadcast_in_dim3A_937 = vector.shape_cast %broadcast_in_dim3A_936 : vector<16xi32> to vector<16x1xi32>
        %gather3A_938 = vector.shape_cast %broadcast_in_dim3A_937 : vector<16x1xi32> to vector<16xi32>
        %gather3A_939 = tpu.dynamic_gather %get3A_146[%gather3A_938] in [0] : vector<16xf32>, vector<16xi32> -> vector<16xf32>
        %broadcast_in_dim3A_940 = vector.shape_cast %add3A_10 : vector<16xi32> to vector<16x1xi32>
        %gather3A_941 = vector.shape_cast %broadcast_in_dim3A_940 : vector<16x1xi32> to vector<16xi32>
        %gather3A_942 = tpu.dynamic_gather %get3A_929[%gather3A_941] in [0] : vector<16xi32>, vector<16xi32> -> vector<16xi32>
        %shift_right_logical3A_943 = arith.shrui %gather3A_942, %mul3A_5 : vector<16xi32>
        %and3A_944 = arith.constant 255 : i32
        %and3A_945 = vector.broadcast %and3A_944 : i32 to vector<16xi32>
        %and3A_946 = arith.andi %shift_right_logical3A_943, %and3A_945 : vector<16xi32>
        %convert_element_type3A_947 = arith.sitofp %and3A_946 : vector<16xi32> to vector<16xf32>
        %sub3A_948 = arith.subf %convert_element_type3A_947, %gather3A_939 : vector<16xf32>
        %mul3A_949 = arith.mulf %sub3A_948, %gather3A_934 : vector<16xf32>
        %swap3A_950 = arith.index_cast %add3A_925 : i32 to index
        %swap3A_951 = arith.constant 0 : index
        %swap3A_952 = tpu.vector_load %arg16[%swap3A_950, %swap3A_951] {strides = array<i32>} : memref<128x64xf32, #tpu.memory_space<vmem>>, vector<1x16xf32>,
        %swap3A_953 = vector.shape_cast %swap3A_952 : vector<1x16xf32> to vector<16xf32>
        %swap3A_954 = vector.shape_cast %mul3A_949 : vector<16xf32> to vector<1x16xf32>
        tpu.vector_store %arg16[%swap3A_950, %swap3A_951], %swap3A_954 {strides = array<i32>} : memref<128x64xf32, #tpu.memory_space<vmem>>, vector<1x16xf32>,
        %broadcast_in_dim3A_955 = vector.shape_cast %add3A_16 : vector<16xi32> to vector<16x1xi32>
        %gather3A_956 = vector.shape_cast %broadcast_in_dim3A_955 : vector<16x1xi32> to vector<16xi32>
        %gather3A_957 = tpu.dynamic_gather %get3A_929[%gather3A_956] in [0] : vector<16xi32>, vector<16xi32> -> vector<16xi32>
        %shift_right_logical3A_958 = arith.shrui %gather3A_957, %mul3A_5 : vector<16xi32>
        %and3A_959 = arith.constant 255 : i32
        %and3A_960 = vector.broadcast %and3A_959 : i32 to vector<16xi32>
        %and3A_961 = arith.andi %shift_right_logical3A_958, %and3A_960 : vector<16xi32>
        %convert_element_type3A_962 = arith.sitofp %and3A_961 : vector<16xi32> to vector<16xf32>
        %sub3A_963 = arith.subf %convert_element_type3A_962, %gather3A_939 : vector<16xf32>
        %mul3A_964 = arith.mulf %sub3A_963, %gather3A_934 : vector<16xf32>
        %swap3A_965 = arith.index_cast %add3A_925 : i32 to index
        %swap3A_966 = arith.constant 16 : index
        %swap3A_967 = tpu.vector_load %arg16[%swap3A_965, %swap3A_966] {strides = array<i32>} : memref<128x64xf32, #tpu.memory_space<vmem>>, vector<1x16xf32>,
        %swap3A_968 = vector.shape_cast %swap3A_967 : vector<1x16xf32> to vector<16xf32>
        %swap3A_969 = vector.shape_cast %mul3A_964 : vector<16xf32> to vector<1x16xf32>
        tpu.vector_store %arg16[%swap3A_965, %swap3A_966], %swap3A_969 {strides = array<i32>} : memref<128x64xf32, #tpu.memory_space<vmem>>, vector<1x16xf32>,
        %broadcast_in_dim3A_970 = vector.shape_cast %add3A_22 : vector<16xi32> to vector<16x1xi32>
        %gather3A_971 = vector.shape_cast %broadcast_in_dim3A_970 : vector<16x1xi32> to vector<16xi32>
        %gather3A_972 = tpu.dynamic_gather %get3A_929[%gather3A_971] in [0] : vector<16xi32>, vector<16xi32> -> vector<16xi32>
        %shift_right_logical3A_973 = arith.shrui %gather3A_972, %mul3A_5 : vector<16xi32>
        %and3A_974 = arith.constant 255 : i32
        %and3A_975 = vector.broadcast %and3A_974 : i32 to vector<16xi32>
        %and3A_976 = arith.andi %shift_right_logical3A_973, %and3A_975 : vector<16xi32>
        %convert_element_type3A_977 = arith.sitofp %and3A_976 : vector<16xi32> to vector<16xf32>
        %sub3A_978 = arith.subf %convert_element_type3A_977, %gather3A_939 : vector<16xf32>
        %mul3A_979 = arith.mulf %sub3A_978, %gather3A_934 : vector<16xf32>
        %swap3A_980 = arith.index_cast %add3A_925 : i32 to index
        %swap3A_981 = arith.constant 32 : index
        %swap3A_982 = tpu.vector_load %arg16[%swap3A_980, %swap3A_981] {strides = array<i32>} : memref<128x64xf32, #tpu.memory_space<vmem>>, vector<1x16xf32>,
        %swap3A_983 = vector.shape_cast %swap3A_982 : vector<1x16xf32> to vector<16xf32>
        %swap3A_984 = vector.shape_cast %mul3A_979 : vector<16xf32> to vector<1x16xf32>
        tpu.vector_store %arg16[%swap3A_980, %swap3A_981], %swap3A_984 {strides = array<i32>} : memref<128x64xf32, #tpu.memory_space<vmem>>, vector<1x16xf32>,
        %broadcast_in_dim3A_985 = vector.shape_cast %add3A_28 : vector<16xi32> to vector<16x1xi32>
        %gather3A_986 = vector.shape_cast %broadcast_in_dim3A_985 : vector<16x1xi32> to vector<16xi32>
        %gather3A_987 = tpu.dynamic_gather %get3A_929[%gather3A_986] in [0] : vector<16xi32>, vector<16xi32> -> vector<16xi32>
        %shift_right_logical3A_988 = arith.shrui %gather3A_987, %mul3A_5 : vector<16xi32>
        %and3A_989 = arith.constant 255 : i32
        %and3A_990 = vector.broadcast %and3A_989 : i32 to vector<16xi32>
        %and3A_991 = arith.andi %shift_right_logical3A_988, %and3A_990 : vector<16xi32>
        %convert_element_type3A_992 = arith.sitofp %and3A_991 : vector<16xi32> to vector<16xf32>
        %sub3A_993 = arith.subf %convert_element_type3A_992, %gather3A_939 : vector<16xf32>
        %mul3A_994 = arith.mulf %sub3A_993, %gather3A_934 : vector<16xf32>
        %swap3A_995 = arith.index_cast %add3A_925 : i32 to index
        %swap3A_996 = arith.constant 48 : index
        %swap3A_997 = tpu.vector_load %arg16[%swap3A_995, %swap3A_996] {strides = array<i32>} : memref<128x64xf32, #tpu.memory_space<vmem>>, vector<1x16xf32>,
        %swap3A_998 = vector.shape_cast %swap3A_997 : vector<1x16xf32> to vector<16xf32>
        %swap3A_999 = vector.shape_cast %mul3A_994 : vector<16xf32> to vector<1x16xf32>
        tpu.vector_store %arg16[%swap3A_995, %swap3A_996], %swap3A_999 {strides = array<i32>} : memref<128x64xf32, #tpu.memory_space<vmem>>, vector<1x16xf32>,
        %mul3A_1000 = arith.constant 16 : i32
        %mul3A_1001 = arith.muli %scan3A_137, %mul3A_1000 : i32
        %add3A_1002 = arith.constant 11 : i32
        %add3A_1003 = arith.addi %mul3A_1001, %add3A_1002 : i32
        %get3A_1004 = arith.index_cast %add3A_1003 : i32 to index
        %get3A_1005 = arith.constant 0 : index
        %get3A_1006 = tpu.vector_load %arg10[%get3A_1004, %get3A_1005] {strides = array<i32>} : memref<128x16xi32, #tpu.memory_space<vmem>>, vector<1x16xi32>,
        %get3A_1007 = vector.shape_cast %get3A_1006 : vector<1x16xi32> to vector<16xi32>
        %broadcast_in_dim3A_1008 = arith.constant 11 : i32
        %broadcast_in_dim3A_1009 = vector.broadcast %broadcast_in_dim3A_1008 : i32 to vector<16xi32>
        %broadcast_in_dim3A_1010 = vector.shape_cast %broadcast_in_dim3A_1009 : vector<16xi32> to vector<16x1xi32>
        %gather3A_1011 = vector.shape_cast %broadcast_in_dim3A_1010 : vector<16x1xi32> to vector<16xi32>
        %gather3A_1012 = tpu.dynamic_gather %get3A_141[%gather3A_1011] in [0] : vector<16xf32>, vector<16xi32> -> vector<16xf32>
        %broadcast_in_dim3A_1013 = arith.constant 11 : i32
        %broadcast_in_dim3A_1014 = vector.broadcast %broadcast_in_dim3A_1013 : i32 to vector<16xi32>
        %broadcast_in_dim3A_1015 = vector.shape_cast %broadcast_in_dim3A_1014 : vector<16xi32> to vector<16x1xi32>
        %gather3A_1016 = vector.shape_cast %broadcast_in_dim3A_1015 : vector<16x1xi32> to vector<16xi32>
        %gather3A_1017 = tpu.dynamic_gather %get3A_146[%gather3A_1016] in [0] : vector<16xf32>, vector<16xi32> -> vector<16xf32>
        %broadcast_in_dim3A_1018 = vector.shape_cast %add3A_10 : vector<16xi32> to vector<16x1xi32>
        %gather3A_1019 = vector.shape_cast %broadcast_in_dim3A_1018 : vector<16x1xi32> to vector<16xi32>
        %gather3A_1020 = tpu.dynamic_gather %get3A_1007[%gather3A_1019] in [0] : vector<16xi32>, vector<16xi32> -> vector<16xi32>
        %shift_right_logical3A_1021 = arith.shrui %gather3A_1020, %mul3A_5 : vector<16xi32>
        %and3A_1022 = arith.constant 255 : i32
        %and3A_1023 = vector.broadcast %and3A_1022 : i32 to vector<16xi32>
        %and3A_1024 = arith.andi %shift_right_logical3A_1021, %and3A_1023 : vector<16xi32>
        %convert_element_type3A_1025 = arith.sitofp %and3A_1024 : vector<16xi32> to vector<16xf32>
        %sub3A_1026 = arith.subf %convert_element_type3A_1025, %gather3A_1017 : vector<16xf32>
        %mul3A_1027 = arith.mulf %sub3A_1026, %gather3A_1012 : vector<16xf32>
        %swap3A_1028 = arith.index_cast %add3A_1003 : i32 to index
        %swap3A_1029 = arith.constant 0 : index
        %swap3A_1030 = tpu.vector_load %arg16[%swap3A_1028, %swap3A_1029] {strides = array<i32>} : memref<128x64xf32, #tpu.memory_space<vmem>>, vector<1x16xf32>,
        %swap3A_1031 = vector.shape_cast %swap3A_1030 : vector<1x16xf32> to vector<16xf32>
        %swap3A_1032 = vector.shape_cast %mul3A_1027 : vector<16xf32> to vector<1x16xf32>
        tpu.vector_store %arg16[%swap3A_1028, %swap3A_1029], %swap3A_1032 {strides = array<i32>} : memref<128x64xf32, #tpu.memory_space<vmem>>, vector<1x16xf32>,
        %broadcast_in_dim3A_1033 = vector.shape_cast %add3A_16 : vector<16xi32> to vector<16x1xi32>
        %gather3A_1034 = vector.shape_cast %broadcast_in_dim3A_1033 : vector<16x1xi32> to vector<16xi32>
        %gather3A_1035 = tpu.dynamic_gather %get3A_1007[%gather3A_1034] in [0] : vector<16xi32>, vector<16xi32> -> vector<16xi32>
        %shift_right_logical3A_1036 = arith.shrui %gather3A_1035, %mul3A_5 : vector<16xi32>
        %and3A_1037 = arith.constant 255 : i32
        %and3A_1038 = vector.broadcast %and3A_1037 : i32 to vector<16xi32>
        %and3A_1039 = arith.andi %shift_right_logical3A_1036, %and3A_1038 : vector<16xi32>
        %convert_element_type3A_1040 = arith.sitofp %and3A_1039 : vector<16xi32> to vector<16xf32>
        %sub3A_1041 = arith.subf %convert_element_type3A_1040, %gather3A_1017 : vector<16xf32>
        %mul3A_1042 = arith.mulf %sub3A_1041, %gather3A_1012 : vector<16xf32>
        %swap3A_1043 = arith.index_cast %add3A_1003 : i32 to index
        %swap3A_1044 = arith.constant 16 : index
        %swap3A_1045 = tpu.vector_load %arg16[%swap3A_1043, %swap3A_1044] {strides = array<i32>} : memref<128x64xf32, #tpu.memory_space<vmem>>, vector<1x16xf32>,
        %swap3A_1046 = vector.shape_cast %swap3A_1045 : vector<1x16xf32> to vector<16xf32>
        %swap3A_1047 = vector.shape_cast %mul3A_1042 : vector<16xf32> to vector<1x16xf32>
        tpu.vector_store %arg16[%swap3A_1043, %swap3A_1044], %swap3A_1047 {strides = array<i32>} : memref<128x64xf32, #tpu.memory_space<vmem>>, vector<1x16xf32>,
        %broadcast_in_dim3A_1048 = vector.shape_cast %add3A_22 : vector<16xi32> to vector<16x1xi32>
        %gather3A_1049 = vector.shape_cast %broadcast_in_dim3A_1048 : vector<16x1xi32> to vector<16xi32>
        %gather3A_1050 = tpu.dynamic_gather %get3A_1007[%gather3A_1049] in [0] : vector<16xi32>, vector<16xi32> -> vector<16xi32>
        %shift_right_logical3A_1051 = arith.shrui %gather3A_1050, %mul3A_5 : vector<16xi32>
        %and3A_1052 = arith.constant 255 : i32
        %and3A_1053 = vector.broadcast %and3A_1052 : i32 to vector<16xi32>
        %and3A_1054 = arith.andi %shift_right_logical3A_1051, %and3A_1053 : vector<16xi32>
        %convert_element_type3A_1055 = arith.sitofp %and3A_1054 : vector<16xi32> to vector<16xf32>
        %sub3A_1056 = arith.subf %convert_element_type3A_1055, %gather3A_1017 : vector<16xf32>
        %mul3A_1057 = arith.mulf %sub3A_1056, %gather3A_1012 : vector<16xf32>
        %swap3A_1058 = arith.index_cast %add3A_1003 : i32 to index
        %swap3A_1059 = arith.constant 32 : index
        %swap3A_1060 = tpu.vector_load %arg16[%swap3A_1058, %swap3A_1059] {strides = array<i32>} : memref<128x64xf32, #tpu.memory_space<vmem>>, vector<1x16xf32>,
        %swap3A_1061 = vector.shape_cast %swap3A_1060 : vector<1x16xf32> to vector<16xf32>
        %swap3A_1062 = vector.shape_cast %mul3A_1057 : vector<16xf32> to vector<1x16xf32>
        tpu.vector_store %arg16[%swap3A_1058, %swap3A_1059], %swap3A_1062 {strides = array<i32>} : memref<128x64xf32, #tpu.memory_space<vmem>>, vector<1x16xf32>,
        %broadcast_in_dim3A_1063 = vector.shape_cast %add3A_28 : vector<16xi32> to vector<16x1xi32>
        %gather3A_1064 = vector.shape_cast %broadcast_in_dim3A_1063 : vector<16x1xi32> to vector<16xi32>
        %gather3A_1065 = tpu.dynamic_gather %get3A_1007[%gather3A_1064] in [0] : vector<16xi32>, vector<16xi32> -> vector<16xi32>
        %shift_right_logical3A_1066 = arith.shrui %gather3A_1065, %mul3A_5 : vector<16xi32>
        %and3A_1067 = arith.constant 255 : i32
        %and3A_1068 = vector.broadcast %and3A_1067 : i32 to vector<16xi32>
        %and3A_1069 = arith.andi %shift_right_logical3A_1066, %and3A_1068 : vector<16xi32>
        %convert_element_type3A_1070 = arith.sitofp %and3A_1069 : vector<16xi32> to vector<16xf32>
        %sub3A_1071 = arith.subf %convert_element_type3A_1070, %gather3A_1017 : vector<16xf32>
        %mul3A_1072 = arith.mulf %sub3A_1071, %gather3A_1012 : vector<16xf32>
        %swap3A_1073 = arith.index_cast %add3A_1003 : i32 to index
        %swap3A_1074 = arith.constant 48 : index
        %swap3A_1075 = tpu.vector_load %arg16[%swap3A_1073, %swap3A_1074] {strides = array<i32>} : memref<128x64xf32, #tpu.memory_space<vmem>>, vector<1x16xf32>,
        %swap3A_1076 = vector.shape_cast %swap3A_1075 : vector<1x16xf32> to vector<16xf32>
        %swap3A_1077 = vector.shape_cast %mul3A_1072 : vector<16xf32> to vector<1x16xf32>
        tpu.vector_store %arg16[%swap3A_1073, %swap3A_1074], %swap3A_1077 {strides = array<i32>} : memref<128x64xf32, #tpu.memory_space<vmem>>, vector<1x16xf32>,
        %mul3A_1078 = arith.constant 16 : i32
        %mul3A_1079 = arith.muli %scan3A_137, %mul3A_1078 : i32
        %add3A_1080 = arith.constant 12 : i32
        %add3A_1081 = arith.addi %mul3A_1079, %add3A_1080 : i32
        %get3A_1082 = arith.index_cast %add3A_1081 : i32 to index
        %get3A_1083 = arith.constant 0 : index
        %get3A_1084 = tpu.vector_load %arg10[%get3A_1082, %get3A_1083] {strides = array<i32>} : memref<128x16xi32, #tpu.memory_space<vmem>>, vector<1x16xi32>,
        %get3A_1085 = vector.shape_cast %get3A_1084 : vector<1x16xi32> to vector<16xi32>
        %broadcast_in_dim3A_1086 = arith.constant 12 : i32
        %broadcast_in_dim3A_1087 = vector.broadcast %broadcast_in_dim3A_1086 : i32 to vector<16xi32>
        %broadcast_in_dim3A_1088 = vector.shape_cast %broadcast_in_dim3A_1087 : vector<16xi32> to vector<16x1xi32>
        %gather3A_1089 = vector.shape_cast %broadcast_in_dim3A_1088 : vector<16x1xi32> to vector<16xi32>
        %gather3A_1090 = tpu.dynamic_gather %get3A_141[%gather3A_1089] in [0] : vector<16xf32>, vector<16xi32> -> vector<16xf32>
        %broadcast_in_dim3A_1091 = arith.constant 12 : i32
        %broadcast_in_dim3A_1092 = vector.broadcast %broadcast_in_dim3A_1091 : i32 to vector<16xi32>
        %broadcast_in_dim3A_1093 = vector.shape_cast %broadcast_in_dim3A_1092 : vector<16xi32> to vector<16x1xi32>
        %gather3A_1094 = vector.shape_cast %broadcast_in_dim3A_1093 : vector<16x1xi32> to vector<16xi32>
        %gather3A_1095 = tpu.dynamic_gather %get3A_146[%gather3A_1094] in [0] : vector<16xf32>, vector<16xi32> -> vector<16xf32>
        %broadcast_in_dim3A_1096 = vector.shape_cast %add3A_10 : vector<16xi32> to vector<16x1xi32>
        %gather3A_1097 = vector.shape_cast %broadcast_in_dim3A_1096 : vector<16x1xi32> to vector<16xi32>
        %gather3A_1098 = tpu.dynamic_gather %get3A_1085[%gather3A_1097] in [0] : vector<16xi32>, vector<16xi32> -> vector<16xi32>
        %shift_right_logical3A_1099 = arith.shrui %gather3A_1098, %mul3A_5 : vector<16xi32>
        %and3A_1100 = arith.constant 255 : i32
        %and3A_1101 = vector.broadcast %and3A_1100 : i32 to vector<16xi32>
        %and3A_1102 = arith.andi %shift_right_logical3A_1099, %and3A_1101 : vector<16xi32>
        %convert_element_type3A_1103 = arith.sitofp %and3A_1102 : vector<16xi32> to vector<16xf32>
        %sub3A_1104 = arith.subf %convert_element_type3A_1103, %gather3A_1095 : vector<16xf32>
        %mul3A_1105 = arith.mulf %sub3A_1104, %gather3A_1090 : vector<16xf32>
        %swap3A_1106 = arith.index_cast %add3A_1081 : i32 to index
        %swap3A_1107 = arith.constant 0 : index
        %swap3A_1108 = tpu.vector_load %arg16[%swap3A_1106, %swap3A_1107] {strides = array<i32>} : memref<128x64xf32, #tpu.memory_space<vmem>>, vector<1x16xf32>,
        %swap3A_1109 = vector.shape_cast %swap3A_1108 : vector<1x16xf32> to vector<16xf32>
        %swap3A_1110 = vector.shape_cast %mul3A_1105 : vector<16xf32> to vector<1x16xf32>
        tpu.vector_store %arg16[%swap3A_1106, %swap3A_1107], %swap3A_1110 {strides = array<i32>} : memref<128x64xf32, #tpu.memory_space<vmem>>, vector<1x16xf32>,
        %broadcast_in_dim3A_1111 = vector.shape_cast %add3A_16 : vector<16xi32> to vector<16x1xi32>
        %gather3A_1112 = vector.shape_cast %broadcast_in_dim3A_1111 : vector<16x1xi32> to vector<16xi32>
        %gather3A_1113 = tpu.dynamic_gather %get3A_1085[%gather3A_1112] in [0] : vector<16xi32>, vector<16xi32> -> vector<16xi32>
        %shift_right_logical3A_1114 = arith.shrui %gather3A_1113, %mul3A_5 : vector<16xi32>
        %and3A_1115 = arith.constant 255 : i32
        %and3A_1116 = vector.broadcast %and3A_1115 : i32 to vector<16xi32>
        %and3A_1117 = arith.andi %shift_right_logical3A_1114, %and3A_1116 : vector<16xi32>
        %convert_element_type3A_1118 = arith.sitofp %and3A_1117 : vector<16xi32> to vector<16xf32>
        %sub3A_1119 = arith.subf %convert_element_type3A_1118, %gather3A_1095 : vector<16xf32>
        %mul3A_1120 = arith.mulf %sub3A_1119, %gather3A_1090 : vector<16xf32>
        %swap3A_1121 = arith.index_cast %add3A_1081 : i32 to index
        %swap3A_1122 = arith.constant 16 : index
        %swap3A_1123 = tpu.vector_load %arg16[%swap3A_1121, %swap3A_1122] {strides = array<i32>} : memref<128x64xf32, #tpu.memory_space<vmem>>, vector<1x16xf32>,
        %swap3A_1124 = vector.shape_cast %swap3A_1123 : vector<1x16xf32> to vector<16xf32>
        %swap3A_1125 = vector.shape_cast %mul3A_1120 : vector<16xf32> to vector<1x16xf32>
        tpu.vector_store %arg16[%swap3A_1121, %swap3A_1122], %swap3A_1125 {strides = array<i32>} : memref<128x64xf32, #tpu.memory_space<vmem>>, vector<1x16xf32>,
        %broadcast_in_dim3A_1126 = vector.shape_cast %add3A_22 : vector<16xi32> to vector<16x1xi32>
        %gather3A_1127 = vector.shape_cast %broadcast_in_dim3A_1126 : vector<16x1xi32> to vector<16xi32>
        %gather3A_1128 = tpu.dynamic_gather %get3A_1085[%gather3A_1127] in [0] : vector<16xi32>, vector<16xi32> -> vector<16xi32>
        %shift_right_logical3A_1129 = arith.shrui %gather3A_1128, %mul3A_5 : vector<16xi32>
        %and3A_1130 = arith.constant 255 : i32
        %and3A_1131 = vector.broadcast %and3A_1130 : i32 to vector<16xi32>
        %and3A_1132 = arith.andi %shift_right_logical3A_1129, %and3A_1131 : vector<16xi32>
        %convert_element_type3A_1133 = arith.sitofp %and3A_1132 : vector<16xi32> to vector<16xf32>
        %sub3A_1134 = arith.subf %convert_element_type3A_1133, %gather3A_1095 : vector<16xf32>
        %mul3A_1135 = arith.mulf %sub3A_1134, %gather3A_1090 : vector<16xf32>
        %swap3A_1136 = arith.index_cast %add3A_1081 : i32 to index
        %swap3A_1137 = arith.constant 32 : index
        %swap3A_1138 = tpu.vector_load %arg16[%swap3A_1136, %swap3A_1137] {strides = array<i32>} : memref<128x64xf32, #tpu.memory_space<vmem>>, vector<1x16xf32>,
        %swap3A_1139 = vector.shape_cast %swap3A_1138 : vector<1x16xf32> to vector<16xf32>
        %swap3A_1140 = vector.shape_cast %mul3A_1135 : vector<16xf32> to vector<1x16xf32>
        tpu.vector_store %arg16[%swap3A_1136, %swap3A_1137], %swap3A_1140 {strides = array<i32>} : memref<128x64xf32, #tpu.memory_space<vmem>>, vector<1x16xf32>,
        %broadcast_in_dim3A_1141 = vector.shape_cast %add3A_28 : vector<16xi32> to vector<16x1xi32>
        %gather3A_1142 = vector.shape_cast %broadcast_in_dim3A_1141 : vector<16x1xi32> to vector<16xi32>
        %gather3A_1143 = tpu.dynamic_gather %get3A_1085[%gather3A_1142] in [0] : vector<16xi32>, vector<16xi32> -> vector<16xi32>
        %shift_right_logical3A_1144 = arith.shrui %gather3A_1143, %mul3A_5 : vector<16xi32>
        %and3A_1145 = arith.constant 255 : i32
        %and3A_1146 = vector.broadcast %and3A_1145 : i32 to vector<16xi32>
        %and3A_1147 = arith.andi %shift_right_logical3A_1144, %and3A_1146 : vector<16xi32>
        %convert_element_type3A_1148 = arith.sitofp %and3A_1147 : vector<16xi32> to vector<16xf32>
        %sub3A_1149 = arith.subf %convert_element_type3A_1148, %gather3A_1095 : vector<16xf32>
        %mul3A_1150 = arith.mulf %sub3A_1149, %gather3A_1090 : vector<16xf32>
        %swap3A_1151 = arith.index_cast %add3A_1081 : i32 to index
        %swap3A_1152 = arith.constant 48 : index
        %swap3A_1153 = tpu.vector_load %arg16[%swap3A_1151, %swap3A_1152] {strides = array<i32>} : memref<128x64xf32, #tpu.memory_space<vmem>>, vector<1x16xf32>,
        %swap3A_1154 = vector.shape_cast %swap3A_1153 : vector<1x16xf32> to vector<16xf32>
        %swap3A_1155 = vector.shape_cast %mul3A_1150 : vector<16xf32> to vector<1x16xf32>
        tpu.vector_store %arg16[%swap3A_1151, %swap3A_1152], %swap3A_1155 {strides = array<i32>} : memref<128x64xf32, #tpu.memory_space<vmem>>, vector<1x16xf32>,
        %mul3A_1156 = arith.constant 16 : i32
        %mul3A_1157 = arith.muli %scan3A_137, %mul3A_1156 : i32
        %add3A_1158 = arith.constant 13 : i32
        %add3A_1159 = arith.addi %mul3A_1157, %add3A_1158 : i32
        %get3A_1160 = arith.index_cast %add3A_1159 : i32 to index
        %get3A_1161 = arith.constant 0 : index
        %get3A_1162 = tpu.vector_load %arg10[%get3A_1160, %get3A_1161] {strides = array<i32>} : memref<128x16xi32, #tpu.memory_space<vmem>>, vector<1x16xi32>,
        %get3A_1163 = vector.shape_cast %get3A_1162 : vector<1x16xi32> to vector<16xi32>
        %broadcast_in_dim3A_1164 = arith.constant 13 : i32
        %broadcast_in_dim3A_1165 = vector.broadcast %broadcast_in_dim3A_1164 : i32 to vector<16xi32>
        %broadcast_in_dim3A_1166 = vector.shape_cast %broadcast_in_dim3A_1165 : vector<16xi32> to vector<16x1xi32>
        %gather3A_1167 = vector.shape_cast %broadcast_in_dim3A_1166 : vector<16x1xi32> to vector<16xi32>
        %gather3A_1168 = tpu.dynamic_gather %get3A_141[%gather3A_1167] in [0] : vector<16xf32>, vector<16xi32> -> vector<16xf32>
        %broadcast_in_dim3A_1169 = arith.constant 13 : i32
        %broadcast_in_dim3A_1170 = vector.broadcast %broadcast_in_dim3A_1169 : i32 to vector<16xi32>
        %broadcast_in_dim3A_1171 = vector.shape_cast %broadcast_in_dim3A_1170 : vector<16xi32> to vector<16x1xi32>
        %gather3A_1172 = vector.shape_cast %broadcast_in_dim3A_1171 : vector<16x1xi32> to vector<16xi32>
        %gather3A_1173 = tpu.dynamic_gather %get3A_146[%gather3A_1172] in [0] : vector<16xf32>, vector<16xi32> -> vector<16xf32>
        %broadcast_in_dim3A_1174 = vector.shape_cast %add3A_10 : vector<16xi32> to vector<16x1xi32>
        %gather3A_1175 = vector.shape_cast %broadcast_in_dim3A_1174 : vector<16x1xi32> to vector<16xi32>
        %gather3A_1176 = tpu.dynamic_gather %get3A_1163[%gather3A_1175] in [0] : vector<16xi32>, vector<16xi32> -> vector<16xi32>
        %shift_right_logical3A_1177 = arith.shrui %gather3A_1176, %mul3A_5 : vector<16xi32>
        %and3A_1178 = arith.constant 255 : i32
        %and3A_1179 = vector.broadcast %and3A_1178 : i32 to vector<16xi32>
        %and3A_1180 = arith.andi %shift_right_logical3A_1177, %and3A_1179 : vector<16xi32>
        %convert_element_type3A_1181 = arith.sitofp %and3A_1180 : vector<16xi32> to vector<16xf32>
        %sub3A_1182 = arith.subf %convert_element_type3A_1181, %gather3A_1173 : vector<16xf32>
        %mul3A_1183 = arith.mulf %sub3A_1182, %gather3A_1168 : vector<16xf32>
        %swap3A_1184 = arith.index_cast %add3A_1159 : i32 to index
        %swap3A_1185 = arith.constant 0 : index
        %swap3A_1186 = tpu.vector_load %arg16[%swap3A_1184, %swap3A_1185] {strides = array<i32>} : memref<128x64xf32, #tpu.memory_space<vmem>>, vector<1x16xf32>,
        %swap3A_1187 = vector.shape_cast %swap3A_1186 : vector<1x16xf32> to vector<16xf32>
        %swap3A_1188 = vector.shape_cast %mul3A_1183 : vector<16xf32> to vector<1x16xf32>
        tpu.vector_store %arg16[%swap3A_1184, %swap3A_1185], %swap3A_1188 {strides = array<i32>} : memref<128x64xf32, #tpu.memory_space<vmem>>, vector<1x16xf32>,
        %broadcast_in_dim3A_1189 = vector.shape_cast %add3A_16 : vector<16xi32> to vector<16x1xi32>
        %gather3A_1190 = vector.shape_cast %broadcast_in_dim3A_1189 : vector<16x1xi32> to vector<16xi32>
        %gather3A_1191 = tpu.dynamic_gather %get3A_1163[%gather3A_1190] in [0] : vector<16xi32>, vector<16xi32> -> vector<16xi32>
        %shift_right_logical3A_1192 = arith.shrui %gather3A_1191, %mul3A_5 : vector<16xi32>
        %and3A_1193 = arith.constant 255 : i32
        %and3A_1194 = vector.broadcast %and3A_1193 : i32 to vector<16xi32>
        %and3A_1195 = arith.andi %shift_right_logical3A_1192, %and3A_1194 : vector<16xi32>
        %convert_element_type3A_1196 = arith.sitofp %and3A_1195 : vector<16xi32> to vector<16xf32>
        %sub3A_1197 = arith.subf %convert_element_type3A_1196, %gather3A_1173 : vector<16xf32>
        %mul3A_1198 = arith.mulf %sub3A_1197, %gather3A_1168 : vector<16xf32>
        %swap3A_1199 = arith.index_cast %add3A_1159 : i32 to index
        %swap3A_1200 = arith.constant 16 : index
        %swap3A_1201 = tpu.vector_load %arg16[%swap3A_1199, %swap3A_1200] {strides = array<i32>} : memref<128x64xf32, #tpu.memory_space<vmem>>, vector<1x16xf32>,
        %swap3A_1202 = vector.shape_cast %swap3A_1201 : vector<1x16xf32> to vector<16xf32>
        %swap3A_1203 = vector.shape_cast %mul3A_1198 : vector<16xf32> to vector<1x16xf32>
        tpu.vector_store %arg16[%swap3A_1199, %swap3A_1200], %swap3A_1203 {strides = array<i32>} : memref<128x64xf32, #tpu.memory_space<vmem>>, vector<1x16xf32>,
        %broadcast_in_dim3A_1204 = vector.shape_cast %add3A_22 : vector<16xi32> to vector<16x1xi32>
        %gather3A_1205 = vector.shape_cast %broadcast_in_dim3A_1204 : vector<16x1xi32> to vector<16xi32>
        %gather3A_1206 = tpu.dynamic_gather %get3A_1163[%gather3A_1205] in [0] : vector<16xi32>, vector<16xi32> -> vector<16xi32>
        %shift_right_logical3A_1207 = arith.shrui %gather3A_1206, %mul3A_5 : vector<16xi32>
        %and3A_1208 = arith.constant 255 : i32
        %and3A_1209 = vector.broadcast %and3A_1208 : i32 to vector<16xi32>
        %and3A_1210 = arith.andi %shift_right_logical3A_1207, %and3A_1209 : vector<16xi32>
        %convert_element_type3A_1211 = arith.sitofp %and3A_1210 : vector<16xi32> to vector<16xf32>
        %sub3A_1212 = arith.subf %convert_element_type3A_1211, %gather3A_1173 : vector<16xf32>
        %mul3A_1213 = arith.mulf %sub3A_1212, %gather3A_1168 : vector<16xf32>
        %swap3A_1214 = arith.index_cast %add3A_1159 : i32 to index
        %swap3A_1215 = arith.constant 32 : index
        %swap3A_1216 = tpu.vector_load %arg16[%swap3A_1214, %swap3A_1215] {strides = array<i32>} : memref<128x64xf32, #tpu.memory_space<vmem>>, vector<1x16xf32>,
        %swap3A_1217 = vector.shape_cast %swap3A_1216 : vector<1x16xf32> to vector<16xf32>
        %swap3A_1218 = vector.shape_cast %mul3A_1213 : vector<16xf32> to vector<1x16xf32>
        tpu.vector_store %arg16[%swap3A_1214, %swap3A_1215], %swap3A_1218 {strides = array<i32>} : memref<128x64xf32, #tpu.memory_space<vmem>>, vector<1x16xf32>,
        %broadcast_in_dim3A_1219 = vector.shape_cast %add3A_28 : vector<16xi32> to vector<16x1xi32>
        %gather3A_1220 = vector.shape_cast %broadcast_in_dim3A_1219 : vector<16x1xi32> to vector<16xi32>
        %gather3A_1221 = tpu.dynamic_gather %get3A_1163[%gather3A_1220] in [0] : vector<16xi32>, vector<16xi32> -> vector<16xi32>
        %shift_right_logical3A_1222 = arith.shrui %gather3A_1221, %mul3A_5 : vector<16xi32>
        %and3A_1223 = arith.constant 255 : i32
        %and3A_1224 = vector.broadcast %and3A_1223 : i32 to vector<16xi32>
        %and3A_1225 = arith.andi %shift_right_logical3A_1222, %and3A_1224 : vector<16xi32>
        %convert_element_type3A_1226 = arith.sitofp %and3A_1225 : vector<16xi32> to vector<16xf32>
        %sub3A_1227 = arith.subf %convert_element_type3A_1226, %gather3A_1173 : vector<16xf32>
        %mul3A_1228 = arith.mulf %sub3A_1227, %gather3A_1168 : vector<16xf32>
        %swap3A_1229 = arith.index_cast %add3A_1159 : i32 to index
        %swap3A_1230 = arith.constant 48 : index
        %swap3A_1231 = tpu.vector_load %arg16[%swap3A_1229, %swap3A_1230] {strides = array<i32>} : memref<128x64xf32, #tpu.memory_space<vmem>>, vector<1x16xf32>,
        %swap3A_1232 = vector.shape_cast %swap3A_1231 : vector<1x16xf32> to vector<16xf32>
        %swap3A_1233 = vector.shape_cast %mul3A_1228 : vector<16xf32> to vector<1x16xf32>
        tpu.vector_store %arg16[%swap3A_1229, %swap3A_1230], %swap3A_1233 {strides = array<i32>} : memref<128x64xf32, #tpu.memory_space<vmem>>, vector<1x16xf32>,
        %mul3A_1234 = arith.constant 16 : i32
        %mul3A_1235 = arith.muli %scan3A_137, %mul3A_1234 : i32
        %add3A_1236 = arith.constant 14 : i32
        %add3A_1237 = arith.addi %mul3A_1235, %add3A_1236 : i32
        %get3A_1238 = arith.index_cast %add3A_1237 : i32 to index
        %get3A_1239 = arith.constant 0 : index
        %get3A_1240 = tpu.vector_load %arg10[%get3A_1238, %get3A_1239] {strides = array<i32>} : memref<128x16xi32, #tpu.memory_space<vmem>>, vector<1x16xi32>,
        %get3A_1241 = vector.shape_cast %get3A_1240 : vector<1x16xi32> to vector<16xi32>
        %broadcast_in_dim3A_1242 = arith.constant 14 : i32
        %broadcast_in_dim3A_1243 = vector.broadcast %broadcast_in_dim3A_1242 : i32 to vector<16xi32>
        %broadcast_in_dim3A_1244 = vector.shape_cast %broadcast_in_dim3A_1243 : vector<16xi32> to vector<16x1xi32>
        %gather3A_1245 = vector.shape_cast %broadcast_in_dim3A_1244 : vector<16x1xi32> to vector<16xi32>
        %gather3A_1246 = tpu.dynamic_gather %get3A_141[%gather3A_1245] in [0] : vector<16xf32>, vector<16xi32> -> vector<16xf32>
        %broadcast_in_dim3A_1247 = arith.constant 14 : i32
        %broadcast_in_dim3A_1248 = vector.broadcast %broadcast_in_dim3A_1247 : i32 to vector<16xi32>
        %broadcast_in_dim3A_1249 = vector.shape_cast %broadcast_in_dim3A_1248 : vector<16xi32> to vector<16x1xi32>
        %gather3A_1250 = vector.shape_cast %broadcast_in_dim3A_1249 : vector<16x1xi32> to vector<16xi32>
        %gather3A_1251 = tpu.dynamic_gather %get3A_146[%gather3A_1250] in [0] : vector<16xf32>, vector<16xi32> -> vector<16xf32>
        %broadcast_in_dim3A_1252 = vector.shape_cast %add3A_10 : vector<16xi32> to vector<16x1xi32>
        %gather3A_1253 = vector.shape_cast %broadcast_in_dim3A_1252 : vector<16x1xi32> to vector<16xi32>
        %gather3A_1254 = tpu.dynamic_gather %get3A_1241[%gather3A_1253] in [0] : vector<16xi32>, vector<16xi32> -> vector<16xi32>
        %shift_right_logical3A_1255 = arith.shrui %gather3A_1254, %mul3A_5 : vector<16xi32>
        %and3A_1256 = arith.constant 255 : i32
        %and3A_1257 = vector.broadcast %and3A_1256 : i32 to vector<16xi32>
        %and3A_1258 = arith.andi %shift_right_logical3A_1255, %and3A_1257 : vector<16xi32>
        %convert_element_type3A_1259 = arith.sitofp %and3A_1258 : vector<16xi32> to vector<16xf32>
        %sub3A_1260 = arith.subf %convert_element_type3A_1259, %gather3A_1251 : vector<16xf32>
        %mul3A_1261 = arith.mulf %sub3A_1260, %gather3A_1246 : vector<16xf32>
        %swap3A_1262 = arith.index_cast %add3A_1237 : i32 to index
        %swap3A_1263 = arith.constant 0 : index
        %swap3A_1264 = tpu.vector_load %arg16[%swap3A_1262, %swap3A_1263] {strides = array<i32>} : memref<128x64xf32, #tpu.memory_space<vmem>>, vector<1x16xf32>,
        %swap3A_1265 = vector.shape_cast %swap3A_1264 : vector<1x16xf32> to vector<16xf32>
        %swap3A_1266 = vector.shape_cast %mul3A_1261 : vector<16xf32> to vector<1x16xf32>
        tpu.vector_store %arg16[%swap3A_1262, %swap3A_1263], %swap3A_1266 {strides = array<i32>} : memref<128x64xf32, #tpu.memory_space<vmem>>, vector<1x16xf32>,
        %broadcast_in_dim3A_1267 = vector.shape_cast %add3A_16 : vector<16xi32> to vector<16x1xi32>
        %gather3A_1268 = vector.shape_cast %broadcast_in_dim3A_1267 : vector<16x1xi32> to vector<16xi32>
        %gather3A_1269 = tpu.dynamic_gather %get3A_1241[%gather3A_1268] in [0] : vector<16xi32>, vector<16xi32> -> vector<16xi32>
        %shift_right_logical3A_1270 = arith.shrui %gather3A_1269, %mul3A_5 : vector<16xi32>
        %and3A_1271 = arith.constant 255 : i32
        %and3A_1272 = vector.broadcast %and3A_1271 : i32 to vector<16xi32>
        %and3A_1273 = arith.andi %shift_right_logical3A_1270, %and3A_1272 : vector<16xi32>
        %convert_element_type3A_1274 = arith.sitofp %and3A_1273 : vector<16xi32> to vector<16xf32>
        %sub3A_1275 = arith.subf %convert_element_type3A_1274, %gather3A_1251 : vector<16xf32>
        %mul3A_1276 = arith.mulf %sub3A_1275, %gather3A_1246 : vector<16xf32>
        %swap3A_1277 = arith.index_cast %add3A_1237 : i32 to index
        %swap3A_1278 = arith.constant 16 : index
        %swap3A_1279 = tpu.vector_load %arg16[%swap3A_1277, %swap3A_1278] {strides = array<i32>} : memref<128x64xf32, #tpu.memory_space<vmem>>, vector<1x16xf32>,
        %swap3A_1280 = vector.shape_cast %swap3A_1279 : vector<1x16xf32> to vector<16xf32>
        %swap3A_1281 = vector.shape_cast %mul3A_1276 : vector<16xf32> to vector<1x16xf32>
        tpu.vector_store %arg16[%swap3A_1277, %swap3A_1278], %swap3A_1281 {strides = array<i32>} : memref<128x64xf32, #tpu.memory_space<vmem>>, vector<1x16xf32>,
        %broadcast_in_dim3A_1282 = vector.shape_cast %add3A_22 : vector<16xi32> to vector<16x1xi32>
        %gather3A_1283 = vector.shape_cast %broadcast_in_dim3A_1282 : vector<16x1xi32> to vector<16xi32>
        %gather3A_1284 = tpu.dynamic_gather %get3A_1241[%gather3A_1283] in [0] : vector<16xi32>, vector<16xi32> -> vector<16xi32>
        %shift_right_logical3A_1285 = arith.shrui %gather3A_1284, %mul3A_5 : vector<16xi32>
        %and3A_1286 = arith.constant 255 : i32
        %and3A_1287 = vector.broadcast %and3A_1286 : i32 to vector<16xi32>
        %and3A_1288 = arith.andi %shift_right_logical3A_1285, %and3A_1287 : vector<16xi32>
        %convert_element_type3A_1289 = arith.sitofp %and3A_1288 : vector<16xi32> to vector<16xf32>
        %sub3A_1290 = arith.subf %convert_element_type3A_1289, %gather3A_1251 : vector<16xf32>
        %mul3A_1291 = arith.mulf %sub3A_1290, %gather3A_1246 : vector<16xf32>
        %swap3A_1292 = arith.index_cast %add3A_1237 : i32 to index
        %swap3A_1293 = arith.constant 32 : index
        %swap3A_1294 = tpu.vector_load %arg16[%swap3A_1292, %swap3A_1293] {strides = array<i32>} : memref<128x64xf32, #tpu.memory_space<vmem>>, vector<1x16xf32>,
        %swap3A_1295 = vector.shape_cast %swap3A_1294 : vector<1x16xf32> to vector<16xf32>
        %swap3A_1296 = vector.shape_cast %mul3A_1291 : vector<16xf32> to vector<1x16xf32>
        tpu.vector_store %arg16[%swap3A_1292, %swap3A_1293], %swap3A_1296 {strides = array<i32>} : memref<128x64xf32, #tpu.memory_space<vmem>>, vector<1x16xf32>,
        %broadcast_in_dim3A_1297 = vector.shape_cast %add3A_28 : vector<16xi32> to vector<16x1xi32>
        %gather3A_1298 = vector.shape_cast %broadcast_in_dim3A_1297 : vector<16x1xi32> to vector<16xi32>
        %gather3A_1299 = tpu.dynamic_gather %get3A_1241[%gather3A_1298] in [0] : vector<16xi32>, vector<16xi32> -> vector<16xi32>
        %shift_right_logical3A_1300 = arith.shrui %gather3A_1299, %mul3A_5 : vector<16xi32>
        %and3A_1301 = arith.constant 255 : i32
        %and3A_1302 = vector.broadcast %and3A_1301 : i32 to vector<16xi32>
        %and3A_1303 = arith.andi %shift_right_logical3A_1300, %and3A_1302 : vector<16xi32>
        %convert_element_type3A_1304 = arith.sitofp %and3A_1303 : vector<16xi32> to vector<16xf32>
        %sub3A_1305 = arith.subf %convert_element_type3A_1304, %gather3A_1251 : vector<16xf32>
        %mul3A_1306 = arith.mulf %sub3A_1305, %gather3A_1246 : vector<16xf32>
        %swap3A_1307 = arith.index_cast %add3A_1237 : i32 to index
        %swap3A_1308 = arith.constant 48 : index
        %swap3A_1309 = tpu.vector_load %arg16[%swap3A_1307, %swap3A_1308] {strides = array<i32>} : memref<128x64xf32, #tpu.memory_space<vmem>>, vector<1x16xf32>,
        %swap3A_1310 = vector.shape_cast %swap3A_1309 : vector<1x16xf32> to vector<16xf32>
        %swap3A_1311 = vector.shape_cast %mul3A_1306 : vector<16xf32> to vector<1x16xf32>
        tpu.vector_store %arg16[%swap3A_1307, %swap3A_1308], %swap3A_1311 {strides = array<i32>} : memref<128x64xf32, #tpu.memory_space<vmem>>, vector<1x16xf32>,
        %mul3A_1312 = arith.constant 16 : i32
        %mul3A_1313 = arith.muli %scan3A_137, %mul3A_1312 : i32
        %add3A_1314 = arith.constant 15 : i32
        %add3A_1315 = arith.addi %mul3A_1313, %add3A_1314 : i32
        %get3A_1316 = arith.index_cast %add3A_1315 : i32 to index
        %get3A_1317 = arith.constant 0 : index
        %get3A_1318 = tpu.vector_load %arg10[%get3A_1316, %get3A_1317] {strides = array<i32>} : memref<128x16xi32, #tpu.memory_space<vmem>>, vector<1x16xi32>,
        %get3A_1319 = vector.shape_cast %get3A_1318 : vector<1x16xi32> to vector<16xi32>
        %broadcast_in_dim3A_1320 = arith.constant 15 : i32
        %broadcast_in_dim3A_1321 = vector.broadcast %broadcast_in_dim3A_1320 : i32 to vector<16xi32>
        %broadcast_in_dim3A_1322 = vector.shape_cast %broadcast_in_dim3A_1321 : vector<16xi32> to vector<16x1xi32>
        %gather3A_1323 = vector.shape_cast %broadcast_in_dim3A_1322 : vector<16x1xi32> to vector<16xi32>
        %gather3A_1324 = tpu.dynamic_gather %get3A_141[%gather3A_1323] in [0] : vector<16xf32>, vector<16xi32> -> vector<16xf32>
        %broadcast_in_dim3A_1325 = arith.constant 15 : i32
        %broadcast_in_dim3A_1326 = vector.broadcast %broadcast_in_dim3A_1325 : i32 to vector<16xi32>
        %broadcast_in_dim3A_1327 = vector.shape_cast %broadcast_in_dim3A_1326 : vector<16xi32> to vector<16x1xi32>
        %gather3A_1328 = vector.shape_cast %broadcast_in_dim3A_1327 : vector<16x1xi32> to vector<16xi32>
        %gather3A_1329 = tpu.dynamic_gather %get3A_146[%gather3A_1328] in [0] : vector<16xf32>, vector<16xi32> -> vector<16xf32>
        %broadcast_in_dim3A_1330 = vector.shape_cast %add3A_10 : vector<16xi32> to vector<16x1xi32>
        %gather3A_1331 = vector.shape_cast %broadcast_in_dim3A_1330 : vector<16x1xi32> to vector<16xi32>
        %gather3A_1332 = tpu.dynamic_gather %get3A_1319[%gather3A_1331] in [0] : vector<16xi32>, vector<16xi32> -> vector<16xi32>
        %shift_right_logical3A_1333 = arith.shrui %gather3A_1332, %mul3A_5 : vector<16xi32>
        %and3A_1334 = arith.constant 255 : i32
        %and3A_1335 = vector.broadcast %and3A_1334 : i32 to vector<16xi32>
        %and3A_1336 = arith.andi %shift_right_logical3A_1333, %and3A_1335 : vector<16xi32>
        %convert_element_type3A_1337 = arith.sitofp %and3A_1336 : vector<16xi32> to vector<16xf32>
        %sub3A_1338 = arith.subf %convert_element_type3A_1337, %gather3A_1329 : vector<16xf32>
        %mul3A_1339 = arith.mulf %sub3A_1338, %gather3A_1324 : vector<16xf32>
        %swap3A_1340 = arith.index_cast %add3A_1315 : i32 to index
        %swap3A_1341 = arith.constant 0 : index
        %swap3A_1342 = tpu.vector_load %arg16[%swap3A_1340, %swap3A_1341] {strides = array<i32>} : memref<128x64xf32, #tpu.memory_space<vmem>>, vector<1x16xf32>,
        %swap3A_1343 = vector.shape_cast %swap3A_1342 : vector<1x16xf32> to vector<16xf32>
        %swap3A_1344 = vector.shape_cast %mul3A_1339 : vector<16xf32> to vector<1x16xf32>
        tpu.vector_store %arg16[%swap3A_1340, %swap3A_1341], %swap3A_1344 {strides = array<i32>} : memref<128x64xf32, #tpu.memory_space<vmem>>, vector<1x16xf32>,
        %broadcast_in_dim3A_1345 = vector.shape_cast %add3A_16 : vector<16xi32> to vector<16x1xi32>
        %gather3A_1346 = vector.shape_cast %broadcast_in_dim3A_1345 : vector<16x1xi32> to vector<16xi32>
        %gather3A_1347 = tpu.dynamic_gather %get3A_1319[%gather3A_1346] in [0] : vector<16xi32>, vector<16xi32> -> vector<16xi32>
        %shift_right_logical3A_1348 = arith.shrui %gather3A_1347, %mul3A_5 : vector<16xi32>
        %and3A_1349 = arith.constant 255 : i32
        %and3A_1350 = vector.broadcast %and3A_1349 : i32 to vector<16xi32>
        %and3A_1351 = arith.andi %shift_right_logical3A_1348, %and3A_1350 : vector<16xi32>
        %convert_element_type3A_1352 = arith.sitofp %and3A_1351 : vector<16xi32> to vector<16xf32>
        %sub3A_1353 = arith.subf %convert_element_type3A_1352, %gather3A_1329 : vector<16xf32>
        %mul3A_1354 = arith.mulf %sub3A_1353, %gather3A_1324 : vector<16xf32>
        %swap3A_1355 = arith.index_cast %add3A_1315 : i32 to index
        %swap3A_1356 = arith.constant 16 : index
        %swap3A_1357 = tpu.vector_load %arg16[%swap3A_1355, %swap3A_1356] {strides = array<i32>} : memref<128x64xf32, #tpu.memory_space<vmem>>, vector<1x16xf32>,
        %swap3A_1358 = vector.shape_cast %swap3A_1357 : vector<1x16xf32> to vector<16xf32>
        %swap3A_1359 = vector.shape_cast %mul3A_1354 : vector<16xf32> to vector<1x16xf32>
        tpu.vector_store %arg16[%swap3A_1355, %swap3A_1356], %swap3A_1359 {strides = array<i32>} : memref<128x64xf32, #tpu.memory_space<vmem>>, vector<1x16xf32>,
        %broadcast_in_dim3A_1360 = vector.shape_cast %add3A_22 : vector<16xi32> to vector<16x1xi32>
        %gather3A_1361 = vector.shape_cast %broadcast_in_dim3A_1360 : vector<16x1xi32> to vector<16xi32>
        %gather3A_1362 = tpu.dynamic_gather %get3A_1319[%gather3A_1361] in [0] : vector<16xi32>, vector<16xi32> -> vector<16xi32>
        %shift_right_logical3A_1363 = arith.shrui %gather3A_1362, %mul3A_5 : vector<16xi32>
        %and3A_1364 = arith.constant 255 : i32
        %and3A_1365 = vector.broadcast %and3A_1364 : i32 to vector<16xi32>
        %and3A_1366 = arith.andi %shift_right_logical3A_1363, %and3A_1365 : vector<16xi32>
        %convert_element_type3A_1367 = arith.sitofp %and3A_1366 : vector<16xi32> to vector<16xf32>
        %sub3A_1368 = arith.subf %convert_element_type3A_1367, %gather3A_1329 : vector<16xf32>
        %mul3A_1369 = arith.mulf %sub3A_1368, %gather3A_1324 : vector<16xf32>
        %swap3A_1370 = arith.index_cast %add3A_1315 : i32 to index
        %swap3A_1371 = arith.constant 32 : index
        %swap3A_1372 = tpu.vector_load %arg16[%swap3A_1370, %swap3A_1371] {strides = array<i32>} : memref<128x64xf32, #tpu.memory_space<vmem>>, vector<1x16xf32>,
        %swap3A_1373 = vector.shape_cast %swap3A_1372 : vector<1x16xf32> to vector<16xf32>
        %swap3A_1374 = vector.shape_cast %mul3A_1369 : vector<16xf32> to vector<1x16xf32>
        tpu.vector_store %arg16[%swap3A_1370, %swap3A_1371], %swap3A_1374 {strides = array<i32>} : memref<128x64xf32, #tpu.memory_space<vmem>>, vector<1x16xf32>,
        %broadcast_in_dim3A_1375 = vector.shape_cast %add3A_28 : vector<16xi32> to vector<16x1xi32>
        %gather3A_1376 = vector.shape_cast %broadcast_in_dim3A_1375 : vector<16x1xi32> to vector<16xi32>
        %gather3A_1377 = tpu.dynamic_gather %get3A_1319[%gather3A_1376] in [0] : vector<16xi32>, vector<16xi32> -> vector<16xi32>
        %shift_right_logical3A_1378 = arith.shrui %gather3A_1377, %mul3A_5 : vector<16xi32>
        %and3A_1379 = arith.constant 255 : i32
        %and3A_1380 = vector.broadcast %and3A_1379 : i32 to vector<16xi32>
        %and3A_1381 = arith.andi %shift_right_logical3A_1378, %and3A_1380 : vector<16xi32>
        %convert_element_type3A_1382 = arith.sitofp %and3A_1381 : vector<16xi32> to vector<16xf32>
        %sub3A_1383 = arith.subf %convert_element_type3A_1382, %gather3A_1329 : vector<16xf32>
        %mul3A_1384 = arith.mulf %sub3A_1383, %gather3A_1324 : vector<16xf32>
        %swap3A_1385 = arith.index_cast %add3A_1315 : i32 to index
        %swap3A_1386 = arith.constant 48 : index
        %swap3A_1387 = tpu.vector_load %arg16[%swap3A_1385, %swap3A_1386] {strides = array<i32>} : memref<128x64xf32, #tpu.memory_space<vmem>>, vector<1x16xf32>,
        %swap3A_1388 = vector.shape_cast %swap3A_1387 : vector<1x16xf32> to vector<16xf32>
        %swap3A_1389 = vector.shape_cast %mul3A_1384 : vector<16xf32> to vector<1x16xf32>
        tpu.vector_store %arg16[%swap3A_1385, %swap3A_1386], %swap3A_1389 {strides = array<i32>} : memref<128x64xf32, #tpu.memory_space<vmem>>, vector<1x16xf32>,
      }
      %scan3A_132 = arith.constant 8 : i32
      %dma_start3A_133 = arith.constant 0 : i32
      %dma_start3A_134 = tpu.memref_slice %arg6[%add3A_116, %dma_start3A_133] : memref<204800x64xf32, #tpu.memory_space<hbm>> -> memref<128x64xf32, #tpu.memory_space<hbm>>
      %dma_start3A_135 = arith.constant 0 : i32
      %dma_start3A_136 = tpu.memref_slice %arg6[%add3A_116, %dma_start3A_135] : memref<204800x64xf32, #tpu.memory_space<hbm>> -> memref<128x64xf32, #tpu.memory_space<hbm>>
      tpu.enqueue_dma source(%arg16 : memref<128x64xf32, #tpu.memory_space<vmem>>) target(%dma_start3A_136 : memref<128x64xf32, #tpu.memory_space<hbm>>) target_semaphore(%arg20 : memref<!tpu.dma_semaphore, #tpu.memory_space<semaphore_mem>>)
    }
    %scan3A_43 = arith.constant 25 : i32
    %mul3A_44 = arith.constant 6400 : i32
    %mul3A_45 = arith.muli %add3A, %mul3A_44 : i32
    %add3A_46 = arith.constant 6144 : i32
    %add3A_47 = arith.addi %mul3A_45, %add3A_46 : i32
    %mul3A_48 = arith.constant 6400 : i32
    %mul3A_49 = arith.muli %add3A, %mul3A_48 : i32
    %add3A_50 = arith.constant 6272 : i32
    %add3A_51 = arith.addi %mul3A_49, %add3A_50 : i32
    %dma_wait3A = arith.constant 0 : i32
    %dma_wait3A_52 = tpu.memref_slice %arg6[%add3A_47, %dma_wait3A] : memref<204800x64xf32, #tpu.memory_space<hbm>> -> memref<128x64xf32, #tpu.memory_space<hbm>>
    %dma_wait3A_53 = arith.constant 0 : i32
    %dma_wait3A_54 = tpu.memref_slice %arg6[%add3A_47, %dma_wait3A_53] : memref<204800x64xf32, #tpu.memory_space<hbm>> -> memref<128x64xf32, #tpu.memory_space<hbm>>
    tpu.wait_dma2 semaphore(%arg19 : memref<!tpu.dma_semaphore, #tpu.memory_space<semaphore_mem>>) src(%arg15 : memref<128x64xf32, #tpu.memory_space<vmem>>) dst(%dma_wait3A_54 : memref<128x64xf32, #tpu.memory_space<hbm>>)
    %dma_wait3A_55 = arith.constant 0 : i32
    %dma_wait3A_56 = tpu.memref_slice %arg6[%add3A_51, %dma_wait3A_55] : memref<204800x64xf32, #tpu.memory_space<hbm>> -> memref<128x64xf32, #tpu.memory_space<hbm>>
    %dma_wait3A_57 = arith.constant 0 : i32
    %dma_wait3A_58 = tpu.memref_slice %arg6[%add3A_51, %dma_wait3A_57] : memref<204800x64xf32, #tpu.memory_space<hbm>> -> memref<128x64xf32, #tpu.memory_space<hbm>>
    tpu.wait_dma2 semaphore(%arg20 : memref<!tpu.dma_semaphore, #tpu.memory_space<semaphore_mem>>) src(%arg16 : memref<128x64xf32, #tpu.memory_space<vmem>>) dst(%dma_wait3A_58 : memref<128x64xf32, #tpu.memory_space<hbm>>)
    return
  }
}

</mosaic_0001>

<sc_bundles>
// kernel: _run.3.cloned.1.call-start
scs
__scs_entry_jumppad:
0x0: {  	(pc) =	sbr.rel $0x88, $3  }
0x1: {  	(tag) =	ssettag $0x0;
	lr =	simm.s32 $0x1  }
0x2: {  	[smem:$0x3F9D] =	sst lr;
	_ =	strace $0xD0000000  }
0x3: {  	_ = 	snop  }
0x4: {  	_ = 	snop  }
0x5: {  	_ = 	snop  }
0x6: {  	_ = 	snop  }
0x7: {  	_ = 	snop  }
__scs_overlays_trampoline_lowered:
0x8: {  	[smem:$0x3FAC] =	sst s0  }
0x9: {  	[smem:$0x3FAD] =	sst s1  }
0xa: {  	[smem:$0x3FAE] =	sst s2  }
0xb: {  	[smem:$0x3FAF] =	sst s3  }
0xc: {  	[smem:$0x3FB0] =	sst s4  }
0xd: {  	[smem:$0x3FB1] =	sst s5  }
0xe: {  	[smem:$0x3FB2] =	sst s6  }
0xf: {  	[smem:$0x3FB3] =	sst s7  }
0x10: {  	[smem:$0x3FB4] =	sst s8  }
0x11: {  	[smem:$0x3FB5] =	sst s9;
	s0 =	simm.s32 @!p0 $0x0  }
0x12: {  	s1 =	sld [smem:$0x3F9B];
	s0 =	simm.s32 @p0 $0x1  }
0x13: {  	[smem:$0x3FB6] =	sst s0;
	s0 =	simm.s32 @!p1 $0x0  }
0x14: {  	s2 =	sld [smem:$0x3F9A];
	s0 =	simm.s32 @p1 $0x1  }
0x15: {  	[smem:$0x3FB7] =	sst s0;
	s0 =	simm.s32 @!p2 $0x0  }
0x16: {  	s3 =	sld [smem:$0x3FDB];
	s0 =	simm.s32 @p2 $0x1  }
0x17: {  	s4 =	simm.s32 $0x1BF5;
	[smem:$0x3FB9] =	sst s0  }
0x18: {  	s0 =	sld [smem:$0x3F9C];
	_ =	swait.ge [sflag:s4], $0x0  }
0x19: {  	s7 =	sld [smem:$0x3F9D]  }
0x1a: {  	s8 =	sadd.s32 $0xFFFFE003, lr  }
0x1b: {  	s9 =	sadd.s32 $0xFFFFFEF7, lr;
	s5 =	simm.s32 $0xFFFFFFFF;
	p2 =	slt.u32 s8, $0xFFFFF086  }
0x1c: {  	p1 =	slt.u32 s9, $0xF7A;
	s5 =	simm.s32 @!p2 $0x0  }
0x1d: {  	s5 =	simm.s32 @p1 $0x1;
	p0 =	seq.s32 s7, s2  }
0x1e: {  	s7 =	smul.u32 @!p0 $0xF7A, s2;
	p2 =	seq.s32 @!p0 s5, $0x0  }
0x1f: {  	s9 =	smul.u32 $0xF7A, s1;
	s8 =	simm.s32 @!p0 $0x1BF5;
	p2 =	por !p2, p0  }
0x20: {  	[sflag:s8] =	ssyncset.s32 @!p0 $0xFFFFF086;
	s6 =	sadd.s32 @!p0 s3, s7;
	s7 =	simm.s32 @!p0 $0x108  }
0x21: {  	s3 =	sadd.s32 s3, s9;
	s6 =	sadd.s32 @!p0 $0x88, s6;
	s7 =	simm.s32 @p2 $0x1082  }
0x22: {  	[simem:s7], [sflag:s8] =	dma.local @!p0 [hbm:s6], $0xF7A  }
0x23: {  	s9 =	sor.u32 $0xD0000000, s2;
	s6 =	simm.s32 $0x108;
	_ =	swait.ge @!p0 [sflag:s8], $0x0  }
0x24: {  	s3 =	sadd.s32 $0x88, s3;
	s6 =	simm.s32 @!p1 $0x1082;
	[sflag:s4] =	ssyncset.s32 $0xFFFFF086  }
0x25: {  	[simem:s6], [sflag:s4] =	dma.local [hbm:s3], $0xF7A  }
0x26: {  	[smem:$0x3F9D] =	sst s1;
	(tag) =	ssettag s2;
	_ =	strace s9  }
0x27: {  	s1 =	sld [smem:$0x3FAD]  }
0x28: {  	s2 =	sld [smem:$0x3FAE]  }
0x29: {  	s4 =	sld [smem:$0x3FB0]  }
0x2a: {  	p0 =	seq.s32 s5, $0x0;
	s5 =	sld [smem:$0x3FB1]  }
0x2b: {  	s6 =	sld [smem:$0x3FB2]  }
0x2c: {  	s7 =	sld [smem:$0x3FB3]  }
0x2d: {  	s3 =	simm.s32 $0x108;
	s8 =	sld [smem:$0x3FB4]  }
0x2e: {  	s3 =	simm.s32 @!p0 $0x1082;
	s9 =	sld [smem:$0x3FB5]  }
0x2f: {  	lr =	sadd.s32 s0, s3;
	s0 =	sld [smem:$0x3FAC]  }
0x30: {  	s3 =	sld [smem:$0x3FAF]  }
0x31: {  	[smem:$0x3FB8] =	sst s10  }
0x32: {  	s10 =	sld [smem:$0x3FB6];
	_ =	sdelay $0x3  }
0x33: {  	p0 =	seq.s32 s10, $0x1;
	s10 =	sld [smem:$0x3FB8];
	_ =	sdelay $0x3  }
0x34: {  	[smem:$0x3FB8] =	sst s10  }
0x35: {  	s10 =	sld [smem:$0x3FB7];
	_ =	sdelay $0x3  }
0x36: {  	p1 =	seq.s32 s10, $0x1;
	s10 =	sld [smem:$0x3FB8];
	_ =	sdelay $0x3  }
0x37: {  	[smem:$0x3FB8] =	sst s10  }
0x38: {  	s10 =	sld [smem:$0x3FB9]  }
0x39: {  	_ = 	snop;
	(pc) =	sbr.ind lr, $3  }
0x3a: {  	_ = 	snop  }
0x3b: {  	_ = 	snop  }
0x3c: {  	p2 =	seq.s32 s10, $0x1;
	s10 =	sld [smem:$0x3FB8]  }
0x3d: {  	_ =	shalt  }
0x3e: {  	_ =	shalt  }
0x3f: {  	_ =	shalt  }
0x40: {  	_ =	shalt  }
0x41: {  	_ =	shalt  }
0x42: {  	_ =	shalt  }
0x43: {  	_ =	shalt  }
0x44: {  	_ =	shalt  }
0x45: {  	_ =	shalt  }
0x46: {  	_ =	shalt  }
0x47: {  	_ =	shalt  }
0x48: {  	_ =	shalt  }
0x49: {  	_ =	shalt  }
0x4a: {  	_ =	shalt  }
0x4b: {  	_ =	shalt  }
0x4c: {  	_ =	shalt  }
0x4d: {  	_ =	shalt  }
0x4e: {  	_ =	shalt  }
0x4f: {  	_ =	shalt  }
0x50: {  	_ =	shalt  }
0x51: {  	_ =	shalt  }
0x52: {  	_ =	shalt  }
0x53: {  	_ =	shalt  }
0x54: {  	_ =	shalt  }
0x55: {  	_ =	shalt  }
0x56: {  	_ =	shalt  }
0x57: {  	_ =	shalt  }
0x58: {  	_ =	shalt  }
0x59: {  	_ =	shalt  }
0x5a: {  	_ =	shalt  }
0x5b: {  	_ =	shalt  }
0x5c: {  	_ =	shalt  }
0x5d: {  	_ =	shalt  }
0x5e: {  	_ =	shalt  }
0x5f: {  	_ =	shalt  }
0x60: {  	_ =	shalt  }
0x61: {  	_ =	shalt  }
0x62: {  	_ =	shalt  }
0x63: {  	_ =	shalt  }
0x64: {  	_ =	shalt  }
0x65: {  	_ =	shalt  }
0x66: {  	_ =	shalt  }
0x67: {  	_ =	shalt  }
0x68: {  	_ =	shalt  }
0x69: {  	_ =	shalt  }
0x6a: {  	_ =	shalt  }
0x6b: {  	_ =	shalt  }
0x6c: {  	_ =	shalt  }
0x6d: {  	_ =	shalt  }
0x6e: {  	_ =	shalt  }
0x6f: {  	_ =	shalt  }
0x70: {  	_ =	shalt  }
0x71: {  	_ =	shalt  }
0x72: {  	_ =	shalt  }
0x73: {  	_ =	shalt  }
0x74: {  	_ =	shalt  }
0x75: {  	_ =	shalt  }
0x76: {  	_ =	shalt  }
0x77: {  	_ =	shalt  }
0x78: {  	_ =	shalt  }
0x79: {  	_ =	shalt  }
0x7a: {  	_ =	shalt  }
0x7b: {  	_ =	shalt  }
0x7c: {  	_ =	shalt  }
0x7d: {  	_ =	shalt  }
0x7e: {  	_ =	shalt  }
0x7f: {  	_ =	shalt  }
0x80: {  	_ =	shalt  }
0x81: {  	_ =	shalt  }
0x82: {  	_ =	shalt  }
0x83: {  	_ =	shalt  }
0x84: {  	_ =	shalt  }
0x85: {  	_ =	shalt  }
0x86: {  	_ =	shalt  }
0x87: {  	_ =	shalt  }
.Lfunc_end0:
.L_simem_size_0:
called_computation.1_lowered:
.L_overlay_start_0:
0x88: {  	s2 =	sld [smem:$0x3FD9]  }
0x89: {  	s3 =	sld [smem:$0x3FFE];
	_ =	sdelay $0x1  }
0x8a: {  	s1 =	srdreg.scid  }
0x8b: {  	s0 =	sand.u32 $0x1, s1  }
0x8c: {  	s17 =	sshll.u32 s0, $0xA;
	s2 =	sadd.s32 s3, s2  }
0x8d: {  	s2 =	sadd.s32 s2, s17  }
0x8e: {  	[smem:$0x3FC4] =	sst s2  }
0x8f: {  	_ = 	snop  }
0x90: {  	s2 =	sld [smem:$0x3FC9]  }
0x91: {  	s18 =	sld [smem:$0x3FC7]  }
0x92: {  	s4 =	sld [smem:$0x3FC6]  }
0x93: {  	s5 =	sld [smem:$0x3FD0];
	(tm) =	ssettm $0x1  }
0x94: {  	s6 =	sld [smem:$0x3FFB];
	_ =	sdelay $0x3  }
0x95: {  	_ =	strace s6  }
0x96: {  	s6 =	sld [smem:$0x3FFC];
	_ =	sdelay $0x3  }
0x97: {  	_ =	strace s6  }
0x98: {  	s6 =	sld [smem:$0x3FFD];
	_ =	sdelay $0x3  }
0x99: {  	_ =	strace s6  }
0x9a: {  	_ =	strace $0x8FFFFFFF  }
0x9b: {  	s19 =	sld [smem:$0x3FDB];
	_ =	sdelay $0x1  }
0x9c: {  	s7 =	simm.s32 $_scs_section_size  }
0x9d: {  	s8 =	simm.s32 $_size__tile_overlayer_lowered;
	s9 =	simm.s32 $_tile_overlayer_lowered  }
0x9e: {  	s22 =	simm.s32 $0x1BFF;
	s21 =	sshll.u32 s9, $0x1;
	s6 =	sadd.s32 s7, s19  }
0x9f: {  	s10 =	simm.s32 $0x0;
	s20 =	sshll.u32 s8, $0x1;
	s8 =	sadd.s32 s21, s6  }
0xa0: {  	[timem:s10], [sflag:s22] =	dma.local [hbm:s8], s20  }
0xa1: {  	_ =	swait.ge [sflag:s22], s20  }
0xa2: {  	s7 =	ssub.s32 $0x0, s20;
	[sflag:s22] =	ssyncset.done $0x0  }
0xa3: {  	[sflag:s22] =	ssyncadd.s32 s7;
	_ =	sdelay $0x1  }
0xa4: {  	s23 =	simm.s32 $0x1B8B  }
0xa5: {  	_ =	swait.ge [sflag:s23], $0x1  }
0xa6: {  	[sflag:s23] =	ssyncset.done $0x0  }
0xa7: {  	s25 =	simm.s32 $0x1B8E;
	s24 =	sld [smem:$0x3FFE];
	[sflag:s23] =	ssyncadd.s32 $0xFFFFFFFF  }
0xa8: {  	s26 =	simm.s32 $execute0_lowered;
	[smem:$0x3FD2] =	sst s25  }
0xa9: {  	s8 =	sshll.u32 s26, $0x1;
	_ =	strace $0x80000046;
	[dreg:$0x1] =	wrdreg $0xFFFFFFFF  }
0xaa: {  	s28 =	simm.s32 $_size_execute0_lowered;
	s6 =	sadd.s32 s6, s8;
	[dreg:$0x0] =	wrdreg $0x0  }
0xab: {  	s8 =	sshll.u32 s28, $0x1;
	[dreg:$0x2] =	wrdreg s6  }
0xac: {  	[dreg:$0x3] =	wrdreg s8  }
0xad: {  	[dreg:$0x4] =	wrdreg $0xC0  }
0xae: {  	_ =	task [dreg:s10], $0x5FFFF  }
0xaf: {  	[dreg:$0x1] =	wrdreg $0xFFFFFFFF  }
0xb0: {  	[dreg:$0x0] =	wrdreg $0x60  }
0xb1: {  	[dreg:$0x2] =	wrdreg s2  }
0xb2: {  	[dreg:$0x3] =	wrdreg s24  }
0xb3: {  	[dreg:$0x4] =	wrdreg s18  }
0xb4: {  	[dreg:$0x5] =	wrdreg s4  }
0xb5: {  	[dreg:$0x6] =	wrdreg s5  }
0xb6: {  	[dreg:$0x7] =	wrdreg $0x9  }
0xb7: {  	_ =	task.clear_ibuf [dreg:s10], $0x8FFFF;
	_ =	strace $0x90000046  }
0xb8: {  	s29 =	simm.s32 $0x9;
	_ =	strace $0x80000048  }
0xb9: {  	_ =	swait.ge [sflag:s29], $0x1  }
0xba: {  	[sflag:s29] =	ssyncadd.s32 $0xFFFFFFFF  }
0xbb: {  	_ =	strace $0x90000048  }
0xbc: {  	_ =	sfence  }
0xbd: {  	s30 =	sld [smem:$0x0];
	_ =	sdelay $0x2  }
0xbe: {  	s31 =	sshll.u32 s1, $0xD;
	s1 =	sshrl.u32 s1, $0x2  }
0xbf: {  	s3 =	sand.u32 $0x4000, s31;
	s1 =	sadd.s32 s1, s30  }
0xc0: {  	s0 =	sor.u32 s3, s0;
	s1 =	sshll.u32 s1, $0x11  }
0xc1: {  	s0 =	sor.u32 s1, s0  }
0xc2: {  	s0 =	sadd.s32 $0x8F2B, s0  }
0xc3: {  	[sflag:s0] =	ssyncadd.remote.s32 $0x1  }
0xc4: {  	_ =	sfence.sel $0xFFFF  }
0xc5: {  	[dreg:$0x0] =	wrdreg $0xFFFFFFFF;
	(pc) =	sbr.abs _section_cstart, $3  }
0xc6: {  	[dreg:$0x1] =	wrdreg $0xFFFFFFFF  }
0xc7: {  	_ =	task.clear_ibuf [dreg:s10], $0x2FFFF;
	_ =	strace $0x9FFFFFFF  }
0xc8: {  	(tm) =	ssettm $0x7FFFFFFF  }
0xc9: {  	_ =	shalt  }
tec
execute0_lowered:
.L_overlay_start_1:
0x0: {  	(tag) =	ssettag $0x1  }
0x1: {  	s1 =	rddreg [dreg:$0x0]  }
0x2: {  	s0 =	rddreg [dreg:$0x1]  }
0x3: {  	s2 =	rddreg [dreg:$0x2];
	s3 =	srdreg.scid  }
0x4: {  	s5 =	stileid.u32;
	s4 =	rddreg [dreg:$0x3]  }
0x5: {  	s13 =	simm.s32 $0x5;
	s14 =	simm.s32 $0x80;
	s17 =	simm.s32 $0x1200  }
0x6: {  	s18 =	simm.s32 $0x900;
	s19 =	simm.s32 $0x1180;
	s20 =	simm.s32 $0x1280  }
0x7: {  	v1 =	vlaneseq.u32;
	v0 =	vimm.s32 $0x0;
	s21 =	simm.s32 $0x1;
	s22 =	simm.s32 $0x1300;
	s23 =	simm.s32 $0x2  }
0x8: {  	v6 =	vimm.s32 $0x1;
	v7 =	vimm.s32 $0x2;
	v8 =	vimm.s32 $0x3;
	s24 =	simm.s32 $0x3300;
	s25 =	simm.s32 $0x3;
	s26 =	simm.s32 $0x4  }
0x9: {  	v9 =	vimm.s32 $0x4;
	v10 =	vimm.s32 $0x5;
	v11 =	vimm.s32 $0x6;
	s28 =	simm.s32 $0x0;
	s3 =	sand.u32 $0x1, s3;
	s6 =	sshll.u32 s5, $0x1  }
0xa: {  	v12 =	vimm.s32 $0x7;
	v13 =	vimm.s32 $0x8;
	v14 =	vimm.s32 $0x9;
	s5 =	rddreg [dreg:$0x4];
	s8 =	sadd.s32 $0x800, s0;
	s10 =	sor.u32 s3, s6  }
0xb: {  	v15 =	vimm.s32 $0xA;
	v16 =	vimm.s32 $0xB;
	v17 =	vimm.s32 $0xC;
	s6 =	simm.s32 $0x0;
	s3 =	ssub.s32 $0x2, s3;
	s7 =	smul.u32 $0x1900, s10  }
0xc: {  	v18 =	vimm.s32 $0xD;
	v19 =	vimm.s32 $0xE;
	v2 =	vand.u32 $0x3, v1;
	[smem:$0x7FF] =	sst s6;
	s9 =	sshrl.u32 s3, $0x1;
	s10 =	smul.u32 $0x64000, s10  }
0xd: {  	v20 =	vimm.s32 $0xF;
	v1 =	vshrl.u32 v1, $0x2;
	v2 =	vmul.u32 $0x8, v2;
	_ =	strace $0x80000047;
	s31 =	ssub.s32 s3, s9;
	s11 =	sshrl.u32 s7, $0x3  }
0xe: {  	v3 =	vor.u32 $0x4, v1;
	v4 =	vor.u32 $0x8, v1;
	v5 =	vor.u32 $0xC, v1;
	s12 =	smax.u32 s31, $0x1;
	s9 =	sadd.s32 s1, s11;
	s11 =	sadd.s32 $0x100, s7  }
.LBB2_1:
0xf: {  	[tilespmem:s6], [sflag:$0x5] =	stream.linear.gather [hbm4b:s9+s6], $0x80, $0x38;
	[tilespmem:$0x5300] =	vst v63  }
0x10: {  	_ =	swait.ge [sflag:s13], $0x80  }
0x11: {  	[sflag:s13] =	ssyncset.done $0x0  }
0x12: {  	s0 =	simm.s32 $0x100;
	[sflag:s13] =	ssyncadd.s32 $0xFFFFFF80  }
0x13: {  	[tilespmem:s0], [sflag:$0x1] =	stream.indirect.gather [hbm4b:s8+s14], $0x10, s6, s14, $0xb8;
	[tilespmem:$0x5300] =	vst v63  }
0x14: {  	s31 =	simm.s32 $0x1100  }
0x15: {  	[tilespmem:s31], [sflag:$0x1] =	stream.indirect.gather [hbm4b:s2+s14], $0x1, s6, s14, $0xb8;
	[tilespmem:$0x5300] =	vst v63  }
0x16: {  	s29 =	simm.s32 $0x0  }
0x17: {  	[tilespmem:s17], [sflag:$0x1] =	stream.indirect.gather [hbm4b:s4+s14], $0x1, s6, s14, $0xb8;
	[tilespmem:$0x5300] =	vst v63  }
.LBB2_2:
0x18: {  	s31 =	sshll.u32 s29, $0x8  }
0x19: {  	s0 =	sadd.s32 s31, s7  }
0x1a: {  	s30 =	sadd.s32 $0x80, s0  }
0x1b: {  	s0 =	sshrl.u32 s30, $0x3  }
0x1c: {  	s0 =	sadd.s32 s1, s0  }
0x1d: {  	[tilespmem:s14], [sflag:$0x5] =	stream.linear.gather [hbm4b:s0+s6], $0x80, $0x38;
	[tilespmem:$0x5300] =	vst v63  }
0x1e: {  	_ =	swait.ge [sflag:s13], $0x80  }
0x1f: {  	[sflag:s13] =	ssyncset.done $0x0  }
0x20: {  	[sflag:s13] =	ssyncadd.s32 $0xFFFFFF80  }
0x21: {  	[tilespmem:s18], [sflag:$0x2] =	stream.indirect.gather [hbm4b:s8+s14], $0x10, s14, s14, $0xb8;
	[tilespmem:$0x5300] =	vst v63  }
0x22: {  	_ = 	snop  }
0x23: {  	[tilespmem:s19], [sflag:$0x2] =	stream.indirect.gather [hbm4b:s2+s14], $0x1, s14, s14, $0xb8;
	[tilespmem:$0x5300] =	vst v63  }
0x24: {  	_ = 	snop  }
0x25: {  	[tilespmem:s20], [sflag:$0x2] =	stream.indirect.gather [hbm4b:s4+s14], $0x1, s14, s14, $0xb8;
	[tilespmem:$0x5300] =	vst v63  }
0x26: {  	_ =	swait.ge [sflag:s21], $0x800  }
0x27: {  	[sflag:s21] =	ssyncset.done $0x0  }
0x28: {  	[sflag:s21] =	ssyncadd.s32 $0xFFFFF800  }
0x29: {  	_ =	swait.ge [sflag:s21], $0x80  }
0x2a: {  	[sflag:s21] =	ssyncset.done $0x0  }
0x2b: {  	[sflag:s21] =	ssyncadd.s32 $0xFFFFFF80  }
0x2c: {  	_ =	swait.ge [sflag:s21], $0x80  }
0x2d: {  	p0 =	seq.s32 s29, $0x0;
	[sflag:s21] =	ssyncset.done $0x0  }
0x2e: {  	s0 =	simm.s32 @!p0 $0x3;
	[sflag:s21] =	ssyncadd.s32 $0xFFFFFF80  }
0x2f: {  	_ =	swait.ge @!p0 [sflag:s0], $0x2000  }
0x30: {  	s3 =	simm.s32 $0x0;
	[sflag:s0] =	ssyncset.done @!p0 $0x0  }
0x31: {  	s15 =	simm.s32 $0x180;
	[sflag:s0] =	ssyncadd.s32 @!p0 $0xFFFFE000;
	s0 =	simm.s32 $0x1500  }
.LBB2_3:
0x32: {  	v23 =	vld [tilespmem:s15+$0xFFFFFF80]  }
0x33: {  	s16 =	sshra.s32 s3, $0x2  }
0x34: {  	v22 =	vld [tilespmem:s16+$0x1100]  }
0x35: {  	v21 =	vld [tilespmem:s16+$0x1200];
	_ =	sdelay $0x1  }
0x36: {  	v24 =	vperm.xlane v23, v1  }
0x37: {  	v26 =	vperm.xlane v23, v3;
	v28 =	vperm.xlane v23, v4  }
0x38: {  	v23 =	vperm.xlane v23, v5;
	v25 =	vperm.xlane v22, v0;
	v24 =	vshrl.u32 v24, v2  }
0x39: {  	v27 =	vperm.xlane v21, v0;
	v26 =	vshrl.u32 v26, v2;
	v24 =	vand.u32 $0xFF, v24  }
0x3a: {  	v28 =	vshrl.u32 v28, v2;
	v26 =	vand.u32 $0xFF, v26;
	v24 =	vcvt.s32.f32 v24  }
0x3b: {  	v23 =	vshrl.u32 v23, v2;
	v28 =	vand.u32 $0xFF, v28;
	v26 =	vcvt.s32.f32 v26  }
0x3c: {  	v23 =	vand.u32 $0xFF, v23;
	v28 =	vcvt.s32.f32 v28;
	v24 =	vsub.f32 v24, v27  }
0x3d: {  	v23 =	vcvt.s32.f32 v23;
	v26 =	vsub.f32 v26, v27  }
0x3e: {  	v28 =	vsub.f32 v28, v27;
	v24 =	vmul.f32 v24, v25  }
0x3f: {  	v23 =	vsub.f32 v23, v27;
	v26 =	vmul.f32 v26, v25  }
0x40: {  	v42 =	vmul.f32 v28, v25;
	[tilespmem:s0+$0xFFFFFE00] =	vst v24  }
0x41: {  	v23 =	vmul.f32 v23, v25;
	[tilespmem:s0+$0xFFFFFE10] =	vst v26  }
0x42: {  	[tilespmem:s0+$0xFFFFFE20] =	vst v42  }
0x43: {  	[tilespmem:s0+$0xFFFFFE30] =	vst v23  }
0x44: {  	v23 =	vld [tilespmem:s15+$0xFFFFFF90];
	_ =	sdelay $0x4  }
0x45: {  	v43 =	vperm.xlane v23, v1  }
0x46: {  	v44 =	vperm.xlane v22, v6;
	v45 =	vperm.xlane v23, v3  }
0x47: {  	v46 =	vperm.xlane v21, v6;
	v47 =	vperm.xlane v23, v4;
	v24 =	vshrl.u32 v43, v2  }
0x48: {  	v23 =	vperm.xlane v23, v5;
	v26 =	vshrl.u32 v45, v2;
	v24 =	vand.u32 $0xFF, v24  }
0x49: {  	v28 =	vshrl.u32 v47, v2;
	v26 =	vand.u32 $0xFF, v26;
	v24 =	vcvt.s32.f32 v24  }
0x4a: {  	v23 =	vshrl.u32 v23, v2;
	v28 =	vand.u32 $0xFF, v28;
	v26 =	vcvt.s32.f32 v26  }
0x4b: {  	v23 =	vand.u32 $0xFF, v23;
	v28 =	vcvt.s32.f32 v28;
	v24 =	vsub.f32 v24, v46  }
0x4c: {  	v23 =	vcvt.s32.f32 v23;
	v26 =	vsub.f32 v26, v46  }
0x4d: {  	v28 =	vsub.f32 v28, v46;
	v24 =	vmul.f32 v24, v44  }
0x4e: {  	v23 =	vsub.f32 v23, v46;
	v26 =	vmul.f32 v26, v44  }
0x4f: {  	v48 =	vmul.f32 v28, v44;
	[tilespmem:s0+$0xFFFFFE40] =	vst v24  }
0x50: {  	v23 =	vmul.f32 v23, v44;
	[tilespmem:s0+$0xFFFFFE50] =	vst v26  }
0x51: {  	[tilespmem:s0+$0xFFFFFE60] =	vst v48  }
0x52: {  	[tilespmem:s0+$0xFFFFFE70] =	vst v23  }
0x53: {  	v23 =	vld [tilespmem:s15+$0xFFFFFFA0];
	_ =	sdelay $0x4  }
0x54: {  	v49 =	vperm.xlane v23, v1  }
0x55: {  	v50 =	vperm.xlane v22, v7;
	v51 =	vperm.xlane v23, v3  }
0x56: {  	v52 =	vperm.xlane v21, v7;
	v53 =	vperm.xlane v23, v4;
	v24 =	vshrl.u32 v49, v2  }
0x57: {  	v23 =	vperm.xlane v23, v5;
	v26 =	vshrl.u32 v51, v2;
	v24 =	vand.u32 $0xFF, v24  }
0x58: {  	v28 =	vshrl.u32 v53, v2;
	v26 =	vand.u32 $0xFF, v26;
	v24 =	vcvt.s32.f32 v24  }
0x59: {  	v23 =	vshrl.u32 v23, v2;
	v28 =	vand.u32 $0xFF, v28;
	v26 =	vcvt.s32.f32 v26  }
0x5a: {  	v23 =	vand.u32 $0xFF, v23;
	v28 =	vcvt.s32.f32 v28;
	v24 =	vsub.f32 v24, v52  }
0x5b: {  	v23 =	vcvt.s32.f32 v23;
	v26 =	vsub.f32 v26, v52  }
0x5c: {  	v28 =	vsub.f32 v28, v52;
	v24 =	vmul.f32 v24, v50  }
0x5d: {  	v23 =	vsub.f32 v23, v52;
	v26 =	vmul.f32 v26, v50  }
0x5e: {  	v54 =	vmul.f32 v28, v50;
	[tilespmem:s0+$0xFFFFFE80] =	vst v24  }
0x5f: {  	v23 =	vmul.f32 v23, v50;
	[tilespmem:s0+$0xFFFFFE90] =	vst v26  }
0x60: {  	[tilespmem:s0+$0xFFFFFEA0] =	vst v54  }
0x61: {  	[tilespmem:s0+$0xFFFFFEB0] =	vst v23  }
0x62: {  	v23 =	vld [tilespmem:s15+$0xFFFFFFB0];
	_ =	sdelay $0x4  }
0x63: {  	v55 =	vperm.xlane v23, v1  }
0x64: {  	v56 =	vperm.xlane v22, v8;
	v57 =	vperm.xlane v23, v3  }
0x65: {  	v58 =	vperm.xlane v21, v8;
	v59 =	vperm.xlane v23, v4;
	v24 =	vshrl.u32 v55, v2  }
0x66: {  	v23 =	vperm.xlane v23, v5;
	v26 =	vshrl.u32 v57, v2;
	v24 =	vand.u32 $0xFF, v24  }
0x67: {  	v28 =	vshrl.u32 v59, v2;
	v26 =	vand.u32 $0xFF, v26;
	v24 =	vcvt.s32.f32 v24  }
0x68: {  	v23 =	vshrl.u32 v23, v2;
	v28 =	vand.u32 $0xFF, v28;
	v26 =	vcvt.s32.f32 v26  }
0x69: {  	v23 =	vand.u32 $0xFF, v23;
	v28 =	vcvt.s32.f32 v28;
	v24 =	vsub.f32 v24, v58  }
0x6a: {  	v23 =	vcvt.s32.f32 v23;
	v26 =	vsub.f32 v26, v58  }
0x6b: {  	v28 =	vsub.f32 v28, v58;
	v24 =	vmul.f32 v24, v56  }
0x6c: {  	v23 =	vsub.f32 v23, v58;
	v26 =	vmul.f32 v26, v56  }
0x6d: {  	v60 =	vmul.f32 v28, v56;
	[tilespmem:s0+$0xFFFFFEC0] =	vst v24  }
0x6e: {  	v23 =	vmul.f32 v23, v56;
	[tilespmem:s0+$0xFFFFFED0] =	vst v26  }
0x6f: {  	[tilespmem:s0+$0xFFFFFEE0] =	vst v60  }
0x70: {  	[tilespmem:s0+$0xFFFFFEF0] =	vst v23  }
0x71: {  	v23 =	vld [tilespmem:s15+$0xFFFFFFC0];
	_ =	sdelay $0x4  }
0x72: {  	v61 =	vperm.xlane v23, v1  }
0x73: {  	v62 =	vperm.xlane v22, v9;
	v63 =	vperm.xlane v23, v3  }
0x74: {  	v32 =	vperm.xlane v21, v9;
	v33 =	vperm.xlane v23, v4;
	v24 =	vshrl.u32 v61, v2  }
0x75: {  	v23 =	vperm.xlane v23, v5;
	v26 =	vshrl.u32 v63, v2;
	v24 =	vand.u32 $0xFF, v24  }
0x76: {  	v28 =	vshrl.u32 v33, v2;
	v26 =	vand.u32 $0xFF, v26;
	v24 =	vcvt.s32.f32 v24  }
0x77: {  	v23 =	vshrl.u32 v23, v2;
	v28 =	vand.u32 $0xFF, v28;
	v26 =	vcvt.s32.f32 v26  }
0x78: {  	v23 =	vand.u32 $0xFF, v23;
	v28 =	vcvt.s32.f32 v28;
	v24 =	vsub.f32 v24, v32  }
0x79: {  	v23 =	vcvt.s32.f32 v23;
	v26 =	vsub.f32 v26, v32  }
0x7a: {  	v28 =	vsub.f32 v28, v32;
	v24 =	vmul.f32 v24, v62  }
0x7b: {  	v23 =	vsub.f32 v23, v32;
	v26 =	vmul.f32 v26, v62  }
0x7c: {  	v34 =	vmul.f32 v28, v62;
	[tilespmem:s0+$0xFFFFFF00] =	vst v24  }
0x7d: {  	v23 =	vmul.f32 v23, v62;
	[tilespmem:s0+$0xFFFFFF10] =	vst v26  }
0x7e: {  	[tilespmem:s0+$0xFFFFFF20] =	vst v34  }
0x7f: {  	[tilespmem:s0+$0xFFFFFF30] =	vst v23  }
0x80: {  	v23 =	vld [tilespmem:s15+$0xFFFFFFD0];
	_ =	sdelay $0x4  }
0x81: {  	v35 =	vperm.xlane v23, v1  }
0x82: {  	v36 =	vperm.xlane v22, v10;
	v37 =	vperm.xlane v23, v3  }
0x83: {  	v38 =	vperm.xlane v21, v10;
	v39 =	vperm.xlane v23, v4;
	v24 =	vshrl.u32 v35, v2  }
0x84: {  	v23 =	vperm.xlane v23, v5;
	v26 =	vshrl.u32 v37, v2;
	v24 =	vand.u32 $0xFF, v24  }
0x85: {  	v28 =	vshrl.u32 v39, v2;
	v26 =	vand.u32 $0xFF, v26;
	v24 =	vcvt.s32.f32 v24  }
0x86: {  	v23 =	vshrl.u32 v23, v2;
	v28 =	vand.u32 $0xFF, v28;
	v26 =	vcvt.s32.f32 v26  }
0x87: {  	v23 =	vand.u32 $0xFF, v23;
	v28 =	vcvt.s32.f32 v28;
	v24 =	vsub.f32 v24, v38  }
0x88: {  	v23 =	vcvt.s32.f32 v23;
	v26 =	vsub.f32 v26, v38  }
0x89: {  	v28 =	vsub.f32 v28, v38;
	v24 =	vmul.f32 v24, v36  }
0x8a: {  	v23 =	vsub.f32 v23, v38;
	v26 =	vmul.f32 v26, v36  }
0x8b: {  	v40 =	vmul.f32 v28, v36;
	[tilespmem:s0+$0xFFFFFF40] =	vst v24  }
0x8c: {  	v23 =	vmul.f32 v23, v36;
	[tilespmem:s0+$0xFFFFFF50] =	vst v26  }
0x8d: {  	[tilespmem:s0+$0xFFFFFF60] =	vst v40  }
0x8e: {  	[tilespmem:s0+$0xFFFFFF70] =	vst v23  }
0x8f: {  	v23 =	vld [tilespmem:s15+$0xFFFFFFE0];
	_ =	sdelay $0x4  }
0x90: {  	v41 =	vperm.xlane v23, v1  }
0x91: {  	v42 =	vperm.xlane v22, v11;
	v43 =	vperm.xlane v23, v3  }
0x92: {  	v44 =	vperm.xlane v21, v11;
	v45 =	vperm.xlane v23, v4;
	v24 =	vshrl.u32 v41, v2  }
0x93: {  	v23 =	vperm.xlane v23, v5;
	v26 =	vshrl.u32 v43, v2;
	v24 =	vand.u32 $0xFF, v24  }
0x94: {  	v28 =	vshrl.u32 v45, v2;
	v26 =	vand.u32 $0xFF, v26;
	v24 =	vcvt.s32.f32 v24  }
0x95: {  	v23 =	vshrl.u32 v23, v2;
	v28 =	vand.u32 $0xFF, v28;
	v26 =	vcvt.s32.f32 v26  }
0x96: {  	v23 =	vand.u32 $0xFF, v23;
	v28 =	vcvt.s32.f32 v28;
	v24 =	vsub.f32 v24, v44  }
0x97: {  	v23 =	vcvt.s32.f32 v23;
	v26 =	vsub.f32 v26, v44  }
0x98: {  	v28 =	vsub.f32 v28, v44;
	v24 =	vmul.f32 v24, v42  }
0x99: {  	v23 =	vsub.f32 v23, v44;
	v26 =	vmul.f32 v26, v42  }
0x9a: {  	v46 =	vmul.f32 v28, v42;
	[tilespmem:s0+$0xFFFFFF80] =	vst v24  }
0x9b: {  	v23 =	vmul.f32 v23, v42;
	[tilespmem:s0+$0xFFFFFF90] =	vst v26  }
0x9c: {  	[tilespmem:s0+$0xFFFFFFA0] =	vst v46  }
0x9d: {  	[tilespmem:s0+$0xFFFFFFB0] =	vst v23  }
0x9e: {  	v23 =	vld [tilespmem:s15+$0xFFFFFFF0];
	_ =	sdelay $0x4  }
0x9f: {  	v47 =	vperm.xlane v23, v1  }
0xa0: {  	v48 =	vperm.xlane v22, v12;
	v49 =	vperm.xlane v23, v3  }
0xa1: {  	v50 =	vperm.xlane v21, v12;
	v51 =	vperm.xlane v23, v4;
	v24 =	vshrl.u32 v47, v2  }
0xa2: {  	v23 =	vperm.xlane v23, v5;
	v26 =	vshrl.u32 v49, v2;
	v24 =	vand.u32 $0xFF, v24  }
0xa3: {  	v28 =	vshrl.u32 v51, v2;
	v26 =	vand.u32 $0xFF, v26;
	v24 =	vcvt.s32.f32 v24  }
0xa4: {  	v23 =	vshrl.u32 v23, v2;
	v28 =	vand.u32 $0xFF, v28;
	v26 =	vcvt.s32.f32 v26  }
0xa5: {  	v23 =	vand.u32 $0xFF, v23;
	v28 =	vcvt.s32.f32 v28;
	v24 =	vsub.f32 v24, v50  }
0xa6: {  	v23 =	vcvt.s32.f32 v23;
	v26 =	vsub.f32 v26, v50  }
0xa7: {  	v28 =	vsub.f32 v28, v50;
	v24 =	vmul.f32 v24, v48  }
0xa8: {  	v23 =	vsub.f32 v23, v50;
	v26 =	vmul.f32 v26, v48  }
0xa9: {  	v52 =	vmul.f32 v28, v48;
	[tilespmem:s0+$0xFFFFFFC0] =	vst v24  }
0xaa: {  	v23 =	vmul.f32 v23, v48;
	[tilespmem:s0+$0xFFFFFFD0] =	vst v26  }
0xab: {  	[tilespmem:s0+$0xFFFFFFE0] =	vst v52  }
0xac: {  	[tilespmem:s0+$0xFFFFFFF0] =	vst v23  }
0xad: {  	v23 =	vld [tilespmem:s15+$0x0];
	_ =	sdelay $0x4  }
0xae: {  	v53 =	vperm.xlane v23, v1  }
0xaf: {  	v54 =	vperm.xlane v22, v13;
	v55 =	vperm.xlane v23, v3  }
0xb0: {  	v56 =	vperm.xlane v21, v13;
	v57 =	vperm.xlane v23, v4;
	v24 =	vshrl.u32 v53, v2  }
0xb1: {  	v23 =	vperm.xlane v23, v5;
	v26 =	vshrl.u32 v55, v2;
	v24 =	vand.u32 $0xFF, v24  }
0xb2: {  	v28 =	vshrl.u32 v57, v2;
	v26 =	vand.u32 $0xFF, v26;
	v24 =	vcvt.s32.f32 v24  }
0xb3: {  	v23 =	vshrl.u32 v23, v2;
	v28 =	vand.u32 $0xFF, v28;
	v26 =	vcvt.s32.f32 v26  }
0xb4: {  	v23 =	vand.u32 $0xFF, v23;
	v28 =	vcvt.s32.f32 v28;
	v24 =	vsub.f32 v24, v56  }
0xb5: {  	v23 =	vcvt.s32.f32 v23;
	v26 =	vsub.f32 v26, v56  }
0xb6: {  	v28 =	vsub.f32 v28, v56;
	v24 =	vmul.f32 v24, v54  }
0xb7: {  	v23 =	vsub.f32 v23, v56;
	v26 =	vmul.f32 v26, v54  }
0xb8: {  	v58 =	vmul.f32 v28, v54;
	[tilespmem:s0+$0x0] =	vst v24  }
0xb9: {  	v23 =	vmul.f32 v23, v54;
	[tilespmem:s0+$0x10] =	vst v26  }
0xba: {  	[tilespmem:s0+$0x20] =	vst v58  }
0xbb: {  	[tilespmem:s0+$0x30] =	vst v23  }
0xbc: {  	v23 =	vld [tilespmem:s15+$0x10];
	_ =	sdelay $0x4  }
0xbd: {  	v59 =	vperm.xlane v23, v1  }
0xbe: {  	v60 =	vperm.xlane v22, v14;
	v61 =	vperm.xlane v23, v3  }
0xbf: {  	v62 =	vperm.xlane v21, v14;
	v63 =	vperm.xlane v23, v4;
	v24 =	vshrl.u32 v59, v2  }
0xc0: {  	v23 =	vperm.xlane v23, v5;
	v26 =	vshrl.u32 v61, v2;
	v24 =	vand.u32 $0xFF, v24  }
0xc1: {  	v28 =	vshrl.u32 v63, v2;
	v26 =	vand.u32 $0xFF, v26;
	v24 =	vcvt.s32.f32 v24  }
0xc2: {  	v23 =	vshrl.u32 v23, v2;
	v28 =	vand.u32 $0xFF, v28;
	v26 =	vcvt.s32.f32 v26  }
0xc3: {  	v23 =	vand.u32 $0xFF, v23;
	v28 =	vcvt.s32.f32 v28;
	v24 =	vsub.f32 v24, v62  }
0xc4: {  	v23 =	vcvt.s32.f32 v23;
	v26 =	vsub.f32 v26, v62  }
0xc5: {  	v28 =	vsub.f32 v28, v62;
	v24 =	vmul.f32 v24, v60  }
0xc6: {  	v23 =	vsub.f32 v23, v62;
	v26 =	vmul.f32 v26, v60  }
0xc7: {  	v30 =	vmul.f32 v28, v60;
	[tilespmem:s0+$0x40] =	vst v24  }
0xc8: {  	v23 =	vmul.f32 v23, v60;
	[tilespmem:s0+$0x50] =	vst v26  }
0xc9: {  	[tilespmem:s0+$0x60] =	vst v30  }
0xca: {  	[tilespmem:s0+$0x70] =	vst v23  }
0xcb: {  	v23 =	vld [tilespmem:s15+$0x20];
	_ =	sdelay $0x4  }
0xcc: {  	v31 =	vperm.xlane v23, v1  }
0xcd: {  	v32 =	vperm.xlane v22, v15;
	v33 =	vperm.xlane v23, v3  }
0xce: {  	v34 =	vperm.xlane v21, v15;
	v35 =	vperm.xlane v23, v4;
	v24 =	vshrl.u32 v31, v2  }
0xcf: {  	v23 =	vperm.xlane v23, v5;
	v26 =	vshrl.u32 v33, v2;
	v24 =	vand.u32 $0xFF, v24  }
0xd0: {  	v28 =	vshrl.u32 v35, v2;
	v26 =	vand.u32 $0xFF, v26;
	v24 =	vcvt.s32.f32 v24  }
0xd1: {  	v23 =	vshrl.u32 v23, v2;
	v28 =	vand.u32 $0xFF, v28;
	v26 =	vcvt.s32.f32 v26  }
0xd2: {  	v23 =	vand.u32 $0xFF, v23;
	v28 =	vcvt.s32.f32 v28;
	v24 =	vsub.f32 v24, v34  }
0xd3: {  	v23 =	vcvt.s32.f32 v23;
	v26 =	vsub.f32 v26, v34  }
0xd4: {  	v28 =	vsub.f32 v28, v34;
	v24 =	vmul.f32 v24, v32  }
0xd5: {  	v23 =	vsub.f32 v23, v34;
	v26 =	vmul.f32 v26, v32  }
0xd6: {  	v36 =	vmul.f32 v28, v32;
	[tilespmem:s0+$0x80] =	vst v24  }
0xd7: {  	v23 =	vmul.f32 v23, v32;
	[tilespmem:s0+$0x90] =	vst v26  }
0xd8: {  	[tilespmem:s0+$0xA0] =	vst v36  }
0xd9: {  	[tilespmem:s0+$0xB0] =	vst v23  }
0xda: {  	v23 =	vld [tilespmem:s15+$0x30];
	_ =	sdelay $0x4  }
0xdb: {  	v37 =	vperm.xlane v23, v1  }
0xdc: {  	v38 =	vperm.xlane v22, v16;
	v39 =	vperm.xlane v23, v3  }
0xdd: {  	v40 =	vperm.xlane v21, v16;
	v41 =	vperm.xlane v23, v4;
	v24 =	vshrl.u32 v37, v2  }
0xde: {  	v23 =	vperm.xlane v23, v5;
	v26 =	vshrl.u32 v39, v2;
	v24 =	vand.u32 $0xFF, v24  }
0xdf: {  	v28 =	vshrl.u32 v41, v2;
	v26 =	vand.u32 $0xFF, v26;
	v24 =	vcvt.s32.f32 v24  }
0xe0: {  	v23 =	vshrl.u32 v23, v2;
	v28 =	vand.u32 $0xFF, v28;
	v26 =	vcvt.s32.f32 v26  }
0xe1: {  	v23 =	vand.u32 $0xFF, v23;
	v28 =	vcvt.s32.f32 v28;
	v24 =	vsub.f32 v24, v40  }
0xe2: {  	v23 =	vcvt.s32.f32 v23;
	v26 =	vsub.f32 v26, v40  }
0xe3: {  	v28 =	vsub.f32 v28, v40;
	v24 =	vmul.f32 v24, v38  }
0xe4: {  	v23 =	vsub.f32 v23, v40;
	v26 =	vmul.f32 v26, v38  }
0xe5: {  	v42 =	vmul.f32 v28, v38;
	[tilespmem:s0+$0xC0] =	vst v24  }
0xe6: {  	v23 =	vmul.f32 v23, v38;
	[tilespmem:s0+$0xD0] =	vst v26  }
0xe7: {  	[tilespmem:s0+$0xE0] =	vst v42  }
0xe8: {  	[tilespmem:s0+$0xF0] =	vst v23  }
0xe9: {  	v23 =	vld [tilespmem:s15+$0x40];
	_ =	sdelay $0x4  }
0xea: {  	v43 =	vperm.xlane v23, v1  }
0xeb: {  	v44 =	vperm.xlane v22, v17;
	v45 =	vperm.xlane v23, v3  }
0xec: {  	v46 =	vperm.xlane v21, v17;
	v47 =	vperm.xlane v23, v4;
	v24 =	vshrl.u32 v43, v2  }
0xed: {  	v23 =	vperm.xlane v23, v5;
	v26 =	vshrl.u32 v45, v2;
	v24 =	vand.u32 $0xFF, v24  }
0xee: {  	v28 =	vshrl.u32 v47, v2;
	v26 =	vand.u32 $0xFF, v26;
	v24 =	vcvt.s32.f32 v24  }
0xef: {  	v23 =	vshrl.u32 v23, v2;
	v28 =	vand.u32 $0xFF, v28;
	v26 =	vcvt.s32.f32 v26  }
0xf0: {  	v23 =	vand.u32 $0xFF, v23;
	v28 =	vcvt.s32.f32 v28;
	v24 =	vsub.f32 v24, v46  }
0xf1: {  	v23 =	vcvt.s32.f32 v23;
	v26 =	vsub.f32 v26, v46  }
0xf2: {  	v28 =	vsub.f32 v28, v46;
	v24 =	vmul.f32 v24, v44  }
0xf3: {  	v23 =	vsub.f32 v23, v46;
	v26 =	vmul.f32 v26, v44  }
0xf4: {  	v48 =	vmul.f32 v28, v44;
	[tilespmem:s0+$0x100] =	vst v24  }
0xf5: {  	v23 =	vmul.f32 v23, v44;
	[tilespmem:s0+$0x110] =	vst v26  }
0xf6: {  	[tilespmem:s0+$0x120] =	vst v48  }
0xf7: {  	[tilespmem:s0+$0x130] =	vst v23  }
0xf8: {  	v23 =	vld [tilespmem:s15+$0x50];
	_ =	sdelay $0x4  }
0xf9: {  	v49 =	vperm.xlane v23, v1  }
0xfa: {  	v50 =	vperm.xlane v22, v18;
	v51 =	vperm.xlane v23, v3  }
0xfb: {  	v52 =	vperm.xlane v21, v18;
	v53 =	vperm.xlane v23, v4;
	v24 =	vshrl.u32 v49, v2  }
0xfc: {  	v23 =	vperm.xlane v23, v5;
	v26 =	vshrl.u32 v51, v2;
	v24 =	vand.u32 $0xFF, v24  }
0xfd: {  	v28 =	vshrl.u32 v53, v2;
	v26 =	vand.u32 $0xFF, v26;
	v24 =	vcvt.s32.f32 v24  }
0xfe: {  	v23 =	vshrl.u32 v23, v2;
	v28 =	vand.u32 $0xFF, v28;
	v26 =	vcvt.s32.f32 v26  }
0xff: {  	v23 =	vand.u32 $0xFF, v23;
	v28 =	vcvt.s32.f32 v28;
	v24 =	vsub.f32 v24, v52  }
0x100: {  	v23 =	vcvt.s32.f32 v23;
	v26 =	vsub.f32 v26, v52  }
0x101: {  	v28 =	vsub.f32 v28, v52;
	v24 =	vmul.f32 v24, v50  }
0x102: {  	v23 =	vsub.f32 v23, v52;
	v26 =	vmul.f32 v26, v50  }
0x103: {  	v54 =	vmul.f32 v28, v50;
	[tilespmem:s0+$0x140] =	vst v24  }
0x104: {  	v23 =	vmul.f32 v23, v50;
	[tilespmem:s0+$0x150] =	vst v26  }
0x105: {  	[tilespmem:s0+$0x160] =	vst v54  }
0x106: {  	[tilespmem:s0+$0x170] =	vst v23  }
0x107: {  	v23 =	vld [tilespmem:s15+$0x60];
	_ =	sdelay $0x4  }
0x108: {  	v55 =	vperm.xlane v23, v1  }
0x109: {  	v56 =	vperm.xlane v22, v19;
	v57 =	vperm.xlane v23, v3  }
0x10a: {  	v58 =	vperm.xlane v21, v19;
	v59 =	vperm.xlane v23, v4;
	v24 =	vshrl.u32 v55, v2  }
0x10b: {  	v23 =	vperm.xlane v23, v5;
	v26 =	vshrl.u32 v57, v2;
	v24 =	vand.u32 $0xFF, v24  }
0x10c: {  	v28 =	vshrl.u32 v59, v2;
	v26 =	vand.u32 $0xFF, v26;
	v24 =	vcvt.s32.f32 v24  }
0x10d: {  	v23 =	vshrl.u32 v23, v2;
	v28 =	vand.u32 $0xFF, v28;
	v26 =	vcvt.s32.f32 v26  }
0x10e: {  	v23 =	vand.u32 $0xFF, v23;
	v28 =	vcvt.s32.f32 v28;
	v24 =	vsub.f32 v24, v58  }
0x10f: {  	v23 =	vcvt.s32.f32 v23;
	v26 =	vsub.f32 v26, v58  }
0x110: {  	v28 =	vsub.f32 v28, v58;
	v24 =	vmul.f32 v24, v56  }
0x111: {  	v23 =	vsub.f32 v23, v58;
	v26 =	vmul.f32 v26, v56  }
0x112: {  	v60 =	vmul.f32 v28, v56;
	[tilespmem:s0+$0x180] =	vst v24  }
0x113: {  	v23 =	vmul.f32 v23, v56;
	[tilespmem:s0+$0x190] =	vst v26  }
0x114: {  	[tilespmem:s0+$0x1A0] =	vst v60  }
0x115: {  	[tilespmem:s0+$0x1B0] =	vst v23  }
0x116: {  	v23 =	vld [tilespmem:s15+$0x70];
	_ =	sdelay $0x4  }
0x117: {  	v61 =	vperm.xlane v23, v1  }
0x118: {  	v22 =	vperm.xlane v22, v20;
	v62 =	vperm.xlane v23, v3  }
0x119: {  	v21 =	vperm.xlane v21, v20;
	v63 =	vperm.xlane v23, v4;
	v24 =	vshrl.u32 v61, v2  }
0x11a: {  	v23 =	vperm.xlane v23, v5;
	v25 =	vshrl.u32 v62, v2;
	v24 =	vand.u32 $0xFF, v24  }
0x11b: {  	v26 =	vshrl.u32 v63, v2;
	v25 =	vand.u32 $0xFF, v25;
	v24 =	vcvt.s32.f32 v24  }
0x11c: {  	v23 =	vshrl.u32 v23, v2;
	v26 =	vand.u32 $0xFF, v26;
	v25 =	vcvt.s32.f32 v25  }
0x11d: {  	v23 =	vand.u32 $0xFF, v23;
	v26 =	vcvt.s32.f32 v26;
	v24 =	vsub.f32 v24, v21  }
0x11e: {  	v23 =	vcvt.s32.f32 v23;
	v25 =	vsub.f32 v25, v21  }
0x11f: {  	p1 =	sne.s32 s3, $0x1C0;
	v26 =	vsub.f32 v26, v21;
	v24 =	vmul.f32 v24, v22  }
.Ltmp0:
0x120: {  	v21 =	vsub.f32 v23, v21;
	v25 =	vmul.f32 v25, v22;
	(pc) =	sbr.rel @p1 .LBB2_3-.Ltmp0, $4  }
0x121: {  	v23 =	vmul.f32 v26, v22;
	[tilespmem:s0+$0x1C0] =	vst v24  }
0x122: {  	v21 =	vmul.f32 v21, v22;
	[tilespmem:s0+$0x1D0] =	vst v25  }
0x123: {  	[tilespmem:s0+$0x1E0] =	vst v23  }
0x124: {  	s3 =	sadd.s32 $0x40, s3;
	s15 =	sadd.s32 $0x100, s15;
	[tilespmem:s0+$0x1F0] =	vst v21;
	s0 =	sadd.s32 $0x400, s0  }
0x125: {  	s0 =	sshll.u32 s29, $0xE  }
0x126: {  	s0 =	sadd.s32 s10, s0  }
0x127: {  	s0 =	sshrl.u32 s0, $0x3  }
0x128: {  	p1 =	seq.s32 s29, $0x18;
	s0 =	sadd.s32 s5, s0  }
0x129: {  	[hbm4b:s0+s6] =	stream.linear.scatter [tilespmem:s22], [sflag:$0x3], $0x2000, $0x38;
	[tilespmem:$0x5300] =	vst v63  }
0x12a: {  	s0 =	sadd.s32 @!p1 s31, s11  }
0x12b: {  	s0 =	sshrl.u32 @!p1 s0, $0x3  }
0x12c: {  	s3 =	simm.s32 @!p1 $0x0;
	s0 =	sadd.s32 @!p1 s1, s0  }
0x12d: {  	[tilespmem:s3], [sflag:$0x5] =	stream.linear.gather @!p1 [hbm4b:s0+s3], $0x80, $0x38;
	[tilespmem:$0x5300] =	vst v63  }
0x12e: {  	s0 =	simm.s32 @!p1 $0x5  }
0x12f: {  	_ =	swait.ge @!p1 [sflag:s0], $0x80  }
0x130: {  	[sflag:s0] =	ssyncset.done @!p1 $0x0  }
0x131: {  	s15 =	simm.s32 @!p1 $0x100;
	[sflag:s0] =	ssyncadd.s32 @!p1 $0xFFFFFF80;
	s0 =	simm.s32 @!p1 $0x80  }
0x132: {  	[tilespmem:s15], [sflag:$0x1] =	stream.indirect.gather @!p1 [hbm4b:s8+s0], $0x10, s3, s0, $0xb8;
	[tilespmem:$0x5300] =	vst v63  }
0x133: {  	s15 =	simm.s32 @!p1 $0x1100  }
0x134: {  	[tilespmem:s15], [sflag:$0x1] =	stream.indirect.gather @!p1 [hbm4b:s2+s0], $0x1, s3, s0, $0xb8;
	[tilespmem:$0x5300] =	vst v63  }
0x135: {  	s15 =	simm.s32 @!p1 $0x1200  }
0x136: {  	[tilespmem:s15], [sflag:$0x1] =	stream.indirect.gather @!p1 [hbm4b:s4+s0], $0x1, s3, s0, $0xb8;
	[tilespmem:$0x5300] =	vst v63  }
0x137: {  	_ =	swait.ge [sflag:s23], $0x800  }
0x138: {  	[sflag:s23] =	ssyncset.done $0x0  }
0x139: {  	[sflag:s23] =	ssyncadd.s32 $0xFFFFF800  }
0x13a: {  	_ =	swait.ge [sflag:s23], $0x80  }
0x13b: {  	[sflag:s23] =	ssyncset.done $0x0  }
0x13c: {  	[sflag:s23] =	ssyncadd.s32 $0xFFFFFF80  }
0x13d: {  	_ =	swait.ge [sflag:s23], $0x80  }
0x13e: {  	[sflag:s23] =	ssyncset.done $0x0  }
0x13f: {  	s0 =	simm.s32 @!p0 $0x4;
	[sflag:s23] =	ssyncadd.s32 $0xFFFFFF80  }
0x140: {  	_ =	swait.ge @!p0 [sflag:s0], $0x2000  }
0x141: {  	s3 =	simm.s32 $0x0;
	[sflag:s0] =	ssyncset.done @!p0 $0x0  }
0x142: {  	s15 =	simm.s32 $0x980;
	[sflag:s0] =	ssyncadd.s32 @!p0 $0xFFFFE000;
	s0 =	simm.s32 $0x3500  }
.LBB2_5:
0x143: {  	v23 =	vld [tilespmem:s15+$0xFFFFFF80]  }
0x144: {  	s16 =	sshra.s32 s3, $0x2  }
0x145: {  	v22 =	vld [tilespmem:s16+$0x1180]  }
0x146: {  	v21 =	vld [tilespmem:s16+$0x1280];
	_ =	sdelay $0x1  }
0x147: {  	v24 =	vperm.xlane v23, v1  }
0x148: {  	v26 =	vperm.xlane v23, v3;
	v28 =	vperm.xlane v23, v4  }
0x149: {  	v23 =	vperm.xlane v23, v5;
	v25 =	vperm.xlane v22, v0;
	v24 =	vshrl.u32 v24, v2  }
0x14a: {  	v27 =	vperm.xlane v21, v0;
	v26 =	vshrl.u32 v26, v2;
	v24 =	vand.u32 $0xFF, v24  }
0x14b: {  	v28 =	vshrl.u32 v28, v2;
	v26 =	vand.u32 $0xFF, v26;
	v24 =	vcvt.s32.f32 v24  }
0x14c: {  	v23 =	vshrl.u32 v23, v2;
	v28 =	vand.u32 $0xFF, v28;
	v26 =	vcvt.s32.f32 v26  }
0x14d: {  	v23 =	vand.u32 $0xFF, v23;
	v28 =	vcvt.s32.f32 v28;
	v24 =	vsub.f32 v24, v27  }
0x14e: {  	v23 =	vcvt.s32.f32 v23;
	v26 =	vsub.f32 v26, v27  }
0x14f: {  	v28 =	vsub.f32 v28, v27;
	v24 =	vmul.f32 v24, v25  }
0x150: {  	v23 =	vsub.f32 v23, v27;
	v26 =	vmul.f32 v26, v25  }
0x151: {  	v42 =	vmul.f32 v28, v25;
	[tilespmem:s0+$0xFFFFFE00] =	vst v24  }
0x152: {  	v23 =	vmul.f32 v23, v25;
	[tilespmem:s0+$0xFFFFFE10] =	vst v26  }
0x153: {  	[tilespmem:s0+$0xFFFFFE20] =	vst v42  }
0x154: {  	[tilespmem:s0+$0xFFFFFE30] =	vst v23  }
0x155: {  	v23 =	vld [tilespmem:s15+$0xFFFFFF90];
	_ =	sdelay $0x4  }
0x156: {  	v43 =	vperm.xlane v23, v1  }
0x157: {  	v44 =	vperm.xlane v22, v6;
	v45 =	vperm.xlane v23, v3  }
0x158: {  	v46 =	vperm.xlane v21, v6;
	v47 =	vperm.xlane v23, v4;
	v24 =	vshrl.u32 v43, v2  }
0x159: {  	v23 =	vperm.xlane v23, v5;
	v26 =	vshrl.u32 v45, v2;
	v24 =	vand.u32 $0xFF, v24  }
0x15a: {  	v28 =	vshrl.u32 v47, v2;
	v26 =	vand.u32 $0xFF, v26;
	v24 =	vcvt.s32.f32 v24  }
0x15b: {  	v23 =	vshrl.u32 v23, v2;
	v28 =	vand.u32 $0xFF, v28;
	v26 =	vcvt.s32.f32 v26  }
0x15c: {  	v23 =	vand.u32 $0xFF, v23;
	v28 =	vcvt.s32.f32 v28;
	v24 =	vsub.f32 v24, v46  }
0x15d: {  	v23 =	vcvt.s32.f32 v23;
	v26 =	vsub.f32 v26, v46  }
0x15e: {  	v28 =	vsub.f32 v28, v46;
	v24 =	vmul.f32 v24, v44  }
0x15f: {  	v23 =	vsub.f32 v23, v46;
	v26 =	vmul.f32 v26, v44  }
0x160: {  	v48 =	vmul.f32 v28, v44;
	[tilespmem:s0+$0xFFFFFE40] =	vst v24  }
0x161: {  	v23 =	vmul.f32 v23, v44;
	[tilespmem:s0+$0xFFFFFE50] =	vst v26  }
0x162: {  	[tilespmem:s0+$0xFFFFFE60] =	vst v48  }
0x163: {  	[tilespmem:s0+$0xFFFFFE70] =	vst v23  }
0x164: {  	v23 =	vld [tilespmem:s15+$0xFFFFFFA0];
	_ =	sdelay $0x4  }
0x165: {  	v49 =	vperm.xlane v23, v1  }
0x166: {  	v50 =	vperm.xlane v22, v7;
	v51 =	vperm.xlane v23, v3  }
0x167: {  	v52 =	vperm.xlane v21, v7;
	v53 =	vperm.xlane v23, v4;
	v24 =	vshrl.u32 v49, v2  }
0x168: {  	v23 =	vperm.xlane v23, v5;
	v26 =	vshrl.u32 v51, v2;
	v24 =	vand.u32 $0xFF, v24  }
0x169: {  	v28 =	vshrl.u32 v53, v2;
	v26 =	vand.u32 $0xFF, v26;
	v24 =	vcvt.s32.f32 v24  }
0x16a: {  	v23 =	vshrl.u32 v23, v2;
	v28 =	vand.u32 $0xFF, v28;
	v26 =	vcvt.s32.f32 v26  }
0x16b: {  	v23 =	vand.u32 $0xFF, v23;
	v28 =	vcvt.s32.f32 v28;
	v24 =	vsub.f32 v24, v52  }
0x16c: {  	v23 =	vcvt.s32.f32 v23;
	v26 =	vsub.f32 v26, v52  }
0x16d: {  	v28 =	vsub.f32 v28, v52;
	v24 =	vmul.f32 v24, v50  }
0x16e: {  	v23 =	vsub.f32 v23, v52;
	v26 =	vmul.f32 v26, v50  }
0x16f: {  	v54 =	vmul.f32 v28, v50;
	[tilespmem:s0+$0xFFFFFE80] =	vst v24  }
0x170: {  	v23 =	vmul.f32 v23, v50;
	[tilespmem:s0+$0xFFFFFE90] =	vst v26  }
0x171: {  	[tilespmem:s0+$0xFFFFFEA0] =	vst v54  }
0x172: {  	[tilespmem:s0+$0xFFFFFEB0] =	vst v23  }
0x173: {  	v23 =	vld [tilespmem:s15+$0xFFFFFFB0];
	_ =	sdelay $0x4  }
0x174: {  	v55 =	vperm.xlane v23, v1  }
0x175: {  	v56 =	vperm.xlane v22, v8;
	v57 =	vperm.xlane v23, v3  }
0x176: {  	v58 =	vperm.xlane v21, v8;
	v59 =	vperm.xlane v23, v4;
	v24 =	vshrl.u32 v55, v2  }
0x177: {  	v23 =	vperm.xlane v23, v5;
	v26 =	vshrl.u32 v57, v2;
	v24 =	vand.u32 $0xFF, v24  }
0x178: {  	v28 =	vshrl.u32 v59, v2;
	v26 =	vand.u32 $0xFF, v26;
	v24 =	vcvt.s32.f32 v24  }
0x179: {  	v23 =	vshrl.u32 v23, v2;
	v28 =	vand.u32 $0xFF, v28;
	v26 =	vcvt.s32.f32 v26  }
0x17a: {  	v23 =	vand.u32 $0xFF, v23;
	v28 =	vcvt.s32.f32 v28;
	v24 =	vsub.f32 v24, v58  }
0x17b: {  	v23 =	vcvt.s32.f32 v23;
	v26 =	vsub.f32 v26, v58  }
0x17c: {  	v28 =	vsub.f32 v28, v58;
	v24 =	vmul.f32 v24, v56  }
0x17d: {  	v23 =	vsub.f32 v23, v58;
	v26 =	vmul.f32 v26, v56  }
0x17e: {  	v60 =	vmul.f32 v28, v56;
	[tilespmem:s0+$0xFFFFFEC0] =	vst v24  }
0x17f: {  	v23 =	vmul.f32 v23, v56;
	[tilespmem:s0+$0xFFFFFED0] =	vst v26  }
0x180: {  	[tilespmem:s0+$0xFFFFFEE0] =	vst v60  }
0x181: {  	[tilespmem:s0+$0xFFFFFEF0] =	vst v23  }
0x182: {  	v23 =	vld [tilespmem:s15+$0xFFFFFFC0];
	_ =	sdelay $0x4  }
0x183: {  	v61 =	vperm.xlane v23, v1  }
0x184: {  	v62 =	vperm.xlane v22, v9;
	v63 =	vperm.xlane v23, v3  }
0x185: {  	v32 =	vperm.xlane v21, v9;
	v33 =	vperm.xlane v23, v4;
	v24 =	vshrl.u32 v61, v2  }
0x186: {  	v23 =	vperm.xlane v23, v5;
	v26 =	vshrl.u32 v63, v2;
	v24 =	vand.u32 $0xFF, v24  }
0x187: {  	v28 =	vshrl.u32 v33, v2;
	v26 =	vand.u32 $0xFF, v26;
	v24 =	vcvt.s32.f32 v24  }
0x188: {  	v23 =	vshrl.u32 v23, v2;
	v28 =	vand.u32 $0xFF, v28;
	v26 =	vcvt.s32.f32 v26  }
0x189: {  	v23 =	vand.u32 $0xFF, v23;
	v28 =	vcvt.s32.f32 v28;
	v24 =	vsub.f32 v24, v32  }
0x18a: {  	v23 =	vcvt.s32.f32 v23;
	v26 =	vsub.f32 v26, v32  }
0x18b: {  	v28 =	vsub.f32 v28, v32;
	v24 =	vmul.f32 v24, v62  }
0x18c: {  	v23 =	vsub.f32 v23, v32;
	v26 =	vmul.f32 v26, v62  }
0x18d: {  	v34 =	vmul.f32 v28, v62;
	[tilespmem:s0+$0xFFFFFF00] =	vst v24  }
0x18e: {  	v23 =	vmul.f32 v23, v62;
	[tilespmem:s0+$0xFFFFFF10] =	vst v26  }
0x18f: {  	[tilespmem:s0+$0xFFFFFF20] =	vst v34  }
0x190: {  	[tilespmem:s0+$0xFFFFFF30] =	vst v23  }
0x191: {  	v23 =	vld [tilespmem:s15+$0xFFFFFFD0];
	_ =	sdelay $0x4  }
0x192: {  	v35 =	vperm.xlane v23, v1  }
0x193: {  	v36 =	vperm.xlane v22, v10;
	v37 =	vperm.xlane v23, v3  }
0x194: {  	v38 =	vperm.xlane v21, v10;
	v39 =	vperm.xlane v23, v4;
	v24 =	vshrl.u32 v35, v2  }
0x195: {  	v23 =	vperm.xlane v23, v5;
	v26 =	vshrl.u32 v37, v2;
	v24 =	vand.u32 $0xFF, v24  }
0x196: {  	v28 =	vshrl.u32 v39, v2;
	v26 =	vand.u32 $0xFF, v26;
	v24 =	vcvt.s32.f32 v24  }
0x197: {  	v23 =	vshrl.u32 v23, v2;
	v28 =	vand.u32 $0xFF, v28;
	v26 =	vcvt.s32.f32 v26  }
0x198: {  	v23 =	vand.u32 $0xFF, v23;
	v28 =	vcvt.s32.f32 v28;
	v24 =	vsub.f32 v24, v38  }
0x199: {  	v23 =	vcvt.s32.f32 v23;
	v26 =	vsub.f32 v26, v38  }
0x19a: {  	v28 =	vsub.f32 v28, v38;
	v24 =	vmul.f32 v24, v36  }
0x19b: {  	v23 =	vsub.f32 v23, v38;
	v26 =	vmul.f32 v26, v36  }
0x19c: {  	v40 =	vmul.f32 v28, v36;
	[tilespmem:s0+$0xFFFFFF40] =	vst v24  }
0x19d: {  	v23 =	vmul.f32 v23, v36;
	[tilespmem:s0+$0xFFFFFF50] =	vst v26  }
0x19e: {  	[tilespmem:s0+$0xFFFFFF60] =	vst v40  }
0x19f: {  	[tilespmem:s0+$0xFFFFFF70] =	vst v23  }
0x1a0: {  	v23 =	vld [tilespmem:s15+$0xFFFFFFE0];
	_ =	sdelay $0x4  }
0x1a1: {  	v41 =	vperm.xlane v23, v1  }
0x1a2: {  	v42 =	vperm.xlane v22, v11;
	v43 =	vperm.xlane v23, v3  }
0x1a3: {  	v44 =	vperm.xlane v21, v11;
	v45 =	vperm.xlane v23, v4;
	v24 =	vshrl.u32 v41, v2  }
0x1a4: {  	v23 =	vperm.xlane v23, v5;
	v26 =	vshrl.u32 v43, v2;
	v24 =	vand.u32 $0xFF, v24  }
0x1a5: {  	v28 =	vshrl.u32 v45, v2;
	v26 =	vand.u32 $0xFF, v26;
	v24 =	vcvt.s32.f32 v24  }
0x1a6: {  	v23 =	vshrl.u32 v23, v2;
	v28 =	vand.u32 $0xFF, v28;
	v26 =	vcvt.s32.f32 v26  }
0x1a7: {  	v23 =	vand.u32 $0xFF, v23;
	v28 =	vcvt.s32.f32 v28;
	v24 =	vsub.f32 v24, v44  }
0x1a8: {  	v23 =	vcvt.s32.f32 v23;
	v26 =	vsub.f32 v26, v44  }
0x1a9: {  	v28 =	vsub.f32 v28, v44;
	v24 =	vmul.f32 v24, v42  }
0x1aa: {  	v23 =	vsub.f32 v23, v44;
	v26 =	vmul.f32 v26, v42  }
0x1ab: {  	v46 =	vmul.f32 v28, v42;
	[tilespmem:s0+$0xFFFFFF80] =	vst v24  }
0x1ac: {  	v23 =	vmul.f32 v23, v42;
	[tilespmem:s0+$0xFFFFFF90] =	vst v26  }
0x1ad: {  	[tilespmem:s0+$0xFFFFFFA0] =	vst v46  }
0x1ae: {  	[tilespmem:s0+$0xFFFFFFB0] =	vst v23  }
0x1af: {  	v23 =	vld [tilespmem:s15+$0xFFFFFFF0];
	_ =	sdelay $0x4  }
0x1b0: {  	v47 =	vperm.xlane v23, v1  }
0x1b1: {  	v48 =	vperm.xlane v22, v12;
	v49 =	vperm.xlane v23, v3  }
0x1b2: {  	v50 =	vperm.xlane v21, v12;
	v51 =	vperm.xlane v23, v4;
	v24 =	vshrl.u32 v47, v2  }
0x1b3: {  	v23 =	vperm.xlane v23, v5;
	v26 =	vshrl.u32 v49, v2;
	v24 =	vand.u32 $0xFF, v24  }
0x1b4: {  	v28 =	vshrl.u32 v51, v2;
	v26 =	vand.u32 $0xFF, v26;
	v24 =	vcvt.s32.f32 v24  }
0x1b5: {  	v23 =	vshrl.u32 v23, v2;
	v28 =	vand.u32 $0xFF, v28;
	v26 =	vcvt.s32.f32 v26  }
0x1b6: {  	v23 =	vand.u32 $0xFF, v23;
	v28 =	vcvt.s32.f32 v28;
	v24 =	vsub.f32 v24, v50  }
0x1b7: {  	v23 =	vcvt.s32.f32 v23;
	v26 =	vsub.f32 v26, v50  }
0x1b8: {  	v28 =	vsub.f32 v28, v50;
	v24 =	vmul.f32 v24, v48  }
0x1b9: {  	v23 =	vsub.f32 v23, v50;
	v26 =	vmul.f32 v26, v48  }
0x1ba: {  	v52 =	vmul.f32 v28, v48;
	[tilespmem:s0+$0xFFFFFFC0] =	vst v24  }
0x1bb: {  	v23 =	vmul.f32 v23, v48;
	[tilespmem:s0+$0xFFFFFFD0] =	vst v26  }
0x1bc: {  	[tilespmem:s0+$0xFFFFFFE0] =	vst v52  }
0x1bd: {  	[tilespmem:s0+$0xFFFFFFF0] =	vst v23  }
0x1be: {  	v23 =	vld [tilespmem:s15+$0x0];
	_ =	sdelay $0x4  }
0x1bf: {  	v53 =	vperm.xlane v23, v1  }
0x1c0: {  	v54 =	vperm.xlane v22, v13;
	v55 =	vperm.xlane v23, v3  }
0x1c1: {  	v56 =	vperm.xlane v21, v13;
	v57 =	vperm.xlane v23, v4;
	v24 =	vshrl.u32 v53, v2  }
0x1c2: {  	v23 =	vperm.xlane v23, v5;
	v26 =	vshrl.u32 v55, v2;
	v24 =	vand.u32 $0xFF, v24  }
0x1c3: {  	v28 =	vshrl.u32 v57, v2;
	v26 =	vand.u32 $0xFF, v26;
	v24 =	vcvt.s32.f32 v24  }
0x1c4: {  	v23 =	vshrl.u32 v23, v2;
	v28 =	vand.u32 $0xFF, v28;
	v26 =	vcvt.s32.f32 v26  }
0x1c5: {  	v23 =	vand.u32 $0xFF, v23;
	v28 =	vcvt.s32.f32 v28;
	v24 =	vsub.f32 v24, v56  }
0x1c6: {  	v23 =	vcvt.s32.f32 v23;
	v26 =	vsub.f32 v26, v56  }
0x1c7: {  	v28 =	vsub.f32 v28, v56;
	v24 =	vmul.f32 v24, v54  }
0x1c8: {  	v23 =	vsub.f32 v23, v56;
	v26 =	vmul.f32 v26, v54  }
0x1c9: {  	v58 =	vmul.f32 v28, v54;
	[tilespmem:s0+$0x0] =	vst v24  }
0x1ca: {  	v23 =	vmul.f32 v23, v54;
	[tilespmem:s0+$0x10] =	vst v26  }
0x1cb: {  	[tilespmem:s0+$0x20] =	vst v58  }
0x1cc: {  	[tilespmem:s0+$0x30] =	vst v23  }
0x1cd: {  	v23 =	vld [tilespmem:s15+$0x10];
	_ =	sdelay $0x4  }
0x1ce: {  	v59 =	vperm.xlane v23, v1  }
0x1cf: {  	v60 =	vperm.xlane v22, v14;
	v61 =	vperm.xlane v23, v3  }
0x1d0: {  	v62 =	vperm.xlane v21, v14;
	v63 =	vperm.xlane v23, v4;
	v24 =	vshrl.u32 v59, v2  }
0x1d1: {  	v23 =	vperm.xlane v23, v5;
	v26 =	vshrl.u32 v61, v2;
	v24 =	vand.u32 $0xFF, v24  }
0x1d2: {  	v28 =	vshrl.u32 v63, v2;
	v26 =	vand.u32 $0xFF, v26;
	v24 =	vcvt.s32.f32 v24  }
0x1d3: {  	v23 =	vshrl.u32 v23, v2;
	v28 =	vand.u32 $0xFF, v28;
	v26 =	vcvt.s32.f32 v26  }
0x1d4: {  	v23 =	vand.u32 $0xFF, v23;
	v28 =	vcvt.s32.f32 v28;
	v24 =	vsub.f32 v24, v62  }
0x1d5: {  	v23 =	vcvt.s32.f32 v23;
	v26 =	vsub.f32 v26, v62  }
0x1d6: {  	v28 =	vsub.f32 v28, v62;
	v24 =	vmul.f32 v24, v60  }
0x1d7: {  	v23 =	vsub.f32 v23, v62;
	v26 =	vmul.f32 v26, v60  }
0x1d8: {  	v30 =	vmul.f32 v28, v60;
	[tilespmem:s0+$0x40] =	vst v24  }
0x1d9: {  	v23 =	vmul.f32 v23, v60;
	[tilespmem:s0+$0x50] =	vst v26  }
0x1da: {  	[tilespmem:s0+$0x60] =	vst v30  }
0x1db: {  	[tilespmem:s0+$0x70] =	vst v23  }
0x1dc: {  	v23 =	vld [tilespmem:s15+$0x20];
	_ =	sdelay $0x4  }
0x1dd: {  	v31 =	vperm.xlane v23, v1  }
0x1de: {  	v32 =	vperm.xlane v22, v15;
	v33 =	vperm.xlane v23, v3  }
0x1df: {  	v34 =	vperm.xlane v21, v15;
	v35 =	vperm.xlane v23, v4;
	v24 =	vshrl.u32 v31, v2  }
0x1e0: {  	v23 =	vperm.xlane v23, v5;
	v26 =	vshrl.u32 v33, v2;
	v24 =	vand.u32 $0xFF, v24  }
0x1e1: {  	v28 =	vshrl.u32 v35, v2;
	v26 =	vand.u32 $0xFF, v26;
	v24 =	vcvt.s32.f32 v24  }
0x1e2: {  	v23 =	vshrl.u32 v23, v2;
	v28 =	vand.u32 $0xFF, v28;
	v26 =	vcvt.s32.f32 v26  }
0x1e3: {  	v23 =	vand.u32 $0xFF, v23;
	v28 =	vcvt.s32.f32 v28;
	v24 =	vsub.f32 v24, v34  }
0x1e4: {  	v23 =	vcvt.s32.f32 v23;
	v26 =	vsub.f32 v26, v34  }
0x1e5: {  	v28 =	vsub.f32 v28, v34;
	v24 =	vmul.f32 v24, v32  }
0x1e6: {  	v23 =	vsub.f32 v23, v34;
	v26 =	vmul.f32 v26, v32  }
0x1e7: {  	v36 =	vmul.f32 v28, v32;
	[tilespmem:s0+$0x80] =	vst v24  }
0x1e8: {  	v23 =	vmul.f32 v23, v32;
	[tilespmem:s0+$0x90] =	vst v26  }
0x1e9: {  	[tilespmem:s0+$0xA0] =	vst v36  }
0x1ea: {  	[tilespmem:s0+$0xB0] =	vst v23  }
0x1eb: {  	v23 =	vld [tilespmem:s15+$0x30];
	_ =	sdelay $0x4  }
0x1ec: {  	v37 =	vperm.xlane v23, v1  }
0x1ed: {  	v38 =	vperm.xlane v22, v16;
	v39 =	vperm.xlane v23, v3  }
0x1ee: {  	v40 =	vperm.xlane v21, v16;
	v41 =	vperm.xlane v23, v4;
	v24 =	vshrl.u32 v37, v2  }
0x1ef: {  	v23 =	vperm.xlane v23, v5;
	v26 =	vshrl.u32 v39, v2;
	v24 =	vand.u32 $0xFF, v24  }
0x1f0: {  	v28 =	vshrl.u32 v41, v2;
	v26 =	vand.u32 $0xFF, v26;
	v24 =	vcvt.s32.f32 v24  }
0x1f1: {  	v23 =	vshrl.u32 v23, v2;
	v28 =	vand.u32 $0xFF, v28;
	v26 =	vcvt.s32.f32 v26  }
0x1f2: {  	v23 =	vand.u32 $0xFF, v23;
	v28 =	vcvt.s32.f32 v28;
	v24 =	vsub.f32 v24, v40  }
0x1f3: {  	v23 =	vcvt.s32.f32 v23;
	v26 =	vsub.f32 v26, v40  }
0x1f4: {  	v28 =	vsub.f32 v28, v40;
	v24 =	vmul.f32 v24, v38  }
0x1f5: {  	v23 =	vsub.f32 v23, v40;
	v26 =	vmul.f32 v26, v38  }
0x1f6: {  	v42 =	vmul.f32 v28, v38;
	[tilespmem:s0+$0xC0] =	vst v24  }
0x1f7: {  	v23 =	vmul.f32 v23, v38;
	[tilespmem:s0+$0xD0] =	vst v26  }
0x1f8: {  	[tilespmem:s0+$0xE0] =	vst v42  }
0x1f9: {  	[tilespmem:s0+$0xF0] =	vst v23  }
0x1fa: {  	v23 =	vld [tilespmem:s15+$0x40];
	_ =	sdelay $0x4  }
0x1fb: {  	v43 =	vperm.xlane v23, v1  }
0x1fc: {  	v44 =	vperm.xlane v22, v17;
	v45 =	vperm.xlane v23, v3  }
0x1fd: {  	v46 =	vperm.xlane v21, v17;
	v47 =	vperm.xlane v23, v4;
	v24 =	vshrl.u32 v43, v2  }
0x1fe: {  	v23 =	vperm.xlane v23, v5;
	v26 =	vshrl.u32 v45, v2;
	v24 =	vand.u32 $0xFF, v24  }
0x1ff: {  	v28 =	vshrl.u32 v47, v2;
	v26 =	vand.u32 $0xFF, v26;
	v24 =	vcvt.s32.f32 v24  }
0x200: {  	v23 =	vshrl.u32 v23, v2;
	v28 =	vand.u32 $0xFF, v28;
	v26 =	vcvt.s32.f32 v26  }
0x201: {  	v23 =	vand.u32 $0xFF, v23;
	v28 =	vcvt.s32.f32 v28;
	v24 =	vsub.f32 v24, v46  }
0x202: {  	v23 =	vcvt.s32.f32 v23;
	v26 =	vsub.f32 v26, v46  }
0x203: {  	v28 =	vsub.f32 v28, v46;
	v24 =	vmul.f32 v24, v44  }
0x204: {  	v23 =	vsub.f32 v23, v46;
	v26 =	vmul.f32 v26, v44  }
0x205: {  	v48 =	vmul.f32 v28, v44;
	[tilespmem:s0+$0x100] =	vst v24  }
0x206: {  	v23 =	vmul.f32 v23, v44;
	[tilespmem:s0+$0x110] =	vst v26  }
0x207: {  	[tilespmem:s0+$0x120] =	vst v48  }
0x208: {  	[tilespmem:s0+$0x130] =	vst v23  }
0x209: {  	v23 =	vld [tilespmem:s15+$0x50];
	_ =	sdelay $0x4  }
0x20a: {  	v49 =	vperm.xlane v23, v1  }
0x20b: {  	v50 =	vperm.xlane v22, v18;
	v51 =	vperm.xlane v23, v3  }
0x20c: {  	v52 =	vperm.xlane v21, v18;
	v53 =	vperm.xlane v23, v4;
	v24 =	vshrl.u32 v49, v2  }
0x20d: {  	v23 =	vperm.xlane v23, v5;
	v26 =	vshrl.u32 v51, v2;
	v24 =	vand.u32 $0xFF, v24  }
0x20e: {  	v28 =	vshrl.u32 v53, v2;
	v26 =	vand.u32 $0xFF, v26;
	v24 =	vcvt.s32.f32 v24  }
0x20f: {  	v23 =	vshrl.u32 v23, v2;
	v28 =	vand.u32 $0xFF, v28;
	v26 =	vcvt.s32.f32 v26  }
0x210: {  	v23 =	vand.u32 $0xFF, v23;
	v28 =	vcvt.s32.f32 v28;
	v24 =	vsub.f32 v24, v52  }
0x211: {  	v23 =	vcvt.s32.f32 v23;
	v26 =	vsub.f32 v26, v52  }
0x212: {  	v28 =	vsub.f32 v28, v52;
	v24 =	vmul.f32 v24, v50  }
0x213: {  	v23 =	vsub.f32 v23, v52;
	v26 =	vmul.f32 v26, v50  }
0x214: {  	v54 =	vmul.f32 v28, v50;
	[tilespmem:s0+$0x140] =	vst v24  }
0x215: {  	v23 =	vmul.f32 v23, v50;
	[tilespmem:s0+$0x150] =	vst v26  }
0x216: {  	[tilespmem:s0+$0x160] =	vst v54  }
0x217: {  	[tilespmem:s0+$0x170] =	vst v23  }
0x218: {  	v23 =	vld [tilespmem:s15+$0x60];
	_ =	sdelay $0x4  }
0x219: {  	v55 =	vperm.xlane v23, v1  }
0x21a: {  	v56 =	vperm.xlane v22, v19;
	v57 =	vperm.xlane v23, v3  }
0x21b: {  	v58 =	vperm.xlane v21, v19;
	v59 =	vperm.xlane v23, v4;
	v24 =	vshrl.u32 v55, v2  }
0x21c: {  	v23 =	vperm.xlane v23, v5;
	v26 =	vshrl.u32 v57, v2;
	v24 =	vand.u32 $0xFF, v24  }
0x21d: {  	v28 =	vshrl.u32 v59, v2;
	v26 =	vand.u32 $0xFF, v26;
	v24 =	vcvt.s32.f32 v24  }
0x21e: {  	v23 =	vshrl.u32 v23, v2;
	v28 =	vand.u32 $0xFF, v28;
	v26 =	vcvt.s32.f32 v26  }
0x21f: {  	v23 =	vand.u32 $0xFF, v23;
	v28 =	vcvt.s32.f32 v28;
	v24 =	vsub.f32 v24, v58  }
0x220: {  	v23 =	vcvt.s32.f32 v23;
	v26 =	vsub.f32 v26, v58  }
0x221: {  	v28 =	vsub.f32 v28, v58;
	v24 =	vmul.f32 v24, v56  }
0x222: {  	v23 =	vsub.f32 v23, v58;
	v26 =	vmul.f32 v26, v56  }
0x223: {  	v60 =	vmul.f32 v28, v56;
	[tilespmem:s0+$0x180] =	vst v24  }
0x224: {  	v23 =	vmul.f32 v23, v56;
	[tilespmem:s0+$0x190] =	vst v26  }
0x225: {  	[tilespmem:s0+$0x1A0] =	vst v60  }
0x226: {  	[tilespmem:s0+$0x1B0] =	vst v23  }
0x227: {  	v23 =	vld [tilespmem:s15+$0x70];
	_ =	sdelay $0x4  }
0x228: {  	v61 =	vperm.xlane v23, v1  }
0x229: {  	v22 =	vperm.xlane v22, v20;
	v62 =	vperm.xlane v23, v3  }
0x22a: {  	v21 =	vperm.xlane v21, v20;
	v63 =	vperm.xlane v23, v4;
	v24 =	vshrl.u32 v61, v2  }
0x22b: {  	v23 =	vperm.xlane v23, v5;
	v25 =	vshrl.u32 v62, v2;
	v24 =	vand.u32 $0xFF, v24  }
0x22c: {  	v26 =	vshrl.u32 v63, v2;
	v25 =	vand.u32 $0xFF, v25;
	v24 =	vcvt.s32.f32 v24  }
0x22d: {  	v23 =	vshrl.u32 v23, v2;
	v26 =	vand.u32 $0xFF, v26;
	v25 =	vcvt.s32.f32 v25  }
0x22e: {  	v23 =	vand.u32 $0xFF, v23;
	v26 =	vcvt.s32.f32 v26;
	v24 =	vsub.f32 v24, v21  }
0x22f: {  	v23 =	vcvt.s32.f32 v23;
	v25 =	vsub.f32 v25, v21  }
0x230: {  	p0 =	sne.s32 s3, $0x1C0;
	v26 =	vsub.f32 v26, v21;
	v24 =	vmul.f32 v24, v22  }
.Ltmp1:
0x231: {  	v21 =	vsub.f32 v23, v21;
	v25 =	vmul.f32 v25, v22;
	(pc) =	sbr.rel @p0 .LBB2_5-.Ltmp1, $4  }
0x232: {  	v23 =	vmul.f32 v26, v22;
	[tilespmem:s0+$0x1C0] =	vst v24  }
0x233: {  	v21 =	vmul.f32 v21, v22;
	[tilespmem:s0+$0x1D0] =	vst v25  }
0x234: {  	[tilespmem:s0+$0x1E0] =	vst v23  }
0x235: {  	s3 =	sadd.s32 $0x40, s3;
	s15 =	sadd.s32 $0x100, s15;
	[tilespmem:s0+$0x1F0] =	vst v21;
	s0 =	sadd.s32 $0x400, s0  }
0x236: {  	s29 =	sadd.s32 $0x1, s29  }
0x237: {  	p0 =	sne.s32 s29, $0x19  }
.Ltmp2:
0x238: {  	_ = 	snop;
	(pc) =	sbr.rel @p0 .LBB2_2-.Ltmp2, $4  }
0x239: {  	s0 =	sshll.u32 s30, $0x3  }
0x23a: {  	s0 =	sand.u32 $0x1FFFFC00, s0  }
0x23b: {  	s0 =	sadd.s32 s5, s0  }
0x23c: {  	[hbm4b:s0+s6] =	stream.linear.scatter [tilespmem:s24], [sflag:$0x4], $0x2000, $0x38;
	[tilespmem:$0x5300] =	vst v63  }
0x23d: {  	s28 =	sadd.s32 $0x1, s28  }
0x23e: {  	_ =	swait.ge [sflag:s25], $0x2000;
	p0 =	sne.s32 s28, s12  }
.Ltmp3:
0x23f: {  	[sflag:s25] =	ssyncset.done $0x0;
	(pc) =	sbr.rel @p0 .LBB2_1-.Ltmp3, $4  }
0x240: {  	[sflag:s25] =	ssyncadd.s32 $0xFFFFE000  }
0x241: {  	_ =	swait.ge [sflag:s26], $0x2000  }
0x242: {  	[sflag:s26] =	ssyncset.done $0x0  }
0x243: {  	[sflag:s26] =	ssyncadd.s32 $0xFFFFE000  }
0x244: {  	_ =	sfence.sel $0x180000  }
0x245: {  	[bflag:$0x0] =	sbarrier.arrive $0xFFFF  }
0x246: {  	_ =	strace $0x90000047  }
0x247: {  	s0 =	stileid.u32;
	[bflag:$0x2] =	sbarrier.arrive $0xFFFF  }
0x248: {  	p0 =	sne.s32 s0, $0x0;
	s0 =	rddreg [dreg:$0x5]  }
0x249: {  	s0 =	sadd.s32 @!p0 $0x100000, s0  }
0x24a: {  	[sflag:s0] =	ssyncadd.tile.s32 @!p0 $0x1;
	_ =	shalt  }
.Lfunc_end2:
_tile_overlayer_lowered:
.L_overlay_start_2:
0x24b: {  	(tag) =	ssettag $0x2  }
0x24c: {  	s0 =	rddreg [dreg:$0x0];
	s2 =	stileid.u32  }
0x24d: {  	s1 =	rddreg [dreg:$0x1];
	p0 =	sne.s32 s2, $0x0  }
0x24e: {  	s3 =	rddreg [dreg:$0x2];
	[bflag:$0x3] =	sbarrier.arrive $0xFFFF;
	s2 =	simm.s32 @!p0 $0x1C05  }
0x24f: {  	[timem:s3], [sflag:s2] =	dma.local @!p0 [hbm:s0], s1  }
0x250: {  	s0 =	simm.s32 @!p0 $0x5  }
0x251: {  	_ =	swait.ge @!p0 [sflag:s0], s1  }
0x252: {  	s1 =	ssub.s32 @!p0 $0x0, s1;
	[sflag:s0] =	ssyncset.done @!p0 $0x0  }
0x253: {  	[sflag:s0] =	ssyncadd.s32 @!p0 s1  }
0x254: {  	[bflag:$0x3] =	sbarrier.arrive $0xFFFF  }
0x255: {  	_ =	shalt  }

// kernel: sparse-core-data-format-call.cloned.1.call-start
scs
called_computation_lowered:
.L_overlay_start_0:
0x0: {  	s2 =	sld [smem:$0x3FD9]  }
0x1: {  	s3 =	sld [smem:$0x3FFE];
	_ =	sdelay $0x1  }
0x2: {  	s1 =	srdreg.scid  }
0x3: {  	s0 =	sand.u32 $0x1, s1  }
0x4: {  	s18 =	sshll.u32 s0, $0xA;
	s2 =	sadd.s32 s3, s2  }
0x5: {  	s2 =	sadd.s32 s2, s18  }
0x6: {  	[smem:$0x3FC4] =	sst s2  }
0x7: {  	_ = 	snop  }
0x8: {  	s2 =	sld [smem:$0x3FD0];
	(tm) =	ssettm $0x1  }
0x9: {  	s19 =	sld [smem:$0x3FFB];
	_ =	sdelay $0x3  }
0xa: {  	_ =	strace s19  }
0xb: {  	s3 =	sld [smem:$0x3FFC];
	_ =	sdelay $0x3  }
0xc: {  	_ =	strace s3  }
0xd: {  	s3 =	sld [smem:$0x3FFD];
	_ =	sdelay $0x3  }
0xe: {  	_ =	strace s3  }
0xf: {  	_ =	strace $0x8FFFFFFF  }
0x10: {  	s20 =	sld [smem:$0x3FDB];
	_ =	sdelay $0x1  }
0x11: {  	s4 =	simm.s32 $_scs_section_size  }
0x12: {  	s5 =	simm.s32 $_size__tile_overlayer_lowered;
	s6 =	simm.s32 $_tile_overlayer_lowered  }
0x13: {  	s23 =	simm.s32 $0x1BFF;
	s22 =	sshll.u32 s6, $0x1;
	s3 =	sadd.s32 s4, s20  }
0x14: {  	s7 =	simm.s32 $0x0;
	s21 =	sshll.u32 s5, $0x1;
	s5 =	sadd.s32 s22, s3  }
0x15: {  	[timem:s7], [sflag:s23] =	dma.local [hbm:s5], s21  }
0x16: {  	_ =	swait.ge [sflag:s23], s21  }
0x17: {  	s4 =	ssub.s32 $0x0, s21;
	[sflag:s23] =	ssyncset.done $0x0  }
0x18: {  	[sflag:s23] =	ssyncadd.s32 s4;
	_ =	sdelay $0x1  }
0x19: {  	s24 =	simm.s32 $0x1B8B  }
0x1a: {  	_ =	swait.ge [sflag:s24], $0x1  }
0x1b: {  	[sflag:s24] =	ssyncset.done $0x0  }
0x1c: {  	s26 =	simm.s32 $0x1B8E;
	s25 =	sld [smem:$0x3FFE];
	[sflag:s24] =	ssyncadd.s32 $0xFFFFFFFF  }
0x1d: {  	s27 =	simm.s32 $execute0_lowered;
	[smem:$0x3FD2] =	sst s26  }
0x1e: {  	s5 =	sshll.u32 s27, $0x1;
	_ =	strace $0x80000049;
	[dreg:$0x1] =	wrdreg $0xFFFFFFFF  }
0x1f: {  	s28 =	simm.s32 $_size_execute0_lowered;
	s3 =	sadd.s32 s3, s5;
	[dreg:$0x0] =	wrdreg $0x0  }
0x20: {  	s5 =	sshll.u32 s28, $0x1;
	[dreg:$0x2] =	wrdreg s3  }
0x21: {  	[dreg:$0x3] =	wrdreg s5  }
0x22: {  	[dreg:$0x4] =	wrdreg $0xC0  }
0x23: {  	_ =	task [dreg:s7], $0x5FFFF  }
0x24: {  	[dreg:$0x1] =	wrdreg $0xFFFFFFFF  }
0x25: {  	[dreg:$0x0] =	wrdreg $0x60  }
0x26: {  	[dreg:$0x2] =	wrdreg s25  }
0x27: {  	[dreg:$0x3] =	wrdreg s2  }
0x28: {  	[dreg:$0x4] =	wrdreg $0x9  }
0x29: {  	_ =	task.clear_ibuf [dreg:s7], $0x5FFFF;
	_ =	strace $0x90000049  }
0x2a: {  	s29 =	simm.s32 $0x9;
	_ =	strace $0x8000004B  }
0x2b: {  	_ =	swait.ge [sflag:s29], $0x1  }
0x2c: {  	[sflag:s29] =	ssyncadd.s32 $0xFFFFFFFF  }
0x2d: {  	_ =	strace $0x9000004B  }
0x2e: {  	_ =	sfence  }
0x2f: {  	s30 =	sld [smem:$0x0];
	_ =	sdelay $0x2  }
0x30: {  	s31 =	sshll.u32 s1, $0xD;
	s1 =	sshrl.u32 s1, $0x2  }
0x31: {  	s3 =	sand.u32 $0x4000, s31;
	s1 =	sadd.s32 s1, s30  }
0x32: {  	s0 =	sor.u32 s3, s0;
	s1 =	sshll.u32 s1, $0x11  }
0x33: {  	s0 =	sor.u32 s1, s0  }
0x34: {  	s0 =	sadd.s32 $0x8F2B, s0  }
0x35: {  	[sflag:s0] =	ssyncadd.remote.s32 $0x1  }
0x36: {  	_ =	sfence.sel $0xFFFF  }
0x37: {  	[dreg:$0x0] =	wrdreg $0xFFFFFFFF;
	(pc) =	sbr.abs _section_cstart, $3  }
0x38: {  	[dreg:$0x1] =	wrdreg $0xFFFFFFFF  }
0x39: {  	_ =	task.clear_ibuf [dreg:s7], $0x2FFFF;
	_ =	strace $0x9FFFFFFF  }
0x3a: {  	(tm) =	ssettm $0x7FFFFFFF  }
0x3b: {  	_ =	shalt  }
tec
execute0_lowered:
.L_overlay_start_1:
0x0: {  	(tag) =	ssettag $0x1  }
0x1: {  	s0 =	srdreg.scid  }
0x2: {  	s1 =	sshll.u32 s0, $0x4  }
0x3: {  	s4 =	rddreg [dreg:$0x0];
	s0 =	stileid.u32;
	s1 =	sand.u32 $0x10, s1  }
0x4: {  	s2 =	rddreg [dreg:$0x1];
	s7 =	simm.s32 $0x1;
	s1 =	sor.u32 s0, s1  }
0x5: {  	s8 =	simm.s32 $0x2;
	s11 =	simm.s32 $0x0;
	s3 =	sshll.u32 s1, $0x7  }
0x6: {  	s10 =	simm.s32 $0x0;
	s4 =	sadd.s32 $0x800, s4;
	s6 =	ssub.s32 $0x32000, s3  }
.Ltmp0:
0x7: {  	s1 =	rddreg [dreg:$0x2];
	s5 =	sand.u32 $0xF80, s6;
	(pc) =	sbr.rel .LBB1_1-.Ltmp0, $4  }
0x8: {  	_ =	strace $0x8000004A;
	s9 =	smov.u32 s3;
	p0 =	sne.s32 s5, $0x0  }
0x9: {  	s6 =	sshrl.u32 s6, $0xC;
	s5 =	simm.s32 $0x1;
	s7 =	simm.s32 @!p0 $0x0  }
0xa: {  	[sflag:s5] =	ssyncpa.u1 $0x0;
	p0 =	por $0x0, $0x0;
	s6 =	sadd.s32 s7, s6  }
0xb: {  	[sflag:s8] =	ssyncpa.u1 $0x0;
	s8 =	simm.s32 $0x190000;
	s7 =	sadd.s32 $0x1, s6  }
.LBB1_4:
0xc: {  	s14 =	sshll.u32 s11, $0x3  }
0xd: {  	s30 =	sand.u32 $0x7F, s11;
	s15 =	sand.u32 $0xFFFFFC00, s14  }
0xe: {  	s11 =	sor.u32 s30, s15  }
0xf: {  	s15 =	smulhi.u32 $0x51EB851F, s11  }
0x10: {  	s14 =	smulhi.u32 $0x51EB851F, s14  }
0x11: {  	s15 =	sshrl.u32 s15, $0x10  }
0x12: {  	s14 =	sshrl.u32 s14, $0x10;
	s15 =	smul.u32 $0x32000, s15  }
0x13: {  	s14 =	sand.u32 $0x3F, s14  }
0x14: {  	s14 =	smul.u32 $0x6400, s14;
	s11 =	ssub.s32 s11, s15  }
0x15: {  	[tilespmem:s13+$0x810 ss:$0x81] =	vst.msk $0xffff, v2;
	s15 =	sand.u32 $0x7, s11  }
0x16: {  	[tilespmem:s13+$0x1020 ss:$0x81] =	vst.msk $0xffff, v0;
	s14 =	sadd.s32 s2, s14;
	s11 =	sshrl.u32 s11, $0x3;
	s15 =	sshll.u32 s15, $0x12  }
0x17: {  	[tilespmem:s13+$0x0 ss:$0x81] =	vst.msk $0xffff, v1;
	s11 =	sadd.s32 s11, s14;
	s31 =	sor.u32 $0x400, s15  }
0x18: {  	[hbm4b:s11+s31] =	stream.strided.scatter [tilespmem:s12], [sflag:$0x2], $0x2000, s8, s31, $0x20;
	[tilespmem:$0x8080] =	vst v63  }
.LBB1_5:
0x19: {  	s13 =	sadd.s32 $0x1000, s9  }
0x1a: {  	p2 =	sgt.s32 s13, $0x31FFF  }
0x1b: {  	s13 =	smov.u32 @p2 s3;
	p2 =	sne.s32 s10, s7  }
.Ltmp1:
0x1c: {  	p1 =	slt.u32 s10, $0x2;
	(pc) =	sbr.rel @!p2 .LBB1_6-.Ltmp1, $4  }
0x1d: {  	s12 =	simm.s32 @!p1 $0x2  }
0x1e: {  	s14 =	sadd.s32 $0x1, s10;
	_ =	swait.ge @!p1 [sflag:s12], $0x2000  }
0x1f: {  	s11 =	smov.u32 s9;
	p0 =	por !p0, !p0;
	[sflag:s12] =	ssyncset.done @!p1 $0x0  }
0x20: {  	s10 =	smov.u32 s14;
	s9 =	smov.u32 s13;
	[sflag:s12] =	ssyncadd.s32 @!p1 $0xFFFFE000  }
.LBB1_1:
0x21: {  	p1 =	sge.u32 s10, s6  }
0x22: {  	s12 =	sand.u32 @!p1 $0x1FFFFFF, s9  }
0x23: {  	s13 =	smulhi.u32 @!p1 $0x147AE15, s12;
	_ =	sdelay $0x1  }
0x24: {  	s13 =	sshrl.u32 @!p1 s13, $0xA  }
0x25: {  	s13 =	smul.u32 @!p1 $0x32000, s13;
	_ =	sdelay $0x1  }
0x26: {  	s31 =	sadd.s32 $0xFFFFFFFF, s10;
	s14 =	sxor.u32 @!p1 $0xFFFFFFFF, s10;
	s12 =	ssub.s32 @!p1 s12, s13  }
0x27: {  	s15 =	simm.s32 @!p1 $0x80;
	s14 =	sshll.u32 @!p1 s14, $0xD;
	s12 =	sshll.u32 @!p1 s12, $0x4  }
0x28: {  	s13 =	sand.u32 @!p1 $0x2000, s14;
	s14 =	simm.s32 @!p1 $0x40;
	s12 =	sadd.s32 @!p1 s4, s12  }
0x29: {  	[tilespmem:s13], [sflag:$0x1] =	stream.strided.gather @!p1 [hbm4b:s12+s14], $0x2000, s15, s14, $0x38;
	[tilespmem:$0x8080] =	vst v63  }
0x2a: {  	p1 =	sge.u32 s31, s6  }
.Ltmp2:
0x2b: {  	_ = 	snop;
	(pc) =	sbr.rel @p1 .LBB1_5-.Ltmp2, $1  }
0x2c: {  	_ =	sdelay $0x3  }
0x2d: {  	s12 =	simm.s32 $0x1  }
0x2e: {  	_ =	swait.ge [sflag:s5], $0x2000;
	s12 =	simm.s32 @!p0 $0x0  }
0x2f: {  	[sflag:s5] =	ssyncset.done $0x0;
	s13 =	sshll.u32 s12, $0xD  }
0x30: {  	[sflag:s5] =	ssyncadd.s32 $0xFFFFE000;
	s16 =	sor.u32 $0x20, s13  }
0x31: {  	s12 =	smul.u32 $0x8100, s12;
	v3 =	vld [tilespmem:s16+$0x10]  }
0x32: {  	s30 =	sand.u32 $0x1, s10;
	v2 =	vld [tilespmem:s16+$0xFFFFFFF0]  }
0x33: {  	s13 =	smul.u32 $0x8100, s30;
	s12 =	sshrl.u32 s12, $0x2;
	v0 =	vld [tilespmem:s16+$0x0]  }
0x34: {  	v1 =	vld [tilespmem:s16+$0xFFFFFFE0];
	s14 =	sor.u32 $0x4000, s12  }
0x35: {  	s31 =	sshrl.u32 s13, $0x2;
	s13 =	sadd.s32 $0x0, s14  }
0x36: {  	s15 =	simm.s32 $0x4;
	s16 =	sadd.s32 $0x40, s16;
	s12 =	sor.u32 $0x4000, s31;
	[tilespmem:s13+$0x1830 ss:$0x81] =	vst.msk $0xffff, v3  }
.LBB1_3:
0x37: {  	v3 =	vld [tilespmem:s16+$0x10];
	p1 =	sne.s32 s15, $0x1FC;
	[tilespmem:s13+$0x810 ss:$0x81] =	vst.msk $0xffff, v2;
	s17 =	smov.u32 s15;
	s15 =	sadd.s32 $0x4, s15  }
.Ltmp3:
0x38: {  	v2 =	vld [tilespmem:s16+$0xFFFFFFF0];
	[tilespmem:s13+$0x1020 ss:$0x81] =	vst.msk $0xffff, v0;
	(pc) =	sbr.rel @p1 .LBB1_3-.Ltmp3, $4  }
0x39: {  	v0 =	vld [tilespmem:s16+$0x0];
	[tilespmem:s13+$0x0 ss:$0x81] =	vst.msk $0xffff, v1  }
0x3a: {  	s13 =	sshra.s32 s17, $0x2;
	v1 =	vld [tilespmem:s16+$0xFFFFFFE0]  }
0x3b: {  	s13 =	sadd.s32 s13, s14  }
0x3c: {  	s16 =	sadd.s32 $0x40, s16;
	[tilespmem:s13+$0x1830 ss:$0x81] =	vst.msk $0xffff, v3  }
.Ltmp4:
0x3d: {  	_ = 	snop;
	(pc) =	sbr.rel .LBB1_4-.Ltmp4, $1  }
0x3e: {  	_ =	sdelay $0x3  }
.LBB1_6:
0x3f: {  	_ =	sfence.sel $0x180000  }
0x40: {  	s2 =	simm.s32 $0x1;
	[bflag:$0x0] =	sbarrier.arrive $0xFFFF  }
0x41: {  	s31 =	simm.s32 $0x2;
	[sflag:s2] =	ssyncpa.u1 $0x1  }
0x42: {  	[sflag:s31] =	ssyncpa.u1 $0x1  }
0x43: {  	p0 =	sne.s32 s0, $0x0;
	_ =	strace $0x9000004A  }
0x44: {  	s0 =	sadd.s32 @!p0 $0x100000, s1;
	[bflag:$0x2] =	sbarrier.arrive $0xFFFF  }
0x45: {  	[sflag:s0] =	ssyncadd.tile.s32 @!p0 $0x1;
	_ =	shalt  }
.Lfunc_end1:
_tile_overlayer_lowered:
.L_overlay_start_2:
0x46: {  	(tag) =	ssettag $0x2  }
0x47: {  	s0 =	rddreg [dreg:$0x0];
	s2 =	stileid.u32  }
0x48: {  	s1 =	rddreg [dreg:$0x1];
	p0 =	sne.s32 s2, $0x0  }
0x49: {  	s3 =	rddreg [dreg:$0x2];
	[bflag:$0x3] =	sbarrier.arrive $0xFFFF;
	s2 =	simm.s32 @!p0 $0x1C01  }
0x4a: {  	[timem:s3], [sflag:s2] =	dma.local @!p0 [hbm:s0], s1  }
0x4b: {  	s0 =	simm.s32 @!p0 $0x1  }
0x4c: {  	_ =	swait.ge @!p0 [sflag:s0], s1  }
0x4d: {  	s1 =	ssub.s32 @!p0 $0x0, s1;
	[sflag:s0] =	ssyncset.done @!p0 $0x0  }
0x4e: {  	[sflag:s0] =	ssyncadd.s32 @!p0 s1  }
0x4f: {  	[bflag:$0x3] =	sbarrier.arrive $0xFFFF  }
0x50: {  	_ =	shalt  }

</sc_bundles>
